<compile_context>
chip_gen: v7x
topology: tpu7x:2x2x1
jax: 0.10.2.dev20260603
libtpu: 0.0.44.dev20260713+nightly
codegen_flags: <defaults>
</compile_context>

<pallas_src>
import functools

import jax
import jax.numpy as jnp
from jax import lax
from jax.experimental import pallas as pl
from jax.experimental.pallas import tpu as pltpu
from jax.experimental.pallas import tpu_sc as plsc

D_MODEL = 64
L_SEQ = 1024
CHUNK = 128
N_CHUNK = L_SEQ // CHUNK
HALF = L_SEQ // 2
NBUF = 3


def _tc_combine(tok_ref, pos_ref, out_ref):
    pos = pos_ref[...]
    for t in range(tok_ref.shape[0]):
        out_ref[pl.ds(t * pos.shape[0], pos.shape[0]), :] = \
            pos + tok_ref[pl.ds(t, 1), :]


def _sc_body(rows_per_w, num_cores, num_subcores, n_tab, n_comb,
             tokens_hbm, comb_hbm, out_hbm,
             tok_v, idx_v, bufs, comb_sh, stage_sem, gsems, osems):
    cid = lax.axis_index("c")
    sid = lax.axis_index("s")
    wid = sid * num_cores + cid
    base = wid * rows_per_w

    slice_rows = n_comb // num_subcores
    tail = n_comb - slice_rows * num_subcores
    lo = sid * slice_rows
    cp_stage = pltpu.async_copy(
        comb_hbm.at[pl.ds(lo, slice_rows)], comb_sh.at[pl.ds(lo, slice_rows)],
        stage_sem)
    @pl.when(sid == 0)
    def _():
        pltpu.sync_copy(comb_hbm.at[pl.ds(n_comb - tail, tail)],
                        comb_sh.at[pl.ds(n_comb - tail, tail)])

    pltpu.sync_copy(tokens_hbm.at[pl.ds(base, rows_per_w)], tok_v)

    def compute_row_idx(r):
        def chunk(i, carry):
            t = tok_v[r, pl.ds(i * 16, 16)]
            m = jnp.minimum(t, 1)
            cs = plsc.cumsum(m)
            idx_v[r, i // 8, pl.ds((i % 8) * 16, 16)] = \
                t * n_tab + (cs + carry) * m
            return carry + jnp.sum(m)
        lax.fori_loop(0, L_SEQ // 16, chunk, jnp.int32(0))

    compute_row_idx(0)
    cp_stage.wait()
    plsc.subcore_barrier()

    n_units = rows_per_w * N_CHUNK
    gcps = [None] * n_units
    ocps = [None] * n_units

    def fire_gather(u):
        b = u % NBUF
        r, j = u // N_CHUNK, u % N_CHUNK
        return pltpu.async_copy(comb_sh.at[idx_v.at[r, j]], bufs[b], gsems[b])

    def fire_out(u):
        b = u % NBUF
        r, j = u // N_CHUNK, u % N_CHUNK
        return pltpu.async_copy(
            bufs[b], out_hbm.at[base + r, pl.ds(j * CHUNK, CHUNK)], osems[b])

    for u in range(n_units):
        if u >= NBUF:
            ocps[u - NBUF].wait()
        gcps[u] = fire_gather(u)
        if u % N_CHUNK == N_CHUNK - 1 and u // N_CHUNK + 1 < rows_per_w:
            compute_row_idx(u // N_CHUNK + 1)
        if u >= 1:
            gcps[u - 1].wait()
            ocps[u - 1] = fire_out(u - 1)
    gcps[n_units - 1].wait()
    ocps[n_units - 1] = fire_out(n_units - 1)
    ocps[n_units - 2].wait()
    ocps[n_units - 1].wait()


def kernel(tokens, tok_emb, pos_emb):
    B, K, L = tokens.shape
    assert L == L_SEQ and tok_emb.shape[1] == D_MODEL
    R = B * K
    n_vocab = tok_emb.shape[0]
    n_tab = pos_emb.shape[0]
    n_comb = n_vocab * n_tab

    comb = pl.pallas_call(
        _tc_combine,
        out_shape=jax.ShapeDtypeStruct((n_comb, D_MODEL), jnp.float32),
    )(tok_emb, pos_emb)

    info = plsc.get_sparse_core_info()
    nw = info.num_cores * info.num_subcores
    rows_per_w = R // nw
    assert rows_per_w * nw == R

    tokens2d = tokens.reshape(R, L_SEQ).astype(jnp.int32)

    mesh = plsc.VectorSubcoreMesh(core_axis_name="c", subcore_axis_name="s")
    run = pl.kernel(
        functools.partial(_sc_body, rows_per_w, info.num_cores,
                          info.num_subcores, n_tab, n_comb),
        out_type=jax.ShapeDtypeStruct((R, L_SEQ, D_MODEL), jnp.float32),
        mesh=mesh,
        scratch_types=[
            pltpu.VMEM((rows_per_w, L_SEQ), jnp.int32),
            pltpu.VMEM((rows_per_w, N_CHUNK, CHUNK), jnp.int32),
            [pltpu.VMEM((CHUNK, D_MODEL), jnp.float32)] * NBUF,
            pltpu.VMEM_SHARED((n_comb, D_MODEL), jnp.float32),
            pltpu.SemaphoreType.DMA,
            [pltpu.SemaphoreType.DMA] * NBUF,
            [pltpu.SemaphoreType.DMA] * NBUF,
        ],
        compiler_params=pltpu.CompilerParams(use_tc_tiling_on_sc=False,
                                             needs_layout_passes=False),
    )
    out = run(tokens2d, comb)
    return out.reshape(B, K, L, D_MODEL)

# --- scband reference (transcript-rebuilt; emitter-appended) ---
"""Pipeline reference for scband-msanet-31353261260920 (READ-ONLY COPY).

The authoritative reference and input builder live on the scoring server;
editing this copy changes nothing except your own understanding.
"""

import jax, jax.numpy as jnp
import numpy as np

D_MODEL = 64
D_MSA = 21
PADDING_IDX = 0
MAX_LEN = 1024

def setup_inputs(seed: int = 0) -> dict:
    key = jax.random.key(seed)
    k1, k2, k3 = jax.random.split(key, 3)
    tokens = jax.random.randint(k1, (2, 128, 1024), 0, D_MSA, dtype=jnp.int64)
    tok_emb = jax.random.normal(k2, (D_MSA, D_MODEL), dtype=jnp.float32)
    # padding_idx row is initialized to zero in nn.Embedding
    tok_emb = tok_emb.at[PADDING_IDX].set(0.0)
    # LearnedPositionalEmbedding: num_embeddings_ = max_len + padding_idx + 1
    pos_emb = jax.random.normal(k3, (MAX_LEN + PADDING_IDX + 1, D_MODEL), dtype=jnp.float32)
    pos_emb = pos_emb.at[PADDING_IDX].set(0.0)
    return {"tokens": tokens, "tok_emb": tok_emb, "pos_emb": pos_emb}

def reference(tokens, tok_emb, pos_emb):
    B, K, L = tokens.shape
    # token embedding gather
    msa_fea = jnp.take(tok_emb, tokens, axis=0)
    # learned positional embedding on flattened (B*K, L)
    flat = tokens.reshape(B * K, L)
    mask = (flat != PADDING_IDX).astype(jnp.int32)
    positions = (jnp.cumsum(mask, axis=1) * mask).astype(jnp.int32) + PADDING_IDX
    pos_fea = jnp.take(pos_emb, positions, axis=0).reshape(msa_fea.shape)
    return msa_fea + pos_fea

if __name__ == "__main__":
    import jax
    _d = setup_inputs()
    print(jax.jit(kernel)(*tuple(_d.values())))

</pallas_src>

<mosaic_0001>
#map = affine_map<(d0, d1) -> (0, 0)>
#map1 = affine_map<(d0, d1) -> (0, 0, 0)>
module attributes {stable_mosaic.version = 14 : i64} {
  func.func @_sc_body(%arg0: i32, %arg1: i32, %arg2: memref<256x1024xi32, #tpu.memory_space<hbm>>, %arg3: memref<21525x64xf32, #tpu.memory_space<hbm>>, %arg4: memref<256x1024x64xf32, #tpu.memory_space<hbm>>, %arg5: memref<8x1024xi32, #tpu.memory_space<vmem>>, %arg6: memref<8x8x128xi32, #tpu.memory_space<vmem>>, %arg7: memref<128x64xf32, #tpu.memory_space<vmem>>, %arg8: memref<128x64xf32, #tpu.memory_space<vmem>>, %arg9: memref<128x64xf32, #tpu.memory_space<vmem>>, %arg10: memref<21525x64xf32, #tpu.memory_space<vmem_shared>>, %arg11: memref<!tpu.dma_semaphore, #tpu.memory_space<semaphore_mem>>, %arg12: memref<!tpu.dma_semaphore, #tpu.memory_space<semaphore_mem>>, %arg13: memref<!tpu.dma_semaphore, #tpu.memory_space<semaphore_mem>>, %arg14: memref<!tpu.dma_semaphore, #tpu.memory_space<semaphore_mem>>, %arg15: memref<!tpu.dma_semaphore, #tpu.memory_space<semaphore_mem>>, %arg16: memref<!tpu.dma_semaphore, #tpu.memory_space<semaphore_mem>>, %arg17: memref<!tpu.dma_semaphore, #tpu.memory_space<semaphore_mem>>) attributes {dimension_semantics = [#tpu.dimension_semantics<core_parallel>, #tpu.dimension_semantics<subcore_parallel>], iteration_bounds = array<i64: 2, 16>, scalar_prefetch = 0 : i64, scratch_operands = 13 : i64, tpu.core_type = #tpu.core_type<sc_vector_subcore>, window_params = [{transform_indices = #map}, {transform_indices = #map}, {transform_indices = #map1}]} {
    %mul3A = arith.constant 2 : i32
    %mul3A_0 = arith.muli %arg1, %mul3A : i32
    %add3A = arith.addi %mul3A_0, %arg0 : i32
    %mul3A_1 = arith.constant 8 : i32
    %mul3A_2 = arith.muli %add3A, %mul3A_1 : i32
    %mul3A_3 = arith.constant 1345 : i32
    %mul3A_4 = arith.muli %arg1, %mul3A_3 : i32
    %dma_start3A = arith.constant 0 : i32
    %dma_start3A_5 = tpu.memref_slice %arg10[%mul3A_4, %dma_start3A] : memref<21525x64xf32, #tpu.memory_space<vmem_shared>> -> memref<1345x64xf32, #tpu.memory_space<vmem_shared>>
    %dma_start3A_6 = arith.constant 0 : i32
    %dma_start3A_7 = tpu.memref_slice %arg3[%mul3A_4, %dma_start3A_6] : memref<21525x64xf32, #tpu.memory_space<hbm>> -> memref<1345x64xf32, #tpu.memory_space<hbm>>
    tpu.enqueue_dma source(%dma_start3A_7 : memref<1345x64xf32, #tpu.memory_space<hbm>>) target(%dma_start3A_5 : memref<1345x64xf32, #tpu.memory_space<vmem_shared>>) target_semaphore(%arg11 : memref<!tpu.dma_semaphore, #tpu.memory_space<semaphore_mem>>)
    %eq3A = arith.constant 0 : i32
    %eq3A_8 = arith.cmpi eq, %arg1, %eq3A : i32
    %convert_element_type3A = arith.extui %eq3A_8 : i1 to i32
    %cond3A = arith.constant 0 : i32
    %cond3A_9 = arith.cmpi ne, %convert_element_type3A, %cond3A : i32
    scf.if %cond3A_9 {
      "tpu.region"() ({
        %run_scoped3A = tpu.sem_alloc : memref<!tpu.dma_semaphore, #tpu.memory_space<semaphore_mem>>
        %dma_start3A_2236 = arith.constant 21520 : i32
        %dma_start3A_2237 = arith.constant 0 : i32
        %dma_start3A_2238 = tpu.memref_slice %arg10[%dma_start3A_2236, %dma_start3A_2237] : memref<21525x64xf32, #tpu.memory_space<vmem_shared>> -> memref<5x64xf32, #tpu.memory_space<vmem_shared>>
        %dma_start3A_2239 = arith.constant 21520 : i32
        %dma_start3A_2240 = arith.constant 0 : i32
        %dma_start3A_2241 = tpu.memref_slice %arg3[%dma_start3A_2239, %dma_start3A_2240] : memref<21525x64xf32, #tpu.memory_space<hbm>> -> memref<5x64xf32, #tpu.memory_space<hbm>>
        tpu.enqueue_dma source(%dma_start3A_2241 : memref<5x64xf32, #tpu.memory_space<hbm>>) target(%dma_start3A_2238 : memref<5x64xf32, #tpu.memory_space<vmem_shared>>) target_semaphore(%run_scoped3A : memref<!tpu.dma_semaphore, #tpu.memory_space<semaphore_mem>>)
        %dma_wait3A_2242 = arith.constant 21520 : i32
        %dma_wait3A_2243 = arith.constant 0 : i32
        %dma_wait3A_2244 = tpu.memref_slice %arg10[%dma_wait3A_2242, %dma_wait3A_2243] : memref<21525x64xf32, #tpu.memory_space<vmem_shared>> -> memref<5x64xf32, #tpu.memory_space<vmem_shared>>
        %dma_wait3A_2245 = arith.constant 21520 : i32
        %dma_wait3A_2246 = arith.constant 0 : i32
        %dma_wait3A_2247 = tpu.memref_slice %arg3[%dma_wait3A_2245, %dma_wait3A_2246] : memref<21525x64xf32, #tpu.memory_space<hbm>> -> memref<5x64xf32, #tpu.memory_space<hbm>>
        tpu.wait_dma2 semaphore(%run_scoped3A : memref<!tpu.dma_semaphore, #tpu.memory_space<semaphore_mem>>) src(%dma_wait3A_2247 : memref<5x64xf32, #tpu.memory_space<hbm>>) dst(%dma_wait3A_2244 : memref<5x64xf32, #tpu.memory_space<vmem_shared>>)
        tpu.yield
      }) : () -> ()
    } else {
    }
    "tpu.region"() ({
      %run_scoped3A = tpu.sem_alloc : memref<!tpu.dma_semaphore, #tpu.memory_space<semaphore_mem>>
      %dma_start3A_2236 = arith.constant 0 : i32
      %dma_start3A_2237 = tpu.memref_slice %arg2[%mul3A_2, %dma_start3A_2236] : memref<256x1024xi32, #tpu.memory_space<hbm>> -> memref<8x1024xi32, #tpu.memory_space<hbm>>
      %dma_start3A_2238 = arith.constant 0 : i32
      %dma_start3A_2239 = tpu.memref_slice %arg2[%mul3A_2, %dma_start3A_2238] : memref<256x1024xi32, #tpu.memory_space<hbm>> -> memref<8x1024xi32, #tpu.memory_space<hbm>>
      tpu.enqueue_dma source(%dma_start3A_2239 : memref<8x1024xi32, #tpu.memory_space<hbm>>) target(%arg5 : memref<8x1024xi32, #tpu.memory_space<vmem>>) target_semaphore(%run_scoped3A : memref<!tpu.dma_semaphore, #tpu.memory_space<semaphore_mem>>)
      %dma_wait3A_2240 = arith.constant 0 : i32
      %dma_wait3A_2241 = tpu.memref_slice %arg2[%mul3A_2, %dma_wait3A_2240] : memref<256x1024xi32, #tpu.memory_space<hbm>> -> memref<8x1024xi32, #tpu.memory_space<hbm>>
      %dma_wait3A_2242 = arith.constant 0 : i32
      %dma_wait3A_2243 = tpu.memref_slice %arg2[%mul3A_2, %dma_wait3A_2242] : memref<256x1024xi32, #tpu.memory_space<hbm>> -> memref<8x1024xi32, #tpu.memory_space<hbm>>
      tpu.wait_dma2 semaphore(%run_scoped3A : memref<!tpu.dma_semaphore, #tpu.memory_space<semaphore_mem>>) src(%dma_wait3A_2243 : memref<8x1024xi32, #tpu.memory_space<hbm>>) dst(%arg5 : memref<8x1024xi32, #tpu.memory_space<vmem>>)
      tpu.yield
    }) : () -> ()
    %scan3A = arith.constant 0 : i32
    %scan3A_10 = arith.constant 0 : i32
    %scan3A_11 = arith.constant 64 : i32
    %scan3A_12 = arith.addi %scan3A_10, %scan3A_11 : i32
    %scan3A_13 = arith.constant 1 : i32
    %scan3A_14 = scf.for %scan3A_2236 = %scan3A_10 to %scan3A_12 step %scan3A_13 iter_args(%scan3A_2237 = %scan3A) -> (i32)  : i32 {
      %mul3A_2238 = arith.constant 16 : i32
      %mul3A_2239 = arith.muli %scan3A_2236, %mul3A_2238 : i32
      %get3A = arith.constant 0 : i32
      %get3A_2240 = arith.index_cast %get3A : i32 to index
      %get3A_2241 = arith.index_cast %mul3A_2239 : i32 to index
      %get3A_2242 = tpu.vector_load %arg5[%get3A_2240, %get3A_2241] {strides = array<i32>} : memref<8x1024xi32, #tpu.memory_space<vmem>>, vector<16xi32>,
      %min3A = arith.constant 1 : i32
      %min3A_2243 = vector.broadcast %min3A : i32 to vector<16xi32>
      %min3A_2244 = arith.minsi %get3A_2242, %min3A_2243 : vector<16xi32>
      %broadcast_in_dim3A = arith.constant true
      %broadcast_in_dim3A_2245 = vector.broadcast %broadcast_in_dim3A : i1 to vector<16xi1>
      %masked_cumsum3A = tpu.scan <sum>, %min3A_2244 masked %broadcast_in_dim3A_2245 : vector<16xi32>, vector<16xi1> -> vector<16xi32>
      %mul3A_2246 = arith.constant 1025 : i32
      %mul3A_2247 = vector.broadcast %mul3A_2246 : i32 to vector<16xi32>
      %mul3A_2248 = arith.muli %get3A_2242, %mul3A_2247 : vector<16xi32>
      %add3A_2249 = vector.broadcast %scan3A_2237 : i32 to vector<16xi32>
      %add3A_2250 = arith.addi %masked_cumsum3A, %add3A_2249 : vector<16xi32>
      %mul3A_2251 = arith.muli %add3A_2250, %min3A_2244 : vector<16xi32>
      %add3A_2252 = arith.addi %mul3A_2248, %mul3A_2251 : vector<16xi32>
      %jit3A = arith.constant 8 : i32
      %div3A = arith.divsi %scan3A_2236, %jit3A : i32
      %sign3A = arith.constant 0 : i32
      %sign3A_2253 = arith.cmpi sgt, %scan3A_2236, %sign3A : i32
      %sign3A_2254 = arith.extui %sign3A_2253 : i1 to i32
      %sign3A_2255 = arith.constant 0 : i32
      %sign3A_2256 = arith.cmpi slt, %scan3A_2236, %sign3A_2255 : i32
      %sign3A_2257 = arith.extui %sign3A_2256 : i1 to i32
      %sign3A_2258 = arith.subi %sign3A_2254, %sign3A_2257 : i32
      %sign3A_2259 = arith.constant 0 : i32
      %sign3A_2260 = arith.cmpi sgt, %jit3A, %sign3A_2259 : i32
      %sign3A_2261 = arith.extui %sign3A_2260 : i1 to i32
      %sign3A_2262 = arith.constant 0 : i32
      %sign3A_2263 = arith.cmpi slt, %jit3A, %sign3A_2262 : i32
      %sign3A_2264 = arith.extui %sign3A_2263 : i1 to i32
      %sign3A_2265 = arith.subi %sign3A_2261, %sign3A_2264 : i32
      %ne3A = arith.cmpi ne, %sign3A_2258, %sign3A_2265 : i32
      %rem3A = arith.remsi %scan3A_2236, %jit3A : i32
      %ne3A_2266 = arith.constant 0 : i32
      %ne3A_2267 = arith.cmpi ne, %rem3A, %ne3A_2266 : i32
      %and3A = arith.andi %ne3A, %ne3A_2267 : i1
      %sub3A = arith.constant 1 : i32
      %sub3A_2268 = arith.subi %div3A, %sub3A : i32
      %select_n3A = arith.select %and3A, %sub3A_2268, %div3A : i32
      %jit3A_2269 = arith.constant 8 : i32
      %eq3A_2270 = arith.constant 0 : i32
      %eq3A_2271 = arith.cmpi eq, %jit3A_2269, %eq3A_2270 : i32
      %jit3A_2272 = arith.constant 1 : i32
      %select_n3A_2273 = arith.select %eq3A_2271, %jit3A_2272, %jit3A_2269 : i32
      %rem3A_2274 = arith.remsi %scan3A_2236, %select_n3A_2273 : i32
      %ne3A_2275 = arith.constant 0 : i32
      %ne3A_2276 = arith.cmpi ne, %rem3A_2274, %ne3A_2275 : i32
      %lt3A = arith.constant 0 : i32
      %lt3A_2277 = arith.cmpi slt, %rem3A_2274, %lt3A : i32
      %lt3A_2278 = arith.constant 0 : i32
      %lt3A_2279 = arith.cmpi slt, %select_n3A_2273, %lt3A_2278 : i32
      %ne3A_2280 = arith.xori %lt3A_2277, %lt3A_2279 : i1
      %and3A_2281 = arith.andi %ne3A_2280, %ne3A_2276 : i1
      %add3A_2282 = arith.addi %rem3A_2274, %select_n3A_2273 : i32
      %select_n3A_2283 = arith.select %and3A_2281, %add3A_2282, %rem3A_2274 : i32
      %mul3A_2284 = arith.constant 16 : i32
      %mul3A_2285 = arith.muli %select_n3A_2283, %mul3A_2284 : i32
      %swap3A = arith.constant 0 : i32
      %swap3A_2286 = arith.index_cast %swap3A : i32 to index
      %swap3A_2287 = arith.index_cast %select_n3A : i32 to index
      %swap3A_2288 = arith.index_cast %mul3A_2285 : i32 to index
      %swap3A_2289 = tpu.vector_load %arg6[%swap3A_2286, %swap3A_2287, %swap3A_2288] {strides = array<i32>} : memref<8x8x128xi32, #tpu.memory_space<vmem>>, vector<16xi32>,
      tpu.vector_store %arg6[%swap3A_2286, %swap3A_2287, %swap3A_2288], %add3A_2252 {strides = array<i32>} : memref<8x8x128xi32, #tpu.memory_space<vmem>>, vector<16xi32>,
      %reduce_sum3A = arith.constant true
      %reduce_sum3A_2290 = vector.broadcast %reduce_sum3A : i1 to vector<16xi1>
      %reduce_sum3A_2291 = tpu.scan <sum>, %min3A_2244 masked %reduce_sum3A_2290 : vector<16xi32>, vector<16xi1> -> vector<16xi32>
      %reduce_sum3A_2292 = vector.extract %reduce_sum3A_2291[15] : i32 from vector<16xi32>
      %add3A_2293 = arith.addi %scan3A_2237, %reduce_sum3A_2292 : i32
      scf.yield %add3A_2293 : i32
    }
    %scan3A_15 = arith.constant 64 : i32
    %dma_wait3A = arith.constant 0 : i32
    %dma_wait3A_16 = tpu.memref_slice %arg10[%mul3A_4, %dma_wait3A] : memref<21525x64xf32, #tpu.memory_space<vmem_shared>> -> memref<1345x64xf32, #tpu.memory_space<vmem_shared>>
    %dma_wait3A_17 = arith.constant 0 : i32
    %dma_wait3A_18 = tpu.memref_slice %arg3[%mul3A_4, %dma_wait3A_17] : memref<21525x64xf32, #tpu.memory_space<hbm>> -> memref<1345x64xf32, #tpu.memory_space<hbm>>
    tpu.wait_dma2 semaphore(%arg11 : memref<!tpu.dma_semaphore, #tpu.memory_space<semaphore_mem>>) src(%dma_wait3A_18 : memref<1345x64xf32, #tpu.memory_space<hbm>>) dst(%dma_wait3A_16 : memref<1345x64xf32, #tpu.memory_space<vmem_shared>>)
    %barrier3A = arith.constant 0 : index
    tpu.barrier barrier_id(%barrier3A)
    %dma_start3A_19 = arith.constant 0 : i32
    %dma_start3A_20 = arith.constant 0 : i32
    %dma_start3A_21 = arith.constant 0 : i32
    %dma_start3A_22 = tpu.memref_slice %arg6[%dma_start3A_19, %dma_start3A_20, %dma_start3A_21] : memref<8x8x128xi32, #tpu.memory_space<vmem>> -> memref<1x1x128xi32, #tpu.memory_space<vmem>>
    %dma_start3A_23 = tpu.memref_squeeze %dma_start3A_22 : memref<1x1x128xi32, #tpu.memory_space<vmem>> -> memref<128xi32, #tpu.memory_space<vmem>>
    %dma_start3A_24 = arith.constant 0 : i32
    %dma_start3A_25 = arith.constant 0 : i32
    %dma_start3A_26 = tpu.memref_slice %arg10[%dma_start3A_24, %dma_start3A_25] : memref<21525x64xf32, #tpu.memory_space<vmem_shared>> -> memref<21525x64xf32, #tpu.memory_space<vmem_shared>>
    tpu.enqueue_indirect_dma source(%dma_start3A_26 : memref<21525x64xf32, #tpu.memory_space<vmem_shared>>) target(%arg7 : memref<128x64xf32, #tpu.memory_space<vmem>>) offsets(%dma_start3A_23 : memref<128xi32, #tpu.memory_space<vmem>>) semaphore(%arg12 : memref<!tpu.dma_semaphore, #tpu.memory_space<semaphore_mem>>)
    %dma_start3A_27 = arith.constant 0 : i32
    %dma_start3A_28 = arith.constant 1 : i32
    %dma_start3A_29 = arith.constant 0 : i32
    %dma_start3A_30 = tpu.memref_slice %arg6[%dma_start3A_27, %dma_start3A_28, %dma_start3A_29] : memref<8x8x128xi32, #tpu.memory_space<vmem>> -> memref<1x1x128xi32, #tpu.memory_space<vmem>>
    %dma_start3A_31 = tpu.memref_squeeze %dma_start3A_30 : memref<1x1x128xi32, #tpu.memory_space<vmem>> -> memref<128xi32, #tpu.memory_space<vmem>>
    %dma_start3A_32 = arith.constant 0 : i32
    %dma_start3A_33 = arith.constant 0 : i32
    %dma_start3A_34 = tpu.memref_slice %arg10[%dma_start3A_32, %dma_start3A_33] : memref<21525x64xf32, #tpu.memory_space<vmem_shared>> -> memref<21525x64xf32, #tpu.memory_space<vmem_shared>>
    tpu.enqueue_indirect_dma source(%dma_start3A_34 : memref<21525x64xf32, #tpu.memory_space<vmem_shared>>) target(%arg8 : memref<128x64xf32, #tpu.memory_space<vmem>>) offsets(%dma_start3A_31 : memref<128xi32, #tpu.memory_space<vmem>>) semaphore(%arg13 : memref<!tpu.dma_semaphore, #tpu.memory_space<semaphore_mem>>)
    %dma_wait3A_35 = arith.constant 0 : i32
    %dma_wait3A_36 = arith.constant 0 : i32
    %dma_wait3A_37 = arith.constant 0 : i32
    %dma_wait3A_38 = tpu.memref_slice %arg6[%dma_wait3A_35, %dma_wait3A_36, %dma_wait3A_37] : memref<8x8x128xi32, #tpu.memory_space<vmem>> -> memref<1x1x128xi32, #tpu.memory_space<vmem>>
    %dma_wait3A_39 = tpu.memref_squeeze %dma_wait3A_38 : memref<1x1x128xi32, #tpu.memory_space<vmem>> -> memref<128xi32, #tpu.memory_space<vmem>>
    %dma_wait3A_40 = arith.constant 0 : i32
    %dma_wait3A_41 = arith.constant 0 : i32
    %dma_wait3A_42 = tpu.memref_slice %arg10[%dma_wait3A_40, %dma_wait3A_41] : memref<21525x64xf32, #tpu.memory_space<vmem_shared>> -> memref<21525x64xf32, #tpu.memory_space<vmem_shared>>
    tpu.wait_indirect_dma semaphore(%arg12 : memref<!tpu.dma_semaphore, #tpu.memory_space<semaphore_mem>>) src(%dma_wait3A_42 : memref<21525x64xf32, #tpu.memory_space<vmem_shared>>) dst(%arg7 : memref<128x64xf32, #tpu.memory_space<vmem>>)
    %add3A_43 = arith.constant 0 : i32
    %add3A_44 = arith.addi %mul3A_2, %add3A_43 : i32
    %dma_start3A_45 = arith.constant 0 : i32
    %dma_start3A_46 = arith.constant 0 : i32
    %dma_start3A_47 = tpu.memref_slice %arg4[%add3A_44, %dma_start3A_45, %dma_start3A_46] : memref<256x1024x64xf32, #tpu.memory_space<hbm>> -> memref<1x128x64xf32, #tpu.memory_space<hbm>>
    %dma_start3A_48 = tpu.memref_squeeze %dma_start3A_47 : memref<1x128x64xf32, #tpu.memory_space<hbm>> -> memref<128x64xf32, #tpu.memory_space<hbm>>
    %dma_start3A_49 = arith.constant 0 : i32
    %dma_start3A_50 = arith.constant 0 : i32
    %dma_start3A_51 = tpu.memref_slice %arg4[%add3A_44, %dma_start3A_49, %dma_start3A_50] : memref<256x1024x64xf32, #tpu.memory_space<hbm>> -> memref<1x128x64xf32, #tpu.memory_space<hbm>>
    %dma_start3A_52 = tpu.memref_squeeze %dma_start3A_51 : memref<1x128x64xf32, #tpu.memory_space<hbm>> -> memref<128x64xf32, #tpu.memory_space<hbm>>
    tpu.enqueue_dma source(%arg7 : memref<128x64xf32, #tpu.memory_space<vmem>>) target(%dma_start3A_52 : memref<128x64xf32, #tpu.memory_space<hbm>>) target_semaphore(%arg15 : memref<!tpu.dma_semaphore, #tpu.memory_space<semaphore_mem>>)
    %dma_start3A_53 = arith.constant 0 : i32
    %dma_start3A_54 = arith.constant 2 : i32
    %dma_start3A_55 = arith.constant 0 : i32
    %dma_start3A_56 = tpu.memref_slice %arg6[%dma_start3A_53, %dma_start3A_54, %dma_start3A_55] : memref<8x8x128xi32, #tpu.memory_space<vmem>> -> memref<1x1x128xi32, #tpu.memory_space<vmem>>
    %dma_start3A_57 = tpu.memref_squeeze %dma_start3A_56 : memref<1x1x128xi32, #tpu.memory_space<vmem>> -> memref<128xi32, #tpu.memory_space<vmem>>
    %dma_start3A_58 = arith.constant 0 : i32
    %dma_start3A_59 = arith.constant 0 : i32
    %dma_start3A_60 = tpu.memref_slice %arg10[%dma_start3A_58, %dma_start3A_59] : memref<21525x64xf32, #tpu.memory_space<vmem_shared>> -> memref<21525x64xf32, #tpu.memory_space<vmem_shared>>
    tpu.enqueue_indirect_dma source(%dma_start3A_60 : memref<21525x64xf32, #tpu.memory_space<vmem_shared>>) target(%arg9 : memref<128x64xf32, #tpu.memory_space<vmem>>) offsets(%dma_start3A_57 : memref<128xi32, #tpu.memory_space<vmem>>) semaphore(%arg14 : memref<!tpu.dma_semaphore, #tpu.memory_space<semaphore_mem>>)
    %dma_wait3A_61 = arith.constant 0 : i32
    %dma_wait3A_62 = arith.constant 1 : i32
    %dma_wait3A_63 = arith.constant 0 : i32
    %dma_wait3A_64 = tpu.memref_slice %arg6[%dma_wait3A_61, %dma_wait3A_62, %dma_wait3A_63] : memref<8x8x128xi32, #tpu.memory_space<vmem>> -> memref<1x1x128xi32, #tpu.memory_space<vmem>>
    %dma_wait3A_65 = tpu.memref_squeeze %dma_wait3A_64 : memref<1x1x128xi32, #tpu.memory_space<vmem>> -> memref<128xi32, #tpu.memory_space<vmem>>
    %dma_wait3A_66 = arith.constant 0 : i32
    %dma_wait3A_67 = arith.constant 0 : i32
    %dma_wait3A_68 = tpu.memref_slice %arg10[%dma_wait3A_66, %dma_wait3A_67] : memref<21525x64xf32, #tpu.memory_space<vmem_shared>> -> memref<21525x64xf32, #tpu.memory_space<vmem_shared>>
    tpu.wait_indirect_dma semaphore(%arg13 : memref<!tpu.dma_semaphore, #tpu.memory_space<semaphore_mem>>) src(%dma_wait3A_68 : memref<21525x64xf32, #tpu.memory_space<vmem_shared>>) dst(%arg8 : memref<128x64xf32, #tpu.memory_space<vmem>>)
    %add3A_69 = arith.constant 0 : i32
    %add3A_70 = arith.addi %mul3A_2, %add3A_69 : i32
    %dma_start3A_71 = arith.constant 128 : i32
    %dma_start3A_72 = arith.constant 0 : i32
    %dma_start3A_73 = tpu.memref_slice %arg4[%add3A_70, %dma_start3A_71, %dma_start3A_72] : memref<256x1024x64xf32, #tpu.memory_space<hbm>> -> memref<1x128x64xf32, #tpu.memory_space<hbm>>
    %dma_start3A_74 = tpu.memref_squeeze %dma_start3A_73 : memref<1x128x64xf32, #tpu.memory_space<hbm>> -> memref<128x64xf32, #tpu.memory_space<hbm>>
    %dma_start3A_75 = arith.constant 128 : i32
    %dma_start3A_76 = arith.constant 0 : i32
    %dma_start3A_77 = tpu.memref_slice %arg4[%add3A_70, %dma_start3A_75, %dma_start3A_76] : memref<256x1024x64xf32, #tpu.memory_space<hbm>> -> memref<1x128x64xf32, #tpu.memory_space<hbm>>
    %dma_start3A_78 = tpu.memref_squeeze %dma_start3A_77 : memref<1x128x64xf32, #tpu.memory_space<hbm>> -> memref<128x64xf32, #tpu.memory_space<hbm>>
    tpu.enqueue_dma source(%arg8 : memref<128x64xf32, #tpu.memory_space<vmem>>) target(%dma_start3A_78 : memref<128x64xf32, #tpu.memory_space<hbm>>) target_semaphore(%arg16 : memref<!tpu.dma_semaphore, #tpu.memory_space<semaphore_mem>>)
    %dma_wait3A_79 = arith.constant 0 : i32
    %dma_wait3A_80 = arith.constant 0 : i32
    %dma_wait3A_81 = tpu.memref_slice %arg4[%add3A_44, %dma_wait3A_79, %dma_wait3A_80] : memref<256x1024x64xf32, #tpu.memory_space<hbm>> -> memref<1x128x64xf32, #tpu.memory_space<hbm>>
    %dma_wait3A_82 = tpu.memref_squeeze %dma_wait3A_81 : memref<1x128x64xf32, #tpu.memory_space<hbm>> -> memref<128x64xf32, #tpu.memory_space<hbm>>
    %dma_wait3A_83 = arith.constant 0 : i32
    %dma_wait3A_84 = arith.constant 0 : i32
    %dma_wait3A_85 = tpu.memref_slice %arg4[%add3A_44, %dma_wait3A_83, %dma_wait3A_84] : memref<256x1024x64xf32, #tpu.memory_space<hbm>> -> memref<1x128x64xf32, #tpu.memory_space<hbm>>
    %dma_wait3A_86 = tpu.memref_squeeze %dma_wait3A_85 : memref<1x128x64xf32, #tpu.memory_space<hbm>> -> memref<128x64xf32, #tpu.memory_space<hbm>>
    tpu.wait_dma2 semaphore(%arg15 : memref<!tpu.dma_semaphore, #tpu.memory_space<semaphore_mem>>) src(%arg7 : memref<128x64xf32, #tpu.memory_space<vmem>>) dst(%dma_wait3A_86 : memref<128x64xf32, #tpu.memory_space<hbm>>)
    %dma_start3A_87 = arith.constant 0 : i32
    %dma_start3A_88 = arith.constant 3 : i32
    %dma_start3A_89 = arith.constant 0 : i32
    %dma_start3A_90 = tpu.memref_slice %arg6[%dma_start3A_87, %dma_start3A_88, %dma_start3A_89] : memref<8x8x128xi32, #tpu.memory_space<vmem>> -> memref<1x1x128xi32, #tpu.memory_space<vmem>>
    %dma_start3A_91 = tpu.memref_squeeze %dma_start3A_90 : memref<1x1x128xi32, #tpu.memory_space<vmem>> -> memref<128xi32, #tpu.memory_space<vmem>>
    %dma_start3A_92 = arith.constant 0 : i32
    %dma_start3A_93 = arith.constant 0 : i32
    %dma_start3A_94 = tpu.memref_slice %arg10[%dma_start3A_92, %dma_start3A_93] : memref<21525x64xf32, #tpu.memory_space<vmem_shared>> -> memref<21525x64xf32, #tpu.memory_space<vmem_shared>>
    tpu.enqueue_indirect_dma source(%dma_start3A_94 : memref<21525x64xf32, #tpu.memory_space<vmem_shared>>) target(%arg7 : memref<128x64xf32, #tpu.memory_space<vmem>>) offsets(%dma_start3A_91 : memref<128xi32, #tpu.memory_space<vmem>>) semaphore(%arg12 : memref<!tpu.dma_semaphore, #tpu.memory_space<semaphore_mem>>)
    %dma_wait3A_95 = arith.constant 0 : i32
    %dma_wait3A_96 = arith.constant 2 : i32
    %dma_wait3A_97 = arith.constant 0 : i32
    %dma_wait3A_98 = tpu.memref_slice %arg6[%dma_wait3A_95, %dma_wait3A_96, %dma_wait3A_97] : memref<8x8x128xi32, #tpu.memory_space<vmem>> -> memref<1x1x128xi32, #tpu.memory_space<vmem>>
    %dma_wait3A_99 = tpu.memref_squeeze %dma_wait3A_98 : memref<1x1x128xi32, #tpu.memory_space<vmem>> -> memref<128xi32, #tpu.memory_space<vmem>>
    %dma_wait3A_100 = arith.constant 0 : i32
    %dma_wait3A_101 = arith.constant 0 : i32
    %dma_wait3A_102 = tpu.memref_slice %arg10[%dma_wait3A_100, %dma_wait3A_101] : memref<21525x64xf32, #tpu.memory_space<vmem_shared>> -> memref<21525x64xf32, #tpu.memory_space<vmem_shared>>
    tpu.wait_indirect_dma semaphore(%arg14 : memref<!tpu.dma_semaphore, #tpu.memory_space<semaphore_mem>>) src(%dma_wait3A_102 : memref<21525x64xf32, #tpu.memory_space<vmem_shared>>) dst(%arg9 : memref<128x64xf32, #tpu.memory_space<vmem>>)
    %add3A_103 = arith.constant 0 : i32
    %add3A_104 = arith.addi %mul3A_2, %add3A_103 : i32
    %dma_start3A_105 = arith.constant 256 : i32
    %dma_start3A_106 = arith.constant 0 : i32
    %dma_start3A_107 = tpu.memref_slice %arg4[%add3A_104, %dma_start3A_105, %dma_start3A_106] : memref<256x1024x64xf32, #tpu.memory_space<hbm>> -> memref<1x128x64xf32, #tpu.memory_space<hbm>>
    %dma_start3A_108 = tpu.memref_squeeze %dma_start3A_107 : memref<1x128x64xf32, #tpu.memory_space<hbm>> -> memref<128x64xf32, #tpu.memory_space<hbm>>
    %dma_start3A_109 = arith.constant 256 : i32
    %dma_start3A_110 = arith.constant 0 : i32
    %dma_start3A_111 = tpu.memref_slice %arg4[%add3A_104, %dma_start3A_109, %dma_start3A_110] : memref<256x1024x64xf32, #tpu.memory_space<hbm>> -> memref<1x128x64xf32, #tpu.memory_space<hbm>>
    %dma_start3A_112 = tpu.memref_squeeze %dma_start3A_111 : memref<1x128x64xf32, #tpu.memory_space<hbm>> -> memref<128x64xf32, #tpu.memory_space<hbm>>
    tpu.enqueue_dma source(%arg9 : memref<128x64xf32, #tpu.memory_space<vmem>>) target(%dma_start3A_112 : memref<128x64xf32, #tpu.memory_space<hbm>>) target_semaphore(%arg17 : memref<!tpu.dma_semaphore, #tpu.memory_space<semaphore_mem>>)
    %dma_wait3A_113 = arith.constant 128 : i32
    %dma_wait3A_114 = arith.constant 0 : i32
    %dma_wait3A_115 = tpu.memref_slice %arg4[%add3A_70, %dma_wait3A_113, %dma_wait3A_114] : memref<256x1024x64xf32, #tpu.memory_space<hbm>> -> memref<1x128x64xf32, #tpu.memory_space<hbm>>
    %dma_wait3A_116 = tpu.memref_squeeze %dma_wait3A_115 : memref<1x128x64xf32, #tpu.memory_space<hbm>> -> memref<128x64xf32, #tpu.memory_space<hbm>>
    %dma_wait3A_117 = arith.constant 128 : i32
    %dma_wait3A_118 = arith.constant 0 : i32
    %dma_wait3A_119 = tpu.memref_slice %arg4[%add3A_70, %dma_wait3A_117, %dma_wait3A_118] : memref<256x1024x64xf32, #tpu.memory_space<hbm>> -> memref<1x128x64xf32, #tpu.memory_space<hbm>>
    %dma_wait3A_120 = tpu.memref_squeeze %dma_wait3A_119 : memref<1x128x64xf32, #tpu.memory_space<hbm>> -> memref<128x64xf32, #tpu.memory_space<hbm>>
    tpu.wait_dma2 semaphore(%arg16 : memref<!tpu.dma_semaphore, #tpu.memory_space<semaphore_mem>>) src(%arg8 : memref<128x64xf32, #tpu.memory_space<vmem>>) dst(%dma_wait3A_120 : memref<128x64xf32, #tpu.memory_space<hbm>>)
    %dma_start3A_121 = arith.constant 0 : i32
    %dma_start3A_122 = arith.constant 4 : i32
    %dma_start3A_123 = arith.constant 0 : i32
    %dma_start3A_124 = tpu.memref_slice %arg6[%dma_start3A_121, %dma_start3A_122, %dma_start3A_123] : memref<8x8x128xi32, #tpu.memory_space<vmem>> -> memref<1x1x128xi32, #tpu.memory_space<vmem>>
    %dma_start3A_125 = tpu.memref_squeeze %dma_start3A_124 : memref<1x1x128xi32, #tpu.memory_space<vmem>> -> memref<128xi32, #tpu.memory_space<vmem>>
    %dma_start3A_126 = arith.constant 0 : i32
    %dma_start3A_127 = arith.constant 0 : i32
    %dma_start3A_128 = tpu.memref_slice %arg10[%dma_start3A_126, %dma_start3A_127] : memref<21525x64xf32, #tpu.memory_space<vmem_shared>> -> memref<21525x64xf32, #tpu.memory_space<vmem_shared>>
    tpu.enqueue_indirect_dma source(%dma_start3A_128 : memref<21525x64xf32, #tpu.memory_space<vmem_shared>>) target(%arg8 : memref<128x64xf32, #tpu.memory_space<vmem>>) offsets(%dma_start3A_125 : memref<128xi32, #tpu.memory_space<vmem>>) semaphore(%arg13 : memref<!tpu.dma_semaphore, #tpu.memory_space<semaphore_mem>>)
    %dma_wait3A_129 = arith.constant 0 : i32
    %dma_wait3A_130 = arith.constant 3 : i32
    %dma_wait3A_131 = arith.constant 0 : i32
    %dma_wait3A_132 = tpu.memref_slice %arg6[%dma_wait3A_129, %dma_wait3A_130, %dma_wait3A_131] : memref<8x8x128xi32, #tpu.memory_space<vmem>> -> memref<1x1x128xi32, #tpu.memory_space<vmem>>
    %dma_wait3A_133 = tpu.memref_squeeze %dma_wait3A_132 : memref<1x1x128xi32, #tpu.memory_space<vmem>> -> memref<128xi32, #tpu.memory_space<vmem>>
    %dma_wait3A_134 = arith.constant 0 : i32
    %dma_wait3A_135 = arith.constant 0 : i32
    %dma_wait3A_136 = tpu.memref_slice %arg10[%dma_wait3A_134, %dma_wait3A_135] : memref<21525x64xf32, #tpu.memory_space<vmem_shared>> -> memref<21525x64xf32, #tpu.memory_space<vmem_shared>>
    tpu.wait_indirect_dma semaphore(%arg12 : memref<!tpu.dma_semaphore, #tpu.memory_space<semaphore_mem>>) src(%dma_wait3A_136 : memref<21525x64xf32, #tpu.memory_space<vmem_shared>>) dst(%arg7 : memref<128x64xf32, #tpu.memory_space<vmem>>)
    %add3A_137 = arith.constant 0 : i32
    %add3A_138 = arith.addi %mul3A_2, %add3A_137 : i32
    %dma_start3A_139 = arith.constant 384 : i32
    %dma_start3A_140 = arith.constant 0 : i32
    %dma_start3A_141 = tpu.memref_slice %arg4[%add3A_138, %dma_start3A_139, %dma_start3A_140] : memref<256x1024x64xf32, #tpu.memory_space<hbm>> -> memref<1x128x64xf32, #tpu.memory_space<hbm>>
    %dma_start3A_142 = tpu.memref_squeeze %dma_start3A_141 : memref<1x128x64xf32, #tpu.memory_space<hbm>> -> memref<128x64xf32, #tpu.memory_space<hbm>>
    %dma_start3A_143 = arith.constant 384 : i32
    %dma_start3A_144 = arith.constant 0 : i32
    %dma_start3A_145 = tpu.memref_slice %arg4[%add3A_138, %dma_start3A_143, %dma_start3A_144] : memref<256x1024x64xf32, #tpu.memory_space<hbm>> -> memref<1x128x64xf32, #tpu.memory_space<hbm>>
    %dma_start3A_146 = tpu.memref_squeeze %dma_start3A_145 : memref<1x128x64xf32, #tpu.memory_space<hbm>> -> memref<128x64xf32, #tpu.memory_space<hbm>>
    tpu.enqueue_dma source(%arg7 : memref<128x64xf32, #tpu.memory_space<vmem>>) target(%dma_start3A_146 : memref<128x64xf32, #tpu.memory_space<hbm>>) target_semaphore(%arg15 : memref<!tpu.dma_semaphore, #tpu.memory_space<semaphore_mem>>)
    %dma_wait3A_147 = arith.constant 256 : i32
    %dma_wait3A_148 = arith.constant 0 : i32
    %dma_wait3A_149 = tpu.memref_slice %arg4[%add3A_104, %dma_wait3A_147, %dma_wait3A_148] : memref<256x1024x64xf32, #tpu.memory_space<hbm>> -> memref<1x128x64xf32, #tpu.memory_space<hbm>>
    %dma_wait3A_150 = tpu.memref_squeeze %dma_wait3A_149 : memref<1x128x64xf32, #tpu.memory_space<hbm>> -> memref<128x64xf32, #tpu.memory_space<hbm>>
    %dma_wait3A_151 = arith.constant 256 : i32
    %dma_wait3A_152 = arith.constant 0 : i32
    %dma_wait3A_153 = tpu.memref_slice %arg4[%add3A_104, %dma_wait3A_151, %dma_wait3A_152] : memref<256x1024x64xf32, #tpu.memory_space<hbm>> -> memref<1x128x64xf32, #tpu.memory_space<hbm>>
    %dma_wait3A_154 = tpu.memref_squeeze %dma_wait3A_153 : memref<1x128x64xf32, #tpu.memory_space<hbm>> -> memref<128x64xf32, #tpu.memory_space<hbm>>
    tpu.wait_dma2 semaphore(%arg17 : memref<!tpu.dma_semaphore, #tpu.memory_space<semaphore_mem>>) src(%arg9 : memref<128x64xf32, #tpu.memory_space<vmem>>) dst(%dma_wait3A_154 : memref<128x64xf32, #tpu.memory_space<hbm>>)
    %dma_start3A_155 = arith.constant 0 : i32
    %dma_start3A_156 = arith.constant 5 : i32
    %dma_start3A_157 = arith.constant 0 : i32
    %dma_start3A_158 = tpu.memref_slice %arg6[%dma_start3A_155, %dma_start3A_156, %dma_start3A_157] : memref<8x8x128xi32, #tpu.memory_space<vmem>> -> memref<1x1x128xi32, #tpu.memory_space<vmem>>
    %dma_start3A_159 = tpu.memref_squeeze %dma_start3A_158 : memref<1x1x128xi32, #tpu.memory_space<vmem>> -> memref<128xi32, #tpu.memory_space<vmem>>
    %dma_start3A_160 = arith.constant 0 : i32
    %dma_start3A_161 = arith.constant 0 : i32
    %dma_start3A_162 = tpu.memref_slice %arg10[%dma_start3A_160, %dma_start3A_161] : memref<21525x64xf32, #tpu.memory_space<vmem_shared>> -> memref<21525x64xf32, #tpu.memory_space<vmem_shared>>
    tpu.enqueue_indirect_dma source(%dma_start3A_162 : memref<21525x64xf32, #tpu.memory_space<vmem_shared>>) target(%arg9 : memref<128x64xf32, #tpu.memory_space<vmem>>) offsets(%dma_start3A_159 : memref<128xi32, #tpu.memory_space<vmem>>) semaphore(%arg14 : memref<!tpu.dma_semaphore, #tpu.memory_space<semaphore_mem>>)
    %dma_wait3A_163 = arith.constant 0 : i32
    %dma_wait3A_164 = arith.constant 4 : i32
    %dma_wait3A_165 = arith.constant 0 : i32
    %dma_wait3A_166 = tpu.memref_slice %arg6[%dma_wait3A_163, %dma_wait3A_164, %dma_wait3A_165] : memref<8x8x128xi32, #tpu.memory_space<vmem>> -> memref<1x1x128xi32, #tpu.memory_space<vmem>>
    %dma_wait3A_167 = tpu.memref_squeeze %dma_wait3A_166 : memref<1x1x128xi32, #tpu.memory_space<vmem>> -> memref<128xi32, #tpu.memory_space<vmem>>
    %dma_wait3A_168 = arith.constant 0 : i32
    %dma_wait3A_169 = arith.constant 0 : i32
    %dma_wait3A_170 = tpu.memref_slice %arg10[%dma_wait3A_168, %dma_wait3A_169] : memref<21525x64xf32, #tpu.memory_space<vmem_shared>> -> memref<21525x64xf32, #tpu.memory_space<vmem_shared>>
    tpu.wait_indirect_dma semaphore(%arg13 : memref<!tpu.dma_semaphore, #tpu.memory_space<semaphore_mem>>) src(%dma_wait3A_170 : memref<21525x64xf32, #tpu.memory_space<vmem_shared>>) dst(%arg8 : memref<128x64xf32, #tpu.memory_space<vmem>>)
    %add3A_171 = arith.constant 0 : i32
    %add3A_172 = arith.addi %mul3A_2, %add3A_171 : i32
    %dma_start3A_173 = arith.constant 512 : i32
    %dma_start3A_174 = arith.constant 0 : i32
    %dma_start3A_175 = tpu.memref_slice %arg4[%add3A_172, %dma_start3A_173, %dma_start3A_174] : memref<256x1024x64xf32, #tpu.memory_space<hbm>> -> memref<1x128x64xf32, #tpu.memory_space<hbm>>
    %dma_start3A_176 = tpu.memref_squeeze %dma_start3A_175 : memref<1x128x64xf32, #tpu.memory_space<hbm>> -> memref<128x64xf32, #tpu.memory_space<hbm>>
    %dma_start3A_177 = arith.constant 512 : i32
    %dma_start3A_178 = arith.constant 0 : i32
    %dma_start3A_179 = tpu.memref_slice %arg4[%add3A_172, %dma_start3A_177, %dma_start3A_178] : memref<256x1024x64xf32, #tpu.memory_space<hbm>> -> memref<1x128x64xf32, #tpu.memory_space<hbm>>
    %dma_start3A_180 = tpu.memref_squeeze %dma_start3A_179 : memref<1x128x64xf32, #tpu.memory_space<hbm>> -> memref<128x64xf32, #tpu.memory_space<hbm>>
    tpu.enqueue_dma source(%arg8 : memref<128x64xf32, #tpu.memory_space<vmem>>) target(%dma_start3A_180 : memref<128x64xf32, #tpu.memory_space<hbm>>) target_semaphore(%arg16 : memref<!tpu.dma_semaphore, #tpu.memory_space<semaphore_mem>>)
    %dma_wait3A_181 = arith.constant 384 : i32
    %dma_wait3A_182 = arith.constant 0 : i32
    %dma_wait3A_183 = tpu.memref_slice %arg4[%add3A_138, %dma_wait3A_181, %dma_wait3A_182] : memref<256x1024x64xf32, #tpu.memory_space<hbm>> -> memref<1x128x64xf32, #tpu.memory_space<hbm>>
    %dma_wait3A_184 = tpu.memref_squeeze %dma_wait3A_183 : memref<1x128x64xf32, #tpu.memory_space<hbm>> -> memref<128x64xf32, #tpu.memory_space<hbm>>
    %dma_wait3A_185 = arith.constant 384 : i32
    %dma_wait3A_186 = arith.constant 0 : i32
    %dma_wait3A_187 = tpu.memref_slice %arg4[%add3A_138, %dma_wait3A_185, %dma_wait3A_186] : memref<256x1024x64xf32, #tpu.memory_space<hbm>> -> memref<1x128x64xf32, #tpu.memory_space<hbm>>
    %dma_wait3A_188 = tpu.memref_squeeze %dma_wait3A_187 : memref<1x128x64xf32, #tpu.memory_space<hbm>> -> memref<128x64xf32, #tpu.memory_space<hbm>>
    tpu.wait_dma2 semaphore(%arg15 : memref<!tpu.dma_semaphore, #tpu.memory_space<semaphore_mem>>) src(%arg7 : memref<128x64xf32, #tpu.memory_space<vmem>>) dst(%dma_wait3A_188 : memref<128x64xf32, #tpu.memory_space<hbm>>)
    %dma_start3A_189 = arith.constant 0 : i32
    %dma_start3A_190 = arith.constant 6 : i32
    %dma_start3A_191 = arith.constant 0 : i32
    %dma_start3A_192 = tpu.memref_slice %arg6[%dma_start3A_189, %dma_start3A_190, %dma_start3A_191] : memref<8x8x128xi32, #tpu.memory_space<vmem>> -> memref<1x1x128xi32, #tpu.memory_space<vmem>>
    %dma_start3A_193 = tpu.memref_squeeze %dma_start3A_192 : memref<1x1x128xi32, #tpu.memory_space<vmem>> -> memref<128xi32, #tpu.memory_space<vmem>>
    %dma_start3A_194 = arith.constant 0 : i32
    %dma_start3A_195 = arith.constant 0 : i32
    %dma_start3A_196 = tpu.memref_slice %arg10[%dma_start3A_194, %dma_start3A_195] : memref<21525x64xf32, #tpu.memory_space<vmem_shared>> -> memref<21525x64xf32, #tpu.memory_space<vmem_shared>>
    tpu.enqueue_indirect_dma source(%dma_start3A_196 : memref<21525x64xf32, #tpu.memory_space<vmem_shared>>) target(%arg7 : memref<128x64xf32, #tpu.memory_space<vmem>>) offsets(%dma_start3A_193 : memref<128xi32, #tpu.memory_space<vmem>>) semaphore(%arg12 : memref<!tpu.dma_semaphore, #tpu.memory_space<semaphore_mem>>)
    %dma_wait3A_197 = arith.constant 0 : i32
    %dma_wait3A_198 = arith.constant 5 : i32
    %dma_wait3A_199 = arith.constant 0 : i32
    %dma_wait3A_200 = tpu.memref_slice %arg6[%dma_wait3A_197, %dma_wait3A_198, %dma_wait3A_199] : memref<8x8x128xi32, #tpu.memory_space<vmem>> -> memref<1x1x128xi32, #tpu.memory_space<vmem>>
    %dma_wait3A_201 = tpu.memref_squeeze %dma_wait3A_200 : memref<1x1x128xi32, #tpu.memory_space<vmem>> -> memref<128xi32, #tpu.memory_space<vmem>>
    %dma_wait3A_202 = arith.constant 0 : i32
    %dma_wait3A_203 = arith.constant 0 : i32
    %dma_wait3A_204 = tpu.memref_slice %arg10[%dma_wait3A_202, %dma_wait3A_203] : memref<21525x64xf32, #tpu.memory_space<vmem_shared>> -> memref<21525x64xf32, #tpu.memory_space<vmem_shared>>
    tpu.wait_indirect_dma semaphore(%arg14 : memref<!tpu.dma_semaphore, #tpu.memory_space<semaphore_mem>>) src(%dma_wait3A_204 : memref<21525x64xf32, #tpu.memory_space<vmem_shared>>) dst(%arg9 : memref<128x64xf32, #tpu.memory_space<vmem>>)
    %add3A_205 = arith.constant 0 : i32
    %add3A_206 = arith.addi %mul3A_2, %add3A_205 : i32
    %dma_start3A_207 = arith.constant 640 : i32
    %dma_start3A_208 = arith.constant 0 : i32
    %dma_start3A_209 = tpu.memref_slice %arg4[%add3A_206, %dma_start3A_207, %dma_start3A_208] : memref<256x1024x64xf32, #tpu.memory_space<hbm>> -> memref<1x128x64xf32, #tpu.memory_space<hbm>>
    %dma_start3A_210 = tpu.memref_squeeze %dma_start3A_209 : memref<1x128x64xf32, #tpu.memory_space<hbm>> -> memref<128x64xf32, #tpu.memory_space<hbm>>
    %dma_start3A_211 = arith.constant 640 : i32
    %dma_start3A_212 = arith.constant 0 : i32
    %dma_start3A_213 = tpu.memref_slice %arg4[%add3A_206, %dma_start3A_211, %dma_start3A_212] : memref<256x1024x64xf32, #tpu.memory_space<hbm>> -> memref<1x128x64xf32, #tpu.memory_space<hbm>>
    %dma_start3A_214 = tpu.memref_squeeze %dma_start3A_213 : memref<1x128x64xf32, #tpu.memory_space<hbm>> -> memref<128x64xf32, #tpu.memory_space<hbm>>
    tpu.enqueue_dma source(%arg9 : memref<128x64xf32, #tpu.memory_space<vmem>>) target(%dma_start3A_214 : memref<128x64xf32, #tpu.memory_space<hbm>>) target_semaphore(%arg17 : memref<!tpu.dma_semaphore, #tpu.memory_space<semaphore_mem>>)
    %dma_wait3A_215 = arith.constant 512 : i32
    %dma_wait3A_216 = arith.constant 0 : i32
    %dma_wait3A_217 = tpu.memref_slice %arg4[%add3A_172, %dma_wait3A_215, %dma_wait3A_216] : memref<256x1024x64xf32, #tpu.memory_space<hbm>> -> memref<1x128x64xf32, #tpu.memory_space<hbm>>
    %dma_wait3A_218 = tpu.memref_squeeze %dma_wait3A_217 : memref<1x128x64xf32, #tpu.memory_space<hbm>> -> memref<128x64xf32, #tpu.memory_space<hbm>>
    %dma_wait3A_219 = arith.constant 512 : i32
    %dma_wait3A_220 = arith.constant 0 : i32
    %dma_wait3A_221 = tpu.memref_slice %arg4[%add3A_172, %dma_wait3A_219, %dma_wait3A_220] : memref<256x1024x64xf32, #tpu.memory_space<hbm>> -> memref<1x128x64xf32, #tpu.memory_space<hbm>>
    %dma_wait3A_222 = tpu.memref_squeeze %dma_wait3A_221 : memref<1x128x64xf32, #tpu.memory_space<hbm>> -> memref<128x64xf32, #tpu.memory_space<hbm>>
    tpu.wait_dma2 semaphore(%arg16 : memref<!tpu.dma_semaphore, #tpu.memory_space<semaphore_mem>>) src(%arg8 : memref<128x64xf32, #tpu.memory_space<vmem>>) dst(%dma_wait3A_222 : memref<128x64xf32, #tpu.memory_space<hbm>>)
    %dma_start3A_223 = arith.constant 0 : i32
    %dma_start3A_224 = arith.constant 7 : i32
    %dma_start3A_225 = arith.constant 0 : i32
    %dma_start3A_226 = tpu.memref_slice %arg6[%dma_start3A_223, %dma_start3A_224, %dma_start3A_225] : memref<8x8x128xi32, #tpu.memory_space<vmem>> -> memref<1x1x128xi32, #tpu.memory_space<vmem>>
    %dma_start3A_227 = tpu.memref_squeeze %dma_start3A_226 : memref<1x1x128xi32, #tpu.memory_space<vmem>> -> memref<128xi32, #tpu.memory_space<vmem>>
    %dma_start3A_228 = arith.constant 0 : i32
    %dma_start3A_229 = arith.constant 0 : i32
    %dma_start3A_230 = tpu.memref_slice %arg10[%dma_start3A_228, %dma_start3A_229] : memref<21525x64xf32, #tpu.memory_space<vmem_shared>> -> memref<21525x64xf32, #tpu.memory_space<vmem_shared>>
    tpu.enqueue_indirect_dma source(%dma_start3A_230 : memref<21525x64xf32, #tpu.memory_space<vmem_shared>>) target(%arg8 : memref<128x64xf32, #tpu.memory_space<vmem>>) offsets(%dma_start3A_227 : memref<128xi32, #tpu.memory_space<vmem>>) semaphore(%arg13 : memref<!tpu.dma_semaphore, #tpu.memory_space<semaphore_mem>>)
    %scan3A_231 = arith.constant 0 : i32
    %scan3A_232 = arith.constant 0 : i32
    %scan3A_233 = arith.constant 64 : i32
    %scan3A_234 = arith.addi %scan3A_232, %scan3A_233 : i32
    %scan3A_235 = arith.constant 1 : i32
    %scan3A_236 = scf.for %scan3A_2236 = %scan3A_232 to %scan3A_234 step %scan3A_235 iter_args(%scan3A_2237 = %scan3A_231) -> (i32)  : i32 {
      %mul3A_2238 = arith.constant 16 : i32
      %mul3A_2239 = arith.muli %scan3A_2236, %mul3A_2238 : i32
      %get3A = arith.constant 1 : i32
      %get3A_2240 = arith.index_cast %get3A : i32 to index
      %get3A_2241 = arith.index_cast %mul3A_2239 : i32 to index
      %get3A_2242 = tpu.vector_load %arg5[%get3A_2240, %get3A_2241] {strides = array<i32>} : memref<8x1024xi32, #tpu.memory_space<vmem>>, vector<16xi32>,
      %min3A = arith.constant 1 : i32
      %min3A_2243 = vector.broadcast %min3A : i32 to vector<16xi32>
      %min3A_2244 = arith.minsi %get3A_2242, %min3A_2243 : vector<16xi32>
      %broadcast_in_dim3A = arith.constant true
      %broadcast_in_dim3A_2245 = vector.broadcast %broadcast_in_dim3A : i1 to vector<16xi1>
      %masked_cumsum3A = tpu.scan <sum>, %min3A_2244 masked %broadcast_in_dim3A_2245 : vector<16xi32>, vector<16xi1> -> vector<16xi32>
      %mul3A_2246 = arith.constant 1025 : i32
      %mul3A_2247 = vector.broadcast %mul3A_2246 : i32 to vector<16xi32>
      %mul3A_2248 = arith.muli %get3A_2242, %mul3A_2247 : vector<16xi32>
      %add3A_2249 = vector.broadcast %scan3A_2237 : i32 to vector<16xi32>
      %add3A_2250 = arith.addi %masked_cumsum3A, %add3A_2249 : vector<16xi32>
      %mul3A_2251 = arith.muli %add3A_2250, %min3A_2244 : vector<16xi32>
      %add3A_2252 = arith.addi %mul3A_2248, %mul3A_2251 : vector<16xi32>
      %jit3A = arith.constant 8 : i32
      %div3A = arith.divsi %scan3A_2236, %jit3A : i32
      %sign3A = arith.constant 0 : i32
      %sign3A_2253 = arith.cmpi sgt, %scan3A_2236, %sign3A : i32
      %sign3A_2254 = arith.extui %sign3A_2253 : i1 to i32
      %sign3A_2255 = arith.constant 0 : i32
      %sign3A_2256 = arith.cmpi slt, %scan3A_2236, %sign3A_2255 : i32
      %sign3A_2257 = arith.extui %sign3A_2256 : i1 to i32
      %sign3A_2258 = arith.subi %sign3A_2254, %sign3A_2257 : i32
      %sign3A_2259 = arith.constant 0 : i32
      %sign3A_2260 = arith.cmpi sgt, %jit3A, %sign3A_2259 : i32
      %sign3A_2261 = arith.extui %sign3A_2260 : i1 to i32
      %sign3A_2262 = arith.constant 0 : i32
      %sign3A_2263 = arith.cmpi slt, %jit3A, %sign3A_2262 : i32
      %sign3A_2264 = arith.extui %sign3A_2263 : i1 to i32
      %sign3A_2265 = arith.subi %sign3A_2261, %sign3A_2264 : i32
      %ne3A = arith.cmpi ne, %sign3A_2258, %sign3A_2265 : i32
      %rem3A = arith.remsi %scan3A_2236, %jit3A : i32
      %ne3A_2266 = arith.constant 0 : i32
      %ne3A_2267 = arith.cmpi ne, %rem3A, %ne3A_2266 : i32
      %and3A = arith.andi %ne3A, %ne3A_2267 : i1
      %sub3A = arith.constant 1 : i32
      %sub3A_2268 = arith.subi %div3A, %sub3A : i32
      %select_n3A = arith.select %and3A, %sub3A_2268, %div3A : i32
      %jit3A_2269 = arith.constant 8 : i32
      %eq3A_2270 = arith.constant 0 : i32
      %eq3A_2271 = arith.cmpi eq, %jit3A_2269, %eq3A_2270 : i32
      %jit3A_2272 = arith.constant 1 : i32
      %select_n3A_2273 = arith.select %eq3A_2271, %jit3A_2272, %jit3A_2269 : i32
      %rem3A_2274 = arith.remsi %scan3A_2236, %select_n3A_2273 : i32
      %ne3A_2275 = arith.constant 0 : i32
      %ne3A_2276 = arith.cmpi ne, %rem3A_2274, %ne3A_2275 : i32
      %lt3A = arith.constant 0 : i32
      %lt3A_2277 = arith.cmpi slt, %rem3A_2274, %lt3A : i32
      %lt3A_2278 = arith.constant 0 : i32
      %lt3A_2279 = arith.cmpi slt, %select_n3A_2273, %lt3A_2278 : i32
      %ne3A_2280 = arith.xori %lt3A_2277, %lt3A_2279 : i1
      %and3A_2281 = arith.andi %ne3A_2280, %ne3A_2276 : i1
      %add3A_2282 = arith.addi %rem3A_2274, %select_n3A_2273 : i32
      %select_n3A_2283 = arith.select %and3A_2281, %add3A_2282, %rem3A_2274 : i32
      %mul3A_2284 = arith.constant 16 : i32
      %mul3A_2285 = arith.muli %select_n3A_2283, %mul3A_2284 : i32
      %swap3A = arith.constant 1 : i32
      %swap3A_2286 = arith.index_cast %swap3A : i32 to index
      %swap3A_2287 = arith.index_cast %select_n3A : i32 to index
      %swap3A_2288 = arith.index_cast %mul3A_2285 : i32 to index
      %swap3A_2289 = tpu.vector_load %arg6[%swap3A_2286, %swap3A_2287, %swap3A_2288] {strides = array<i32>} : memref<8x8x128xi32, #tpu.memory_space<vmem>>, vector<16xi32>,
      tpu.vector_store %arg6[%swap3A_2286, %swap3A_2287, %swap3A_2288], %add3A_2252 {strides = array<i32>} : memref<8x8x128xi32, #tpu.memory_space<vmem>>, vector<16xi32>,
      %reduce_sum3A = arith.constant true
      %reduce_sum3A_2290 = vector.broadcast %reduce_sum3A : i1 to vector<16xi1>
      %reduce_sum3A_2291 = tpu.scan <sum>, %min3A_2244 masked %reduce_sum3A_2290 : vector<16xi32>, vector<16xi1> -> vector<16xi32>
      %reduce_sum3A_2292 = vector.extract %reduce_sum3A_2291[15] : i32 from vector<16xi32>
      %add3A_2293 = arith.addi %scan3A_2237, %reduce_sum3A_2292 : i32
      scf.yield %add3A_2293 : i32
    }
    %scan3A_237 = arith.constant 64 : i32
    %dma_wait3A_238 = arith.constant 0 : i32
    %dma_wait3A_239 = arith.constant 6 : i32
    %dma_wait3A_240 = arith.constant 0 : i32
    %dma_wait3A_241 = tpu.memref_slice %arg6[%dma_wait3A_238, %dma_wait3A_239, %dma_wait3A_240] : memref<8x8x128xi32, #tpu.memory_space<vmem>> -> memref<1x1x128xi32, #tpu.memory_space<vmem>>
    %dma_wait3A_242 = tpu.memref_squeeze %dma_wait3A_241 : memref<1x1x128xi32, #tpu.memory_space<vmem>> -> memref<128xi32, #tpu.memory_space<vmem>>
    %dma_wait3A_243 = arith.constant 0 : i32
    %dma_wait3A_244 = arith.constant 0 : i32
    %dma_wait3A_245 = tpu.memref_slice %arg10[%dma_wait3A_243, %dma_wait3A_244] : memref<21525x64xf32, #tpu.memory_space<vmem_shared>> -> memref<21525x64xf32, #tpu.memory_space<vmem_shared>>
    tpu.wait_indirect_dma semaphore(%arg12 : memref<!tpu.dma_semaphore, #tpu.memory_space<semaphore_mem>>) src(%dma_wait3A_245 : memref<21525x64xf32, #tpu.memory_space<vmem_shared>>) dst(%arg7 : memref<128x64xf32, #tpu.memory_space<vmem>>)
    %add3A_246 = arith.constant 0 : i32
    %add3A_247 = arith.addi %mul3A_2, %add3A_246 : i32
    %dma_start3A_248 = arith.constant 768 : i32
    %dma_start3A_249 = arith.constant 0 : i32
    %dma_start3A_250 = tpu.memref_slice %arg4[%add3A_247, %dma_start3A_248, %dma_start3A_249] : memref<256x1024x64xf32, #tpu.memory_space<hbm>> -> memref<1x128x64xf32, #tpu.memory_space<hbm>>
    %dma_start3A_251 = tpu.memref_squeeze %dma_start3A_250 : memref<1x128x64xf32, #tpu.memory_space<hbm>> -> memref<128x64xf32, #tpu.memory_space<hbm>>
    %dma_start3A_252 = arith.constant 768 : i32
    %dma_start3A_253 = arith.constant 0 : i32
    %dma_start3A_254 = tpu.memref_slice %arg4[%add3A_247, %dma_start3A_252, %dma_start3A_253] : memref<256x1024x64xf32, #tpu.memory_space<hbm>> -> memref<1x128x64xf32, #tpu.memory_space<hbm>>
    %dma_start3A_255 = tpu.memref_squeeze %dma_start3A_254 : memref<1x128x64xf32, #tpu.memory_space<hbm>> -> memref<128x64xf32, #tpu.memory_space<hbm>>
    tpu.enqueue_dma source(%arg7 : memref<128x64xf32, #tpu.memory_space<vmem>>) target(%dma_start3A_255 : memref<128x64xf32, #tpu.memory_space<hbm>>) target_semaphore(%arg15 : memref<!tpu.dma_semaphore, #tpu.memory_space<semaphore_mem>>)
    %dma_wait3A_256 = arith.constant 640 : i32
    %dma_wait3A_257 = arith.constant 0 : i32
    %dma_wait3A_258 = tpu.memref_slice %arg4[%add3A_206, %dma_wait3A_256, %dma_wait3A_257] : memref<256x1024x64xf32, #tpu.memory_space<hbm>> -> memref<1x128x64xf32, #tpu.memory_space<hbm>>
    %dma_wait3A_259 = tpu.memref_squeeze %dma_wait3A_258 : memref<1x128x64xf32, #tpu.memory_space<hbm>> -> memref<128x64xf32, #tpu.memory_space<hbm>>
    %dma_wait3A_260 = arith.constant 640 : i32
    %dma_wait3A_261 = arith.constant 0 : i32
    %dma_wait3A_262 = tpu.memref_slice %arg4[%add3A_206, %dma_wait3A_260, %dma_wait3A_261] : memref<256x1024x64xf32, #tpu.memory_space<hbm>> -> memref<1x128x64xf32, #tpu.memory_space<hbm>>
    %dma_wait3A_263 = tpu.memref_squeeze %dma_wait3A_262 : memref<1x128x64xf32, #tpu.memory_space<hbm>> -> memref<128x64xf32, #tpu.memory_space<hbm>>
    tpu.wait_dma2 semaphore(%arg17 : memref<!tpu.dma_semaphore, #tpu.memory_space<semaphore_mem>>) src(%arg9 : memref<128x64xf32, #tpu.memory_space<vmem>>) dst(%dma_wait3A_263 : memref<128x64xf32, #tpu.memory_space<hbm>>)
    %dma_start3A_264 = arith.constant 1 : i32
    %dma_start3A_265 = arith.constant 0 : i32
    %dma_start3A_266 = arith.constant 0 : i32
    %dma_start3A_267 = tpu.memref_slice %arg6[%dma_start3A_264, %dma_start3A_265, %dma_start3A_266] : memref<8x8x128xi32, #tpu.memory_space<vmem>> -> memref<1x1x128xi32, #tpu.memory_space<vmem>>
    %dma_start3A_268 = tpu.memref_squeeze %dma_start3A_267 : memref<1x1x128xi32, #tpu.memory_space<vmem>> -> memref<128xi32, #tpu.memory_space<vmem>>
    %dma_start3A_269 = arith.constant 0 : i32
    %dma_start3A_270 = arith.constant 0 : i32
    %dma_start3A_271 = tpu.memref_slice %arg10[%dma_start3A_269, %dma_start3A_270] : memref<21525x64xf32, #tpu.memory_space<vmem_shared>> -> memref<21525x64xf32, #tpu.memory_space<vmem_shared>>
    tpu.enqueue_indirect_dma source(%dma_start3A_271 : memref<21525x64xf32, #tpu.memory_space<vmem_shared>>) target(%arg9 : memref<128x64xf32, #tpu.memory_space<vmem>>) offsets(%dma_start3A_268 : memref<128xi32, #tpu.memory_space<vmem>>) semaphore(%arg14 : memref<!tpu.dma_semaphore, #tpu.memory_space<semaphore_mem>>)
    %dma_wait3A_272 = arith.constant 0 : i32
    %dma_wait3A_273 = arith.constant 7 : i32
    %dma_wait3A_274 = arith.constant 0 : i32
    %dma_wait3A_275 = tpu.memref_slice %arg6[%dma_wait3A_272, %dma_wait3A_273, %dma_wait3A_274] : memref<8x8x128xi32, #tpu.memory_space<vmem>> -> memref<1x1x128xi32, #tpu.memory_space<vmem>>
    %dma_wait3A_276 = tpu.memref_squeeze %dma_wait3A_275 : memref<1x1x128xi32, #tpu.memory_space<vmem>> -> memref<128xi32, #tpu.memory_space<vmem>>
    %dma_wait3A_277 = arith.constant 0 : i32
    %dma_wait3A_278 = arith.constant 0 : i32
    %dma_wait3A_279 = tpu.memref_slice %arg10[%dma_wait3A_277, %dma_wait3A_278] : memref<21525x64xf32, #tpu.memory_space<vmem_shared>> -> memref<21525x64xf32, #tpu.memory_space<vmem_shared>>
    tpu.wait_indirect_dma semaphore(%arg13 : memref<!tpu.dma_semaphore, #tpu.memory_space<semaphore_mem>>) src(%dma_wait3A_279 : memref<21525x64xf32, #tpu.memory_space<vmem_shared>>) dst(%arg8 : memref<128x64xf32, #tpu.memory_space<vmem>>)
    %add3A_280 = arith.constant 0 : i32
    %add3A_281 = arith.addi %mul3A_2, %add3A_280 : i32
    %dma_start3A_282 = arith.constant 896 : i32
    %dma_start3A_283 = arith.constant 0 : i32
    %dma_start3A_284 = tpu.memref_slice %arg4[%add3A_281, %dma_start3A_282, %dma_start3A_283] : memref<256x1024x64xf32, #tpu.memory_space<hbm>> -> memref<1x128x64xf32, #tpu.memory_space<hbm>>
    %dma_start3A_285 = tpu.memref_squeeze %dma_start3A_284 : memref<1x128x64xf32, #tpu.memory_space<hbm>> -> memref<128x64xf32, #tpu.memory_space<hbm>>
    %dma_start3A_286 = arith.constant 896 : i32
    %dma_start3A_287 = arith.constant 0 : i32
    %dma_start3A_288 = tpu.memref_slice %arg4[%add3A_281, %dma_start3A_286, %dma_start3A_287] : memref<256x1024x64xf32, #tpu.memory_space<hbm>> -> memref<1x128x64xf32, #tpu.memory_space<hbm>>
    %dma_start3A_289 = tpu.memref_squeeze %dma_start3A_288 : memref<1x128x64xf32, #tpu.memory_space<hbm>> -> memref<128x64xf32, #tpu.memory_space<hbm>>
    tpu.enqueue_dma source(%arg8 : memref<128x64xf32, #tpu.memory_space<vmem>>) target(%dma_start3A_289 : memref<128x64xf32, #tpu.memory_space<hbm>>) target_semaphore(%arg16 : memref<!tpu.dma_semaphore, #tpu.memory_space<semaphore_mem>>)
    %dma_wait3A_290 = arith.constant 768 : i32
    %dma_wait3A_291 = arith.constant 0 : i32
    %dma_wait3A_292 = tpu.memref_slice %arg4[%add3A_247, %dma_wait3A_290, %dma_wait3A_291] : memref<256x1024x64xf32, #tpu.memory_space<hbm>> -> memref<1x128x64xf32, #tpu.memory_space<hbm>>
    %dma_wait3A_293 = tpu.memref_squeeze %dma_wait3A_292 : memref<1x128x64xf32, #tpu.memory_space<hbm>> -> memref<128x64xf32, #tpu.memory_space<hbm>>
    %dma_wait3A_294 = arith.constant 768 : i32
    %dma_wait3A_295 = arith.constant 0 : i32
    %dma_wait3A_296 = tpu.memref_slice %arg4[%add3A_247, %dma_wait3A_294, %dma_wait3A_295] : memref<256x1024x64xf32, #tpu.memory_space<hbm>> -> memref<1x128x64xf32, #tpu.memory_space<hbm>>
    %dma_wait3A_297 = tpu.memref_squeeze %dma_wait3A_296 : memref<1x128x64xf32, #tpu.memory_space<hbm>> -> memref<128x64xf32, #tpu.memory_space<hbm>>
    tpu.wait_dma2 semaphore(%arg15 : memref<!tpu.dma_semaphore, #tpu.memory_space<semaphore_mem>>) src(%arg7 : memref<128x64xf32, #tpu.memory_space<vmem>>) dst(%dma_wait3A_297 : memref<128x64xf32, #tpu.memory_space<hbm>>)
    %dma_start3A_298 = arith.constant 1 : i32
    %dma_start3A_299 = arith.constant 1 : i32
    %dma_start3A_300 = arith.constant 0 : i32
    %dma_start3A_301 = tpu.memref_slice %arg6[%dma_start3A_298, %dma_start3A_299, %dma_start3A_300] : memref<8x8x128xi32, #tpu.memory_space<vmem>> -> memref<1x1x128xi32, #tpu.memory_space<vmem>>
    %dma_start3A_302 = tpu.memref_squeeze %dma_start3A_301 : memref<1x1x128xi32, #tpu.memory_space<vmem>> -> memref<128xi32, #tpu.memory_space<vmem>>
    %dma_start3A_303 = arith.constant 0 : i32
    %dma_start3A_304 = arith.constant 0 : i32
    %dma_start3A_305 = tpu.memref_slice %arg10[%dma_start3A_303, %dma_start3A_304] : memref<21525x64xf32, #tpu.memory_space<vmem_shared>> -> memref<21525x64xf32, #tpu.memory_space<vmem_shared>>
    tpu.enqueue_indirect_dma source(%dma_start3A_305 : memref<21525x64xf32, #tpu.memory_space<vmem_shared>>) target(%arg7 : memref<128x64xf32, #tpu.memory_space<vmem>>) offsets(%dma_start3A_302 : memref<128xi32, #tpu.memory_space<vmem>>) semaphore(%arg12 : memref<!tpu.dma_semaphore, #tpu.memory_space<semaphore_mem>>)
    %dma_wait3A_306 = arith.constant 1 : i32
    %dma_wait3A_307 = arith.constant 0 : i32
    %dma_wait3A_308 = arith.constant 0 : i32
    %dma_wait3A_309 = tpu.memref_slice %arg6[%dma_wait3A_306, %dma_wait3A_307, %dma_wait3A_308] : memref<8x8x128xi32, #tpu.memory_space<vmem>> -> memref<1x1x128xi32, #tpu.memory_space<vmem>>
    %dma_wait3A_310 = tpu.memref_squeeze %dma_wait3A_309 : memref<1x1x128xi32, #tpu.memory_space<vmem>> -> memref<128xi32, #tpu.memory_space<vmem>>
    %dma_wait3A_311 = arith.constant 0 : i32
    %dma_wait3A_312 = arith.constant 0 : i32
    %dma_wait3A_313 = tpu.memref_slice %arg10[%dma_wait3A_311, %dma_wait3A_312] : memref<21525x64xf32, #tpu.memory_space<vmem_shared>> -> memref<21525x64xf32, #tpu.memory_space<vmem_shared>>
    tpu.wait_indirect_dma semaphore(%arg14 : memref<!tpu.dma_semaphore, #tpu.memory_space<semaphore_mem>>) src(%dma_wait3A_313 : memref<21525x64xf32, #tpu.memory_space<vmem_shared>>) dst(%arg9 : memref<128x64xf32, #tpu.memory_space<vmem>>)
    %add3A_314 = arith.constant 1 : i32
    %add3A_315 = arith.addi %mul3A_2, %add3A_314 : i32
    %dma_start3A_316 = arith.constant 0 : i32
    %dma_start3A_317 = arith.constant 0 : i32
    %dma_start3A_318 = tpu.memref_slice %arg4[%add3A_315, %dma_start3A_316, %dma_start3A_317] : memref<256x1024x64xf32, #tpu.memory_space<hbm>> -> memref<1x128x64xf32, #tpu.memory_space<hbm>>
    %dma_start3A_319 = tpu.memref_squeeze %dma_start3A_318 : memref<1x128x64xf32, #tpu.memory_space<hbm>> -> memref<128x64xf32, #tpu.memory_space<hbm>>
    %dma_start3A_320 = arith.constant 0 : i32
    %dma_start3A_321 = arith.constant 0 : i32
    %dma_start3A_322 = tpu.memref_slice %arg4[%add3A_315, %dma_start3A_320, %dma_start3A_321] : memref<256x1024x64xf32, #tpu.memory_space<hbm>> -> memref<1x128x64xf32, #tpu.memory_space<hbm>>
    %dma_start3A_323 = tpu.memref_squeeze %dma_start3A_322 : memref<1x128x64xf32, #tpu.memory_space<hbm>> -> memref<128x64xf32, #tpu.memory_space<hbm>>
    tpu.enqueue_dma source(%arg9 : memref<128x64xf32, #tpu.memory_space<vmem>>) target(%dma_start3A_323 : memref<128x64xf32, #tpu.memory_space<hbm>>) target_semaphore(%arg17 : memref<!tpu.dma_semaphore, #tpu.memory_space<semaphore_mem>>)
    %dma_wait3A_324 = arith.constant 896 : i32
    %dma_wait3A_325 = arith.constant 0 : i32
    %dma_wait3A_326 = tpu.memref_slice %arg4[%add3A_281, %dma_wait3A_324, %dma_wait3A_325] : memref<256x1024x64xf32, #tpu.memory_space<hbm>> -> memref<1x128x64xf32, #tpu.memory_space<hbm>>
    %dma_wait3A_327 = tpu.memref_squeeze %dma_wait3A_326 : memref<1x128x64xf32, #tpu.memory_space<hbm>> -> memref<128x64xf32, #tpu.memory_space<hbm>>
    %dma_wait3A_328 = arith.constant 896 : i32
    %dma_wait3A_329 = arith.constant 0 : i32
    %dma_wait3A_330 = tpu.memref_slice %arg4[%add3A_281, %dma_wait3A_328, %dma_wait3A_329] : memref<256x1024x64xf32, #tpu.memory_space<hbm>> -> memref<1x128x64xf32, #tpu.memory_space<hbm>>
    %dma_wait3A_331 = tpu.memref_squeeze %dma_wait3A_330 : memref<1x128x64xf32, #tpu.memory_space<hbm>> -> memref<128x64xf32, #tpu.memory_space<hbm>>
    tpu.wait_dma2 semaphore(%arg16 : memref<!tpu.dma_semaphore, #tpu.memory_space<semaphore_mem>>) src(%arg8 : memref<128x64xf32, #tpu.memory_space<vmem>>) dst(%dma_wait3A_331 : memref<128x64xf32, #tpu.memory_space<hbm>>)
    %dma_start3A_332 = arith.constant 1 : i32
    %dma_start3A_333 = arith.constant 2 : i32
    %dma_start3A_334 = arith.constant 0 : i32
    %dma_start3A_335 = tpu.memref_slice %arg6[%dma_start3A_332, %dma_start3A_333, %dma_start3A_334] : memref<8x8x128xi32, #tpu.memory_space<vmem>> -> memref<1x1x128xi32, #tpu.memory_space<vmem>>
    %dma_start3A_336 = tpu.memref_squeeze %dma_start3A_335 : memref<1x1x128xi32, #tpu.memory_space<vmem>> -> memref<128xi32, #tpu.memory_space<vmem>>
    %dma_start3A_337 = arith.constant 0 : i32
    %dma_start3A_338 = arith.constant 0 : i32
    %dma_start3A_339 = tpu.memref_slice %arg10[%dma_start3A_337, %dma_start3A_338] : memref<21525x64xf32, #tpu.memory_space<vmem_shared>> -> memref<21525x64xf32, #tpu.memory_space<vmem_shared>>
    tpu.enqueue_indirect_dma source(%dma_start3A_339 : memref<21525x64xf32, #tpu.memory_space<vmem_shared>>) target(%arg8 : memref<128x64xf32, #tpu.memory_space<vmem>>) offsets(%dma_start3A_336 : memref<128xi32, #tpu.memory_space<vmem>>) semaphore(%arg13 : memref<!tpu.dma_semaphore, #tpu.memory_space<semaphore_mem>>)
    %dma_wait3A_340 = arith.constant 1 : i32
    %dma_wait3A_341 = arith.constant 1 : i32
    %dma_wait3A_342 = arith.constant 0 : i32
    %dma_wait3A_343 = tpu.memref_slice %arg6[%dma_wait3A_340, %dma_wait3A_341, %dma_wait3A_342] : memref<8x8x128xi32, #tpu.memory_space<vmem>> -> memref<1x1x128xi32, #tpu.memory_space<vmem>>
    %dma_wait3A_344 = tpu.memref_squeeze %dma_wait3A_343 : memref<1x1x128xi32, #tpu.memory_space<vmem>> -> memref<128xi32, #tpu.memory_space<vmem>>
    %dma_wait3A_345 = arith.constant 0 : i32
    %dma_wait3A_346 = arith.constant 0 : i32
    %dma_wait3A_347 = tpu.memref_slice %arg10[%dma_wait3A_345, %dma_wait3A_346] : memref<21525x64xf32, #tpu.memory_space<vmem_shared>> -> memref<21525x64xf32, #tpu.memory_space<vmem_shared>>
    tpu.wait_indirect_dma semaphore(%arg12 : memref<!tpu.dma_semaphore, #tpu.memory_space<semaphore_mem>>) src(%dma_wait3A_347 : memref<21525x64xf32, #tpu.memory_space<vmem_shared>>) dst(%arg7 : memref<128x64xf32, #tpu.memory_space<vmem>>)
    %add3A_348 = arith.constant 1 : i32
    %add3A_349 = arith.addi %mul3A_2, %add3A_348 : i32
    %dma_start3A_350 = arith.constant 128 : i32
    %dma_start3A_351 = arith.constant 0 : i32
    %dma_start3A_352 = tpu.memref_slice %arg4[%add3A_349, %dma_start3A_350, %dma_start3A_351] : memref<256x1024x64xf32, #tpu.memory_space<hbm>> -> memref<1x128x64xf32, #tpu.memory_space<hbm>>
    %dma_start3A_353 = tpu.memref_squeeze %dma_start3A_352 : memref<1x128x64xf32, #tpu.memory_space<hbm>> -> memref<128x64xf32, #tpu.memory_space<hbm>>
    %dma_start3A_354 = arith.constant 128 : i32
    %dma_start3A_355 = arith.constant 0 : i32
    %dma_start3A_356 = tpu.memref_slice %arg4[%add3A_349, %dma_start3A_354, %dma_start3A_355] : memref<256x1024x64xf32, #tpu.memory_space<hbm>> -> memref<1x128x64xf32, #tpu.memory_space<hbm>>
    %dma_start3A_357 = tpu.memref_squeeze %dma_start3A_356 : memref<1x128x64xf32, #tpu.memory_space<hbm>> -> memref<128x64xf32, #tpu.memory_space<hbm>>
    tpu.enqueue_dma source(%arg7 : memref<128x64xf32, #tpu.memory_space<vmem>>) target(%dma_start3A_357 : memref<128x64xf32, #tpu.memory_space<hbm>>) target_semaphore(%arg15 : memref<!tpu.dma_semaphore, #tpu.memory_space<semaphore_mem>>)
    %dma_wait3A_358 = arith.constant 0 : i32
    %dma_wait3A_359 = arith.constant 0 : i32
    %dma_wait3A_360 = tpu.memref_slice %arg4[%add3A_315, %dma_wait3A_358, %dma_wait3A_359] : memref<256x1024x64xf32, #tpu.memory_space<hbm>> -> memref<1x128x64xf32, #tpu.memory_space<hbm>>
    %dma_wait3A_361 = tpu.memref_squeeze %dma_wait3A_360 : memref<1x128x64xf32, #tpu.memory_space<hbm>> -> memref<128x64xf32, #tpu.memory_space<hbm>>
    %dma_wait3A_362 = arith.constant 0 : i32
    %dma_wait3A_363 = arith.constant 0 : i32
    %dma_wait3A_364 = tpu.memref_slice %arg4[%add3A_315, %dma_wait3A_362, %dma_wait3A_363] : memref<256x1024x64xf32, #tpu.memory_space<hbm>> -> memref<1x128x64xf32, #tpu.memory_space<hbm>>
    %dma_wait3A_365 = tpu.memref_squeeze %dma_wait3A_364 : memref<1x128x64xf32, #tpu.memory_space<hbm>> -> memref<128x64xf32, #tpu.memory_space<hbm>>
    tpu.wait_dma2 semaphore(%arg17 : memref<!tpu.dma_semaphore, #tpu.memory_space<semaphore_mem>>) src(%arg9 : memref<128x64xf32, #tpu.memory_space<vmem>>) dst(%dma_wait3A_365 : memref<128x64xf32, #tpu.memory_space<hbm>>)
    %dma_start3A_366 = arith.constant 1 : i32
    %dma_start3A_367 = arith.constant 3 : i32
    %dma_start3A_368 = arith.constant 0 : i32
    %dma_start3A_369 = tpu.memref_slice %arg6[%dma_start3A_366, %dma_start3A_367, %dma_start3A_368] : memref<8x8x128xi32, #tpu.memory_space<vmem>> -> memref<1x1x128xi32, #tpu.memory_space<vmem>>
    %dma_start3A_370 = tpu.memref_squeeze %dma_start3A_369 : memref<1x1x128xi32, #tpu.memory_space<vmem>> -> memref<128xi32, #tpu.memory_space<vmem>>
    %dma_start3A_371 = arith.constant 0 : i32
    %dma_start3A_372 = arith.constant 0 : i32
    %dma_start3A_373 = tpu.memref_slice %arg10[%dma_start3A_371, %dma_start3A_372] : memref<21525x64xf32, #tpu.memory_space<vmem_shared>> -> memref<21525x64xf32, #tpu.memory_space<vmem_shared>>
    tpu.enqueue_indirect_dma source(%dma_start3A_373 : memref<21525x64xf32, #tpu.memory_space<vmem_shared>>) target(%arg9 : memref<128x64xf32, #tpu.memory_space<vmem>>) offsets(%dma_start3A_370 : memref<128xi32, #tpu.memory_space<vmem>>) semaphore(%arg14 : memref<!tpu.dma_semaphore, #tpu.memory_space<semaphore_mem>>)
    %dma_wait3A_374 = arith.constant 1 : i32
    %dma_wait3A_375 = arith.constant 2 : i32
    %dma_wait3A_376 = arith.constant 0 : i32
    %dma_wait3A_377 = tpu.memref_slice %arg6[%dma_wait3A_374, %dma_wait3A_375, %dma_wait3A_376] : memref<8x8x128xi32, #tpu.memory_space<vmem>> -> memref<1x1x128xi32, #tpu.memory_space<vmem>>
    %dma_wait3A_378 = tpu.memref_squeeze %dma_wait3A_377 : memref<1x1x128xi32, #tpu.memory_space<vmem>> -> memref<128xi32, #tpu.memory_space<vmem>>
    %dma_wait3A_379 = arith.constant 0 : i32
    %dma_wait3A_380 = arith.constant 0 : i32
    %dma_wait3A_381 = tpu.memref_slice %arg10[%dma_wait3A_379, %dma_wait3A_380] : memref<21525x64xf32, #tpu.memory_space<vmem_shared>> -> memref<21525x64xf32, #tpu.memory_space<vmem_shared>>
    tpu.wait_indirect_dma semaphore(%arg13 : memref<!tpu.dma_semaphore, #tpu.memory_space<semaphore_mem>>) src(%dma_wait3A_381 : memref<21525x64xf32, #tpu.memory_space<vmem_shared>>) dst(%arg8 : memref<128x64xf32, #tpu.memory_space<vmem>>)
    %add3A_382 = arith.constant 1 : i32
    %add3A_383 = arith.addi %mul3A_2, %add3A_382 : i32
    %dma_start3A_384 = arith.constant 256 : i32
    %dma_start3A_385 = arith.constant 0 : i32
    %dma_start3A_386 = tpu.memref_slice %arg4[%add3A_383, %dma_start3A_384, %dma_start3A_385] : memref<256x1024x64xf32, #tpu.memory_space<hbm>> -> memref<1x128x64xf32, #tpu.memory_space<hbm>>
    %dma_start3A_387 = tpu.memref_squeeze %dma_start3A_386 : memref<1x128x64xf32, #tpu.memory_space<hbm>> -> memref<128x64xf32, #tpu.memory_space<hbm>>
    %dma_start3A_388 = arith.constant 256 : i32
    %dma_start3A_389 = arith.constant 0 : i32
    %dma_start3A_390 = tpu.memref_slice %arg4[%add3A_383, %dma_start3A_388, %dma_start3A_389] : memref<256x1024x64xf32, #tpu.memory_space<hbm>> -> memref<1x128x64xf32, #tpu.memory_space<hbm>>
    %dma_start3A_391 = tpu.memref_squeeze %dma_start3A_390 : memref<1x128x64xf32, #tpu.memory_space<hbm>> -> memref<128x64xf32, #tpu.memory_space<hbm>>
    tpu.enqueue_dma source(%arg8 : memref<128x64xf32, #tpu.memory_space<vmem>>) target(%dma_start3A_391 : memref<128x64xf32, #tpu.memory_space<hbm>>) target_semaphore(%arg16 : memref<!tpu.dma_semaphore, #tpu.memory_space<semaphore_mem>>)
    %dma_wait3A_392 = arith.constant 128 : i32
    %dma_wait3A_393 = arith.constant 0 : i32
    %dma_wait3A_394 = tpu.memref_slice %arg4[%add3A_349, %dma_wait3A_392, %dma_wait3A_393] : memref<256x1024x64xf32, #tpu.memory_space<hbm>> -> memref<1x128x64xf32, #tpu.memory_space<hbm>>
    %dma_wait3A_395 = tpu.memref_squeeze %dma_wait3A_394 : memref<1x128x64xf32, #tpu.memory_space<hbm>> -> memref<128x64xf32, #tpu.memory_space<hbm>>
    %dma_wait3A_396 = arith.constant 128 : i32
    %dma_wait3A_397 = arith.constant 0 : i32
    %dma_wait3A_398 = tpu.memref_slice %arg4[%add3A_349, %dma_wait3A_396, %dma_wait3A_397] : memref<256x1024x64xf32, #tpu.memory_space<hbm>> -> memref<1x128x64xf32, #tpu.memory_space<hbm>>
    %dma_wait3A_399 = tpu.memref_squeeze %dma_wait3A_398 : memref<1x128x64xf32, #tpu.memory_space<hbm>> -> memref<128x64xf32, #tpu.memory_space<hbm>>
    tpu.wait_dma2 semaphore(%arg15 : memref<!tpu.dma_semaphore, #tpu.memory_space<semaphore_mem>>) src(%arg7 : memref<128x64xf32, #tpu.memory_space<vmem>>) dst(%dma_wait3A_399 : memref<128x64xf32, #tpu.memory_space<hbm>>)
    %dma_start3A_400 = arith.constant 1 : i32
    %dma_start3A_401 = arith.constant 4 : i32
    %dma_start3A_402 = arith.constant 0 : i32
    %dma_start3A_403 = tpu.memref_slice %arg6[%dma_start3A_400, %dma_start3A_401, %dma_start3A_402] : memref<8x8x128xi32, #tpu.memory_space<vmem>> -> memref<1x1x128xi32, #tpu.memory_space<vmem>>
    %dma_start3A_404 = tpu.memref_squeeze %dma_start3A_403 : memref<1x1x128xi32, #tpu.memory_space<vmem>> -> memref<128xi32, #tpu.memory_space<vmem>>
    %dma_start3A_405 = arith.constant 0 : i32
    %dma_start3A_406 = arith.constant 0 : i32
    %dma_start3A_407 = tpu.memref_slice %arg10[%dma_start3A_405, %dma_start3A_406] : memref<21525x64xf32, #tpu.memory_space<vmem_shared>> -> memref<21525x64xf32, #tpu.memory_space<vmem_shared>>
    tpu.enqueue_indirect_dma source(%dma_start3A_407 : memref<21525x64xf32, #tpu.memory_space<vmem_shared>>) target(%arg7 : memref<128x64xf32, #tpu.memory_space<vmem>>) offsets(%dma_start3A_404 : memref<128xi32, #tpu.memory_space<vmem>>) semaphore(%arg12 : memref<!tpu.dma_semaphore, #tpu.memory_space<semaphore_mem>>)
    %dma_wait3A_408 = arith.constant 1 : i32
    %dma_wait3A_409 = arith.constant 3 : i32
    %dma_wait3A_410 = arith.constant 0 : i32
    %dma_wait3A_411 = tpu.memref_slice %arg6[%dma_wait3A_408, %dma_wait3A_409, %dma_wait3A_410] : memref<8x8x128xi32, #tpu.memory_space<vmem>> -> memref<1x1x128xi32, #tpu.memory_space<vmem>>
    %dma_wait3A_412 = tpu.memref_squeeze %dma_wait3A_411 : memref<1x1x128xi32, #tpu.memory_space<vmem>> -> memref<128xi32, #tpu.memory_space<vmem>>
    %dma_wait3A_413 = arith.constant 0 : i32
    %dma_wait3A_414 = arith.constant 0 : i32
    %dma_wait3A_415 = tpu.memref_slice %arg10[%dma_wait3A_413, %dma_wait3A_414] : memref<21525x64xf32, #tpu.memory_space<vmem_shared>> -> memref<21525x64xf32, #tpu.memory_space<vmem_shared>>
    tpu.wait_indirect_dma semaphore(%arg14 : memref<!tpu.dma_semaphore, #tpu.memory_space<semaphore_mem>>) src(%dma_wait3A_415 : memref<21525x64xf32, #tpu.memory_space<vmem_shared>>) dst(%arg9 : memref<128x64xf32, #tpu.memory_space<vmem>>)
    %add3A_416 = arith.constant 1 : i32
    %add3A_417 = arith.addi %mul3A_2, %add3A_416 : i32
    %dma_start3A_418 = arith.constant 384 : i32
    %dma_start3A_419 = arith.constant 0 : i32
    %dma_start3A_420 = tpu.memref_slice %arg4[%add3A_417, %dma_start3A_418, %dma_start3A_419] : memref<256x1024x64xf32, #tpu.memory_space<hbm>> -> memref<1x128x64xf32, #tpu.memory_space<hbm>>
    %dma_start3A_421 = tpu.memref_squeeze %dma_start3A_420 : memref<1x128x64xf32, #tpu.memory_space<hbm>> -> memref<128x64xf32, #tpu.memory_space<hbm>>
    %dma_start3A_422 = arith.constant 384 : i32
    %dma_start3A_423 = arith.constant 0 : i32
    %dma_start3A_424 = tpu.memref_slice %arg4[%add3A_417, %dma_start3A_422, %dma_start3A_423] : memref<256x1024x64xf32, #tpu.memory_space<hbm>> -> memref<1x128x64xf32, #tpu.memory_space<hbm>>
    %dma_start3A_425 = tpu.memref_squeeze %dma_start3A_424 : memref<1x128x64xf32, #tpu.memory_space<hbm>> -> memref<128x64xf32, #tpu.memory_space<hbm>>
    tpu.enqueue_dma source(%arg9 : memref<128x64xf32, #tpu.memory_space<vmem>>) target(%dma_start3A_425 : memref<128x64xf32, #tpu.memory_space<hbm>>) target_semaphore(%arg17 : memref<!tpu.dma_semaphore, #tpu.memory_space<semaphore_mem>>)
    %dma_wait3A_426 = arith.constant 256 : i32
    %dma_wait3A_427 = arith.constant 0 : i32
    %dma_wait3A_428 = tpu.memref_slice %arg4[%add3A_383, %dma_wait3A_426, %dma_wait3A_427] : memref<256x1024x64xf32, #tpu.memory_space<hbm>> -> memref<1x128x64xf32, #tpu.memory_space<hbm>>
    %dma_wait3A_429 = tpu.memref_squeeze %dma_wait3A_428 : memref<1x128x64xf32, #tpu.memory_space<hbm>> -> memref<128x64xf32, #tpu.memory_space<hbm>>
    %dma_wait3A_430 = arith.constant 256 : i32
    %dma_wait3A_431 = arith.constant 0 : i32
    %dma_wait3A_432 = tpu.memref_slice %arg4[%add3A_383, %dma_wait3A_430, %dma_wait3A_431] : memref<256x1024x64xf32, #tpu.memory_space<hbm>> -> memref<1x128x64xf32, #tpu.memory_space<hbm>>
    %dma_wait3A_433 = tpu.memref_squeeze %dma_wait3A_432 : memref<1x128x64xf32, #tpu.memory_space<hbm>> -> memref<128x64xf32, #tpu.memory_space<hbm>>
    tpu.wait_dma2 semaphore(%arg16 : memref<!tpu.dma_semaphore, #tpu.memory_space<semaphore_mem>>) src(%arg8 : memref<128x64xf32, #tpu.memory_space<vmem>>) dst(%dma_wait3A_433 : memref<128x64xf32, #tpu.memory_space<hbm>>)
    %dma_start3A_434 = arith.constant 1 : i32
    %dma_start3A_435 = arith.constant 5 : i32
    %dma_start3A_436 = arith.constant 0 : i32
    %dma_start3A_437 = tpu.memref_slice %arg6[%dma_start3A_434, %dma_start3A_435, %dma_start3A_436] : memref<8x8x128xi32, #tpu.memory_space<vmem>> -> memref<1x1x128xi32, #tpu.memory_space<vmem>>
    %dma_start3A_438 = tpu.memref_squeeze %dma_start3A_437 : memref<1x1x128xi32, #tpu.memory_space<vmem>> -> memref<128xi32, #tpu.memory_space<vmem>>
    %dma_start3A_439 = arith.constant 0 : i32
    %dma_start3A_440 = arith.constant 0 : i32
    %dma_start3A_441 = tpu.memref_slice %arg10[%dma_start3A_439, %dma_start3A_440] : memref<21525x64xf32, #tpu.memory_space<vmem_shared>> -> memref<21525x64xf32, #tpu.memory_space<vmem_shared>>
    tpu.enqueue_indirect_dma source(%dma_start3A_441 : memref<21525x64xf32, #tpu.memory_space<vmem_shared>>) target(%arg8 : memref<128x64xf32, #tpu.memory_space<vmem>>) offsets(%dma_start3A_438 : memref<128xi32, #tpu.memory_space<vmem>>) semaphore(%arg13 : memref<!tpu.dma_semaphore, #tpu.memory_space<semaphore_mem>>)
    %dma_wait3A_442 = arith.constant 1 : i32
    %dma_wait3A_443 = arith.constant 4 : i32
    %dma_wait3A_444 = arith.constant 0 : i32
    %dma_wait3A_445 = tpu.memref_slice %arg6[%dma_wait3A_442, %dma_wait3A_443, %dma_wait3A_444] : memref<8x8x128xi32, #tpu.memory_space<vmem>> -> memref<1x1x128xi32, #tpu.memory_space<vmem>>
    %dma_wait3A_446 = tpu.memref_squeeze %dma_wait3A_445 : memref<1x1x128xi32, #tpu.memory_space<vmem>> -> memref<128xi32, #tpu.memory_space<vmem>>
    %dma_wait3A_447 = arith.constant 0 : i32
    %dma_wait3A_448 = arith.constant 0 : i32
    %dma_wait3A_449 = tpu.memref_slice %arg10[%dma_wait3A_447, %dma_wait3A_448] : memref<21525x64xf32, #tpu.memory_space<vmem_shared>> -> memref<21525x64xf32, #tpu.memory_space<vmem_shared>>
    tpu.wait_indirect_dma semaphore(%arg12 : memref<!tpu.dma_semaphore, #tpu.memory_space<semaphore_mem>>) src(%dma_wait3A_449 : memref<21525x64xf32, #tpu.memory_space<vmem_shared>>) dst(%arg7 : memref<128x64xf32, #tpu.memory_space<vmem>>)
    %add3A_450 = arith.constant 1 : i32
    %add3A_451 = arith.addi %mul3A_2, %add3A_450 : i32
    %dma_start3A_452 = arith.constant 512 : i32
    %dma_start3A_453 = arith.constant 0 : i32
    %dma_start3A_454 = tpu.memref_slice %arg4[%add3A_451, %dma_start3A_452, %dma_start3A_453] : memref<256x1024x64xf32, #tpu.memory_space<hbm>> -> memref<1x128x64xf32, #tpu.memory_space<hbm>>
    %dma_start3A_455 = tpu.memref_squeeze %dma_start3A_454 : memref<1x128x64xf32, #tpu.memory_space<hbm>> -> memref<128x64xf32, #tpu.memory_space<hbm>>
    %dma_start3A_456 = arith.constant 512 : i32
    %dma_start3A_457 = arith.constant 0 : i32
    %dma_start3A_458 = tpu.memref_slice %arg4[%add3A_451, %dma_start3A_456, %dma_start3A_457] : memref<256x1024x64xf32, #tpu.memory_space<hbm>> -> memref<1x128x64xf32, #tpu.memory_space<hbm>>
    %dma_start3A_459 = tpu.memref_squeeze %dma_start3A_458 : memref<1x128x64xf32, #tpu.memory_space<hbm>> -> memref<128x64xf32, #tpu.memory_space<hbm>>
    tpu.enqueue_dma source(%arg7 : memref<128x64xf32, #tpu.memory_space<vmem>>) target(%dma_start3A_459 : memref<128x64xf32, #tpu.memory_space<hbm>>) target_semaphore(%arg15 : memref<!tpu.dma_semaphore, #tpu.memory_space<semaphore_mem>>)
    %dma_wait3A_460 = arith.constant 384 : i32
    %dma_wait3A_461 = arith.constant 0 : i32
    %dma_wait3A_462 = tpu.memref_slice %arg4[%add3A_417, %dma_wait3A_460, %dma_wait3A_461] : memref<256x1024x64xf32, #tpu.memory_space<hbm>> -> memref<1x128x64xf32, #tpu.memory_space<hbm>>
    %dma_wait3A_463 = tpu.memref_squeeze %dma_wait3A_462 : memref<1x128x64xf32, #tpu.memory_space<hbm>> -> memref<128x64xf32, #tpu.memory_space<hbm>>
    %dma_wait3A_464 = arith.constant 384 : i32
    %dma_wait3A_465 = arith.constant 0 : i32
    %dma_wait3A_466 = tpu.memref_slice %arg4[%add3A_417, %dma_wait3A_464, %dma_wait3A_465] : memref<256x1024x64xf32, #tpu.memory_space<hbm>> -> memref<1x128x64xf32, #tpu.memory_space<hbm>>
    %dma_wait3A_467 = tpu.memref_squeeze %dma_wait3A_466 : memref<1x128x64xf32, #tpu.memory_space<hbm>> -> memref<128x64xf32, #tpu.memory_space<hbm>>
    tpu.wait_dma2 semaphore(%arg17 : memref<!tpu.dma_semaphore, #tpu.memory_space<semaphore_mem>>) src(%arg9 : memref<128x64xf32, #tpu.memory_space<vmem>>) dst(%dma_wait3A_467 : memref<128x64xf32, #tpu.memory_space<hbm>>)
    %dma_start3A_468 = arith.constant 1 : i32
    %dma_start3A_469 = arith.constant 6 : i32
    %dma_start3A_470 = arith.constant 0 : i32
    %dma_start3A_471 = tpu.memref_slice %arg6[%dma_start3A_468, %dma_start3A_469, %dma_start3A_470] : memref<8x8x128xi32, #tpu.memory_space<vmem>> -> memref<1x1x128xi32, #tpu.memory_space<vmem>>
    %dma_start3A_472 = tpu.memref_squeeze %dma_start3A_471 : memref<1x1x128xi32, #tpu.memory_space<vmem>> -> memref<128xi32, #tpu.memory_space<vmem>>
    %dma_start3A_473 = arith.constant 0 : i32
    %dma_start3A_474 = arith.constant 0 : i32
    %dma_start3A_475 = tpu.memref_slice %arg10[%dma_start3A_473, %dma_start3A_474] : memref<21525x64xf32, #tpu.memory_space<vmem_shared>> -> memref<21525x64xf32, #tpu.memory_space<vmem_shared>>
    tpu.enqueue_indirect_dma source(%dma_start3A_475 : memref<21525x64xf32, #tpu.memory_space<vmem_shared>>) target(%arg9 : memref<128x64xf32, #tpu.memory_space<vmem>>) offsets(%dma_start3A_472 : memref<128xi32, #tpu.memory_space<vmem>>) semaphore(%arg14 : memref<!tpu.dma_semaphore, #tpu.memory_space<semaphore_mem>>)
    %dma_wait3A_476 = arith.constant 1 : i32
    %dma_wait3A_477 = arith.constant 5 : i32
    %dma_wait3A_478 = arith.constant 0 : i32
    %dma_wait3A_479 = tpu.memref_slice %arg6[%dma_wait3A_476, %dma_wait3A_477, %dma_wait3A_478] : memref<8x8x128xi32, #tpu.memory_space<vmem>> -> memref<1x1x128xi32, #tpu.memory_space<vmem>>
    %dma_wait3A_480 = tpu.memref_squeeze %dma_wait3A_479 : memref<1x1x128xi32, #tpu.memory_space<vmem>> -> memref<128xi32, #tpu.memory_space<vmem>>
    %dma_wait3A_481 = arith.constant 0 : i32
    %dma_wait3A_482 = arith.constant 0 : i32
    %dma_wait3A_483 = tpu.memref_slice %arg10[%dma_wait3A_481, %dma_wait3A_482] : memref<21525x64xf32, #tpu.memory_space<vmem_shared>> -> memref<21525x64xf32, #tpu.memory_space<vmem_shared>>
    tpu.wait_indirect_dma semaphore(%arg13 : memref<!tpu.dma_semaphore, #tpu.memory_space<semaphore_mem>>) src(%dma_wait3A_483 : memref<21525x64xf32, #tpu.memory_space<vmem_shared>>) dst(%arg8 : memref<128x64xf32, #tpu.memory_space<vmem>>)
    %add3A_484 = arith.constant 1 : i32
    %add3A_485 = arith.addi %mul3A_2, %add3A_484 : i32
    %dma_start3A_486 = arith.constant 640 : i32
    %dma_start3A_487 = arith.constant 0 : i32
    %dma_start3A_488 = tpu.memref_slice %arg4[%add3A_485, %dma_start3A_486, %dma_start3A_487] : memref<256x1024x64xf32, #tpu.memory_space<hbm>> -> memref<1x128x64xf32, #tpu.memory_space<hbm>>
    %dma_start3A_489 = tpu.memref_squeeze %dma_start3A_488 : memref<1x128x64xf32, #tpu.memory_space<hbm>> -> memref<128x64xf32, #tpu.memory_space<hbm>>
    %dma_start3A_490 = arith.constant 640 : i32
    %dma_start3A_491 = arith.constant 0 : i32
    %dma_start3A_492 = tpu.memref_slice %arg4[%add3A_485, %dma_start3A_490, %dma_start3A_491] : memref<256x1024x64xf32, #tpu.memory_space<hbm>> -> memref<1x128x64xf32, #tpu.memory_space<hbm>>
    %dma_start3A_493 = tpu.memref_squeeze %dma_start3A_492 : memref<1x128x64xf32, #tpu.memory_space<hbm>> -> memref<128x64xf32, #tpu.memory_space<hbm>>
    tpu.enqueue_dma source(%arg8 : memref<128x64xf32, #tpu.memory_space<vmem>>) target(%dma_start3A_493 : memref<128x64xf32, #tpu.memory_space<hbm>>) target_semaphore(%arg16 : memref<!tpu.dma_semaphore, #tpu.memory_space<semaphore_mem>>)
    %dma_wait3A_494 = arith.constant 512 : i32
    %dma_wait3A_495 = arith.constant 0 : i32
    %dma_wait3A_496 = tpu.memref_slice %arg4[%add3A_451, %dma_wait3A_494, %dma_wait3A_495] : memref<256x1024x64xf32, #tpu.memory_space<hbm>> -> memref<1x128x64xf32, #tpu.memory_space<hbm>>
    %dma_wait3A_497 = tpu.memref_squeeze %dma_wait3A_496 : memref<1x128x64xf32, #tpu.memory_space<hbm>> -> memref<128x64xf32, #tpu.memory_space<hbm>>
    %dma_wait3A_498 = arith.constant 512 : i32
    %dma_wait3A_499 = arith.constant 0 : i32
    %dma_wait3A_500 = tpu.memref_slice %arg4[%add3A_451, %dma_wait3A_498, %dma_wait3A_499] : memref<256x1024x64xf32, #tpu.memory_space<hbm>> -> memref<1x128x64xf32, #tpu.memory_space<hbm>>
    %dma_wait3A_501 = tpu.memref_squeeze %dma_wait3A_500 : memref<1x128x64xf32, #tpu.memory_space<hbm>> -> memref<128x64xf32, #tpu.memory_space<hbm>>
    tpu.wait_dma2 semaphore(%arg15 : memref<!tpu.dma_semaphore, #tpu.memory_space<semaphore_mem>>) src(%arg7 : memref<128x64xf32, #tpu.memory_space<vmem>>) dst(%dma_wait3A_501 : memref<128x64xf32, #tpu.memory_space<hbm>>)
    %dma_start3A_502 = arith.constant 1 : i32
    %dma_start3A_503 = arith.constant 7 : i32
    %dma_start3A_504 = arith.constant 0 : i32
    %dma_start3A_505 = tpu.memref_slice %arg6[%dma_start3A_502, %dma_start3A_503, %dma_start3A_504] : memref<8x8x128xi32, #tpu.memory_space<vmem>> -> memref<1x1x128xi32, #tpu.memory_space<vmem>>
    %dma_start3A_506 = tpu.memref_squeeze %dma_start3A_505 : memref<1x1x128xi32, #tpu.memory_space<vmem>> -> memref<128xi32, #tpu.memory_space<vmem>>
    %dma_start3A_507 = arith.constant 0 : i32
    %dma_start3A_508 = arith.constant 0 : i32
    %dma_start3A_509 = tpu.memref_slice %arg10[%dma_start3A_507, %dma_start3A_508] : memref<21525x64xf32, #tpu.memory_space<vmem_shared>> -> memref<21525x64xf32, #tpu.memory_space<vmem_shared>>
    tpu.enqueue_indirect_dma source(%dma_start3A_509 : memref<21525x64xf32, #tpu.memory_space<vmem_shared>>) target(%arg7 : memref<128x64xf32, #tpu.memory_space<vmem>>) offsets(%dma_start3A_506 : memref<128xi32, #tpu.memory_space<vmem>>) semaphore(%arg12 : memref<!tpu.dma_semaphore, #tpu.memory_space<semaphore_mem>>)
    %scan3A_510 = arith.constant 0 : i32
    %scan3A_511 = arith.constant 0 : i32
    %scan3A_512 = arith.constant 64 : i32
    %scan3A_513 = arith.addi %scan3A_511, %scan3A_512 : i32
    %scan3A_514 = arith.constant 1 : i32
    %scan3A_515 = scf.for %scan3A_2236 = %scan3A_511 to %scan3A_513 step %scan3A_514 iter_args(%scan3A_2237 = %scan3A_510) -> (i32)  : i32 {
      %mul3A_2238 = arith.constant 16 : i32
      %mul3A_2239 = arith.muli %scan3A_2236, %mul3A_2238 : i32
      %get3A = arith.constant 2 : i32
      %get3A_2240 = arith.index_cast %get3A : i32 to index
      %get3A_2241 = arith.index_cast %mul3A_2239 : i32 to index
      %get3A_2242 = tpu.vector_load %arg5[%get3A_2240, %get3A_2241] {strides = array<i32>} : memref<8x1024xi32, #tpu.memory_space<vmem>>, vector<16xi32>,
      %min3A = arith.constant 1 : i32
      %min3A_2243 = vector.broadcast %min3A : i32 to vector<16xi32>
      %min3A_2244 = arith.minsi %get3A_2242, %min3A_2243 : vector<16xi32>
      %broadcast_in_dim3A = arith.constant true
      %broadcast_in_dim3A_2245 = vector.broadcast %broadcast_in_dim3A : i1 to vector<16xi1>
      %masked_cumsum3A = tpu.scan <sum>, %min3A_2244 masked %broadcast_in_dim3A_2245 : vector<16xi32>, vector<16xi1> -> vector<16xi32>
      %mul3A_2246 = arith.constant 1025 : i32
      %mul3A_2247 = vector.broadcast %mul3A_2246 : i32 to vector<16xi32>
      %mul3A_2248 = arith.muli %get3A_2242, %mul3A_2247 : vector<16xi32>
      %add3A_2249 = vector.broadcast %scan3A_2237 : i32 to vector<16xi32>
      %add3A_2250 = arith.addi %masked_cumsum3A, %add3A_2249 : vector<16xi32>
      %mul3A_2251 = arith.muli %add3A_2250, %min3A_2244 : vector<16xi32>
      %add3A_2252 = arith.addi %mul3A_2248, %mul3A_2251 : vector<16xi32>
      %jit3A = arith.constant 8 : i32
      %div3A = arith.divsi %scan3A_2236, %jit3A : i32
      %sign3A = arith.constant 0 : i32
      %sign3A_2253 = arith.cmpi sgt, %scan3A_2236, %sign3A : i32
      %sign3A_2254 = arith.extui %sign3A_2253 : i1 to i32
      %sign3A_2255 = arith.constant 0 : i32
      %sign3A_2256 = arith.cmpi slt, %scan3A_2236, %sign3A_2255 : i32
      %sign3A_2257 = arith.extui %sign3A_2256 : i1 to i32
      %sign3A_2258 = arith.subi %sign3A_2254, %sign3A_2257 : i32
      %sign3A_2259 = arith.constant 0 : i32
      %sign3A_2260 = arith.cmpi sgt, %jit3A, %sign3A_2259 : i32
      %sign3A_2261 = arith.extui %sign3A_2260 : i1 to i32
      %sign3A_2262 = arith.constant 0 : i32
      %sign3A_2263 = arith.cmpi slt, %jit3A, %sign3A_2262 : i32
      %sign3A_2264 = arith.extui %sign3A_2263 : i1 to i32
      %sign3A_2265 = arith.subi %sign3A_2261, %sign3A_2264 : i32
      %ne3A = arith.cmpi ne, %sign3A_2258, %sign3A_2265 : i32
      %rem3A = arith.remsi %scan3A_2236, %jit3A : i32
      %ne3A_2266 = arith.constant 0 : i32
      %ne3A_2267 = arith.cmpi ne, %rem3A, %ne3A_2266 : i32
      %and3A = arith.andi %ne3A, %ne3A_2267 : i1
      %sub3A = arith.constant 1 : i32
      %sub3A_2268 = arith.subi %div3A, %sub3A : i32
      %select_n3A = arith.select %and3A, %sub3A_2268, %div3A : i32
      %jit3A_2269 = arith.constant 8 : i32
      %eq3A_2270 = arith.constant 0 : i32
      %eq3A_2271 = arith.cmpi eq, %jit3A_2269, %eq3A_2270 : i32
      %jit3A_2272 = arith.constant 1 : i32
      %select_n3A_2273 = arith.select %eq3A_2271, %jit3A_2272, %jit3A_2269 : i32
      %rem3A_2274 = arith.remsi %scan3A_2236, %select_n3A_2273 : i32
      %ne3A_2275 = arith.constant 0 : i32
      %ne3A_2276 = arith.cmpi ne, %rem3A_2274, %ne3A_2275 : i32
      %lt3A = arith.constant 0 : i32
      %lt3A_2277 = arith.cmpi slt, %rem3A_2274, %lt3A : i32
      %lt3A_2278 = arith.constant 0 : i32
      %lt3A_2279 = arith.cmpi slt, %select_n3A_2273, %lt3A_2278 : i32
      %ne3A_2280 = arith.xori %lt3A_2277, %lt3A_2279 : i1
      %and3A_2281 = arith.andi %ne3A_2280, %ne3A_2276 : i1
      %add3A_2282 = arith.addi %rem3A_2274, %select_n3A_2273 : i32
      %select_n3A_2283 = arith.select %and3A_2281, %add3A_2282, %rem3A_2274 : i32
      %mul3A_2284 = arith.constant 16 : i32
      %mul3A_2285 = arith.muli %select_n3A_2283, %mul3A_2284 : i32
      %swap3A = arith.constant 2 : i32
      %swap3A_2286 = arith.index_cast %swap3A : i32 to index
      %swap3A_2287 = arith.index_cast %select_n3A : i32 to index
      %swap3A_2288 = arith.index_cast %mul3A_2285 : i32 to index
      %swap3A_2289 = tpu.vector_load %arg6[%swap3A_2286, %swap3A_2287, %swap3A_2288] {strides = array<i32>} : memref<8x8x128xi32, #tpu.memory_space<vmem>>, vector<16xi32>,
      tpu.vector_store %arg6[%swap3A_2286, %swap3A_2287, %swap3A_2288], %add3A_2252 {strides = array<i32>} : memref<8x8x128xi32, #tpu.memory_space<vmem>>, vector<16xi32>,
      %reduce_sum3A = arith.constant true
      %reduce_sum3A_2290 = vector.broadcast %reduce_sum3A : i1 to vector<16xi1>
      %reduce_sum3A_2291 = tpu.scan <sum>, %min3A_2244 masked %reduce_sum3A_2290 : vector<16xi32>, vector<16xi1> -> vector<16xi32>
      %reduce_sum3A_2292 = vector.extract %reduce_sum3A_2291[15] : i32 from vector<16xi32>
      %add3A_2293 = arith.addi %scan3A_2237, %reduce_sum3A_2292 : i32
      scf.yield %add3A_2293 : i32
    }
    %scan3A_516 = arith.constant 64 : i32
    %dma_wait3A_517 = arith.constant 1 : i32
    %dma_wait3A_518 = arith.constant 6 : i32
    %dma_wait3A_519 = arith.constant 0 : i32
    %dma_wait3A_520 = tpu.memref_slice %arg6[%dma_wait3A_517, %dma_wait3A_518, %dma_wait3A_519] : memref<8x8x128xi32, #tpu.memory_space<vmem>> -> memref<1x1x128xi32, #tpu.memory_space<vmem>>
    %dma_wait3A_521 = tpu.memref_squeeze %dma_wait3A_520 : memref<1x1x128xi32, #tpu.memory_space<vmem>> -> memref<128xi32, #tpu.memory_space<vmem>>
    %dma_wait3A_522 = arith.constant 0 : i32
    %dma_wait3A_523 = arith.constant 0 : i32
    %dma_wait3A_524 = tpu.memref_slice %arg10[%dma_wait3A_522, %dma_wait3A_523] : memref<21525x64xf32, #tpu.memory_space<vmem_shared>> -> memref<21525x64xf32, #tpu.memory_space<vmem_shared>>
    tpu.wait_indirect_dma semaphore(%arg14 : memref<!tpu.dma_semaphore, #tpu.memory_space<semaphore_mem>>) src(%dma_wait3A_524 : memref<21525x64xf32, #tpu.memory_space<vmem_shared>>) dst(%arg9 : memref<128x64xf32, #tpu.memory_space<vmem>>)
    %add3A_525 = arith.constant 1 : i32
    %add3A_526 = arith.addi %mul3A_2, %add3A_525 : i32
    %dma_start3A_527 = arith.constant 768 : i32
    %dma_start3A_528 = arith.constant 0 : i32
    %dma_start3A_529 = tpu.memref_slice %arg4[%add3A_526, %dma_start3A_527, %dma_start3A_528] : memref<256x1024x64xf32, #tpu.memory_space<hbm>> -> memref<1x128x64xf32, #tpu.memory_space<hbm>>
    %dma_start3A_530 = tpu.memref_squeeze %dma_start3A_529 : memref<1x128x64xf32, #tpu.memory_space<hbm>> -> memref<128x64xf32, #tpu.memory_space<hbm>>
    %dma_start3A_531 = arith.constant 768 : i32
    %dma_start3A_532 = arith.constant 0 : i32
    %dma_start3A_533 = tpu.memref_slice %arg4[%add3A_526, %dma_start3A_531, %dma_start3A_532] : memref<256x1024x64xf32, #tpu.memory_space<hbm>> -> memref<1x128x64xf32, #tpu.memory_space<hbm>>
    %dma_start3A_534 = tpu.memref_squeeze %dma_start3A_533 : memref<1x128x64xf32, #tpu.memory_space<hbm>> -> memref<128x64xf32, #tpu.memory_space<hbm>>
    tpu.enqueue_dma source(%arg9 : memref<128x64xf32, #tpu.memory_space<vmem>>) target(%dma_start3A_534 : memref<128x64xf32, #tpu.memory_space<hbm>>) target_semaphore(%arg17 : memref<!tpu.dma_semaphore, #tpu.memory_space<semaphore_mem>>)
    %dma_wait3A_535 = arith.constant 640 : i32
    %dma_wait3A_536 = arith.constant 0 : i32
    %dma_wait3A_537 = tpu.memref_slice %arg4[%add3A_485, %dma_wait3A_535, %dma_wait3A_536] : memref<256x1024x64xf32, #tpu.memory_space<hbm>> -> memref<1x128x64xf32, #tpu.memory_space<hbm>>
    %dma_wait3A_538 = tpu.memref_squeeze %dma_wait3A_537 : memref<1x128x64xf32, #tpu.memory_space<hbm>> -> memref<128x64xf32, #tpu.memory_space<hbm>>
    %dma_wait3A_539 = arith.constant 640 : i32
    %dma_wait3A_540 = arith.constant 0 : i32
    %dma_wait3A_541 = tpu.memref_slice %arg4[%add3A_485, %dma_wait3A_539, %dma_wait3A_540] : memref<256x1024x64xf32, #tpu.memory_space<hbm>> -> memref<1x128x64xf32, #tpu.memory_space<hbm>>
    %dma_wait3A_542 = tpu.memref_squeeze %dma_wait3A_541 : memref<1x128x64xf32, #tpu.memory_space<hbm>> -> memref<128x64xf32, #tpu.memory_space<hbm>>
    tpu.wait_dma2 semaphore(%arg16 : memref<!tpu.dma_semaphore, #tpu.memory_space<semaphore_mem>>) src(%arg8 : memref<128x64xf32, #tpu.memory_space<vmem>>) dst(%dma_wait3A_542 : memref<128x64xf32, #tpu.memory_space<hbm>>)
    %dma_start3A_543 = arith.constant 2 : i32
    %dma_start3A_544 = arith.constant 0 : i32
    %dma_start3A_545 = arith.constant 0 : i32
    %dma_start3A_546 = tpu.memref_slice %arg6[%dma_start3A_543, %dma_start3A_544, %dma_start3A_545] : memref<8x8x128xi32, #tpu.memory_space<vmem>> -> memref<1x1x128xi32, #tpu.memory_space<vmem>>
    %dma_start3A_547 = tpu.memref_squeeze %dma_start3A_546 : memref<1x1x128xi32, #tpu.memory_space<vmem>> -> memref<128xi32, #tpu.memory_space<vmem>>
    %dma_start3A_548 = arith.constant 0 : i32
    %dma_start3A_549 = arith.constant 0 : i32
    %dma_start3A_550 = tpu.memref_slice %arg10[%dma_start3A_548, %dma_start3A_549] : memref<21525x64xf32, #tpu.memory_space<vmem_shared>> -> memref<21525x64xf32, #tpu.memory_space<vmem_shared>>
    tpu.enqueue_indirect_dma source(%dma_start3A_550 : memref<21525x64xf32, #tpu.memory_space<vmem_shared>>) target(%arg8 : memref<128x64xf32, #tpu.memory_space<vmem>>) offsets(%dma_start3A_547 : memref<128xi32, #tpu.memory_space<vmem>>) semaphore(%arg13 : memref<!tpu.dma_semaphore, #tpu.memory_space<semaphore_mem>>)
    %dma_wait3A_551 = arith.constant 1 : i32
    %dma_wait3A_552 = arith.constant 7 : i32
    %dma_wait3A_553 = arith.constant 0 : i32
    %dma_wait3A_554 = tpu.memref_slice %arg6[%dma_wait3A_551, %dma_wait3A_552, %dma_wait3A_553] : memref<8x8x128xi32, #tpu.memory_space<vmem>> -> memref<1x1x128xi32, #tpu.memory_space<vmem>>
    %dma_wait3A_555 = tpu.memref_squeeze %dma_wait3A_554 : memref<1x1x128xi32, #tpu.memory_space<vmem>> -> memref<128xi32, #tpu.memory_space<vmem>>
    %dma_wait3A_556 = arith.constant 0 : i32
    %dma_wait3A_557 = arith.constant 0 : i32
    %dma_wait3A_558 = tpu.memref_slice %arg10[%dma_wait3A_556, %dma_wait3A_557] : memref<21525x64xf32, #tpu.memory_space<vmem_shared>> -> memref<21525x64xf32, #tpu.memory_space<vmem_shared>>
    tpu.wait_indirect_dma semaphore(%arg12 : memref<!tpu.dma_semaphore, #tpu.memory_space<semaphore_mem>>) src(%dma_wait3A_558 : memref<21525x64xf32, #tpu.memory_space<vmem_shared>>) dst(%arg7 : memref<128x64xf32, #tpu.memory_space<vmem>>)
    %add3A_559 = arith.constant 1 : i32
    %add3A_560 = arith.addi %mul3A_2, %add3A_559 : i32
    %dma_start3A_561 = arith.constant 896 : i32
    %dma_start3A_562 = arith.constant 0 : i32
    %dma_start3A_563 = tpu.memref_slice %arg4[%add3A_560, %dma_start3A_561, %dma_start3A_562] : memref<256x1024x64xf32, #tpu.memory_space<hbm>> -> memref<1x128x64xf32, #tpu.memory_space<hbm>>
    %dma_start3A_564 = tpu.memref_squeeze %dma_start3A_563 : memref<1x128x64xf32, #tpu.memory_space<hbm>> -> memref<128x64xf32, #tpu.memory_space<hbm>>
    %dma_start3A_565 = arith.constant 896 : i32
    %dma_start3A_566 = arith.constant 0 : i32
    %dma_start3A_567 = tpu.memref_slice %arg4[%add3A_560, %dma_start3A_565, %dma_start3A_566] : memref<256x1024x64xf32, #tpu.memory_space<hbm>> -> memref<1x128x64xf32, #tpu.memory_space<hbm>>
    %dma_start3A_568 = tpu.memref_squeeze %dma_start3A_567 : memref<1x128x64xf32, #tpu.memory_space<hbm>> -> memref<128x64xf32, #tpu.memory_space<hbm>>
    tpu.enqueue_dma source(%arg7 : memref<128x64xf32, #tpu.memory_space<vmem>>) target(%dma_start3A_568 : memref<128x64xf32, #tpu.memory_space<hbm>>) target_semaphore(%arg15 : memref<!tpu.dma_semaphore, #tpu.memory_space<semaphore_mem>>)
    %dma_wait3A_569 = arith.constant 768 : i32
    %dma_wait3A_570 = arith.constant 0 : i32
    %dma_wait3A_571 = tpu.memref_slice %arg4[%add3A_526, %dma_wait3A_569, %dma_wait3A_570] : memref<256x1024x64xf32, #tpu.memory_space<hbm>> -> memref<1x128x64xf32, #tpu.memory_space<hbm>>
    %dma_wait3A_572 = tpu.memref_squeeze %dma_wait3A_571 : memref<1x128x64xf32, #tpu.memory_space<hbm>> -> memref<128x64xf32, #tpu.memory_space<hbm>>
    %dma_wait3A_573 = arith.constant 768 : i32
    %dma_wait3A_574 = arith.constant 0 : i32
    %dma_wait3A_575 = tpu.memref_slice %arg4[%add3A_526, %dma_wait3A_573, %dma_wait3A_574] : memref<256x1024x64xf32, #tpu.memory_space<hbm>> -> memref<1x128x64xf32, #tpu.memory_space<hbm>>
    %dma_wait3A_576 = tpu.memref_squeeze %dma_wait3A_575 : memref<1x128x64xf32, #tpu.memory_space<hbm>> -> memref<128x64xf32, #tpu.memory_space<hbm>>
    tpu.wait_dma2 semaphore(%arg17 : memref<!tpu.dma_semaphore, #tpu.memory_space<semaphore_mem>>) src(%arg9 : memref<128x64xf32, #tpu.memory_space<vmem>>) dst(%dma_wait3A_576 : memref<128x64xf32, #tpu.memory_space<hbm>>)
    %dma_start3A_577 = arith.constant 2 : i32
    %dma_start3A_578 = arith.constant 1 : i32
    %dma_start3A_579 = arith.constant 0 : i32
    %dma_start3A_580 = tpu.memref_slice %arg6[%dma_start3A_577, %dma_start3A_578, %dma_start3A_579] : memref<8x8x128xi32, #tpu.memory_space<vmem>> -> memref<1x1x128xi32, #tpu.memory_space<vmem>>
    %dma_start3A_581 = tpu.memref_squeeze %dma_start3A_580 : memref<1x1x128xi32, #tpu.memory_space<vmem>> -> memref<128xi32, #tpu.memory_space<vmem>>
    %dma_start3A_582 = arith.constant 0 : i32
    %dma_start3A_583 = arith.constant 0 : i32
    %dma_start3A_584 = tpu.memref_slice %arg10[%dma_start3A_582, %dma_start3A_583] : memref<21525x64xf32, #tpu.memory_space<vmem_shared>> -> memref<21525x64xf32, #tpu.memory_space<vmem_shared>>
    tpu.enqueue_indirect_dma source(%dma_start3A_584 : memref<21525x64xf32, #tpu.memory_space<vmem_shared>>) target(%arg9 : memref<128x64xf32, #tpu.memory_space<vmem>>) offsets(%dma_start3A_581 : memref<128xi32, #tpu.memory_space<vmem>>) semaphore(%arg14 : memref<!tpu.dma_semaphore, #tpu.memory_space<semaphore_mem>>)
    %dma_wait3A_585 = arith.constant 2 : i32
    %dma_wait3A_586 = arith.constant 0 : i32
    %dma_wait3A_587 = arith.constant 0 : i32
    %dma_wait3A_588 = tpu.memref_slice %arg6[%dma_wait3A_585, %dma_wait3A_586, %dma_wait3A_587] : memref<8x8x128xi32, #tpu.memory_space<vmem>> -> memref<1x1x128xi32, #tpu.memory_space<vmem>>
    %dma_wait3A_589 = tpu.memref_squeeze %dma_wait3A_588 : memref<1x1x128xi32, #tpu.memory_space<vmem>> -> memref<128xi32, #tpu.memory_space<vmem>>
    %dma_wait3A_590 = arith.constant 0 : i32
    %dma_wait3A_591 = arith.constant 0 : i32
    %dma_wait3A_592 = tpu.memref_slice %arg10[%dma_wait3A_590, %dma_wait3A_591] : memref<21525x64xf32, #tpu.memory_space<vmem_shared>> -> memref<21525x64xf32, #tpu.memory_space<vmem_shared>>
    tpu.wait_indirect_dma semaphore(%arg13 : memref<!tpu.dma_semaphore, #tpu.memory_space<semaphore_mem>>) src(%dma_wait3A_592 : memref<21525x64xf32, #tpu.memory_space<vmem_shared>>) dst(%arg8 : memref<128x64xf32, #tpu.memory_space<vmem>>)
    %add3A_593 = arith.constant 2 : i32
    %add3A_594 = arith.addi %mul3A_2, %add3A_593 : i32
    %dma_start3A_595 = arith.constant 0 : i32
    %dma_start3A_596 = arith.constant 0 : i32
    %dma_start3A_597 = tpu.memref_slice %arg4[%add3A_594, %dma_start3A_595, %dma_start3A_596] : memref<256x1024x64xf32, #tpu.memory_space<hbm>> -> memref<1x128x64xf32, #tpu.memory_space<hbm>>
    %dma_start3A_598 = tpu.memref_squeeze %dma_start3A_597 : memref<1x128x64xf32, #tpu.memory_space<hbm>> -> memref<128x64xf32, #tpu.memory_space<hbm>>
    %dma_start3A_599 = arith.constant 0 : i32
    %dma_start3A_600 = arith.constant 0 : i32
    %dma_start3A_601 = tpu.memref_slice %arg4[%add3A_594, %dma_start3A_599, %dma_start3A_600] : memref<256x1024x64xf32, #tpu.memory_space<hbm>> -> memref<1x128x64xf32, #tpu.memory_space<hbm>>
    %dma_start3A_602 = tpu.memref_squeeze %dma_start3A_601 : memref<1x128x64xf32, #tpu.memory_space<hbm>> -> memref<128x64xf32, #tpu.memory_space<hbm>>
    tpu.enqueue_dma source(%arg8 : memref<128x64xf32, #tpu.memory_space<vmem>>) target(%dma_start3A_602 : memref<128x64xf32, #tpu.memory_space<hbm>>) target_semaphore(%arg16 : memref<!tpu.dma_semaphore, #tpu.memory_space<semaphore_mem>>)
    %dma_wait3A_603 = arith.constant 896 : i32
    %dma_wait3A_604 = arith.constant 0 : i32
    %dma_wait3A_605 = tpu.memref_slice %arg4[%add3A_560, %dma_wait3A_603, %dma_wait3A_604] : memref<256x1024x64xf32, #tpu.memory_space<hbm>> -> memref<1x128x64xf32, #tpu.memory_space<hbm>>
    %dma_wait3A_606 = tpu.memref_squeeze %dma_wait3A_605 : memref<1x128x64xf32, #tpu.memory_space<hbm>> -> memref<128x64xf32, #tpu.memory_space<hbm>>
    %dma_wait3A_607 = arith.constant 896 : i32
    %dma_wait3A_608 = arith.constant 0 : i32
    %dma_wait3A_609 = tpu.memref_slice %arg4[%add3A_560, %dma_wait3A_607, %dma_wait3A_608] : memref<256x1024x64xf32, #tpu.memory_space<hbm>> -> memref<1x128x64xf32, #tpu.memory_space<hbm>>
    %dma_wait3A_610 = tpu.memref_squeeze %dma_wait3A_609 : memref<1x128x64xf32, #tpu.memory_space<hbm>> -> memref<128x64xf32, #tpu.memory_space<hbm>>
    tpu.wait_dma2 semaphore(%arg15 : memref<!tpu.dma_semaphore, #tpu.memory_space<semaphore_mem>>) src(%arg7 : memref<128x64xf32, #tpu.memory_space<vmem>>) dst(%dma_wait3A_610 : memref<128x64xf32, #tpu.memory_space<hbm>>)
    %dma_start3A_611 = arith.constant 2 : i32
    %dma_start3A_612 = arith.constant 2 : i32
    %dma_start3A_613 = arith.constant 0 : i32
    %dma_start3A_614 = tpu.memref_slice %arg6[%dma_start3A_611, %dma_start3A_612, %dma_start3A_613] : memref<8x8x128xi32, #tpu.memory_space<vmem>> -> memref<1x1x128xi32, #tpu.memory_space<vmem>>
    %dma_start3A_615 = tpu.memref_squeeze %dma_start3A_614 : memref<1x1x128xi32, #tpu.memory_space<vmem>> -> memref<128xi32, #tpu.memory_space<vmem>>
    %dma_start3A_616 = arith.constant 0 : i32
    %dma_start3A_617 = arith.constant 0 : i32
    %dma_start3A_618 = tpu.memref_slice %arg10[%dma_start3A_616, %dma_start3A_617] : memref<21525x64xf32, #tpu.memory_space<vmem_shared>> -> memref<21525x64xf32, #tpu.memory_space<vmem_shared>>
    tpu.enqueue_indirect_dma source(%dma_start3A_618 : memref<21525x64xf32, #tpu.memory_space<vmem_shared>>) target(%arg7 : memref<128x64xf32, #tpu.memory_space<vmem>>) offsets(%dma_start3A_615 : memref<128xi32, #tpu.memory_space<vmem>>) semaphore(%arg12 : memref<!tpu.dma_semaphore, #tpu.memory_space<semaphore_mem>>)
    %dma_wait3A_619 = arith.constant 2 : i32
    %dma_wait3A_620 = arith.constant 1 : i32
    %dma_wait3A_621 = arith.constant 0 : i32
    %dma_wait3A_622 = tpu.memref_slice %arg6[%dma_wait3A_619, %dma_wait3A_620, %dma_wait3A_621] : memref<8x8x128xi32, #tpu.memory_space<vmem>> -> memref<1x1x128xi32, #tpu.memory_space<vmem>>
    %dma_wait3A_623 = tpu.memref_squeeze %dma_wait3A_622 : memref<1x1x128xi32, #tpu.memory_space<vmem>> -> memref<128xi32, #tpu.memory_space<vmem>>
    %dma_wait3A_624 = arith.constant 0 : i32
    %dma_wait3A_625 = arith.constant 0 : i32
    %dma_wait3A_626 = tpu.memref_slice %arg10[%dma_wait3A_624, %dma_wait3A_625] : memref<21525x64xf32, #tpu.memory_space<vmem_shared>> -> memref<21525x64xf32, #tpu.memory_space<vmem_shared>>
    tpu.wait_indirect_dma semaphore(%arg14 : memref<!tpu.dma_semaphore, #tpu.memory_space<semaphore_mem>>) src(%dma_wait3A_626 : memref<21525x64xf32, #tpu.memory_space<vmem_shared>>) dst(%arg9 : memref<128x64xf32, #tpu.memory_space<vmem>>)
    %add3A_627 = arith.constant 2 : i32
    %add3A_628 = arith.addi %mul3A_2, %add3A_627 : i32
    %dma_start3A_629 = arith.constant 128 : i32
    %dma_start3A_630 = arith.constant 0 : i32
    %dma_start3A_631 = tpu.memref_slice %arg4[%add3A_628, %dma_start3A_629, %dma_start3A_630] : memref<256x1024x64xf32, #tpu.memory_space<hbm>> -> memref<1x128x64xf32, #tpu.memory_space<hbm>>
    %dma_start3A_632 = tpu.memref_squeeze %dma_start3A_631 : memref<1x128x64xf32, #tpu.memory_space<hbm>> -> memref<128x64xf32, #tpu.memory_space<hbm>>
    %dma_start3A_633 = arith.constant 128 : i32
    %dma_start3A_634 = arith.constant 0 : i32
    %dma_start3A_635 = tpu.memref_slice %arg4[%add3A_628, %dma_start3A_633, %dma_start3A_634] : memref<256x1024x64xf32, #tpu.memory_space<hbm>> -> memref<1x128x64xf32, #tpu.memory_space<hbm>>
    %dma_start3A_636 = tpu.memref_squeeze %dma_start3A_635 : memref<1x128x64xf32, #tpu.memory_space<hbm>> -> memref<128x64xf32, #tpu.memory_space<hbm>>
    tpu.enqueue_dma source(%arg9 : memref<128x64xf32, #tpu.memory_space<vmem>>) target(%dma_start3A_636 : memref<128x64xf32, #tpu.memory_space<hbm>>) target_semaphore(%arg17 : memref<!tpu.dma_semaphore, #tpu.memory_space<semaphore_mem>>)
    %dma_wait3A_637 = arith.constant 0 : i32
    %dma_wait3A_638 = arith.constant 0 : i32
    %dma_wait3A_639 = tpu.memref_slice %arg4[%add3A_594, %dma_wait3A_637, %dma_wait3A_638] : memref<256x1024x64xf32, #tpu.memory_space<hbm>> -> memref<1x128x64xf32, #tpu.memory_space<hbm>>
    %dma_wait3A_640 = tpu.memref_squeeze %dma_wait3A_639 : memref<1x128x64xf32, #tpu.memory_space<hbm>> -> memref<128x64xf32, #tpu.memory_space<hbm>>
    %dma_wait3A_641 = arith.constant 0 : i32
    %dma_wait3A_642 = arith.constant 0 : i32
    %dma_wait3A_643 = tpu.memref_slice %arg4[%add3A_594, %dma_wait3A_641, %dma_wait3A_642] : memref<256x1024x64xf32, #tpu.memory_space<hbm>> -> memref<1x128x64xf32, #tpu.memory_space<hbm>>
    %dma_wait3A_644 = tpu.memref_squeeze %dma_wait3A_643 : memref<1x128x64xf32, #tpu.memory_space<hbm>> -> memref<128x64xf32, #tpu.memory_space<hbm>>
    tpu.wait_dma2 semaphore(%arg16 : memref<!tpu.dma_semaphore, #tpu.memory_space<semaphore_mem>>) src(%arg8 : memref<128x64xf32, #tpu.memory_space<vmem>>) dst(%dma_wait3A_644 : memref<128x64xf32, #tpu.memory_space<hbm>>)
    %dma_start3A_645 = arith.constant 2 : i32
    %dma_start3A_646 = arith.constant 3 : i32
    %dma_start3A_647 = arith.constant 0 : i32
    %dma_start3A_648 = tpu.memref_slice %arg6[%dma_start3A_645, %dma_start3A_646, %dma_start3A_647] : memref<8x8x128xi32, #tpu.memory_space<vmem>> -> memref<1x1x128xi32, #tpu.memory_space<vmem>>
    %dma_start3A_649 = tpu.memref_squeeze %dma_start3A_648 : memref<1x1x128xi32, #tpu.memory_space<vmem>> -> memref<128xi32, #tpu.memory_space<vmem>>
    %dma_start3A_650 = arith.constant 0 : i32
    %dma_start3A_651 = arith.constant 0 : i32
    %dma_start3A_652 = tpu.memref_slice %arg10[%dma_start3A_650, %dma_start3A_651] : memref<21525x64xf32, #tpu.memory_space<vmem_shared>> -> memref<21525x64xf32, #tpu.memory_space<vmem_shared>>
    tpu.enqueue_indirect_dma source(%dma_start3A_652 : memref<21525x64xf32, #tpu.memory_space<vmem_shared>>) target(%arg8 : memref<128x64xf32, #tpu.memory_space<vmem>>) offsets(%dma_start3A_649 : memref<128xi32, #tpu.memory_space<vmem>>) semaphore(%arg13 : memref<!tpu.dma_semaphore, #tpu.memory_space<semaphore_mem>>)
    %dma_wait3A_653 = arith.constant 2 : i32
    %dma_wait3A_654 = arith.constant 2 : i32
    %dma_wait3A_655 = arith.constant 0 : i32
    %dma_wait3A_656 = tpu.memref_slice %arg6[%dma_wait3A_653, %dma_wait3A_654, %dma_wait3A_655] : memref<8x8x128xi32, #tpu.memory_space<vmem>> -> memref<1x1x128xi32, #tpu.memory_space<vmem>>
    %dma_wait3A_657 = tpu.memref_squeeze %dma_wait3A_656 : memref<1x1x128xi32, #tpu.memory_space<vmem>> -> memref<128xi32, #tpu.memory_space<vmem>>
    %dma_wait3A_658 = arith.constant 0 : i32
    %dma_wait3A_659 = arith.constant 0 : i32
    %dma_wait3A_660 = tpu.memref_slice %arg10[%dma_wait3A_658, %dma_wait3A_659] : memref<21525x64xf32, #tpu.memory_space<vmem_shared>> -> memref<21525x64xf32, #tpu.memory_space<vmem_shared>>
    tpu.wait_indirect_dma semaphore(%arg12 : memref<!tpu.dma_semaphore, #tpu.memory_space<semaphore_mem>>) src(%dma_wait3A_660 : memref<21525x64xf32, #tpu.memory_space<vmem_shared>>) dst(%arg7 : memref<128x64xf32, #tpu.memory_space<vmem>>)
    %add3A_661 = arith.constant 2 : i32
    %add3A_662 = arith.addi %mul3A_2, %add3A_661 : i32
    %dma_start3A_663 = arith.constant 256 : i32
    %dma_start3A_664 = arith.constant 0 : i32
    %dma_start3A_665 = tpu.memref_slice %arg4[%add3A_662, %dma_start3A_663, %dma_start3A_664] : memref<256x1024x64xf32, #tpu.memory_space<hbm>> -> memref<1x128x64xf32, #tpu.memory_space<hbm>>
    %dma_start3A_666 = tpu.memref_squeeze %dma_start3A_665 : memref<1x128x64xf32, #tpu.memory_space<hbm>> -> memref<128x64xf32, #tpu.memory_space<hbm>>
    %dma_start3A_667 = arith.constant 256 : i32
    %dma_start3A_668 = arith.constant 0 : i32
    %dma_start3A_669 = tpu.memref_slice %arg4[%add3A_662, %dma_start3A_667, %dma_start3A_668] : memref<256x1024x64xf32, #tpu.memory_space<hbm>> -> memref<1x128x64xf32, #tpu.memory_space<hbm>>
    %dma_start3A_670 = tpu.memref_squeeze %dma_start3A_669 : memref<1x128x64xf32, #tpu.memory_space<hbm>> -> memref<128x64xf32, #tpu.memory_space<hbm>>
    tpu.enqueue_dma source(%arg7 : memref<128x64xf32, #tpu.memory_space<vmem>>) target(%dma_start3A_670 : memref<128x64xf32, #tpu.memory_space<hbm>>) target_semaphore(%arg15 : memref<!tpu.dma_semaphore, #tpu.memory_space<semaphore_mem>>)
    %dma_wait3A_671 = arith.constant 128 : i32
    %dma_wait3A_672 = arith.constant 0 : i32
    %dma_wait3A_673 = tpu.memref_slice %arg4[%add3A_628, %dma_wait3A_671, %dma_wait3A_672] : memref<256x1024x64xf32, #tpu.memory_space<hbm>> -> memref<1x128x64xf32, #tpu.memory_space<hbm>>
    %dma_wait3A_674 = tpu.memref_squeeze %dma_wait3A_673 : memref<1x128x64xf32, #tpu.memory_space<hbm>> -> memref<128x64xf32, #tpu.memory_space<hbm>>
    %dma_wait3A_675 = arith.constant 128 : i32
    %dma_wait3A_676 = arith.constant 0 : i32
    %dma_wait3A_677 = tpu.memref_slice %arg4[%add3A_628, %dma_wait3A_675, %dma_wait3A_676] : memref<256x1024x64xf32, #tpu.memory_space<hbm>> -> memref<1x128x64xf32, #tpu.memory_space<hbm>>
    %dma_wait3A_678 = tpu.memref_squeeze %dma_wait3A_677 : memref<1x128x64xf32, #tpu.memory_space<hbm>> -> memref<128x64xf32, #tpu.memory_space<hbm>>
    tpu.wait_dma2 semaphore(%arg17 : memref<!tpu.dma_semaphore, #tpu.memory_space<semaphore_mem>>) src(%arg9 : memref<128x64xf32, #tpu.memory_space<vmem>>) dst(%dma_wait3A_678 : memref<128x64xf32, #tpu.memory_space<hbm>>)
    %dma_start3A_679 = arith.constant 2 : i32
    %dma_start3A_680 = arith.constant 4 : i32
    %dma_start3A_681 = arith.constant 0 : i32
    %dma_start3A_682 = tpu.memref_slice %arg6[%dma_start3A_679, %dma_start3A_680, %dma_start3A_681] : memref<8x8x128xi32, #tpu.memory_space<vmem>> -> memref<1x1x128xi32, #tpu.memory_space<vmem>>
    %dma_start3A_683 = tpu.memref_squeeze %dma_start3A_682 : memref<1x1x128xi32, #tpu.memory_space<vmem>> -> memref<128xi32, #tpu.memory_space<vmem>>
    %dma_start3A_684 = arith.constant 0 : i32
    %dma_start3A_685 = arith.constant 0 : i32
    %dma_start3A_686 = tpu.memref_slice %arg10[%dma_start3A_684, %dma_start3A_685] : memref<21525x64xf32, #tpu.memory_space<vmem_shared>> -> memref<21525x64xf32, #tpu.memory_space<vmem_shared>>
    tpu.enqueue_indirect_dma source(%dma_start3A_686 : memref<21525x64xf32, #tpu.memory_space<vmem_shared>>) target(%arg9 : memref<128x64xf32, #tpu.memory_space<vmem>>) offsets(%dma_start3A_683 : memref<128xi32, #tpu.memory_space<vmem>>) semaphore(%arg14 : memref<!tpu.dma_semaphore, #tpu.memory_space<semaphore_mem>>)
    %dma_wait3A_687 = arith.constant 2 : i32
    %dma_wait3A_688 = arith.constant 3 : i32
    %dma_wait3A_689 = arith.constant 0 : i32
    %dma_wait3A_690 = tpu.memref_slice %arg6[%dma_wait3A_687, %dma_wait3A_688, %dma_wait3A_689] : memref<8x8x128xi32, #tpu.memory_space<vmem>> -> memref<1x1x128xi32, #tpu.memory_space<vmem>>
    %dma_wait3A_691 = tpu.memref_squeeze %dma_wait3A_690 : memref<1x1x128xi32, #tpu.memory_space<vmem>> -> memref<128xi32, #tpu.memory_space<vmem>>
    %dma_wait3A_692 = arith.constant 0 : i32
    %dma_wait3A_693 = arith.constant 0 : i32
    %dma_wait3A_694 = tpu.memref_slice %arg10[%dma_wait3A_692, %dma_wait3A_693] : memref<21525x64xf32, #tpu.memory_space<vmem_shared>> -> memref<21525x64xf32, #tpu.memory_space<vmem_shared>>
    tpu.wait_indirect_dma semaphore(%arg13 : memref<!tpu.dma_semaphore, #tpu.memory_space<semaphore_mem>>) src(%dma_wait3A_694 : memref<21525x64xf32, #tpu.memory_space<vmem_shared>>) dst(%arg8 : memref<128x64xf32, #tpu.memory_space<vmem>>)
    %add3A_695 = arith.constant 2 : i32
    %add3A_696 = arith.addi %mul3A_2, %add3A_695 : i32
    %dma_start3A_697 = arith.constant 384 : i32
    %dma_start3A_698 = arith.constant 0 : i32
    %dma_start3A_699 = tpu.memref_slice %arg4[%add3A_696, %dma_start3A_697, %dma_start3A_698] : memref<256x1024x64xf32, #tpu.memory_space<hbm>> -> memref<1x128x64xf32, #tpu.memory_space<hbm>>
    %dma_start3A_700 = tpu.memref_squeeze %dma_start3A_699 : memref<1x128x64xf32, #tpu.memory_space<hbm>> -> memref<128x64xf32, #tpu.memory_space<hbm>>
    %dma_start3A_701 = arith.constant 384 : i32
    %dma_start3A_702 = arith.constant 0 : i32
    %dma_start3A_703 = tpu.memref_slice %arg4[%add3A_696, %dma_start3A_701, %dma_start3A_702] : memref<256x1024x64xf32, #tpu.memory_space<hbm>> -> memref<1x128x64xf32, #tpu.memory_space<hbm>>
    %dma_start3A_704 = tpu.memref_squeeze %dma_start3A_703 : memref<1x128x64xf32, #tpu.memory_space<hbm>> -> memref<128x64xf32, #tpu.memory_space<hbm>>
    tpu.enqueue_dma source(%arg8 : memref<128x64xf32, #tpu.memory_space<vmem>>) target(%dma_start3A_704 : memref<128x64xf32, #tpu.memory_space<hbm>>) target_semaphore(%arg16 : memref<!tpu.dma_semaphore, #tpu.memory_space<semaphore_mem>>)
    %dma_wait3A_705 = arith.constant 256 : i32
    %dma_wait3A_706 = arith.constant 0 : i32
    %dma_wait3A_707 = tpu.memref_slice %arg4[%add3A_662, %dma_wait3A_705, %dma_wait3A_706] : memref<256x1024x64xf32, #tpu.memory_space<hbm>> -> memref<1x128x64xf32, #tpu.memory_space<hbm>>
    %dma_wait3A_708 = tpu.memref_squeeze %dma_wait3A_707 : memref<1x128x64xf32, #tpu.memory_space<hbm>> -> memref<128x64xf32, #tpu.memory_space<hbm>>
    %dma_wait3A_709 = arith.constant 256 : i32
    %dma_wait3A_710 = arith.constant 0 : i32
    %dma_wait3A_711 = tpu.memref_slice %arg4[%add3A_662, %dma_wait3A_709, %dma_wait3A_710] : memref<256x1024x64xf32, #tpu.memory_space<hbm>> -> memref<1x128x64xf32, #tpu.memory_space<hbm>>
    %dma_wait3A_712 = tpu.memref_squeeze %dma_wait3A_711 : memref<1x128x64xf32, #tpu.memory_space<hbm>> -> memref<128x64xf32, #tpu.memory_space<hbm>>
    tpu.wait_dma2 semaphore(%arg15 : memref<!tpu.dma_semaphore, #tpu.memory_space<semaphore_mem>>) src(%arg7 : memref<128x64xf32, #tpu.memory_space<vmem>>) dst(%dma_wait3A_712 : memref<128x64xf32, #tpu.memory_space<hbm>>)
    %dma_start3A_713 = arith.constant 2 : i32
    %dma_start3A_714 = arith.constant 5 : i32
    %dma_start3A_715 = arith.constant 0 : i32
    %dma_start3A_716 = tpu.memref_slice %arg6[%dma_start3A_713, %dma_start3A_714, %dma_start3A_715] : memref<8x8x128xi32, #tpu.memory_space<vmem>> -> memref<1x1x128xi32, #tpu.memory_space<vmem>>
    %dma_start3A_717 = tpu.memref_squeeze %dma_start3A_716 : memref<1x1x128xi32, #tpu.memory_space<vmem>> -> memref<128xi32, #tpu.memory_space<vmem>>
    %dma_start3A_718 = arith.constant 0 : i32
    %dma_start3A_719 = arith.constant 0 : i32
    %dma_start3A_720 = tpu.memref_slice %arg10[%dma_start3A_718, %dma_start3A_719] : memref<21525x64xf32, #tpu.memory_space<vmem_shared>> -> memref<21525x64xf32, #tpu.memory_space<vmem_shared>>
    tpu.enqueue_indirect_dma source(%dma_start3A_720 : memref<21525x64xf32, #tpu.memory_space<vmem_shared>>) target(%arg7 : memref<128x64xf32, #tpu.memory_space<vmem>>) offsets(%dma_start3A_717 : memref<128xi32, #tpu.memory_space<vmem>>) semaphore(%arg12 : memref<!tpu.dma_semaphore, #tpu.memory_space<semaphore_mem>>)
    %dma_wait3A_721 = arith.constant 2 : i32
    %dma_wait3A_722 = arith.constant 4 : i32
    %dma_wait3A_723 = arith.constant 0 : i32
    %dma_wait3A_724 = tpu.memref_slice %arg6[%dma_wait3A_721, %dma_wait3A_722, %dma_wait3A_723] : memref<8x8x128xi32, #tpu.memory_space<vmem>> -> memref<1x1x128xi32, #tpu.memory_space<vmem>>
    %dma_wait3A_725 = tpu.memref_squeeze %dma_wait3A_724 : memref<1x1x128xi32, #tpu.memory_space<vmem>> -> memref<128xi32, #tpu.memory_space<vmem>>
    %dma_wait3A_726 = arith.constant 0 : i32
    %dma_wait3A_727 = arith.constant 0 : i32
    %dma_wait3A_728 = tpu.memref_slice %arg10[%dma_wait3A_726, %dma_wait3A_727] : memref<21525x64xf32, #tpu.memory_space<vmem_shared>> -> memref<21525x64xf32, #tpu.memory_space<vmem_shared>>
    tpu.wait_indirect_dma semaphore(%arg14 : memref<!tpu.dma_semaphore, #tpu.memory_space<semaphore_mem>>) src(%dma_wait3A_728 : memref<21525x64xf32, #tpu.memory_space<vmem_shared>>) dst(%arg9 : memref<128x64xf32, #tpu.memory_space<vmem>>)
    %add3A_729 = arith.constant 2 : i32
    %add3A_730 = arith.addi %mul3A_2, %add3A_729 : i32
    %dma_start3A_731 = arith.constant 512 : i32
    %dma_start3A_732 = arith.constant 0 : i32
    %dma_start3A_733 = tpu.memref_slice %arg4[%add3A_730, %dma_start3A_731, %dma_start3A_732] : memref<256x1024x64xf32, #tpu.memory_space<hbm>> -> memref<1x128x64xf32, #tpu.memory_space<hbm>>
    %dma_start3A_734 = tpu.memref_squeeze %dma_start3A_733 : memref<1x128x64xf32, #tpu.memory_space<hbm>> -> memref<128x64xf32, #tpu.memory_space<hbm>>
    %dma_start3A_735 = arith.constant 512 : i32
    %dma_start3A_736 = arith.constant 0 : i32
    %dma_start3A_737 = tpu.memref_slice %arg4[%add3A_730, %dma_start3A_735, %dma_start3A_736] : memref<256x1024x64xf32, #tpu.memory_space<hbm>> -> memref<1x128x64xf32, #tpu.memory_space<hbm>>
    %dma_start3A_738 = tpu.memref_squeeze %dma_start3A_737 : memref<1x128x64xf32, #tpu.memory_space<hbm>> -> memref<128x64xf32, #tpu.memory_space<hbm>>
    tpu.enqueue_dma source(%arg9 : memref<128x64xf32, #tpu.memory_space<vmem>>) target(%dma_start3A_738 : memref<128x64xf32, #tpu.memory_space<hbm>>) target_semaphore(%arg17 : memref<!tpu.dma_semaphore, #tpu.memory_space<semaphore_mem>>)
    %dma_wait3A_739 = arith.constant 384 : i32
    %dma_wait3A_740 = arith.constant 0 : i32
    %dma_wait3A_741 = tpu.memref_slice %arg4[%add3A_696, %dma_wait3A_739, %dma_wait3A_740] : memref<256x1024x64xf32, #tpu.memory_space<hbm>> -> memref<1x128x64xf32, #tpu.memory_space<hbm>>
    %dma_wait3A_742 = tpu.memref_squeeze %dma_wait3A_741 : memref<1x128x64xf32, #tpu.memory_space<hbm>> -> memref<128x64xf32, #tpu.memory_space<hbm>>
    %dma_wait3A_743 = arith.constant 384 : i32
    %dma_wait3A_744 = arith.constant 0 : i32
    %dma_wait3A_745 = tpu.memref_slice %arg4[%add3A_696, %dma_wait3A_743, %dma_wait3A_744] : memref<256x1024x64xf32, #tpu.memory_space<hbm>> -> memref<1x128x64xf32, #tpu.memory_space<hbm>>
    %dma_wait3A_746 = tpu.memref_squeeze %dma_wait3A_745 : memref<1x128x64xf32, #tpu.memory_space<hbm>> -> memref<128x64xf32, #tpu.memory_space<hbm>>
    tpu.wait_dma2 semaphore(%arg16 : memref<!tpu.dma_semaphore, #tpu.memory_space<semaphore_mem>>) src(%arg8 : memref<128x64xf32, #tpu.memory_space<vmem>>) dst(%dma_wait3A_746 : memref<128x64xf32, #tpu.memory_space<hbm>>)
    %dma_start3A_747 = arith.constant 2 : i32
    %dma_start3A_748 = arith.constant 6 : i32
    %dma_start3A_749 = arith.constant 0 : i32
    %dma_start3A_750 = tpu.memref_slice %arg6[%dma_start3A_747, %dma_start3A_748, %dma_start3A_749] : memref<8x8x128xi32, #tpu.memory_space<vmem>> -> memref<1x1x128xi32, #tpu.memory_space<vmem>>
    %dma_start3A_751 = tpu.memref_squeeze %dma_start3A_750 : memref<1x1x128xi32, #tpu.memory_space<vmem>> -> memref<128xi32, #tpu.memory_space<vmem>>
    %dma_start3A_752 = arith.constant 0 : i32
    %dma_start3A_753 = arith.constant 0 : i32
    %dma_start3A_754 = tpu.memref_slice %arg10[%dma_start3A_752, %dma_start3A_753] : memref<21525x64xf32, #tpu.memory_space<vmem_shared>> -> memref<21525x64xf32, #tpu.memory_space<vmem_shared>>
    tpu.enqueue_indirect_dma source(%dma_start3A_754 : memref<21525x64xf32, #tpu.memory_space<vmem_shared>>) target(%arg8 : memref<128x64xf32, #tpu.memory_space<vmem>>) offsets(%dma_start3A_751 : memref<128xi32, #tpu.memory_space<vmem>>) semaphore(%arg13 : memref<!tpu.dma_semaphore, #tpu.memory_space<semaphore_mem>>)
    %dma_wait3A_755 = arith.constant 2 : i32
    %dma_wait3A_756 = arith.constant 5 : i32
    %dma_wait3A_757 = arith.constant 0 : i32
    %dma_wait3A_758 = tpu.memref_slice %arg6[%dma_wait3A_755, %dma_wait3A_756, %dma_wait3A_757] : memref<8x8x128xi32, #tpu.memory_space<vmem>> -> memref<1x1x128xi32, #tpu.memory_space<vmem>>
    %dma_wait3A_759 = tpu.memref_squeeze %dma_wait3A_758 : memref<1x1x128xi32, #tpu.memory_space<vmem>> -> memref<128xi32, #tpu.memory_space<vmem>>
    %dma_wait3A_760 = arith.constant 0 : i32
    %dma_wait3A_761 = arith.constant 0 : i32
    %dma_wait3A_762 = tpu.memref_slice %arg10[%dma_wait3A_760, %dma_wait3A_761] : memref<21525x64xf32, #tpu.memory_space<vmem_shared>> -> memref<21525x64xf32, #tpu.memory_space<vmem_shared>>
    tpu.wait_indirect_dma semaphore(%arg12 : memref<!tpu.dma_semaphore, #tpu.memory_space<semaphore_mem>>) src(%dma_wait3A_762 : memref<21525x64xf32, #tpu.memory_space<vmem_shared>>) dst(%arg7 : memref<128x64xf32, #tpu.memory_space<vmem>>)
    %add3A_763 = arith.constant 2 : i32
    %add3A_764 = arith.addi %mul3A_2, %add3A_763 : i32
    %dma_start3A_765 = arith.constant 640 : i32
    %dma_start3A_766 = arith.constant 0 : i32
    %dma_start3A_767 = tpu.memref_slice %arg4[%add3A_764, %dma_start3A_765, %dma_start3A_766] : memref<256x1024x64xf32, #tpu.memory_space<hbm>> -> memref<1x128x64xf32, #tpu.memory_space<hbm>>
    %dma_start3A_768 = tpu.memref_squeeze %dma_start3A_767 : memref<1x128x64xf32, #tpu.memory_space<hbm>> -> memref<128x64xf32, #tpu.memory_space<hbm>>
    %dma_start3A_769 = arith.constant 640 : i32
    %dma_start3A_770 = arith.constant 0 : i32
    %dma_start3A_771 = tpu.memref_slice %arg4[%add3A_764, %dma_start3A_769, %dma_start3A_770] : memref<256x1024x64xf32, #tpu.memory_space<hbm>> -> memref<1x128x64xf32, #tpu.memory_space<hbm>>
    %dma_start3A_772 = tpu.memref_squeeze %dma_start3A_771 : memref<1x128x64xf32, #tpu.memory_space<hbm>> -> memref<128x64xf32, #tpu.memory_space<hbm>>
    tpu.enqueue_dma source(%arg7 : memref<128x64xf32, #tpu.memory_space<vmem>>) target(%dma_start3A_772 : memref<128x64xf32, #tpu.memory_space<hbm>>) target_semaphore(%arg15 : memref<!tpu.dma_semaphore, #tpu.memory_space<semaphore_mem>>)
    %dma_wait3A_773 = arith.constant 512 : i32
    %dma_wait3A_774 = arith.constant 0 : i32
    %dma_wait3A_775 = tpu.memref_slice %arg4[%add3A_730, %dma_wait3A_773, %dma_wait3A_774] : memref<256x1024x64xf32, #tpu.memory_space<hbm>> -> memref<1x128x64xf32, #tpu.memory_space<hbm>>
    %dma_wait3A_776 = tpu.memref_squeeze %dma_wait3A_775 : memref<1x128x64xf32, #tpu.memory_space<hbm>> -> memref<128x64xf32, #tpu.memory_space<hbm>>
    %dma_wait3A_777 = arith.constant 512 : i32
    %dma_wait3A_778 = arith.constant 0 : i32
    %dma_wait3A_779 = tpu.memref_slice %arg4[%add3A_730, %dma_wait3A_777, %dma_wait3A_778] : memref<256x1024x64xf32, #tpu.memory_space<hbm>> -> memref<1x128x64xf32, #tpu.memory_space<hbm>>
    %dma_wait3A_780 = tpu.memref_squeeze %dma_wait3A_779 : memref<1x128x64xf32, #tpu.memory_space<hbm>> -> memref<128x64xf32, #tpu.memory_space<hbm>>
    tpu.wait_dma2 semaphore(%arg17 : memref<!tpu.dma_semaphore, #tpu.memory_space<semaphore_mem>>) src(%arg9 : memref<128x64xf32, #tpu.memory_space<vmem>>) dst(%dma_wait3A_780 : memref<128x64xf32, #tpu.memory_space<hbm>>)
    %dma_start3A_781 = arith.constant 2 : i32
    %dma_start3A_782 = arith.constant 7 : i32
    %dma_start3A_783 = arith.constant 0 : i32
    %dma_start3A_784 = tpu.memref_slice %arg6[%dma_start3A_781, %dma_start3A_782, %dma_start3A_783] : memref<8x8x128xi32, #tpu.memory_space<vmem>> -> memref<1x1x128xi32, #tpu.memory_space<vmem>>
    %dma_start3A_785 = tpu.memref_squeeze %dma_start3A_784 : memref<1x1x128xi32, #tpu.memory_space<vmem>> -> memref<128xi32, #tpu.memory_space<vmem>>
    %dma_start3A_786 = arith.constant 0 : i32
    %dma_start3A_787 = arith.constant 0 : i32
    %dma_start3A_788 = tpu.memref_slice %arg10[%dma_start3A_786, %dma_start3A_787] : memref<21525x64xf32, #tpu.memory_space<vmem_shared>> -> memref<21525x64xf32, #tpu.memory_space<vmem_shared>>
    tpu.enqueue_indirect_dma source(%dma_start3A_788 : memref<21525x64xf32, #tpu.memory_space<vmem_shared>>) target(%arg9 : memref<128x64xf32, #tpu.memory_space<vmem>>) offsets(%dma_start3A_785 : memref<128xi32, #tpu.memory_space<vmem>>) semaphore(%arg14 : memref<!tpu.dma_semaphore, #tpu.memory_space<semaphore_mem>>)
    %scan3A_789 = arith.constant 0 : i32
    %scan3A_790 = arith.constant 0 : i32
    %scan3A_791 = arith.constant 64 : i32
    %scan3A_792 = arith.addi %scan3A_790, %scan3A_791 : i32
    %scan3A_793 = arith.constant 1 : i32
    %scan3A_794 = scf.for %scan3A_2236 = %scan3A_790 to %scan3A_792 step %scan3A_793 iter_args(%scan3A_2237 = %scan3A_789) -> (i32)  : i32 {
      %mul3A_2238 = arith.constant 16 : i32
      %mul3A_2239 = arith.muli %scan3A_2236, %mul3A_2238 : i32
      %get3A = arith.constant 3 : i32
      %get3A_2240 = arith.index_cast %get3A : i32 to index
      %get3A_2241 = arith.index_cast %mul3A_2239 : i32 to index
      %get3A_2242 = tpu.vector_load %arg5[%get3A_2240, %get3A_2241] {strides = array<i32>} : memref<8x1024xi32, #tpu.memory_space<vmem>>, vector<16xi32>,
      %min3A = arith.constant 1 : i32
      %min3A_2243 = vector.broadcast %min3A : i32 to vector<16xi32>
      %min3A_2244 = arith.minsi %get3A_2242, %min3A_2243 : vector<16xi32>
      %broadcast_in_dim3A = arith.constant true
      %broadcast_in_dim3A_2245 = vector.broadcast %broadcast_in_dim3A : i1 to vector<16xi1>
      %masked_cumsum3A = tpu.scan <sum>, %min3A_2244 masked %broadcast_in_dim3A_2245 : vector<16xi32>, vector<16xi1> -> vector<16xi32>
      %mul3A_2246 = arith.constant 1025 : i32
      %mul3A_2247 = vector.broadcast %mul3A_2246 : i32 to vector<16xi32>
      %mul3A_2248 = arith.muli %get3A_2242, %mul3A_2247 : vector<16xi32>
      %add3A_2249 = vector.broadcast %scan3A_2237 : i32 to vector<16xi32>
      %add3A_2250 = arith.addi %masked_cumsum3A, %add3A_2249 : vector<16xi32>
      %mul3A_2251 = arith.muli %add3A_2250, %min3A_2244 : vector<16xi32>
      %add3A_2252 = arith.addi %mul3A_2248, %mul3A_2251 : vector<16xi32>
      %jit3A = arith.constant 8 : i32
      %div3A = arith.divsi %scan3A_2236, %jit3A : i32
      %sign3A = arith.constant 0 : i32
      %sign3A_2253 = arith.cmpi sgt, %scan3A_2236, %sign3A : i32
      %sign3A_2254 = arith.extui %sign3A_2253 : i1 to i32
      %sign3A_2255 = arith.constant 0 : i32
      %sign3A_2256 = arith.cmpi slt, %scan3A_2236, %sign3A_2255 : i32
      %sign3A_2257 = arith.extui %sign3A_2256 : i1 to i32
      %sign3A_2258 = arith.subi %sign3A_2254, %sign3A_2257 : i32
      %sign3A_2259 = arith.constant 0 : i32
      %sign3A_2260 = arith.cmpi sgt, %jit3A, %sign3A_2259 : i32
      %sign3A_2261 = arith.extui %sign3A_2260 : i1 to i32
      %sign3A_2262 = arith.constant 0 : i32
      %sign3A_2263 = arith.cmpi slt, %jit3A, %sign3A_2262 : i32
      %sign3A_2264 = arith.extui %sign3A_2263 : i1 to i32
      %sign3A_2265 = arith.subi %sign3A_2261, %sign3A_2264 : i32
      %ne3A = arith.cmpi ne, %sign3A_2258, %sign3A_2265 : i32
      %rem3A = arith.remsi %scan3A_2236, %jit3A : i32
      %ne3A_2266 = arith.constant 0 : i32
      %ne3A_2267 = arith.cmpi ne, %rem3A, %ne3A_2266 : i32
      %and3A = arith.andi %ne3A, %ne3A_2267 : i1
      %sub3A = arith.constant 1 : i32
      %sub3A_2268 = arith.subi %div3A, %sub3A : i32
      %select_n3A = arith.select %and3A, %sub3A_2268, %div3A : i32
      %jit3A_2269 = arith.constant 8 : i32
      %eq3A_2270 = arith.constant 0 : i32
      %eq3A_2271 = arith.cmpi eq, %jit3A_2269, %eq3A_2270 : i32
      %jit3A_2272 = arith.constant 1 : i32
      %select_n3A_2273 = arith.select %eq3A_2271, %jit3A_2272, %jit3A_2269 : i32
      %rem3A_2274 = arith.remsi %scan3A_2236, %select_n3A_2273 : i32
      %ne3A_2275 = arith.constant 0 : i32
      %ne3A_2276 = arith.cmpi ne, %rem3A_2274, %ne3A_2275 : i32
      %lt3A = arith.constant 0 : i32
      %lt3A_2277 = arith.cmpi slt, %rem3A_2274, %lt3A : i32
      %lt3A_2278 = arith.constant 0 : i32
      %lt3A_2279 = arith.cmpi slt, %select_n3A_2273, %lt3A_2278 : i32
      %ne3A_2280 = arith.xori %lt3A_2277, %lt3A_2279 : i1
      %and3A_2281 = arith.andi %ne3A_2280, %ne3A_2276 : i1
      %add3A_2282 = arith.addi %rem3A_2274, %select_n3A_2273 : i32
      %select_n3A_2283 = arith.select %and3A_2281, %add3A_2282, %rem3A_2274 : i32
      %mul3A_2284 = arith.constant 16 : i32
      %mul3A_2285 = arith.muli %select_n3A_2283, %mul3A_2284 : i32
      %swap3A = arith.constant 3 : i32
      %swap3A_2286 = arith.index_cast %swap3A : i32 to index
      %swap3A_2287 = arith.index_cast %select_n3A : i32 to index
      %swap3A_2288 = arith.index_cast %mul3A_2285 : i32 to index
      %swap3A_2289 = tpu.vector_load %arg6[%swap3A_2286, %swap3A_2287, %swap3A_2288] {strides = array<i32>} : memref<8x8x128xi32, #tpu.memory_space<vmem>>, vector<16xi32>,
      tpu.vector_store %arg6[%swap3A_2286, %swap3A_2287, %swap3A_2288], %add3A_2252 {strides = array<i32>} : memref<8x8x128xi32, #tpu.memory_space<vmem>>, vector<16xi32>,
      %reduce_sum3A = arith.constant true
      %reduce_sum3A_2290 = vector.broadcast %reduce_sum3A : i1 to vector<16xi1>
      %reduce_sum3A_2291 = tpu.scan <sum>, %min3A_2244 masked %reduce_sum3A_2290 : vector<16xi32>, vector<16xi1> -> vector<16xi32>
      %reduce_sum3A_2292 = vector.extract %reduce_sum3A_2291[15] : i32 from vector<16xi32>
      %add3A_2293 = arith.addi %scan3A_2237, %reduce_sum3A_2292 : i32
      scf.yield %add3A_2293 : i32
    }
    %scan3A_795 = arith.constant 64 : i32
    %dma_wait3A_796 = arith.constant 2 : i32
    %dma_wait3A_797 = arith.constant 6 : i32
    %dma_wait3A_798 = arith.constant 0 : i32
    %dma_wait3A_799 = tpu.memref_slice %arg6[%dma_wait3A_796, %dma_wait3A_797, %dma_wait3A_798] : memref<8x8x128xi32, #tpu.memory_space<vmem>> -> memref<1x1x128xi32, #tpu.memory_space<vmem>>
    %dma_wait3A_800 = tpu.memref_squeeze %dma_wait3A_799 : memref<1x1x128xi32, #tpu.memory_space<vmem>> -> memref<128xi32, #tpu.memory_space<vmem>>
    %dma_wait3A_801 = arith.constant 0 : i32
    %dma_wait3A_802 = arith.constant 0 : i32
    %dma_wait3A_803 = tpu.memref_slice %arg10[%dma_wait3A_801, %dma_wait3A_802] : memref<21525x64xf32, #tpu.memory_space<vmem_shared>> -> memref<21525x64xf32, #tpu.memory_space<vmem_shared>>
    tpu.wait_indirect_dma semaphore(%arg13 : memref<!tpu.dma_semaphore, #tpu.memory_space<semaphore_mem>>) src(%dma_wait3A_803 : memref<21525x64xf32, #tpu.memory_space<vmem_shared>>) dst(%arg8 : memref<128x64xf32, #tpu.memory_space<vmem>>)
    %add3A_804 = arith.constant 2 : i32
    %add3A_805 = arith.addi %mul3A_2, %add3A_804 : i32
    %dma_start3A_806 = arith.constant 768 : i32
    %dma_start3A_807 = arith.constant 0 : i32
    %dma_start3A_808 = tpu.memref_slice %arg4[%add3A_805, %dma_start3A_806, %dma_start3A_807] : memref<256x1024x64xf32, #tpu.memory_space<hbm>> -> memref<1x128x64xf32, #tpu.memory_space<hbm>>
    %dma_start3A_809 = tpu.memref_squeeze %dma_start3A_808 : memref<1x128x64xf32, #tpu.memory_space<hbm>> -> memref<128x64xf32, #tpu.memory_space<hbm>>
    %dma_start3A_810 = arith.constant 768 : i32
    %dma_start3A_811 = arith.constant 0 : i32
    %dma_start3A_812 = tpu.memref_slice %arg4[%add3A_805, %dma_start3A_810, %dma_start3A_811] : memref<256x1024x64xf32, #tpu.memory_space<hbm>> -> memref<1x128x64xf32, #tpu.memory_space<hbm>>
    %dma_start3A_813 = tpu.memref_squeeze %dma_start3A_812 : memref<1x128x64xf32, #tpu.memory_space<hbm>> -> memref<128x64xf32, #tpu.memory_space<hbm>>
    tpu.enqueue_dma source(%arg8 : memref<128x64xf32, #tpu.memory_space<vmem>>) target(%dma_start3A_813 : memref<128x64xf32, #tpu.memory_space<hbm>>) target_semaphore(%arg16 : memref<!tpu.dma_semaphore, #tpu.memory_space<semaphore_mem>>)
    %dma_wait3A_814 = arith.constant 640 : i32
    %dma_wait3A_815 = arith.constant 0 : i32
    %dma_wait3A_816 = tpu.memref_slice %arg4[%add3A_764, %dma_wait3A_814, %dma_wait3A_815] : memref<256x1024x64xf32, #tpu.memory_space<hbm>> -> memref<1x128x64xf32, #tpu.memory_space<hbm>>
    %dma_wait3A_817 = tpu.memref_squeeze %dma_wait3A_816 : memref<1x128x64xf32, #tpu.memory_space<hbm>> -> memref<128x64xf32, #tpu.memory_space<hbm>>
    %dma_wait3A_818 = arith.constant 640 : i32
    %dma_wait3A_819 = arith.constant 0 : i32
    %dma_wait3A_820 = tpu.memref_slice %arg4[%add3A_764, %dma_wait3A_818, %dma_wait3A_819] : memref<256x1024x64xf32, #tpu.memory_space<hbm>> -> memref<1x128x64xf32, #tpu.memory_space<hbm>>
    %dma_wait3A_821 = tpu.memref_squeeze %dma_wait3A_820 : memref<1x128x64xf32, #tpu.memory_space<hbm>> -> memref<128x64xf32, #tpu.memory_space<hbm>>
    tpu.wait_dma2 semaphore(%arg15 : memref<!tpu.dma_semaphore, #tpu.memory_space<semaphore_mem>>) src(%arg7 : memref<128x64xf32, #tpu.memory_space<vmem>>) dst(%dma_wait3A_821 : memref<128x64xf32, #tpu.memory_space<hbm>>)
    %dma_start3A_822 = arith.constant 3 : i32
    %dma_start3A_823 = arith.constant 0 : i32
    %dma_start3A_824 = arith.constant 0 : i32
    %dma_start3A_825 = tpu.memref_slice %arg6[%dma_start3A_822, %dma_start3A_823, %dma_start3A_824] : memref<8x8x128xi32, #tpu.memory_space<vmem>> -> memref<1x1x128xi32, #tpu.memory_space<vmem>>
    %dma_start3A_826 = tpu.memref_squeeze %dma_start3A_825 : memref<1x1x128xi32, #tpu.memory_space<vmem>> -> memref<128xi32, #tpu.memory_space<vmem>>
    %dma_start3A_827 = arith.constant 0 : i32
    %dma_start3A_828 = arith.constant 0 : i32
    %dma_start3A_829 = tpu.memref_slice %arg10[%dma_start3A_827, %dma_start3A_828] : memref<21525x64xf32, #tpu.memory_space<vmem_shared>> -> memref<21525x64xf32, #tpu.memory_space<vmem_shared>>
    tpu.enqueue_indirect_dma source(%dma_start3A_829 : memref<21525x64xf32, #tpu.memory_space<vmem_shared>>) target(%arg7 : memref<128x64xf32, #tpu.memory_space<vmem>>) offsets(%dma_start3A_826 : memref<128xi32, #tpu.memory_space<vmem>>) semaphore(%arg12 : memref<!tpu.dma_semaphore, #tpu.memory_space<semaphore_mem>>)
    %dma_wait3A_830 = arith.constant 2 : i32
    %dma_wait3A_831 = arith.constant 7 : i32
    %dma_wait3A_832 = arith.constant 0 : i32
    %dma_wait3A_833 = tpu.memref_slice %arg6[%dma_wait3A_830, %dma_wait3A_831, %dma_wait3A_832] : memref<8x8x128xi32, #tpu.memory_space<vmem>> -> memref<1x1x128xi32, #tpu.memory_space<vmem>>
    %dma_wait3A_834 = tpu.memref_squeeze %dma_wait3A_833 : memref<1x1x128xi32, #tpu.memory_space<vmem>> -> memref<128xi32, #tpu.memory_space<vmem>>
    %dma_wait3A_835 = arith.constant 0 : i32
    %dma_wait3A_836 = arith.constant 0 : i32
    %dma_wait3A_837 = tpu.memref_slice %arg10[%dma_wait3A_835, %dma_wait3A_836] : memref<21525x64xf32, #tpu.memory_space<vmem_shared>> -> memref<21525x64xf32, #tpu.memory_space<vmem_shared>>
    tpu.wait_indirect_dma semaphore(%arg14 : memref<!tpu.dma_semaphore, #tpu.memory_space<semaphore_mem>>) src(%dma_wait3A_837 : memref<21525x64xf32, #tpu.memory_space<vmem_shared>>) dst(%arg9 : memref<128x64xf32, #tpu.memory_space<vmem>>)
    %add3A_838 = arith.constant 2 : i32
    %add3A_839 = arith.addi %mul3A_2, %add3A_838 : i32
    %dma_start3A_840 = arith.constant 896 : i32
    %dma_start3A_841 = arith.constant 0 : i32
    %dma_start3A_842 = tpu.memref_slice %arg4[%add3A_839, %dma_start3A_840, %dma_start3A_841] : memref<256x1024x64xf32, #tpu.memory_space<hbm>> -> memref<1x128x64xf32, #tpu.memory_space<hbm>>
    %dma_start3A_843 = tpu.memref_squeeze %dma_start3A_842 : memref<1x128x64xf32, #tpu.memory_space<hbm>> -> memref<128x64xf32, #tpu.memory_space<hbm>>
    %dma_start3A_844 = arith.constant 896 : i32
    %dma_start3A_845 = arith.constant 0 : i32
    %dma_start3A_846 = tpu.memref_slice %arg4[%add3A_839, %dma_start3A_844, %dma_start3A_845] : memref<256x1024x64xf32, #tpu.memory_space<hbm>> -> memref<1x128x64xf32, #tpu.memory_space<hbm>>
    %dma_start3A_847 = tpu.memref_squeeze %dma_start3A_846 : memref<1x128x64xf32, #tpu.memory_space<hbm>> -> memref<128x64xf32, #tpu.memory_space<hbm>>
    tpu.enqueue_dma source(%arg9 : memref<128x64xf32, #tpu.memory_space<vmem>>) target(%dma_start3A_847 : memref<128x64xf32, #tpu.memory_space<hbm>>) target_semaphore(%arg17 : memref<!tpu.dma_semaphore, #tpu.memory_space<semaphore_mem>>)
    %dma_wait3A_848 = arith.constant 768 : i32
    %dma_wait3A_849 = arith.constant 0 : i32
    %dma_wait3A_850 = tpu.memref_slice %arg4[%add3A_805, %dma_wait3A_848, %dma_wait3A_849] : memref<256x1024x64xf32, #tpu.memory_space<hbm>> -> memref<1x128x64xf32, #tpu.memory_space<hbm>>
    %dma_wait3A_851 = tpu.memref_squeeze %dma_wait3A_850 : memref<1x128x64xf32, #tpu.memory_space<hbm>> -> memref<128x64xf32, #tpu.memory_space<hbm>>
    %dma_wait3A_852 = arith.constant 768 : i32
    %dma_wait3A_853 = arith.constant 0 : i32
    %dma_wait3A_854 = tpu.memref_slice %arg4[%add3A_805, %dma_wait3A_852, %dma_wait3A_853] : memref<256x1024x64xf32, #tpu.memory_space<hbm>> -> memref<1x128x64xf32, #tpu.memory_space<hbm>>
    %dma_wait3A_855 = tpu.memref_squeeze %dma_wait3A_854 : memref<1x128x64xf32, #tpu.memory_space<hbm>> -> memref<128x64xf32, #tpu.memory_space<hbm>>
    tpu.wait_dma2 semaphore(%arg16 : memref<!tpu.dma_semaphore, #tpu.memory_space<semaphore_mem>>) src(%arg8 : memref<128x64xf32, #tpu.memory_space<vmem>>) dst(%dma_wait3A_855 : memref<128x64xf32, #tpu.memory_space<hbm>>)
    %dma_start3A_856 = arith.constant 3 : i32
    %dma_start3A_857 = arith.constant 1 : i32
    %dma_start3A_858 = arith.constant 0 : i32
    %dma_start3A_859 = tpu.memref_slice %arg6[%dma_start3A_856, %dma_start3A_857, %dma_start3A_858] : memref<8x8x128xi32, #tpu.memory_space<vmem>> -> memref<1x1x128xi32, #tpu.memory_space<vmem>>
    %dma_start3A_860 = tpu.memref_squeeze %dma_start3A_859 : memref<1x1x128xi32, #tpu.memory_space<vmem>> -> memref<128xi32, #tpu.memory_space<vmem>>
    %dma_start3A_861 = arith.constant 0 : i32
    %dma_start3A_862 = arith.constant 0 : i32
    %dma_start3A_863 = tpu.memref_slice %arg10[%dma_start3A_861, %dma_start3A_862] : memref<21525x64xf32, #tpu.memory_space<vmem_shared>> -> memref<21525x64xf32, #tpu.memory_space<vmem_shared>>
    tpu.enqueue_indirect_dma source(%dma_start3A_863 : memref<21525x64xf32, #tpu.memory_space<vmem_shared>>) target(%arg8 : memref<128x64xf32, #tpu.memory_space<vmem>>) offsets(%dma_start3A_860 : memref<128xi32, #tpu.memory_space<vmem>>) semaphore(%arg13 : memref<!tpu.dma_semaphore, #tpu.memory_space<semaphore_mem>>)
    %dma_wait3A_864 = arith.constant 3 : i32
    %dma_wait3A_865 = arith.constant 0 : i32
    %dma_wait3A_866 = arith.constant 0 : i32
    %dma_wait3A_867 = tpu.memref_slice %arg6[%dma_wait3A_864, %dma_wait3A_865, %dma_wait3A_866] : memref<8x8x128xi32, #tpu.memory_space<vmem>> -> memref<1x1x128xi32, #tpu.memory_space<vmem>>
    %dma_wait3A_868 = tpu.memref_squeeze %dma_wait3A_867 : memref<1x1x128xi32, #tpu.memory_space<vmem>> -> memref<128xi32, #tpu.memory_space<vmem>>
    %dma_wait3A_869 = arith.constant 0 : i32
    %dma_wait3A_870 = arith.constant 0 : i32
    %dma_wait3A_871 = tpu.memref_slice %arg10[%dma_wait3A_869, %dma_wait3A_870] : memref<21525x64xf32, #tpu.memory_space<vmem_shared>> -> memref<21525x64xf32, #tpu.memory_space<vmem_shared>>
    tpu.wait_indirect_dma semaphore(%arg12 : memref<!tpu.dma_semaphore, #tpu.memory_space<semaphore_mem>>) src(%dma_wait3A_871 : memref<21525x64xf32, #tpu.memory_space<vmem_shared>>) dst(%arg7 : memref<128x64xf32, #tpu.memory_space<vmem>>)
    %add3A_872 = arith.constant 3 : i32
    %add3A_873 = arith.addi %mul3A_2, %add3A_872 : i32
    %dma_start3A_874 = arith.constant 0 : i32
    %dma_start3A_875 = arith.constant 0 : i32
    %dma_start3A_876 = tpu.memref_slice %arg4[%add3A_873, %dma_start3A_874, %dma_start3A_875] : memref<256x1024x64xf32, #tpu.memory_space<hbm>> -> memref<1x128x64xf32, #tpu.memory_space<hbm>>
    %dma_start3A_877 = tpu.memref_squeeze %dma_start3A_876 : memref<1x128x64xf32, #tpu.memory_space<hbm>> -> memref<128x64xf32, #tpu.memory_space<hbm>>
    %dma_start3A_878 = arith.constant 0 : i32
    %dma_start3A_879 = arith.constant 0 : i32
    %dma_start3A_880 = tpu.memref_slice %arg4[%add3A_873, %dma_start3A_878, %dma_start3A_879] : memref<256x1024x64xf32, #tpu.memory_space<hbm>> -> memref<1x128x64xf32, #tpu.memory_space<hbm>>
    %dma_start3A_881 = tpu.memref_squeeze %dma_start3A_880 : memref<1x128x64xf32, #tpu.memory_space<hbm>> -> memref<128x64xf32, #tpu.memory_space<hbm>>
    tpu.enqueue_dma source(%arg7 : memref<128x64xf32, #tpu.memory_space<vmem>>) target(%dma_start3A_881 : memref<128x64xf32, #tpu.memory_space<hbm>>) target_semaphore(%arg15 : memref<!tpu.dma_semaphore, #tpu.memory_space<semaphore_mem>>)
    %dma_wait3A_882 = arith.constant 896 : i32
    %dma_wait3A_883 = arith.constant 0 : i32
    %dma_wait3A_884 = tpu.memref_slice %arg4[%add3A_839, %dma_wait3A_882, %dma_wait3A_883] : memref<256x1024x64xf32, #tpu.memory_space<hbm>> -> memref<1x128x64xf32, #tpu.memory_space<hbm>>
    %dma_wait3A_885 = tpu.memref_squeeze %dma_wait3A_884 : memref<1x128x64xf32, #tpu.memory_space<hbm>> -> memref<128x64xf32, #tpu.memory_space<hbm>>
    %dma_wait3A_886 = arith.constant 896 : i32
    %dma_wait3A_887 = arith.constant 0 : i32
    %dma_wait3A_888 = tpu.memref_slice %arg4[%add3A_839, %dma_wait3A_886, %dma_wait3A_887] : memref<256x1024x64xf32, #tpu.memory_space<hbm>> -> memref<1x128x64xf32, #tpu.memory_space<hbm>>
    %dma_wait3A_889 = tpu.memref_squeeze %dma_wait3A_888 : memref<1x128x64xf32, #tpu.memory_space<hbm>> -> memref<128x64xf32, #tpu.memory_space<hbm>>
    tpu.wait_dma2 semaphore(%arg17 : memref<!tpu.dma_semaphore, #tpu.memory_space<semaphore_mem>>) src(%arg9 : memref<128x64xf32, #tpu.memory_space<vmem>>) dst(%dma_wait3A_889 : memref<128x64xf32, #tpu.memory_space<hbm>>)
    %dma_start3A_890 = arith.constant 3 : i32
    %dma_start3A_891 = arith.constant 2 : i32
    %dma_start3A_892 = arith.constant 0 : i32
    %dma_start3A_893 = tpu.memref_slice %arg6[%dma_start3A_890, %dma_start3A_891, %dma_start3A_892] : memref<8x8x128xi32, #tpu.memory_space<vmem>> -> memref<1x1x128xi32, #tpu.memory_space<vmem>>
    %dma_start3A_894 = tpu.memref_squeeze %dma_start3A_893 : memref<1x1x128xi32, #tpu.memory_space<vmem>> -> memref<128xi32, #tpu.memory_space<vmem>>
    %dma_start3A_895 = arith.constant 0 : i32
    %dma_start3A_896 = arith.constant 0 : i32
    %dma_start3A_897 = tpu.memref_slice %arg10[%dma_start3A_895, %dma_start3A_896] : memref<21525x64xf32, #tpu.memory_space<vmem_shared>> -> memref<21525x64xf32, #tpu.memory_space<vmem_shared>>
    tpu.enqueue_indirect_dma source(%dma_start3A_897 : memref<21525x64xf32, #tpu.memory_space<vmem_shared>>) target(%arg9 : memref<128x64xf32, #tpu.memory_space<vmem>>) offsets(%dma_start3A_894 : memref<128xi32, #tpu.memory_space<vmem>>) semaphore(%arg14 : memref<!tpu.dma_semaphore, #tpu.memory_space<semaphore_mem>>)
    %dma_wait3A_898 = arith.constant 3 : i32
    %dma_wait3A_899 = arith.constant 1 : i32
    %dma_wait3A_900 = arith.constant 0 : i32
    %dma_wait3A_901 = tpu.memref_slice %arg6[%dma_wait3A_898, %dma_wait3A_899, %dma_wait3A_900] : memref<8x8x128xi32, #tpu.memory_space<vmem>> -> memref<1x1x128xi32, #tpu.memory_space<vmem>>
    %dma_wait3A_902 = tpu.memref_squeeze %dma_wait3A_901 : memref<1x1x128xi32, #tpu.memory_space<vmem>> -> memref<128xi32, #tpu.memory_space<vmem>>
    %dma_wait3A_903 = arith.constant 0 : i32
    %dma_wait3A_904 = arith.constant 0 : i32
    %dma_wait3A_905 = tpu.memref_slice %arg10[%dma_wait3A_903, %dma_wait3A_904] : memref<21525x64xf32, #tpu.memory_space<vmem_shared>> -> memref<21525x64xf32, #tpu.memory_space<vmem_shared>>
    tpu.wait_indirect_dma semaphore(%arg13 : memref<!tpu.dma_semaphore, #tpu.memory_space<semaphore_mem>>) src(%dma_wait3A_905 : memref<21525x64xf32, #tpu.memory_space<vmem_shared>>) dst(%arg8 : memref<128x64xf32, #tpu.memory_space<vmem>>)
    %add3A_906 = arith.constant 3 : i32
    %add3A_907 = arith.addi %mul3A_2, %add3A_906 : i32
    %dma_start3A_908 = arith.constant 128 : i32
    %dma_start3A_909 = arith.constant 0 : i32
    %dma_start3A_910 = tpu.memref_slice %arg4[%add3A_907, %dma_start3A_908, %dma_start3A_909] : memref<256x1024x64xf32, #tpu.memory_space<hbm>> -> memref<1x128x64xf32, #tpu.memory_space<hbm>>
    %dma_start3A_911 = tpu.memref_squeeze %dma_start3A_910 : memref<1x128x64xf32, #tpu.memory_space<hbm>> -> memref<128x64xf32, #tpu.memory_space<hbm>>
    %dma_start3A_912 = arith.constant 128 : i32
    %dma_start3A_913 = arith.constant 0 : i32
    %dma_start3A_914 = tpu.memref_slice %arg4[%add3A_907, %dma_start3A_912, %dma_start3A_913] : memref<256x1024x64xf32, #tpu.memory_space<hbm>> -> memref<1x128x64xf32, #tpu.memory_space<hbm>>
    %dma_start3A_915 = tpu.memref_squeeze %dma_start3A_914 : memref<1x128x64xf32, #tpu.memory_space<hbm>> -> memref<128x64xf32, #tpu.memory_space<hbm>>
    tpu.enqueue_dma source(%arg8 : memref<128x64xf32, #tpu.memory_space<vmem>>) target(%dma_start3A_915 : memref<128x64xf32, #tpu.memory_space<hbm>>) target_semaphore(%arg16 : memref<!tpu.dma_semaphore, #tpu.memory_space<semaphore_mem>>)
    %dma_wait3A_916 = arith.constant 0 : i32
    %dma_wait3A_917 = arith.constant 0 : i32
    %dma_wait3A_918 = tpu.memref_slice %arg4[%add3A_873, %dma_wait3A_916, %dma_wait3A_917] : memref<256x1024x64xf32, #tpu.memory_space<hbm>> -> memref<1x128x64xf32, #tpu.memory_space<hbm>>
    %dma_wait3A_919 = tpu.memref_squeeze %dma_wait3A_918 : memref<1x128x64xf32, #tpu.memory_space<hbm>> -> memref<128x64xf32, #tpu.memory_space<hbm>>
    %dma_wait3A_920 = arith.constant 0 : i32
    %dma_wait3A_921 = arith.constant 0 : i32
    %dma_wait3A_922 = tpu.memref_slice %arg4[%add3A_873, %dma_wait3A_920, %dma_wait3A_921] : memref<256x1024x64xf32, #tpu.memory_space<hbm>> -> memref<1x128x64xf32, #tpu.memory_space<hbm>>
    %dma_wait3A_923 = tpu.memref_squeeze %dma_wait3A_922 : memref<1x128x64xf32, #tpu.memory_space<hbm>> -> memref<128x64xf32, #tpu.memory_space<hbm>>
    tpu.wait_dma2 semaphore(%arg15 : memref<!tpu.dma_semaphore, #tpu.memory_space<semaphore_mem>>) src(%arg7 : memref<128x64xf32, #tpu.memory_space<vmem>>) dst(%dma_wait3A_923 : memref<128x64xf32, #tpu.memory_space<hbm>>)
    %dma_start3A_924 = arith.constant 3 : i32
    %dma_start3A_925 = arith.constant 3 : i32
    %dma_start3A_926 = arith.constant 0 : i32
    %dma_start3A_927 = tpu.memref_slice %arg6[%dma_start3A_924, %dma_start3A_925, %dma_start3A_926] : memref<8x8x128xi32, #tpu.memory_space<vmem>> -> memref<1x1x128xi32, #tpu.memory_space<vmem>>
    %dma_start3A_928 = tpu.memref_squeeze %dma_start3A_927 : memref<1x1x128xi32, #tpu.memory_space<vmem>> -> memref<128xi32, #tpu.memory_space<vmem>>
    %dma_start3A_929 = arith.constant 0 : i32
    %dma_start3A_930 = arith.constant 0 : i32
    %dma_start3A_931 = tpu.memref_slice %arg10[%dma_start3A_929, %dma_start3A_930] : memref<21525x64xf32, #tpu.memory_space<vmem_shared>> -> memref<21525x64xf32, #tpu.memory_space<vmem_shared>>
    tpu.enqueue_indirect_dma source(%dma_start3A_931 : memref<21525x64xf32, #tpu.memory_space<vmem_shared>>) target(%arg7 : memref<128x64xf32, #tpu.memory_space<vmem>>) offsets(%dma_start3A_928 : memref<128xi32, #tpu.memory_space<vmem>>) semaphore(%arg12 : memref<!tpu.dma_semaphore, #tpu.memory_space<semaphore_mem>>)
    %dma_wait3A_932 = arith.constant 3 : i32
    %dma_wait3A_933 = arith.constant 2 : i32
    %dma_wait3A_934 = arith.constant 0 : i32
    %dma_wait3A_935 = tpu.memref_slice %arg6[%dma_wait3A_932, %dma_wait3A_933, %dma_wait3A_934] : memref<8x8x128xi32, #tpu.memory_space<vmem>> -> memref<1x1x128xi32, #tpu.memory_space<vmem>>
    %dma_wait3A_936 = tpu.memref_squeeze %dma_wait3A_935 : memref<1x1x128xi32, #tpu.memory_space<vmem>> -> memref<128xi32, #tpu.memory_space<vmem>>
    %dma_wait3A_937 = arith.constant 0 : i32
    %dma_wait3A_938 = arith.constant 0 : i32
    %dma_wait3A_939 = tpu.memref_slice %arg10[%dma_wait3A_937, %dma_wait3A_938] : memref<21525x64xf32, #tpu.memory_space<vmem_shared>> -> memref<21525x64xf32, #tpu.memory_space<vmem_shared>>
    tpu.wait_indirect_dma semaphore(%arg14 : memref<!tpu.dma_semaphore, #tpu.memory_space<semaphore_mem>>) src(%dma_wait3A_939 : memref<21525x64xf32, #tpu.memory_space<vmem_shared>>) dst(%arg9 : memref<128x64xf32, #tpu.memory_space<vmem>>)
    %add3A_940 = arith.constant 3 : i32
    %add3A_941 = arith.addi %mul3A_2, %add3A_940 : i32
    %dma_start3A_942 = arith.constant 256 : i32
    %dma_start3A_943 = arith.constant 0 : i32
    %dma_start3A_944 = tpu.memref_slice %arg4[%add3A_941, %dma_start3A_942, %dma_start3A_943] : memref<256x1024x64xf32, #tpu.memory_space<hbm>> -> memref<1x128x64xf32, #tpu.memory_space<hbm>>
    %dma_start3A_945 = tpu.memref_squeeze %dma_start3A_944 : memref<1x128x64xf32, #tpu.memory_space<hbm>> -> memref<128x64xf32, #tpu.memory_space<hbm>>
    %dma_start3A_946 = arith.constant 256 : i32
    %dma_start3A_947 = arith.constant 0 : i32
    %dma_start3A_948 = tpu.memref_slice %arg4[%add3A_941, %dma_start3A_946, %dma_start3A_947] : memref<256x1024x64xf32, #tpu.memory_space<hbm>> -> memref<1x128x64xf32, #tpu.memory_space<hbm>>
    %dma_start3A_949 = tpu.memref_squeeze %dma_start3A_948 : memref<1x128x64xf32, #tpu.memory_space<hbm>> -> memref<128x64xf32, #tpu.memory_space<hbm>>
    tpu.enqueue_dma source(%arg9 : memref<128x64xf32, #tpu.memory_space<vmem>>) target(%dma_start3A_949 : memref<128x64xf32, #tpu.memory_space<hbm>>) target_semaphore(%arg17 : memref<!tpu.dma_semaphore, #tpu.memory_space<semaphore_mem>>)
    %dma_wait3A_950 = arith.constant 128 : i32
    %dma_wait3A_951 = arith.constant 0 : i32
    %dma_wait3A_952 = tpu.memref_slice %arg4[%add3A_907, %dma_wait3A_950, %dma_wait3A_951] : memref<256x1024x64xf32, #tpu.memory_space<hbm>> -> memref<1x128x64xf32, #tpu.memory_space<hbm>>
    %dma_wait3A_953 = tpu.memref_squeeze %dma_wait3A_952 : memref<1x128x64xf32, #tpu.memory_space<hbm>> -> memref<128x64xf32, #tpu.memory_space<hbm>>
    %dma_wait3A_954 = arith.constant 128 : i32
    %dma_wait3A_955 = arith.constant 0 : i32
    %dma_wait3A_956 = tpu.memref_slice %arg4[%add3A_907, %dma_wait3A_954, %dma_wait3A_955] : memref<256x1024x64xf32, #tpu.memory_space<hbm>> -> memref<1x128x64xf32, #tpu.memory_space<hbm>>
    %dma_wait3A_957 = tpu.memref_squeeze %dma_wait3A_956 : memref<1x128x64xf32, #tpu.memory_space<hbm>> -> memref<128x64xf32, #tpu.memory_space<hbm>>
    tpu.wait_dma2 semaphore(%arg16 : memref<!tpu.dma_semaphore, #tpu.memory_space<semaphore_mem>>) src(%arg8 : memref<128x64xf32, #tpu.memory_space<vmem>>) dst(%dma_wait3A_957 : memref<128x64xf32, #tpu.memory_space<hbm>>)
    %dma_start3A_958 = arith.constant 3 : i32
    %dma_start3A_959 = arith.constant 4 : i32
    %dma_start3A_960 = arith.constant 0 : i32
    %dma_start3A_961 = tpu.memref_slice %arg6[%dma_start3A_958, %dma_start3A_959, %dma_start3A_960] : memref<8x8x128xi32, #tpu.memory_space<vmem>> -> memref<1x1x128xi32, #tpu.memory_space<vmem>>
    %dma_start3A_962 = tpu.memref_squeeze %dma_start3A_961 : memref<1x1x128xi32, #tpu.memory_space<vmem>> -> memref<128xi32, #tpu.memory_space<vmem>>
    %dma_start3A_963 = arith.constant 0 : i32
    %dma_start3A_964 = arith.constant 0 : i32
    %dma_start3A_965 = tpu.memref_slice %arg10[%dma_start3A_963, %dma_start3A_964] : memref<21525x64xf32, #tpu.memory_space<vmem_shared>> -> memref<21525x64xf32, #tpu.memory_space<vmem_shared>>
    tpu.enqueue_indirect_dma source(%dma_start3A_965 : memref<21525x64xf32, #tpu.memory_space<vmem_shared>>) target(%arg8 : memref<128x64xf32, #tpu.memory_space<vmem>>) offsets(%dma_start3A_962 : memref<128xi32, #tpu.memory_space<vmem>>) semaphore(%arg13 : memref<!tpu.dma_semaphore, #tpu.memory_space<semaphore_mem>>)
    %dma_wait3A_966 = arith.constant 3 : i32
    %dma_wait3A_967 = arith.constant 3 : i32
    %dma_wait3A_968 = arith.constant 0 : i32
    %dma_wait3A_969 = tpu.memref_slice %arg6[%dma_wait3A_966, %dma_wait3A_967, %dma_wait3A_968] : memref<8x8x128xi32, #tpu.memory_space<vmem>> -> memref<1x1x128xi32, #tpu.memory_space<vmem>>
    %dma_wait3A_970 = tpu.memref_squeeze %dma_wait3A_969 : memref<1x1x128xi32, #tpu.memory_space<vmem>> -> memref<128xi32, #tpu.memory_space<vmem>>
    %dma_wait3A_971 = arith.constant 0 : i32
    %dma_wait3A_972 = arith.constant 0 : i32
    %dma_wait3A_973 = tpu.memref_slice %arg10[%dma_wait3A_971, %dma_wait3A_972] : memref<21525x64xf32, #tpu.memory_space<vmem_shared>> -> memref<21525x64xf32, #tpu.memory_space<vmem_shared>>
    tpu.wait_indirect_dma semaphore(%arg12 : memref<!tpu.dma_semaphore, #tpu.memory_space<semaphore_mem>>) src(%dma_wait3A_973 : memref<21525x64xf32, #tpu.memory_space<vmem_shared>>) dst(%arg7 : memref<128x64xf32, #tpu.memory_space<vmem>>)
    %add3A_974 = arith.constant 3 : i32
    %add3A_975 = arith.addi %mul3A_2, %add3A_974 : i32
    %dma_start3A_976 = arith.constant 384 : i32
    %dma_start3A_977 = arith.constant 0 : i32
    %dma_start3A_978 = tpu.memref_slice %arg4[%add3A_975, %dma_start3A_976, %dma_start3A_977] : memref<256x1024x64xf32, #tpu.memory_space<hbm>> -> memref<1x128x64xf32, #tpu.memory_space<hbm>>
    %dma_start3A_979 = tpu.memref_squeeze %dma_start3A_978 : memref<1x128x64xf32, #tpu.memory_space<hbm>> -> memref<128x64xf32, #tpu.memory_space<hbm>>
    %dma_start3A_980 = arith.constant 384 : i32
    %dma_start3A_981 = arith.constant 0 : i32
    %dma_start3A_982 = tpu.memref_slice %arg4[%add3A_975, %dma_start3A_980, %dma_start3A_981] : memref<256x1024x64xf32, #tpu.memory_space<hbm>> -> memref<1x128x64xf32, #tpu.memory_space<hbm>>
    %dma_start3A_983 = tpu.memref_squeeze %dma_start3A_982 : memref<1x128x64xf32, #tpu.memory_space<hbm>> -> memref<128x64xf32, #tpu.memory_space<hbm>>
    tpu.enqueue_dma source(%arg7 : memref<128x64xf32, #tpu.memory_space<vmem>>) target(%dma_start3A_983 : memref<128x64xf32, #tpu.memory_space<hbm>>) target_semaphore(%arg15 : memref<!tpu.dma_semaphore, #tpu.memory_space<semaphore_mem>>)
    %dma_wait3A_984 = arith.constant 256 : i32
    %dma_wait3A_985 = arith.constant 0 : i32
    %dma_wait3A_986 = tpu.memref_slice %arg4[%add3A_941, %dma_wait3A_984, %dma_wait3A_985] : memref<256x1024x64xf32, #tpu.memory_space<hbm>> -> memref<1x128x64xf32, #tpu.memory_space<hbm>>
    %dma_wait3A_987 = tpu.memref_squeeze %dma_wait3A_986 : memref<1x128x64xf32, #tpu.memory_space<hbm>> -> memref<128x64xf32, #tpu.memory_space<hbm>>
    %dma_wait3A_988 = arith.constant 256 : i32
    %dma_wait3A_989 = arith.constant 0 : i32
    %dma_wait3A_990 = tpu.memref_slice %arg4[%add3A_941, %dma_wait3A_988, %dma_wait3A_989] : memref<256x1024x64xf32, #tpu.memory_space<hbm>> -> memref<1x128x64xf32, #tpu.memory_space<hbm>>
    %dma_wait3A_991 = tpu.memref_squeeze %dma_wait3A_990 : memref<1x128x64xf32, #tpu.memory_space<hbm>> -> memref<128x64xf32, #tpu.memory_space<hbm>>
    tpu.wait_dma2 semaphore(%arg17 : memref<!tpu.dma_semaphore, #tpu.memory_space<semaphore_mem>>) src(%arg9 : memref<128x64xf32, #tpu.memory_space<vmem>>) dst(%dma_wait3A_991 : memref<128x64xf32, #tpu.memory_space<hbm>>)
    %dma_start3A_992 = arith.constant 3 : i32
    %dma_start3A_993 = arith.constant 5 : i32
    %dma_start3A_994 = arith.constant 0 : i32
    %dma_start3A_995 = tpu.memref_slice %arg6[%dma_start3A_992, %dma_start3A_993, %dma_start3A_994] : memref<8x8x128xi32, #tpu.memory_space<vmem>> -> memref<1x1x128xi32, #tpu.memory_space<vmem>>
    %dma_start3A_996 = tpu.memref_squeeze %dma_start3A_995 : memref<1x1x128xi32, #tpu.memory_space<vmem>> -> memref<128xi32, #tpu.memory_space<vmem>>
    %dma_start3A_997 = arith.constant 0 : i32
    %dma_start3A_998 = arith.constant 0 : i32
    %dma_start3A_999 = tpu.memref_slice %arg10[%dma_start3A_997, %dma_start3A_998] : memref<21525x64xf32, #tpu.memory_space<vmem_shared>> -> memref<21525x64xf32, #tpu.memory_space<vmem_shared>>
    tpu.enqueue_indirect_dma source(%dma_start3A_999 : memref<21525x64xf32, #tpu.memory_space<vmem_shared>>) target(%arg9 : memref<128x64xf32, #tpu.memory_space<vmem>>) offsets(%dma_start3A_996 : memref<128xi32, #tpu.memory_space<vmem>>) semaphore(%arg14 : memref<!tpu.dma_semaphore, #tpu.memory_space<semaphore_mem>>)
    %dma_wait3A_1000 = arith.constant 3 : i32
    %dma_wait3A_1001 = arith.constant 4 : i32
    %dma_wait3A_1002 = arith.constant 0 : i32
    %dma_wait3A_1003 = tpu.memref_slice %arg6[%dma_wait3A_1000, %dma_wait3A_1001, %dma_wait3A_1002] : memref<8x8x128xi32, #tpu.memory_space<vmem>> -> memref<1x1x128xi32, #tpu.memory_space<vmem>>
    %dma_wait3A_1004 = tpu.memref_squeeze %dma_wait3A_1003 : memref<1x1x128xi32, #tpu.memory_space<vmem>> -> memref<128xi32, #tpu.memory_space<vmem>>
    %dma_wait3A_1005 = arith.constant 0 : i32
    %dma_wait3A_1006 = arith.constant 0 : i32
    %dma_wait3A_1007 = tpu.memref_slice %arg10[%dma_wait3A_1005, %dma_wait3A_1006] : memref<21525x64xf32, #tpu.memory_space<vmem_shared>> -> memref<21525x64xf32, #tpu.memory_space<vmem_shared>>
    tpu.wait_indirect_dma semaphore(%arg13 : memref<!tpu.dma_semaphore, #tpu.memory_space<semaphore_mem>>) src(%dma_wait3A_1007 : memref<21525x64xf32, #tpu.memory_space<vmem_shared>>) dst(%arg8 : memref<128x64xf32, #tpu.memory_space<vmem>>)
    %add3A_1008 = arith.constant 3 : i32
    %add3A_1009 = arith.addi %mul3A_2, %add3A_1008 : i32
    %dma_start3A_1010 = arith.constant 512 : i32
    %dma_start3A_1011 = arith.constant 0 : i32
    %dma_start3A_1012 = tpu.memref_slice %arg4[%add3A_1009, %dma_start3A_1010, %dma_start3A_1011] : memref<256x1024x64xf32, #tpu.memory_space<hbm>> -> memref<1x128x64xf32, #tpu.memory_space<hbm>>
    %dma_start3A_1013 = tpu.memref_squeeze %dma_start3A_1012 : memref<1x128x64xf32, #tpu.memory_space<hbm>> -> memref<128x64xf32, #tpu.memory_space<hbm>>
    %dma_start3A_1014 = arith.constant 512 : i32
    %dma_start3A_1015 = arith.constant 0 : i32
    %dma_start3A_1016 = tpu.memref_slice %arg4[%add3A_1009, %dma_start3A_1014, %dma_start3A_1015] : memref<256x1024x64xf32, #tpu.memory_space<hbm>> -> memref<1x128x64xf32, #tpu.memory_space<hbm>>
    %dma_start3A_1017 = tpu.memref_squeeze %dma_start3A_1016 : memref<1x128x64xf32, #tpu.memory_space<hbm>> -> memref<128x64xf32, #tpu.memory_space<hbm>>
    tpu.enqueue_dma source(%arg8 : memref<128x64xf32, #tpu.memory_space<vmem>>) target(%dma_start3A_1017 : memref<128x64xf32, #tpu.memory_space<hbm>>) target_semaphore(%arg16 : memref<!tpu.dma_semaphore, #tpu.memory_space<semaphore_mem>>)
    %dma_wait3A_1018 = arith.constant 384 : i32
    %dma_wait3A_1019 = arith.constant 0 : i32
    %dma_wait3A_1020 = tpu.memref_slice %arg4[%add3A_975, %dma_wait3A_1018, %dma_wait3A_1019] : memref<256x1024x64xf32, #tpu.memory_space<hbm>> -> memref<1x128x64xf32, #tpu.memory_space<hbm>>
    %dma_wait3A_1021 = tpu.memref_squeeze %dma_wait3A_1020 : memref<1x128x64xf32, #tpu.memory_space<hbm>> -> memref<128x64xf32, #tpu.memory_space<hbm>>
    %dma_wait3A_1022 = arith.constant 384 : i32
    %dma_wait3A_1023 = arith.constant 0 : i32
    %dma_wait3A_1024 = tpu.memref_slice %arg4[%add3A_975, %dma_wait3A_1022, %dma_wait3A_1023] : memref<256x1024x64xf32, #tpu.memory_space<hbm>> -> memref<1x128x64xf32, #tpu.memory_space<hbm>>
    %dma_wait3A_1025 = tpu.memref_squeeze %dma_wait3A_1024 : memref<1x128x64xf32, #tpu.memory_space<hbm>> -> memref<128x64xf32, #tpu.memory_space<hbm>>
    tpu.wait_dma2 semaphore(%arg15 : memref<!tpu.dma_semaphore, #tpu.memory_space<semaphore_mem>>) src(%arg7 : memref<128x64xf32, #tpu.memory_space<vmem>>) dst(%dma_wait3A_1025 : memref<128x64xf32, #tpu.memory_space<hbm>>)
    %dma_start3A_1026 = arith.constant 3 : i32
    %dma_start3A_1027 = arith.constant 6 : i32
    %dma_start3A_1028 = arith.constant 0 : i32
    %dma_start3A_1029 = tpu.memref_slice %arg6[%dma_start3A_1026, %dma_start3A_1027, %dma_start3A_1028] : memref<8x8x128xi32, #tpu.memory_space<vmem>> -> memref<1x1x128xi32, #tpu.memory_space<vmem>>
    %dma_start3A_1030 = tpu.memref_squeeze %dma_start3A_1029 : memref<1x1x128xi32, #tpu.memory_space<vmem>> -> memref<128xi32, #tpu.memory_space<vmem>>
    %dma_start3A_1031 = arith.constant 0 : i32
    %dma_start3A_1032 = arith.constant 0 : i32
    %dma_start3A_1033 = tpu.memref_slice %arg10[%dma_start3A_1031, %dma_start3A_1032] : memref<21525x64xf32, #tpu.memory_space<vmem_shared>> -> memref<21525x64xf32, #tpu.memory_space<vmem_shared>>
    tpu.enqueue_indirect_dma source(%dma_start3A_1033 : memref<21525x64xf32, #tpu.memory_space<vmem_shared>>) target(%arg7 : memref<128x64xf32, #tpu.memory_space<vmem>>) offsets(%dma_start3A_1030 : memref<128xi32, #tpu.memory_space<vmem>>) semaphore(%arg12 : memref<!tpu.dma_semaphore, #tpu.memory_space<semaphore_mem>>)
    %dma_wait3A_1034 = arith.constant 3 : i32
    %dma_wait3A_1035 = arith.constant 5 : i32
    %dma_wait3A_1036 = arith.constant 0 : i32
    %dma_wait3A_1037 = tpu.memref_slice %arg6[%dma_wait3A_1034, %dma_wait3A_1035, %dma_wait3A_1036] : memref<8x8x128xi32, #tpu.memory_space<vmem>> -> memref<1x1x128xi32, #tpu.memory_space<vmem>>
    %dma_wait3A_1038 = tpu.memref_squeeze %dma_wait3A_1037 : memref<1x1x128xi32, #tpu.memory_space<vmem>> -> memref<128xi32, #tpu.memory_space<vmem>>
    %dma_wait3A_1039 = arith.constant 0 : i32
    %dma_wait3A_1040 = arith.constant 0 : i32
    %dma_wait3A_1041 = tpu.memref_slice %arg10[%dma_wait3A_1039, %dma_wait3A_1040] : memref<21525x64xf32, #tpu.memory_space<vmem_shared>> -> memref<21525x64xf32, #tpu.memory_space<vmem_shared>>
    tpu.wait_indirect_dma semaphore(%arg14 : memref<!tpu.dma_semaphore, #tpu.memory_space<semaphore_mem>>) src(%dma_wait3A_1041 : memref<21525x64xf32, #tpu.memory_space<vmem_shared>>) dst(%arg9 : memref<128x64xf32, #tpu.memory_space<vmem>>)
    %add3A_1042 = arith.constant 3 : i32
    %add3A_1043 = arith.addi %mul3A_2, %add3A_1042 : i32
    %dma_start3A_1044 = arith.constant 640 : i32
    %dma_start3A_1045 = arith.constant 0 : i32
    %dma_start3A_1046 = tpu.memref_slice %arg4[%add3A_1043, %dma_start3A_1044, %dma_start3A_1045] : memref<256x1024x64xf32, #tpu.memory_space<hbm>> -> memref<1x128x64xf32, #tpu.memory_space<hbm>>
    %dma_start3A_1047 = tpu.memref_squeeze %dma_start3A_1046 : memref<1x128x64xf32, #tpu.memory_space<hbm>> -> memref<128x64xf32, #tpu.memory_space<hbm>>
    %dma_start3A_1048 = arith.constant 640 : i32
    %dma_start3A_1049 = arith.constant 0 : i32
    %dma_start3A_1050 = tpu.memref_slice %arg4[%add3A_1043, %dma_start3A_1048, %dma_start3A_1049] : memref<256x1024x64xf32, #tpu.memory_space<hbm>> -> memref<1x128x64xf32, #tpu.memory_space<hbm>>
    %dma_start3A_1051 = tpu.memref_squeeze %dma_start3A_1050 : memref<1x128x64xf32, #tpu.memory_space<hbm>> -> memref<128x64xf32, #tpu.memory_space<hbm>>
    tpu.enqueue_dma source(%arg9 : memref<128x64xf32, #tpu.memory_space<vmem>>) target(%dma_start3A_1051 : memref<128x64xf32, #tpu.memory_space<hbm>>) target_semaphore(%arg17 : memref<!tpu.dma_semaphore, #tpu.memory_space<semaphore_mem>>)
    %dma_wait3A_1052 = arith.constant 512 : i32
    %dma_wait3A_1053 = arith.constant 0 : i32
    %dma_wait3A_1054 = tpu.memref_slice %arg4[%add3A_1009, %dma_wait3A_1052, %dma_wait3A_1053] : memref<256x1024x64xf32, #tpu.memory_space<hbm>> -> memref<1x128x64xf32, #tpu.memory_space<hbm>>
    %dma_wait3A_1055 = tpu.memref_squeeze %dma_wait3A_1054 : memref<1x128x64xf32, #tpu.memory_space<hbm>> -> memref<128x64xf32, #tpu.memory_space<hbm>>
    %dma_wait3A_1056 = arith.constant 512 : i32
    %dma_wait3A_1057 = arith.constant 0 : i32
    %dma_wait3A_1058 = tpu.memref_slice %arg4[%add3A_1009, %dma_wait3A_1056, %dma_wait3A_1057] : memref<256x1024x64xf32, #tpu.memory_space<hbm>> -> memref<1x128x64xf32, #tpu.memory_space<hbm>>
    %dma_wait3A_1059 = tpu.memref_squeeze %dma_wait3A_1058 : memref<1x128x64xf32, #tpu.memory_space<hbm>> -> memref<128x64xf32, #tpu.memory_space<hbm>>
    tpu.wait_dma2 semaphore(%arg16 : memref<!tpu.dma_semaphore, #tpu.memory_space<semaphore_mem>>) src(%arg8 : memref<128x64xf32, #tpu.memory_space<vmem>>) dst(%dma_wait3A_1059 : memref<128x64xf32, #tpu.memory_space<hbm>>)
    %dma_start3A_1060 = arith.constant 3 : i32
    %dma_start3A_1061 = arith.constant 7 : i32
    %dma_start3A_1062 = arith.constant 0 : i32
    %dma_start3A_1063 = tpu.memref_slice %arg6[%dma_start3A_1060, %dma_start3A_1061, %dma_start3A_1062] : memref<8x8x128xi32, #tpu.memory_space<vmem>> -> memref<1x1x128xi32, #tpu.memory_space<vmem>>
    %dma_start3A_1064 = tpu.memref_squeeze %dma_start3A_1063 : memref<1x1x128xi32, #tpu.memory_space<vmem>> -> memref<128xi32, #tpu.memory_space<vmem>>
    %dma_start3A_1065 = arith.constant 0 : i32
    %dma_start3A_1066 = arith.constant 0 : i32
    %dma_start3A_1067 = tpu.memref_slice %arg10[%dma_start3A_1065, %dma_start3A_1066] : memref<21525x64xf32, #tpu.memory_space<vmem_shared>> -> memref<21525x64xf32, #tpu.memory_space<vmem_shared>>
    tpu.enqueue_indirect_dma source(%dma_start3A_1067 : memref<21525x64xf32, #tpu.memory_space<vmem_shared>>) target(%arg8 : memref<128x64xf32, #tpu.memory_space<vmem>>) offsets(%dma_start3A_1064 : memref<128xi32, #tpu.memory_space<vmem>>) semaphore(%arg13 : memref<!tpu.dma_semaphore, #tpu.memory_space<semaphore_mem>>)
    %scan3A_1068 = arith.constant 0 : i32
    %scan3A_1069 = arith.constant 0 : i32
    %scan3A_1070 = arith.constant 64 : i32
    %scan3A_1071 = arith.addi %scan3A_1069, %scan3A_1070 : i32
    %scan3A_1072 = arith.constant 1 : i32
    %scan3A_1073 = scf.for %scan3A_2236 = %scan3A_1069 to %scan3A_1071 step %scan3A_1072 iter_args(%scan3A_2237 = %scan3A_1068) -> (i32)  : i32 {
      %mul3A_2238 = arith.constant 16 : i32
      %mul3A_2239 = arith.muli %scan3A_2236, %mul3A_2238 : i32
      %get3A = arith.constant 4 : i32
      %get3A_2240 = arith.index_cast %get3A : i32 to index
      %get3A_2241 = arith.index_cast %mul3A_2239 : i32 to index
      %get3A_2242 = tpu.vector_load %arg5[%get3A_2240, %get3A_2241] {strides = array<i32>} : memref<8x1024xi32, #tpu.memory_space<vmem>>, vector<16xi32>,
      %min3A = arith.constant 1 : i32
      %min3A_2243 = vector.broadcast %min3A : i32 to vector<16xi32>
      %min3A_2244 = arith.minsi %get3A_2242, %min3A_2243 : vector<16xi32>
      %broadcast_in_dim3A = arith.constant true
      %broadcast_in_dim3A_2245 = vector.broadcast %broadcast_in_dim3A : i1 to vector<16xi1>
      %masked_cumsum3A = tpu.scan <sum>, %min3A_2244 masked %broadcast_in_dim3A_2245 : vector<16xi32>, vector<16xi1> -> vector<16xi32>
      %mul3A_2246 = arith.constant 1025 : i32
      %mul3A_2247 = vector.broadcast %mul3A_2246 : i32 to vector<16xi32>
      %mul3A_2248 = arith.muli %get3A_2242, %mul3A_2247 : vector<16xi32>
      %add3A_2249 = vector.broadcast %scan3A_2237 : i32 to vector<16xi32>
      %add3A_2250 = arith.addi %masked_cumsum3A, %add3A_2249 : vector<16xi32>
      %mul3A_2251 = arith.muli %add3A_2250, %min3A_2244 : vector<16xi32>
      %add3A_2252 = arith.addi %mul3A_2248, %mul3A_2251 : vector<16xi32>
      %jit3A = arith.constant 8 : i32
      %div3A = arith.divsi %scan3A_2236, %jit3A : i32
      %sign3A = arith.constant 0 : i32
      %sign3A_2253 = arith.cmpi sgt, %scan3A_2236, %sign3A : i32
      %sign3A_2254 = arith.extui %sign3A_2253 : i1 to i32
      %sign3A_2255 = arith.constant 0 : i32
      %sign3A_2256 = arith.cmpi slt, %scan3A_2236, %sign3A_2255 : i32
      %sign3A_2257 = arith.extui %sign3A_2256 : i1 to i32
      %sign3A_2258 = arith.subi %sign3A_2254, %sign3A_2257 : i32
      %sign3A_2259 = arith.constant 0 : i32
      %sign3A_2260 = arith.cmpi sgt, %jit3A, %sign3A_2259 : i32
      %sign3A_2261 = arith.extui %sign3A_2260 : i1 to i32
      %sign3A_2262 = arith.constant 0 : i32
      %sign3A_2263 = arith.cmpi slt, %jit3A, %sign3A_2262 : i32
      %sign3A_2264 = arith.extui %sign3A_2263 : i1 to i32
      %sign3A_2265 = arith.subi %sign3A_2261, %sign3A_2264 : i32
      %ne3A = arith.cmpi ne, %sign3A_2258, %sign3A_2265 : i32
      %rem3A = arith.remsi %scan3A_2236, %jit3A : i32
      %ne3A_2266 = arith.constant 0 : i32
      %ne3A_2267 = arith.cmpi ne, %rem3A, %ne3A_2266 : i32
      %and3A = arith.andi %ne3A, %ne3A_2267 : i1
      %sub3A = arith.constant 1 : i32
      %sub3A_2268 = arith.subi %div3A, %sub3A : i32
      %select_n3A = arith.select %and3A, %sub3A_2268, %div3A : i32
      %jit3A_2269 = arith.constant 8 : i32
      %eq3A_2270 = arith.constant 0 : i32
      %eq3A_2271 = arith.cmpi eq, %jit3A_2269, %eq3A_2270 : i32
      %jit3A_2272 = arith.constant 1 : i32
      %select_n3A_2273 = arith.select %eq3A_2271, %jit3A_2272, %jit3A_2269 : i32
      %rem3A_2274 = arith.remsi %scan3A_2236, %select_n3A_2273 : i32
      %ne3A_2275 = arith.constant 0 : i32
      %ne3A_2276 = arith.cmpi ne, %rem3A_2274, %ne3A_2275 : i32
      %lt3A = arith.constant 0 : i32
      %lt3A_2277 = arith.cmpi slt, %rem3A_2274, %lt3A : i32
      %lt3A_2278 = arith.constant 0 : i32
      %lt3A_2279 = arith.cmpi slt, %select_n3A_2273, %lt3A_2278 : i32
      %ne3A_2280 = arith.xori %lt3A_2277, %lt3A_2279 : i1
      %and3A_2281 = arith.andi %ne3A_2280, %ne3A_2276 : i1
      %add3A_2282 = arith.addi %rem3A_2274, %select_n3A_2273 : i32
      %select_n3A_2283 = arith.select %and3A_2281, %add3A_2282, %rem3A_2274 : i32
      %mul3A_2284 = arith.constant 16 : i32
      %mul3A_2285 = arith.muli %select_n3A_2283, %mul3A_2284 : i32
      %swap3A = arith.constant 4 : i32
      %swap3A_2286 = arith.index_cast %swap3A : i32 to index
      %swap3A_2287 = arith.index_cast %select_n3A : i32 to index
      %swap3A_2288 = arith.index_cast %mul3A_2285 : i32 to index
      %swap3A_2289 = tpu.vector_load %arg6[%swap3A_2286, %swap3A_2287, %swap3A_2288] {strides = array<i32>} : memref<8x8x128xi32, #tpu.memory_space<vmem>>, vector<16xi32>,
      tpu.vector_store %arg6[%swap3A_2286, %swap3A_2287, %swap3A_2288], %add3A_2252 {strides = array<i32>} : memref<8x8x128xi32, #tpu.memory_space<vmem>>, vector<16xi32>,
      %reduce_sum3A = arith.constant true
      %reduce_sum3A_2290 = vector.broadcast %reduce_sum3A : i1 to vector<16xi1>
      %reduce_sum3A_2291 = tpu.scan <sum>, %min3A_2244 masked %reduce_sum3A_2290 : vector<16xi32>, vector<16xi1> -> vector<16xi32>
      %reduce_sum3A_2292 = vector.extract %reduce_sum3A_2291[15] : i32 from vector<16xi32>
      %add3A_2293 = arith.addi %scan3A_2237, %reduce_sum3A_2292 : i32
      scf.yield %add3A_2293 : i32
    }
    %scan3A_1074 = arith.constant 64 : i32
    %dma_wait3A_1075 = arith.constant 3 : i32
    %dma_wait3A_1076 = arith.constant 6 : i32
    %dma_wait3A_1077 = arith.constant 0 : i32
    %dma_wait3A_1078 = tpu.memref_slice %arg6[%dma_wait3A_1075, %dma_wait3A_1076, %dma_wait3A_1077] : memref<8x8x128xi32, #tpu.memory_space<vmem>> -> memref<1x1x128xi32, #tpu.memory_space<vmem>>
    %dma_wait3A_1079 = tpu.memref_squeeze %dma_wait3A_1078 : memref<1x1x128xi32, #tpu.memory_space<vmem>> -> memref<128xi32, #tpu.memory_space<vmem>>
    %dma_wait3A_1080 = arith.constant 0 : i32
    %dma_wait3A_1081 = arith.constant 0 : i32
    %dma_wait3A_1082 = tpu.memref_slice %arg10[%dma_wait3A_1080, %dma_wait3A_1081] : memref<21525x64xf32, #tpu.memory_space<vmem_shared>> -> memref<21525x64xf32, #tpu.memory_space<vmem_shared>>
    tpu.wait_indirect_dma semaphore(%arg12 : memref<!tpu.dma_semaphore, #tpu.memory_space<semaphore_mem>>) src(%dma_wait3A_1082 : memref<21525x64xf32, #tpu.memory_space<vmem_shared>>) dst(%arg7 : memref<128x64xf32, #tpu.memory_space<vmem>>)
    %add3A_1083 = arith.constant 3 : i32
    %add3A_1084 = arith.addi %mul3A_2, %add3A_1083 : i32
    %dma_start3A_1085 = arith.constant 768 : i32
    %dma_start3A_1086 = arith.constant 0 : i32
    %dma_start3A_1087 = tpu.memref_slice %arg4[%add3A_1084, %dma_start3A_1085, %dma_start3A_1086] : memref<256x1024x64xf32, #tpu.memory_space<hbm>> -> memref<1x128x64xf32, #tpu.memory_space<hbm>>
    %dma_start3A_1088 = tpu.memref_squeeze %dma_start3A_1087 : memref<1x128x64xf32, #tpu.memory_space<hbm>> -> memref<128x64xf32, #tpu.memory_space<hbm>>
    %dma_start3A_1089 = arith.constant 768 : i32
    %dma_start3A_1090 = arith.constant 0 : i32
    %dma_start3A_1091 = tpu.memref_slice %arg4[%add3A_1084, %dma_start3A_1089, %dma_start3A_1090] : memref<256x1024x64xf32, #tpu.memory_space<hbm>> -> memref<1x128x64xf32, #tpu.memory_space<hbm>>
    %dma_start3A_1092 = tpu.memref_squeeze %dma_start3A_1091 : memref<1x128x64xf32, #tpu.memory_space<hbm>> -> memref<128x64xf32, #tpu.memory_space<hbm>>
    tpu.enqueue_dma source(%arg7 : memref<128x64xf32, #tpu.memory_space<vmem>>) target(%dma_start3A_1092 : memref<128x64xf32, #tpu.memory_space<hbm>>) target_semaphore(%arg15 : memref<!tpu.dma_semaphore, #tpu.memory_space<semaphore_mem>>)
    %dma_wait3A_1093 = arith.constant 640 : i32
    %dma_wait3A_1094 = arith.constant 0 : i32
    %dma_wait3A_1095 = tpu.memref_slice %arg4[%add3A_1043, %dma_wait3A_1093, %dma_wait3A_1094] : memref<256x1024x64xf32, #tpu.memory_space<hbm>> -> memref<1x128x64xf32, #tpu.memory_space<hbm>>
    %dma_wait3A_1096 = tpu.memref_squeeze %dma_wait3A_1095 : memref<1x128x64xf32, #tpu.memory_space<hbm>> -> memref<128x64xf32, #tpu.memory_space<hbm>>
    %dma_wait3A_1097 = arith.constant 640 : i32
    %dma_wait3A_1098 = arith.constant 0 : i32
    %dma_wait3A_1099 = tpu.memref_slice %arg4[%add3A_1043, %dma_wait3A_1097, %dma_wait3A_1098] : memref<256x1024x64xf32, #tpu.memory_space<hbm>> -> memref<1x128x64xf32, #tpu.memory_space<hbm>>
    %dma_wait3A_1100 = tpu.memref_squeeze %dma_wait3A_1099 : memref<1x128x64xf32, #tpu.memory_space<hbm>> -> memref<128x64xf32, #tpu.memory_space<hbm>>
    tpu.wait_dma2 semaphore(%arg17 : memref<!tpu.dma_semaphore, #tpu.memory_space<semaphore_mem>>) src(%arg9 : memref<128x64xf32, #tpu.memory_space<vmem>>) dst(%dma_wait3A_1100 : memref<128x64xf32, #tpu.memory_space<hbm>>)
    %dma_start3A_1101 = arith.constant 4 : i32
    %dma_start3A_1102 = arith.constant 0 : i32
    %dma_start3A_1103 = arith.constant 0 : i32
    %dma_start3A_1104 = tpu.memref_slice %arg6[%dma_start3A_1101, %dma_start3A_1102, %dma_start3A_1103] : memref<8x8x128xi32, #tpu.memory_space<vmem>> -> memref<1x1x128xi32, #tpu.memory_space<vmem>>
    %dma_start3A_1105 = tpu.memref_squeeze %dma_start3A_1104 : memref<1x1x128xi32, #tpu.memory_space<vmem>> -> memref<128xi32, #tpu.memory_space<vmem>>
    %dma_start3A_1106 = arith.constant 0 : i32
    %dma_start3A_1107 = arith.constant 0 : i32
    %dma_start3A_1108 = tpu.memref_slice %arg10[%dma_start3A_1106, %dma_start3A_1107] : memref<21525x64xf32, #tpu.memory_space<vmem_shared>> -> memref<21525x64xf32, #tpu.memory_space<vmem_shared>>
    tpu.enqueue_indirect_dma source(%dma_start3A_1108 : memref<21525x64xf32, #tpu.memory_space<vmem_shared>>) target(%arg9 : memref<128x64xf32, #tpu.memory_space<vmem>>) offsets(%dma_start3A_1105 : memref<128xi32, #tpu.memory_space<vmem>>) semaphore(%arg14 : memref<!tpu.dma_semaphore, #tpu.memory_space<semaphore_mem>>)
    %dma_wait3A_1109 = arith.constant 3 : i32
    %dma_wait3A_1110 = arith.constant 7 : i32
    %dma_wait3A_1111 = arith.constant 0 : i32
    %dma_wait3A_1112 = tpu.memref_slice %arg6[%dma_wait3A_1109, %dma_wait3A_1110, %dma_wait3A_1111] : memref<8x8x128xi32, #tpu.memory_space<vmem>> -> memref<1x1x128xi32, #tpu.memory_space<vmem>>
    %dma_wait3A_1113 = tpu.memref_squeeze %dma_wait3A_1112 : memref<1x1x128xi32, #tpu.memory_space<vmem>> -> memref<128xi32, #tpu.memory_space<vmem>>
    %dma_wait3A_1114 = arith.constant 0 : i32
    %dma_wait3A_1115 = arith.constant 0 : i32
    %dma_wait3A_1116 = tpu.memref_slice %arg10[%dma_wait3A_1114, %dma_wait3A_1115] : memref<21525x64xf32, #tpu.memory_space<vmem_shared>> -> memref<21525x64xf32, #tpu.memory_space<vmem_shared>>
    tpu.wait_indirect_dma semaphore(%arg13 : memref<!tpu.dma_semaphore, #tpu.memory_space<semaphore_mem>>) src(%dma_wait3A_1116 : memref<21525x64xf32, #tpu.memory_space<vmem_shared>>) dst(%arg8 : memref<128x64xf32, #tpu.memory_space<vmem>>)
    %add3A_1117 = arith.constant 3 : i32
    %add3A_1118 = arith.addi %mul3A_2, %add3A_1117 : i32
    %dma_start3A_1119 = arith.constant 896 : i32
    %dma_start3A_1120 = arith.constant 0 : i32
    %dma_start3A_1121 = tpu.memref_slice %arg4[%add3A_1118, %dma_start3A_1119, %dma_start3A_1120] : memref<256x1024x64xf32, #tpu.memory_space<hbm>> -> memref<1x128x64xf32, #tpu.memory_space<hbm>>
    %dma_start3A_1122 = tpu.memref_squeeze %dma_start3A_1121 : memref<1x128x64xf32, #tpu.memory_space<hbm>> -> memref<128x64xf32, #tpu.memory_space<hbm>>
    %dma_start3A_1123 = arith.constant 896 : i32
    %dma_start3A_1124 = arith.constant 0 : i32
    %dma_start3A_1125 = tpu.memref_slice %arg4[%add3A_1118, %dma_start3A_1123, %dma_start3A_1124] : memref<256x1024x64xf32, #tpu.memory_space<hbm>> -> memref<1x128x64xf32, #tpu.memory_space<hbm>>
    %dma_start3A_1126 = tpu.memref_squeeze %dma_start3A_1125 : memref<1x128x64xf32, #tpu.memory_space<hbm>> -> memref<128x64xf32, #tpu.memory_space<hbm>>
    tpu.enqueue_dma source(%arg8 : memref<128x64xf32, #tpu.memory_space<vmem>>) target(%dma_start3A_1126 : memref<128x64xf32, #tpu.memory_space<hbm>>) target_semaphore(%arg16 : memref<!tpu.dma_semaphore, #tpu.memory_space<semaphore_mem>>)
    %dma_wait3A_1127 = arith.constant 768 : i32
    %dma_wait3A_1128 = arith.constant 0 : i32
    %dma_wait3A_1129 = tpu.memref_slice %arg4[%add3A_1084, %dma_wait3A_1127, %dma_wait3A_1128] : memref<256x1024x64xf32, #tpu.memory_space<hbm>> -> memref<1x128x64xf32, #tpu.memory_space<hbm>>
    %dma_wait3A_1130 = tpu.memref_squeeze %dma_wait3A_1129 : memref<1x128x64xf32, #tpu.memory_space<hbm>> -> memref<128x64xf32, #tpu.memory_space<hbm>>
    %dma_wait3A_1131 = arith.constant 768 : i32
    %dma_wait3A_1132 = arith.constant 0 : i32
    %dma_wait3A_1133 = tpu.memref_slice %arg4[%add3A_1084, %dma_wait3A_1131, %dma_wait3A_1132] : memref<256x1024x64xf32, #tpu.memory_space<hbm>> -> memref<1x128x64xf32, #tpu.memory_space<hbm>>
    %dma_wait3A_1134 = tpu.memref_squeeze %dma_wait3A_1133 : memref<1x128x64xf32, #tpu.memory_space<hbm>> -> memref<128x64xf32, #tpu.memory_space<hbm>>
    tpu.wait_dma2 semaphore(%arg15 : memref<!tpu.dma_semaphore, #tpu.memory_space<semaphore_mem>>) src(%arg7 : memref<128x64xf32, #tpu.memory_space<vmem>>) dst(%dma_wait3A_1134 : memref<128x64xf32, #tpu.memory_space<hbm>>)
    %dma_start3A_1135 = arith.constant 4 : i32
    %dma_start3A_1136 = arith.constant 1 : i32
    %dma_start3A_1137 = arith.constant 0 : i32
    %dma_start3A_1138 = tpu.memref_slice %arg6[%dma_start3A_1135, %dma_start3A_1136, %dma_start3A_1137] : memref<8x8x128xi32, #tpu.memory_space<vmem>> -> memref<1x1x128xi32, #tpu.memory_space<vmem>>
    %dma_start3A_1139 = tpu.memref_squeeze %dma_start3A_1138 : memref<1x1x128xi32, #tpu.memory_space<vmem>> -> memref<128xi32, #tpu.memory_space<vmem>>
    %dma_start3A_1140 = arith.constant 0 : i32
    %dma_start3A_1141 = arith.constant 0 : i32
    %dma_start3A_1142 = tpu.memref_slice %arg10[%dma_start3A_1140, %dma_start3A_1141] : memref<21525x64xf32, #tpu.memory_space<vmem_shared>> -> memref<21525x64xf32, #tpu.memory_space<vmem_shared>>
    tpu.enqueue_indirect_dma source(%dma_start3A_1142 : memref<21525x64xf32, #tpu.memory_space<vmem_shared>>) target(%arg7 : memref<128x64xf32, #tpu.memory_space<vmem>>) offsets(%dma_start3A_1139 : memref<128xi32, #tpu.memory_space<vmem>>) semaphore(%arg12 : memref<!tpu.dma_semaphore, #tpu.memory_space<semaphore_mem>>)
    %dma_wait3A_1143 = arith.constant 4 : i32
    %dma_wait3A_1144 = arith.constant 0 : i32
    %dma_wait3A_1145 = arith.constant 0 : i32
    %dma_wait3A_1146 = tpu.memref_slice %arg6[%dma_wait3A_1143, %dma_wait3A_1144, %dma_wait3A_1145] : memref<8x8x128xi32, #tpu.memory_space<vmem>> -> memref<1x1x128xi32, #tpu.memory_space<vmem>>
    %dma_wait3A_1147 = tpu.memref_squeeze %dma_wait3A_1146 : memref<1x1x128xi32, #tpu.memory_space<vmem>> -> memref<128xi32, #tpu.memory_space<vmem>>
    %dma_wait3A_1148 = arith.constant 0 : i32
    %dma_wait3A_1149 = arith.constant 0 : i32
    %dma_wait3A_1150 = tpu.memref_slice %arg10[%dma_wait3A_1148, %dma_wait3A_1149] : memref<21525x64xf32, #tpu.memory_space<vmem_shared>> -> memref<21525x64xf32, #tpu.memory_space<vmem_shared>>
    tpu.wait_indirect_dma semaphore(%arg14 : memref<!tpu.dma_semaphore, #tpu.memory_space<semaphore_mem>>) src(%dma_wait3A_1150 : memref<21525x64xf32, #tpu.memory_space<vmem_shared>>) dst(%arg9 : memref<128x64xf32, #tpu.memory_space<vmem>>)
    %add3A_1151 = arith.constant 4 : i32
    %add3A_1152 = arith.addi %mul3A_2, %add3A_1151 : i32
    %dma_start3A_1153 = arith.constant 0 : i32
    %dma_start3A_1154 = arith.constant 0 : i32
    %dma_start3A_1155 = tpu.memref_slice %arg4[%add3A_1152, %dma_start3A_1153, %dma_start3A_1154] : memref<256x1024x64xf32, #tpu.memory_space<hbm>> -> memref<1x128x64xf32, #tpu.memory_space<hbm>>
    %dma_start3A_1156 = tpu.memref_squeeze %dma_start3A_1155 : memref<1x128x64xf32, #tpu.memory_space<hbm>> -> memref<128x64xf32, #tpu.memory_space<hbm>>
    %dma_start3A_1157 = arith.constant 0 : i32
    %dma_start3A_1158 = arith.constant 0 : i32
    %dma_start3A_1159 = tpu.memref_slice %arg4[%add3A_1152, %dma_start3A_1157, %dma_start3A_1158] : memref<256x1024x64xf32, #tpu.memory_space<hbm>> -> memref<1x128x64xf32, #tpu.memory_space<hbm>>
    %dma_start3A_1160 = tpu.memref_squeeze %dma_start3A_1159 : memref<1x128x64xf32, #tpu.memory_space<hbm>> -> memref<128x64xf32, #tpu.memory_space<hbm>>
    tpu.enqueue_dma source(%arg9 : memref<128x64xf32, #tpu.memory_space<vmem>>) target(%dma_start3A_1160 : memref<128x64xf32, #tpu.memory_space<hbm>>) target_semaphore(%arg17 : memref<!tpu.dma_semaphore, #tpu.memory_space<semaphore_mem>>)
    %dma_wait3A_1161 = arith.constant 896 : i32
    %dma_wait3A_1162 = arith.constant 0 : i32
    %dma_wait3A_1163 = tpu.memref_slice %arg4[%add3A_1118, %dma_wait3A_1161, %dma_wait3A_1162] : memref<256x1024x64xf32, #tpu.memory_space<hbm>> -> memref<1x128x64xf32, #tpu.memory_space<hbm>>
    %dma_wait3A_1164 = tpu.memref_squeeze %dma_wait3A_1163 : memref<1x128x64xf32, #tpu.memory_space<hbm>> -> memref<128x64xf32, #tpu.memory_space<hbm>>
    %dma_wait3A_1165 = arith.constant 896 : i32
    %dma_wait3A_1166 = arith.constant 0 : i32
    %dma_wait3A_1167 = tpu.memref_slice %arg4[%add3A_1118, %dma_wait3A_1165, %dma_wait3A_1166] : memref<256x1024x64xf32, #tpu.memory_space<hbm>> -> memref<1x128x64xf32, #tpu.memory_space<hbm>>
    %dma_wait3A_1168 = tpu.memref_squeeze %dma_wait3A_1167 : memref<1x128x64xf32, #tpu.memory_space<hbm>> -> memref<128x64xf32, #tpu.memory_space<hbm>>
    tpu.wait_dma2 semaphore(%arg16 : memref<!tpu.dma_semaphore, #tpu.memory_space<semaphore_mem>>) src(%arg8 : memref<128x64xf32, #tpu.memory_space<vmem>>) dst(%dma_wait3A_1168 : memref<128x64xf32, #tpu.memory_space<hbm>>)
    %dma_start3A_1169 = arith.constant 4 : i32
    %dma_start3A_1170 = arith.constant 2 : i32
    %dma_start3A_1171 = arith.constant 0 : i32
    %dma_start3A_1172 = tpu.memref_slice %arg6[%dma_start3A_1169, %dma_start3A_1170, %dma_start3A_1171] : memref<8x8x128xi32, #tpu.memory_space<vmem>> -> memref<1x1x128xi32, #tpu.memory_space<vmem>>
    %dma_start3A_1173 = tpu.memref_squeeze %dma_start3A_1172 : memref<1x1x128xi32, #tpu.memory_space<vmem>> -> memref<128xi32, #tpu.memory_space<vmem>>
    %dma_start3A_1174 = arith.constant 0 : i32
    %dma_start3A_1175 = arith.constant 0 : i32
    %dma_start3A_1176 = tpu.memref_slice %arg10[%dma_start3A_1174, %dma_start3A_1175] : memref<21525x64xf32, #tpu.memory_space<vmem_shared>> -> memref<21525x64xf32, #tpu.memory_space<vmem_shared>>
    tpu.enqueue_indirect_dma source(%dma_start3A_1176 : memref<21525x64xf32, #tpu.memory_space<vmem_shared>>) target(%arg8 : memref<128x64xf32, #tpu.memory_space<vmem>>) offsets(%dma_start3A_1173 : memref<128xi32, #tpu.memory_space<vmem>>) semaphore(%arg13 : memref<!tpu.dma_semaphore, #tpu.memory_space<semaphore_mem>>)
    %dma_wait3A_1177 = arith.constant 4 : i32
    %dma_wait3A_1178 = arith.constant 1 : i32
    %dma_wait3A_1179 = arith.constant 0 : i32
    %dma_wait3A_1180 = tpu.memref_slice %arg6[%dma_wait3A_1177, %dma_wait3A_1178, %dma_wait3A_1179] : memref<8x8x128xi32, #tpu.memory_space<vmem>> -> memref<1x1x128xi32, #tpu.memory_space<vmem>>
    %dma_wait3A_1181 = tpu.memref_squeeze %dma_wait3A_1180 : memref<1x1x128xi32, #tpu.memory_space<vmem>> -> memref<128xi32, #tpu.memory_space<vmem>>
    %dma_wait3A_1182 = arith.constant 0 : i32
    %dma_wait3A_1183 = arith.constant 0 : i32
    %dma_wait3A_1184 = tpu.memref_slice %arg10[%dma_wait3A_1182, %dma_wait3A_1183] : memref<21525x64xf32, #tpu.memory_space<vmem_shared>> -> memref<21525x64xf32, #tpu.memory_space<vmem_shared>>
    tpu.wait_indirect_dma semaphore(%arg12 : memref<!tpu.dma_semaphore, #tpu.memory_space<semaphore_mem>>) src(%dma_wait3A_1184 : memref<21525x64xf32, #tpu.memory_space<vmem_shared>>) dst(%arg7 : memref<128x64xf32, #tpu.memory_space<vmem>>)
    %add3A_1185 = arith.constant 4 : i32
    %add3A_1186 = arith.addi %mul3A_2, %add3A_1185 : i32
    %dma_start3A_1187 = arith.constant 128 : i32
    %dma_start3A_1188 = arith.constant 0 : i32
    %dma_start3A_1189 = tpu.memref_slice %arg4[%add3A_1186, %dma_start3A_1187, %dma_start3A_1188] : memref<256x1024x64xf32, #tpu.memory_space<hbm>> -> memref<1x128x64xf32, #tpu.memory_space<hbm>>
    %dma_start3A_1190 = tpu.memref_squeeze %dma_start3A_1189 : memref<1x128x64xf32, #tpu.memory_space<hbm>> -> memref<128x64xf32, #tpu.memory_space<hbm>>
    %dma_start3A_1191 = arith.constant 128 : i32
    %dma_start3A_1192 = arith.constant 0 : i32
    %dma_start3A_1193 = tpu.memref_slice %arg4[%add3A_1186, %dma_start3A_1191, %dma_start3A_1192] : memref<256x1024x64xf32, #tpu.memory_space<hbm>> -> memref<1x128x64xf32, #tpu.memory_space<hbm>>
    %dma_start3A_1194 = tpu.memref_squeeze %dma_start3A_1193 : memref<1x128x64xf32, #tpu.memory_space<hbm>> -> memref<128x64xf32, #tpu.memory_space<hbm>>
    tpu.enqueue_dma source(%arg7 : memref<128x64xf32, #tpu.memory_space<vmem>>) target(%dma_start3A_1194 : memref<128x64xf32, #tpu.memory_space<hbm>>) target_semaphore(%arg15 : memref<!tpu.dma_semaphore, #tpu.memory_space<semaphore_mem>>)
    %dma_wait3A_1195 = arith.constant 0 : i32
    %dma_wait3A_1196 = arith.constant 0 : i32
    %dma_wait3A_1197 = tpu.memref_slice %arg4[%add3A_1152, %dma_wait3A_1195, %dma_wait3A_1196] : memref<256x1024x64xf32, #tpu.memory_space<hbm>> -> memref<1x128x64xf32, #tpu.memory_space<hbm>>
    %dma_wait3A_1198 = tpu.memref_squeeze %dma_wait3A_1197 : memref<1x128x64xf32, #tpu.memory_space<hbm>> -> memref<128x64xf32, #tpu.memory_space<hbm>>
    %dma_wait3A_1199 = arith.constant 0 : i32
    %dma_wait3A_1200 = arith.constant 0 : i32
    %dma_wait3A_1201 = tpu.memref_slice %arg4[%add3A_1152, %dma_wait3A_1199, %dma_wait3A_1200] : memref<256x1024x64xf32, #tpu.memory_space<hbm>> -> memref<1x128x64xf32, #tpu.memory_space<hbm>>
    %dma_wait3A_1202 = tpu.memref_squeeze %dma_wait3A_1201 : memref<1x128x64xf32, #tpu.memory_space<hbm>> -> memref<128x64xf32, #tpu.memory_space<hbm>>
    tpu.wait_dma2 semaphore(%arg17 : memref<!tpu.dma_semaphore, #tpu.memory_space<semaphore_mem>>) src(%arg9 : memref<128x64xf32, #tpu.memory_space<vmem>>) dst(%dma_wait3A_1202 : memref<128x64xf32, #tpu.memory_space<hbm>>)
    %dma_start3A_1203 = arith.constant 4 : i32
    %dma_start3A_1204 = arith.constant 3 : i32
    %dma_start3A_1205 = arith.constant 0 : i32
    %dma_start3A_1206 = tpu.memref_slice %arg6[%dma_start3A_1203, %dma_start3A_1204, %dma_start3A_1205] : memref<8x8x128xi32, #tpu.memory_space<vmem>> -> memref<1x1x128xi32, #tpu.memory_space<vmem>>
    %dma_start3A_1207 = tpu.memref_squeeze %dma_start3A_1206 : memref<1x1x128xi32, #tpu.memory_space<vmem>> -> memref<128xi32, #tpu.memory_space<vmem>>
    %dma_start3A_1208 = arith.constant 0 : i32
    %dma_start3A_1209 = arith.constant 0 : i32
    %dma_start3A_1210 = tpu.memref_slice %arg10[%dma_start3A_1208, %dma_start3A_1209] : memref<21525x64xf32, #tpu.memory_space<vmem_shared>> -> memref<21525x64xf32, #tpu.memory_space<vmem_shared>>
    tpu.enqueue_indirect_dma source(%dma_start3A_1210 : memref<21525x64xf32, #tpu.memory_space<vmem_shared>>) target(%arg9 : memref<128x64xf32, #tpu.memory_space<vmem>>) offsets(%dma_start3A_1207 : memref<128xi32, #tpu.memory_space<vmem>>) semaphore(%arg14 : memref<!tpu.dma_semaphore, #tpu.memory_space<semaphore_mem>>)
    %dma_wait3A_1211 = arith.constant 4 : i32
    %dma_wait3A_1212 = arith.constant 2 : i32
    %dma_wait3A_1213 = arith.constant 0 : i32
    %dma_wait3A_1214 = tpu.memref_slice %arg6[%dma_wait3A_1211, %dma_wait3A_1212, %dma_wait3A_1213] : memref<8x8x128xi32, #tpu.memory_space<vmem>> -> memref<1x1x128xi32, #tpu.memory_space<vmem>>
    %dma_wait3A_1215 = tpu.memref_squeeze %dma_wait3A_1214 : memref<1x1x128xi32, #tpu.memory_space<vmem>> -> memref<128xi32, #tpu.memory_space<vmem>>
    %dma_wait3A_1216 = arith.constant 0 : i32
    %dma_wait3A_1217 = arith.constant 0 : i32
    %dma_wait3A_1218 = tpu.memref_slice %arg10[%dma_wait3A_1216, %dma_wait3A_1217] : memref<21525x64xf32, #tpu.memory_space<vmem_shared>> -> memref<21525x64xf32, #tpu.memory_space<vmem_shared>>
    tpu.wait_indirect_dma semaphore(%arg13 : memref<!tpu.dma_semaphore, #tpu.memory_space<semaphore_mem>>) src(%dma_wait3A_1218 : memref<21525x64xf32, #tpu.memory_space<vmem_shared>>) dst(%arg8 : memref<128x64xf32, #tpu.memory_space<vmem>>)
    %add3A_1219 = arith.constant 4 : i32
    %add3A_1220 = arith.addi %mul3A_2, %add3A_1219 : i32
    %dma_start3A_1221 = arith.constant 256 : i32
    %dma_start3A_1222 = arith.constant 0 : i32
    %dma_start3A_1223 = tpu.memref_slice %arg4[%add3A_1220, %dma_start3A_1221, %dma_start3A_1222] : memref<256x1024x64xf32, #tpu.memory_space<hbm>> -> memref<1x128x64xf32, #tpu.memory_space<hbm>>
    %dma_start3A_1224 = tpu.memref_squeeze %dma_start3A_1223 : memref<1x128x64xf32, #tpu.memory_space<hbm>> -> memref<128x64xf32, #tpu.memory_space<hbm>>
    %dma_start3A_1225 = arith.constant 256 : i32
    %dma_start3A_1226 = arith.constant 0 : i32
    %dma_start3A_1227 = tpu.memref_slice %arg4[%add3A_1220, %dma_start3A_1225, %dma_start3A_1226] : memref<256x1024x64xf32, #tpu.memory_space<hbm>> -> memref<1x128x64xf32, #tpu.memory_space<hbm>>
    %dma_start3A_1228 = tpu.memref_squeeze %dma_start3A_1227 : memref<1x128x64xf32, #tpu.memory_space<hbm>> -> memref<128x64xf32, #tpu.memory_space<hbm>>
    tpu.enqueue_dma source(%arg8 : memref<128x64xf32, #tpu.memory_space<vmem>>) target(%dma_start3A_1228 : memref<128x64xf32, #tpu.memory_space<hbm>>) target_semaphore(%arg16 : memref<!tpu.dma_semaphore, #tpu.memory_space<semaphore_mem>>)
    %dma_wait3A_1229 = arith.constant 128 : i32
    %dma_wait3A_1230 = arith.constant 0 : i32
    %dma_wait3A_1231 = tpu.memref_slice %arg4[%add3A_1186, %dma_wait3A_1229, %dma_wait3A_1230] : memref<256x1024x64xf32, #tpu.memory_space<hbm>> -> memref<1x128x64xf32, #tpu.memory_space<hbm>>
    %dma_wait3A_1232 = tpu.memref_squeeze %dma_wait3A_1231 : memref<1x128x64xf32, #tpu.memory_space<hbm>> -> memref<128x64xf32, #tpu.memory_space<hbm>>
    %dma_wait3A_1233 = arith.constant 128 : i32
    %dma_wait3A_1234 = arith.constant 0 : i32
    %dma_wait3A_1235 = tpu.memref_slice %arg4[%add3A_1186, %dma_wait3A_1233, %dma_wait3A_1234] : memref<256x1024x64xf32, #tpu.memory_space<hbm>> -> memref<1x128x64xf32, #tpu.memory_space<hbm>>
    %dma_wait3A_1236 = tpu.memref_squeeze %dma_wait3A_1235 : memref<1x128x64xf32, #tpu.memory_space<hbm>> -> memref<128x64xf32, #tpu.memory_space<hbm>>
    tpu.wait_dma2 semaphore(%arg15 : memref<!tpu.dma_semaphore, #tpu.memory_space<semaphore_mem>>) src(%arg7 : memref<128x64xf32, #tpu.memory_space<vmem>>) dst(%dma_wait3A_1236 : memref<128x64xf32, #tpu.memory_space<hbm>>)
    %dma_start3A_1237 = arith.constant 4 : i32
    %dma_start3A_1238 = arith.constant 4 : i32
    %dma_start3A_1239 = arith.constant 0 : i32
    %dma_start3A_1240 = tpu.memref_slice %arg6[%dma_start3A_1237, %dma_start3A_1238, %dma_start3A_1239] : memref<8x8x128xi32, #tpu.memory_space<vmem>> -> memref<1x1x128xi32, #tpu.memory_space<vmem>>
    %dma_start3A_1241 = tpu.memref_squeeze %dma_start3A_1240 : memref<1x1x128xi32, #tpu.memory_space<vmem>> -> memref<128xi32, #tpu.memory_space<vmem>>
    %dma_start3A_1242 = arith.constant 0 : i32
    %dma_start3A_1243 = arith.constant 0 : i32
    %dma_start3A_1244 = tpu.memref_slice %arg10[%dma_start3A_1242, %dma_start3A_1243] : memref<21525x64xf32, #tpu.memory_space<vmem_shared>> -> memref<21525x64xf32, #tpu.memory_space<vmem_shared>>
    tpu.enqueue_indirect_dma source(%dma_start3A_1244 : memref<21525x64xf32, #tpu.memory_space<vmem_shared>>) target(%arg7 : memref<128x64xf32, #tpu.memory_space<vmem>>) offsets(%dma_start3A_1241 : memref<128xi32, #tpu.memory_space<vmem>>) semaphore(%arg12 : memref<!tpu.dma_semaphore, #tpu.memory_space<semaphore_mem>>)
    %dma_wait3A_1245 = arith.constant 4 : i32
    %dma_wait3A_1246 = arith.constant 3 : i32
    %dma_wait3A_1247 = arith.constant 0 : i32
    %dma_wait3A_1248 = tpu.memref_slice %arg6[%dma_wait3A_1245, %dma_wait3A_1246, %dma_wait3A_1247] : memref<8x8x128xi32, #tpu.memory_space<vmem>> -> memref<1x1x128xi32, #tpu.memory_space<vmem>>
    %dma_wait3A_1249 = tpu.memref_squeeze %dma_wait3A_1248 : memref<1x1x128xi32, #tpu.memory_space<vmem>> -> memref<128xi32, #tpu.memory_space<vmem>>
    %dma_wait3A_1250 = arith.constant 0 : i32
    %dma_wait3A_1251 = arith.constant 0 : i32
    %dma_wait3A_1252 = tpu.memref_slice %arg10[%dma_wait3A_1250, %dma_wait3A_1251] : memref<21525x64xf32, #tpu.memory_space<vmem_shared>> -> memref<21525x64xf32, #tpu.memory_space<vmem_shared>>
    tpu.wait_indirect_dma semaphore(%arg14 : memref<!tpu.dma_semaphore, #tpu.memory_space<semaphore_mem>>) src(%dma_wait3A_1252 : memref<21525x64xf32, #tpu.memory_space<vmem_shared>>) dst(%arg9 : memref<128x64xf32, #tpu.memory_space<vmem>>)
    %add3A_1253 = arith.constant 4 : i32
    %add3A_1254 = arith.addi %mul3A_2, %add3A_1253 : i32
    %dma_start3A_1255 = arith.constant 384 : i32
    %dma_start3A_1256 = arith.constant 0 : i32
    %dma_start3A_1257 = tpu.memref_slice %arg4[%add3A_1254, %dma_start3A_1255, %dma_start3A_1256] : memref<256x1024x64xf32, #tpu.memory_space<hbm>> -> memref<1x128x64xf32, #tpu.memory_space<hbm>>
    %dma_start3A_1258 = tpu.memref_squeeze %dma_start3A_1257 : memref<1x128x64xf32, #tpu.memory_space<hbm>> -> memref<128x64xf32, #tpu.memory_space<hbm>>
    %dma_start3A_1259 = arith.constant 384 : i32
    %dma_start3A_1260 = arith.constant 0 : i32
    %dma_start3A_1261 = tpu.memref_slice %arg4[%add3A_1254, %dma_start3A_1259, %dma_start3A_1260] : memref<256x1024x64xf32, #tpu.memory_space<hbm>> -> memref<1x128x64xf32, #tpu.memory_space<hbm>>
    %dma_start3A_1262 = tpu.memref_squeeze %dma_start3A_1261 : memref<1x128x64xf32, #tpu.memory_space<hbm>> -> memref<128x64xf32, #tpu.memory_space<hbm>>
    tpu.enqueue_dma source(%arg9 : memref<128x64xf32, #tpu.memory_space<vmem>>) target(%dma_start3A_1262 : memref<128x64xf32, #tpu.memory_space<hbm>>) target_semaphore(%arg17 : memref<!tpu.dma_semaphore, #tpu.memory_space<semaphore_mem>>)
    %dma_wait3A_1263 = arith.constant 256 : i32
    %dma_wait3A_1264 = arith.constant 0 : i32
    %dma_wait3A_1265 = tpu.memref_slice %arg4[%add3A_1220, %dma_wait3A_1263, %dma_wait3A_1264] : memref<256x1024x64xf32, #tpu.memory_space<hbm>> -> memref<1x128x64xf32, #tpu.memory_space<hbm>>
    %dma_wait3A_1266 = tpu.memref_squeeze %dma_wait3A_1265 : memref<1x128x64xf32, #tpu.memory_space<hbm>> -> memref<128x64xf32, #tpu.memory_space<hbm>>
    %dma_wait3A_1267 = arith.constant 256 : i32
    %dma_wait3A_1268 = arith.constant 0 : i32
    %dma_wait3A_1269 = tpu.memref_slice %arg4[%add3A_1220, %dma_wait3A_1267, %dma_wait3A_1268] : memref<256x1024x64xf32, #tpu.memory_space<hbm>> -> memref<1x128x64xf32, #tpu.memory_space<hbm>>
    %dma_wait3A_1270 = tpu.memref_squeeze %dma_wait3A_1269 : memref<1x128x64xf32, #tpu.memory_space<hbm>> -> memref<128x64xf32, #tpu.memory_space<hbm>>
    tpu.wait_dma2 semaphore(%arg16 : memref<!tpu.dma_semaphore, #tpu.memory_space<semaphore_mem>>) src(%arg8 : memref<128x64xf32, #tpu.memory_space<vmem>>) dst(%dma_wait3A_1270 : memref<128x64xf32, #tpu.memory_space<hbm>>)
    %dma_start3A_1271 = arith.constant 4 : i32
    %dma_start3A_1272 = arith.constant 5 : i32
    %dma_start3A_1273 = arith.constant 0 : i32
    %dma_start3A_1274 = tpu.memref_slice %arg6[%dma_start3A_1271, %dma_start3A_1272, %dma_start3A_1273] : memref<8x8x128xi32, #tpu.memory_space<vmem>> -> memref<1x1x128xi32, #tpu.memory_space<vmem>>
    %dma_start3A_1275 = tpu.memref_squeeze %dma_start3A_1274 : memref<1x1x128xi32, #tpu.memory_space<vmem>> -> memref<128xi32, #tpu.memory_space<vmem>>
    %dma_start3A_1276 = arith.constant 0 : i32
    %dma_start3A_1277 = arith.constant 0 : i32
    %dma_start3A_1278 = tpu.memref_slice %arg10[%dma_start3A_1276, %dma_start3A_1277] : memref<21525x64xf32, #tpu.memory_space<vmem_shared>> -> memref<21525x64xf32, #tpu.memory_space<vmem_shared>>
    tpu.enqueue_indirect_dma source(%dma_start3A_1278 : memref<21525x64xf32, #tpu.memory_space<vmem_shared>>) target(%arg8 : memref<128x64xf32, #tpu.memory_space<vmem>>) offsets(%dma_start3A_1275 : memref<128xi32, #tpu.memory_space<vmem>>) semaphore(%arg13 : memref<!tpu.dma_semaphore, #tpu.memory_space<semaphore_mem>>)
    %dma_wait3A_1279 = arith.constant 4 : i32
    %dma_wait3A_1280 = arith.constant 4 : i32
    %dma_wait3A_1281 = arith.constant 0 : i32
    %dma_wait3A_1282 = tpu.memref_slice %arg6[%dma_wait3A_1279, %dma_wait3A_1280, %dma_wait3A_1281] : memref<8x8x128xi32, #tpu.memory_space<vmem>> -> memref<1x1x128xi32, #tpu.memory_space<vmem>>
    %dma_wait3A_1283 = tpu.memref_squeeze %dma_wait3A_1282 : memref<1x1x128xi32, #tpu.memory_space<vmem>> -> memref<128xi32, #tpu.memory_space<vmem>>
    %dma_wait3A_1284 = arith.constant 0 : i32
    %dma_wait3A_1285 = arith.constant 0 : i32
    %dma_wait3A_1286 = tpu.memref_slice %arg10[%dma_wait3A_1284, %dma_wait3A_1285] : memref<21525x64xf32, #tpu.memory_space<vmem_shared>> -> memref<21525x64xf32, #tpu.memory_space<vmem_shared>>
    tpu.wait_indirect_dma semaphore(%arg12 : memref<!tpu.dma_semaphore, #tpu.memory_space<semaphore_mem>>) src(%dma_wait3A_1286 : memref<21525x64xf32, #tpu.memory_space<vmem_shared>>) dst(%arg7 : memref<128x64xf32, #tpu.memory_space<vmem>>)
    %add3A_1287 = arith.constant 4 : i32
    %add3A_1288 = arith.addi %mul3A_2, %add3A_1287 : i32
    %dma_start3A_1289 = arith.constant 512 : i32
    %dma_start3A_1290 = arith.constant 0 : i32
    %dma_start3A_1291 = tpu.memref_slice %arg4[%add3A_1288, %dma_start3A_1289, %dma_start3A_1290] : memref<256x1024x64xf32, #tpu.memory_space<hbm>> -> memref<1x128x64xf32, #tpu.memory_space<hbm>>
    %dma_start3A_1292 = tpu.memref_squeeze %dma_start3A_1291 : memref<1x128x64xf32, #tpu.memory_space<hbm>> -> memref<128x64xf32, #tpu.memory_space<hbm>>
    %dma_start3A_1293 = arith.constant 512 : i32
    %dma_start3A_1294 = arith.constant 0 : i32
    %dma_start3A_1295 = tpu.memref_slice %arg4[%add3A_1288, %dma_start3A_1293, %dma_start3A_1294] : memref<256x1024x64xf32, #tpu.memory_space<hbm>> -> memref<1x128x64xf32, #tpu.memory_space<hbm>>
    %dma_start3A_1296 = tpu.memref_squeeze %dma_start3A_1295 : memref<1x128x64xf32, #tpu.memory_space<hbm>> -> memref<128x64xf32, #tpu.memory_space<hbm>>
    tpu.enqueue_dma source(%arg7 : memref<128x64xf32, #tpu.memory_space<vmem>>) target(%dma_start3A_1296 : memref<128x64xf32, #tpu.memory_space<hbm>>) target_semaphore(%arg15 : memref<!tpu.dma_semaphore, #tpu.memory_space<semaphore_mem>>)
    %dma_wait3A_1297 = arith.constant 384 : i32
    %dma_wait3A_1298 = arith.constant 0 : i32
    %dma_wait3A_1299 = tpu.memref_slice %arg4[%add3A_1254, %dma_wait3A_1297, %dma_wait3A_1298] : memref<256x1024x64xf32, #tpu.memory_space<hbm>> -> memref<1x128x64xf32, #tpu.memory_space<hbm>>
    %dma_wait3A_1300 = tpu.memref_squeeze %dma_wait3A_1299 : memref<1x128x64xf32, #tpu.memory_space<hbm>> -> memref<128x64xf32, #tpu.memory_space<hbm>>
    %dma_wait3A_1301 = arith.constant 384 : i32
    %dma_wait3A_1302 = arith.constant 0 : i32
    %dma_wait3A_1303 = tpu.memref_slice %arg4[%add3A_1254, %dma_wait3A_1301, %dma_wait3A_1302] : memref<256x1024x64xf32, #tpu.memory_space<hbm>> -> memref<1x128x64xf32, #tpu.memory_space<hbm>>
    %dma_wait3A_1304 = tpu.memref_squeeze %dma_wait3A_1303 : memref<1x128x64xf32, #tpu.memory_space<hbm>> -> memref<128x64xf32, #tpu.memory_space<hbm>>
    tpu.wait_dma2 semaphore(%arg17 : memref<!tpu.dma_semaphore, #tpu.memory_space<semaphore_mem>>) src(%arg9 : memref<128x64xf32, #tpu.memory_space<vmem>>) dst(%dma_wait3A_1304 : memref<128x64xf32, #tpu.memory_space<hbm>>)
    %dma_start3A_1305 = arith.constant 4 : i32
    %dma_start3A_1306 = arith.constant 6 : i32
    %dma_start3A_1307 = arith.constant 0 : i32
    %dma_start3A_1308 = tpu.memref_slice %arg6[%dma_start3A_1305, %dma_start3A_1306, %dma_start3A_1307] : memref<8x8x128xi32, #tpu.memory_space<vmem>> -> memref<1x1x128xi32, #tpu.memory_space<vmem>>
    %dma_start3A_1309 = tpu.memref_squeeze %dma_start3A_1308 : memref<1x1x128xi32, #tpu.memory_space<vmem>> -> memref<128xi32, #tpu.memory_space<vmem>>
    %dma_start3A_1310 = arith.constant 0 : i32
    %dma_start3A_1311 = arith.constant 0 : i32
    %dma_start3A_1312 = tpu.memref_slice %arg10[%dma_start3A_1310, %dma_start3A_1311] : memref<21525x64xf32, #tpu.memory_space<vmem_shared>> -> memref<21525x64xf32, #tpu.memory_space<vmem_shared>>
    tpu.enqueue_indirect_dma source(%dma_start3A_1312 : memref<21525x64xf32, #tpu.memory_space<vmem_shared>>) target(%arg9 : memref<128x64xf32, #tpu.memory_space<vmem>>) offsets(%dma_start3A_1309 : memref<128xi32, #tpu.memory_space<vmem>>) semaphore(%arg14 : memref<!tpu.dma_semaphore, #tpu.memory_space<semaphore_mem>>)
    %dma_wait3A_1313 = arith.constant 4 : i32
    %dma_wait3A_1314 = arith.constant 5 : i32
    %dma_wait3A_1315 = arith.constant 0 : i32
    %dma_wait3A_1316 = tpu.memref_slice %arg6[%dma_wait3A_1313, %dma_wait3A_1314, %dma_wait3A_1315] : memref<8x8x128xi32, #tpu.memory_space<vmem>> -> memref<1x1x128xi32, #tpu.memory_space<vmem>>
    %dma_wait3A_1317 = tpu.memref_squeeze %dma_wait3A_1316 : memref<1x1x128xi32, #tpu.memory_space<vmem>> -> memref<128xi32, #tpu.memory_space<vmem>>
    %dma_wait3A_1318 = arith.constant 0 : i32
    %dma_wait3A_1319 = arith.constant 0 : i32
    %dma_wait3A_1320 = tpu.memref_slice %arg10[%dma_wait3A_1318, %dma_wait3A_1319] : memref<21525x64xf32, #tpu.memory_space<vmem_shared>> -> memref<21525x64xf32, #tpu.memory_space<vmem_shared>>
    tpu.wait_indirect_dma semaphore(%arg13 : memref<!tpu.dma_semaphore, #tpu.memory_space<semaphore_mem>>) src(%dma_wait3A_1320 : memref<21525x64xf32, #tpu.memory_space<vmem_shared>>) dst(%arg8 : memref<128x64xf32, #tpu.memory_space<vmem>>)
    %add3A_1321 = arith.constant 4 : i32
    %add3A_1322 = arith.addi %mul3A_2, %add3A_1321 : i32
    %dma_start3A_1323 = arith.constant 640 : i32
    %dma_start3A_1324 = arith.constant 0 : i32
    %dma_start3A_1325 = tpu.memref_slice %arg4[%add3A_1322, %dma_start3A_1323, %dma_start3A_1324] : memref<256x1024x64xf32, #tpu.memory_space<hbm>> -> memref<1x128x64xf32, #tpu.memory_space<hbm>>
    %dma_start3A_1326 = tpu.memref_squeeze %dma_start3A_1325 : memref<1x128x64xf32, #tpu.memory_space<hbm>> -> memref<128x64xf32, #tpu.memory_space<hbm>>
    %dma_start3A_1327 = arith.constant 640 : i32
    %dma_start3A_1328 = arith.constant 0 : i32
    %dma_start3A_1329 = tpu.memref_slice %arg4[%add3A_1322, %dma_start3A_1327, %dma_start3A_1328] : memref<256x1024x64xf32, #tpu.memory_space<hbm>> -> memref<1x128x64xf32, #tpu.memory_space<hbm>>
    %dma_start3A_1330 = tpu.memref_squeeze %dma_start3A_1329 : memref<1x128x64xf32, #tpu.memory_space<hbm>> -> memref<128x64xf32, #tpu.memory_space<hbm>>
    tpu.enqueue_dma source(%arg8 : memref<128x64xf32, #tpu.memory_space<vmem>>) target(%dma_start3A_1330 : memref<128x64xf32, #tpu.memory_space<hbm>>) target_semaphore(%arg16 : memref<!tpu.dma_semaphore, #tpu.memory_space<semaphore_mem>>)
    %dma_wait3A_1331 = arith.constant 512 : i32
    %dma_wait3A_1332 = arith.constant 0 : i32
    %dma_wait3A_1333 = tpu.memref_slice %arg4[%add3A_1288, %dma_wait3A_1331, %dma_wait3A_1332] : memref<256x1024x64xf32, #tpu.memory_space<hbm>> -> memref<1x128x64xf32, #tpu.memory_space<hbm>>
    %dma_wait3A_1334 = tpu.memref_squeeze %dma_wait3A_1333 : memref<1x128x64xf32, #tpu.memory_space<hbm>> -> memref<128x64xf32, #tpu.memory_space<hbm>>
    %dma_wait3A_1335 = arith.constant 512 : i32
    %dma_wait3A_1336 = arith.constant 0 : i32
    %dma_wait3A_1337 = tpu.memref_slice %arg4[%add3A_1288, %dma_wait3A_1335, %dma_wait3A_1336] : memref<256x1024x64xf32, #tpu.memory_space<hbm>> -> memref<1x128x64xf32, #tpu.memory_space<hbm>>
    %dma_wait3A_1338 = tpu.memref_squeeze %dma_wait3A_1337 : memref<1x128x64xf32, #tpu.memory_space<hbm>> -> memref<128x64xf32, #tpu.memory_space<hbm>>
    tpu.wait_dma2 semaphore(%arg15 : memref<!tpu.dma_semaphore, #tpu.memory_space<semaphore_mem>>) src(%arg7 : memref<128x64xf32, #tpu.memory_space<vmem>>) dst(%dma_wait3A_1338 : memref<128x64xf32, #tpu.memory_space<hbm>>)
    %dma_start3A_1339 = arith.constant 4 : i32
    %dma_start3A_1340 = arith.constant 7 : i32
    %dma_start3A_1341 = arith.constant 0 : i32
    %dma_start3A_1342 = tpu.memref_slice %arg6[%dma_start3A_1339, %dma_start3A_1340, %dma_start3A_1341] : memref<8x8x128xi32, #tpu.memory_space<vmem>> -> memref<1x1x128xi32, #tpu.memory_space<vmem>>
    %dma_start3A_1343 = tpu.memref_squeeze %dma_start3A_1342 : memref<1x1x128xi32, #tpu.memory_space<vmem>> -> memref<128xi32, #tpu.memory_space<vmem>>
    %dma_start3A_1344 = arith.constant 0 : i32
    %dma_start3A_1345 = arith.constant 0 : i32
    %dma_start3A_1346 = tpu.memref_slice %arg10[%dma_start3A_1344, %dma_start3A_1345] : memref<21525x64xf32, #tpu.memory_space<vmem_shared>> -> memref<21525x64xf32, #tpu.memory_space<vmem_shared>>
    tpu.enqueue_indirect_dma source(%dma_start3A_1346 : memref<21525x64xf32, #tpu.memory_space<vmem_shared>>) target(%arg7 : memref<128x64xf32, #tpu.memory_space<vmem>>) offsets(%dma_start3A_1343 : memref<128xi32, #tpu.memory_space<vmem>>) semaphore(%arg12 : memref<!tpu.dma_semaphore, #tpu.memory_space<semaphore_mem>>)
    %scan3A_1347 = arith.constant 0 : i32
    %scan3A_1348 = arith.constant 0 : i32
    %scan3A_1349 = arith.constant 64 : i32
    %scan3A_1350 = arith.addi %scan3A_1348, %scan3A_1349 : i32
    %scan3A_1351 = arith.constant 1 : i32
    %scan3A_1352 = scf.for %scan3A_2236 = %scan3A_1348 to %scan3A_1350 step %scan3A_1351 iter_args(%scan3A_2237 = %scan3A_1347) -> (i32)  : i32 {
      %mul3A_2238 = arith.constant 16 : i32
      %mul3A_2239 = arith.muli %scan3A_2236, %mul3A_2238 : i32
      %get3A = arith.constant 5 : i32
      %get3A_2240 = arith.index_cast %get3A : i32 to index
      %get3A_2241 = arith.index_cast %mul3A_2239 : i32 to index
      %get3A_2242 = tpu.vector_load %arg5[%get3A_2240, %get3A_2241] {strides = array<i32>} : memref<8x1024xi32, #tpu.memory_space<vmem>>, vector<16xi32>,
      %min3A = arith.constant 1 : i32
      %min3A_2243 = vector.broadcast %min3A : i32 to vector<16xi32>
      %min3A_2244 = arith.minsi %get3A_2242, %min3A_2243 : vector<16xi32>
      %broadcast_in_dim3A = arith.constant true
      %broadcast_in_dim3A_2245 = vector.broadcast %broadcast_in_dim3A : i1 to vector<16xi1>
      %masked_cumsum3A = tpu.scan <sum>, %min3A_2244 masked %broadcast_in_dim3A_2245 : vector<16xi32>, vector<16xi1> -> vector<16xi32>
      %mul3A_2246 = arith.constant 1025 : i32
      %mul3A_2247 = vector.broadcast %mul3A_2246 : i32 to vector<16xi32>
      %mul3A_2248 = arith.muli %get3A_2242, %mul3A_2247 : vector<16xi32>
      %add3A_2249 = vector.broadcast %scan3A_2237 : i32 to vector<16xi32>
      %add3A_2250 = arith.addi %masked_cumsum3A, %add3A_2249 : vector<16xi32>
      %mul3A_2251 = arith.muli %add3A_2250, %min3A_2244 : vector<16xi32>
      %add3A_2252 = arith.addi %mul3A_2248, %mul3A_2251 : vector<16xi32>
      %jit3A = arith.constant 8 : i32
      %div3A = arith.divsi %scan3A_2236, %jit3A : i32
      %sign3A = arith.constant 0 : i32
      %sign3A_2253 = arith.cmpi sgt, %scan3A_2236, %sign3A : i32
      %sign3A_2254 = arith.extui %sign3A_2253 : i1 to i32
      %sign3A_2255 = arith.constant 0 : i32
      %sign3A_2256 = arith.cmpi slt, %scan3A_2236, %sign3A_2255 : i32
      %sign3A_2257 = arith.extui %sign3A_2256 : i1 to i32
      %sign3A_2258 = arith.subi %sign3A_2254, %sign3A_2257 : i32
      %sign3A_2259 = arith.constant 0 : i32
      %sign3A_2260 = arith.cmpi sgt, %jit3A, %sign3A_2259 : i32
      %sign3A_2261 = arith.extui %sign3A_2260 : i1 to i32
      %sign3A_2262 = arith.constant 0 : i32
      %sign3A_2263 = arith.cmpi slt, %jit3A, %sign3A_2262 : i32
      %sign3A_2264 = arith.extui %sign3A_2263 : i1 to i32
      %sign3A_2265 = arith.subi %sign3A_2261, %sign3A_2264 : i32
      %ne3A = arith.cmpi ne, %sign3A_2258, %sign3A_2265 : i32
      %rem3A = arith.remsi %scan3A_2236, %jit3A : i32
      %ne3A_2266 = arith.constant 0 : i32
      %ne3A_2267 = arith.cmpi ne, %rem3A, %ne3A_2266 : i32
      %and3A = arith.andi %ne3A, %ne3A_2267 : i1
      %sub3A = arith.constant 1 : i32
      %sub3A_2268 = arith.subi %div3A, %sub3A : i32
      %select_n3A = arith.select %and3A, %sub3A_2268, %div3A : i32
      %jit3A_2269 = arith.constant 8 : i32
      %eq3A_2270 = arith.constant 0 : i32
      %eq3A_2271 = arith.cmpi eq, %jit3A_2269, %eq3A_2270 : i32
      %jit3A_2272 = arith.constant 1 : i32
      %select_n3A_2273 = arith.select %eq3A_2271, %jit3A_2272, %jit3A_2269 : i32
      %rem3A_2274 = arith.remsi %scan3A_2236, %select_n3A_2273 : i32
      %ne3A_2275 = arith.constant 0 : i32
      %ne3A_2276 = arith.cmpi ne, %rem3A_2274, %ne3A_2275 : i32
      %lt3A = arith.constant 0 : i32
      %lt3A_2277 = arith.cmpi slt, %rem3A_2274, %lt3A : i32
      %lt3A_2278 = arith.constant 0 : i32
      %lt3A_2279 = arith.cmpi slt, %select_n3A_2273, %lt3A_2278 : i32
      %ne3A_2280 = arith.xori %lt3A_2277, %lt3A_2279 : i1
      %and3A_2281 = arith.andi %ne3A_2280, %ne3A_2276 : i1
      %add3A_2282 = arith.addi %rem3A_2274, %select_n3A_2273 : i32
      %select_n3A_2283 = arith.select %and3A_2281, %add3A_2282, %rem3A_2274 : i32
      %mul3A_2284 = arith.constant 16 : i32
      %mul3A_2285 = arith.muli %select_n3A_2283, %mul3A_2284 : i32
      %swap3A = arith.constant 5 : i32
      %swap3A_2286 = arith.index_cast %swap3A : i32 to index
      %swap3A_2287 = arith.index_cast %select_n3A : i32 to index
      %swap3A_2288 = arith.index_cast %mul3A_2285 : i32 to index
      %swap3A_2289 = tpu.vector_load %arg6[%swap3A_2286, %swap3A_2287, %swap3A_2288] {strides = array<i32>} : memref<8x8x128xi32, #tpu.memory_space<vmem>>, vector<16xi32>,
      tpu.vector_store %arg6[%swap3A_2286, %swap3A_2287, %swap3A_2288], %add3A_2252 {strides = array<i32>} : memref<8x8x128xi32, #tpu.memory_space<vmem>>, vector<16xi32>,
      %reduce_sum3A = arith.constant true
      %reduce_sum3A_2290 = vector.broadcast %reduce_sum3A : i1 to vector<16xi1>
      %reduce_sum3A_2291 = tpu.scan <sum>, %min3A_2244 masked %reduce_sum3A_2290 : vector<16xi32>, vector<16xi1> -> vector<16xi32>
      %reduce_sum3A_2292 = vector.extract %reduce_sum3A_2291[15] : i32 from vector<16xi32>
      %add3A_2293 = arith.addi %scan3A_2237, %reduce_sum3A_2292 : i32
      scf.yield %add3A_2293 : i32
    }
    %scan3A_1353 = arith.constant 64 : i32
    %dma_wait3A_1354 = arith.constant 4 : i32
    %dma_wait3A_1355 = arith.constant 6 : i32
    %dma_wait3A_1356 = arith.constant 0 : i32
    %dma_wait3A_1357 = tpu.memref_slice %arg6[%dma_wait3A_1354, %dma_wait3A_1355, %dma_wait3A_1356] : memref<8x8x128xi32, #tpu.memory_space<vmem>> -> memref<1x1x128xi32, #tpu.memory_space<vmem>>
    %dma_wait3A_1358 = tpu.memref_squeeze %dma_wait3A_1357 : memref<1x1x128xi32, #tpu.memory_space<vmem>> -> memref<128xi32, #tpu.memory_space<vmem>>
    %dma_wait3A_1359 = arith.constant 0 : i32
    %dma_wait3A_1360 = arith.constant 0 : i32
    %dma_wait3A_1361 = tpu.memref_slice %arg10[%dma_wait3A_1359, %dma_wait3A_1360] : memref<21525x64xf32, #tpu.memory_space<vmem_shared>> -> memref<21525x64xf32, #tpu.memory_space<vmem_shared>>
    tpu.wait_indirect_dma semaphore(%arg14 : memref<!tpu.dma_semaphore, #tpu.memory_space<semaphore_mem>>) src(%dma_wait3A_1361 : memref<21525x64xf32, #tpu.memory_space<vmem_shared>>) dst(%arg9 : memref<128x64xf32, #tpu.memory_space<vmem>>)
    %add3A_1362 = arith.constant 4 : i32
    %add3A_1363 = arith.addi %mul3A_2, %add3A_1362 : i32
    %dma_start3A_1364 = arith.constant 768 : i32
    %dma_start3A_1365 = arith.constant 0 : i32
    %dma_start3A_1366 = tpu.memref_slice %arg4[%add3A_1363, %dma_start3A_1364, %dma_start3A_1365] : memref<256x1024x64xf32, #tpu.memory_space<hbm>> -> memref<1x128x64xf32, #tpu.memory_space<hbm>>
    %dma_start3A_1367 = tpu.memref_squeeze %dma_start3A_1366 : memref<1x128x64xf32, #tpu.memory_space<hbm>> -> memref<128x64xf32, #tpu.memory_space<hbm>>
    %dma_start3A_1368 = arith.constant 768 : i32
    %dma_start3A_1369 = arith.constant 0 : i32
    %dma_start3A_1370 = tpu.memref_slice %arg4[%add3A_1363, %dma_start3A_1368, %dma_start3A_1369] : memref<256x1024x64xf32, #tpu.memory_space<hbm>> -> memref<1x128x64xf32, #tpu.memory_space<hbm>>
    %dma_start3A_1371 = tpu.memref_squeeze %dma_start3A_1370 : memref<1x128x64xf32, #tpu.memory_space<hbm>> -> memref<128x64xf32, #tpu.memory_space<hbm>>
    tpu.enqueue_dma source(%arg9 : memref<128x64xf32, #tpu.memory_space<vmem>>) target(%dma_start3A_1371 : memref<128x64xf32, #tpu.memory_space<hbm>>) target_semaphore(%arg17 : memref<!tpu.dma_semaphore, #tpu.memory_space<semaphore_mem>>)
    %dma_wait3A_1372 = arith.constant 640 : i32
    %dma_wait3A_1373 = arith.constant 0 : i32
    %dma_wait3A_1374 = tpu.memref_slice %arg4[%add3A_1322, %dma_wait3A_1372, %dma_wait3A_1373] : memref<256x1024x64xf32, #tpu.memory_space<hbm>> -> memref<1x128x64xf32, #tpu.memory_space<hbm>>
    %dma_wait3A_1375 = tpu.memref_squeeze %dma_wait3A_1374 : memref<1x128x64xf32, #tpu.memory_space<hbm>> -> memref<128x64xf32, #tpu.memory_space<hbm>>
    %dma_wait3A_1376 = arith.constant 640 : i32
    %dma_wait3A_1377 = arith.constant 0 : i32
    %dma_wait3A_1378 = tpu.memref_slice %arg4[%add3A_1322, %dma_wait3A_1376, %dma_wait3A_1377] : memref<256x1024x64xf32, #tpu.memory_space<hbm>> -> memref<1x128x64xf32, #tpu.memory_space<hbm>>
    %dma_wait3A_1379 = tpu.memref_squeeze %dma_wait3A_1378 : memref<1x128x64xf32, #tpu.memory_space<hbm>> -> memref<128x64xf32, #tpu.memory_space<hbm>>
    tpu.wait_dma2 semaphore(%arg16 : memref<!tpu.dma_semaphore, #tpu.memory_space<semaphore_mem>>) src(%arg8 : memref<128x64xf32, #tpu.memory_space<vmem>>) dst(%dma_wait3A_1379 : memref<128x64xf32, #tpu.memory_space<hbm>>)
    %dma_start3A_1380 = arith.constant 5 : i32
    %dma_start3A_1381 = arith.constant 0 : i32
    %dma_start3A_1382 = arith.constant 0 : i32
    %dma_start3A_1383 = tpu.memref_slice %arg6[%dma_start3A_1380, %dma_start3A_1381, %dma_start3A_1382] : memref<8x8x128xi32, #tpu.memory_space<vmem>> -> memref<1x1x128xi32, #tpu.memory_space<vmem>>
    %dma_start3A_1384 = tpu.memref_squeeze %dma_start3A_1383 : memref<1x1x128xi32, #tpu.memory_space<vmem>> -> memref<128xi32, #tpu.memory_space<vmem>>
    %dma_start3A_1385 = arith.constant 0 : i32
    %dma_start3A_1386 = arith.constant 0 : i32
    %dma_start3A_1387 = tpu.memref_slice %arg10[%dma_start3A_1385, %dma_start3A_1386] : memref<21525x64xf32, #tpu.memory_space<vmem_shared>> -> memref<21525x64xf32, #tpu.memory_space<vmem_shared>>
    tpu.enqueue_indirect_dma source(%dma_start3A_1387 : memref<21525x64xf32, #tpu.memory_space<vmem_shared>>) target(%arg8 : memref<128x64xf32, #tpu.memory_space<vmem>>) offsets(%dma_start3A_1384 : memref<128xi32, #tpu.memory_space<vmem>>) semaphore(%arg13 : memref<!tpu.dma_semaphore, #tpu.memory_space<semaphore_mem>>)
    %dma_wait3A_1388 = arith.constant 4 : i32
    %dma_wait3A_1389 = arith.constant 7 : i32
    %dma_wait3A_1390 = arith.constant 0 : i32
    %dma_wait3A_1391 = tpu.memref_slice %arg6[%dma_wait3A_1388, %dma_wait3A_1389, %dma_wait3A_1390] : memref<8x8x128xi32, #tpu.memory_space<vmem>> -> memref<1x1x128xi32, #tpu.memory_space<vmem>>
    %dma_wait3A_1392 = tpu.memref_squeeze %dma_wait3A_1391 : memref<1x1x128xi32, #tpu.memory_space<vmem>> -> memref<128xi32, #tpu.memory_space<vmem>>
    %dma_wait3A_1393 = arith.constant 0 : i32
    %dma_wait3A_1394 = arith.constant 0 : i32
    %dma_wait3A_1395 = tpu.memref_slice %arg10[%dma_wait3A_1393, %dma_wait3A_1394] : memref<21525x64xf32, #tpu.memory_space<vmem_shared>> -> memref<21525x64xf32, #tpu.memory_space<vmem_shared>>
    tpu.wait_indirect_dma semaphore(%arg12 : memref<!tpu.dma_semaphore, #tpu.memory_space<semaphore_mem>>) src(%dma_wait3A_1395 : memref<21525x64xf32, #tpu.memory_space<vmem_shared>>) dst(%arg7 : memref<128x64xf32, #tpu.memory_space<vmem>>)
    %add3A_1396 = arith.constant 4 : i32
    %add3A_1397 = arith.addi %mul3A_2, %add3A_1396 : i32
    %dma_start3A_1398 = arith.constant 896 : i32
    %dma_start3A_1399 = arith.constant 0 : i32
    %dma_start3A_1400 = tpu.memref_slice %arg4[%add3A_1397, %dma_start3A_1398, %dma_start3A_1399] : memref<256x1024x64xf32, #tpu.memory_space<hbm>> -> memref<1x128x64xf32, #tpu.memory_space<hbm>>
    %dma_start3A_1401 = tpu.memref_squeeze %dma_start3A_1400 : memref<1x128x64xf32, #tpu.memory_space<hbm>> -> memref<128x64xf32, #tpu.memory_space<hbm>>
    %dma_start3A_1402 = arith.constant 896 : i32
    %dma_start3A_1403 = arith.constant 0 : i32
    %dma_start3A_1404 = tpu.memref_slice %arg4[%add3A_1397, %dma_start3A_1402, %dma_start3A_1403] : memref<256x1024x64xf32, #tpu.memory_space<hbm>> -> memref<1x128x64xf32, #tpu.memory_space<hbm>>
    %dma_start3A_1405 = tpu.memref_squeeze %dma_start3A_1404 : memref<1x128x64xf32, #tpu.memory_space<hbm>> -> memref<128x64xf32, #tpu.memory_space<hbm>>
    tpu.enqueue_dma source(%arg7 : memref<128x64xf32, #tpu.memory_space<vmem>>) target(%dma_start3A_1405 : memref<128x64xf32, #tpu.memory_space<hbm>>) target_semaphore(%arg15 : memref<!tpu.dma_semaphore, #tpu.memory_space<semaphore_mem>>)
    %dma_wait3A_1406 = arith.constant 768 : i32
    %dma_wait3A_1407 = arith.constant 0 : i32
    %dma_wait3A_1408 = tpu.memref_slice %arg4[%add3A_1363, %dma_wait3A_1406, %dma_wait3A_1407] : memref<256x1024x64xf32, #tpu.memory_space<hbm>> -> memref<1x128x64xf32, #tpu.memory_space<hbm>>
    %dma_wait3A_1409 = tpu.memref_squeeze %dma_wait3A_1408 : memref<1x128x64xf32, #tpu.memory_space<hbm>> -> memref<128x64xf32, #tpu.memory_space<hbm>>
    %dma_wait3A_1410 = arith.constant 768 : i32
    %dma_wait3A_1411 = arith.constant 0 : i32
    %dma_wait3A_1412 = tpu.memref_slice %arg4[%add3A_1363, %dma_wait3A_1410, %dma_wait3A_1411] : memref<256x1024x64xf32, #tpu.memory_space<hbm>> -> memref<1x128x64xf32, #tpu.memory_space<hbm>>
    %dma_wait3A_1413 = tpu.memref_squeeze %dma_wait3A_1412 : memref<1x128x64xf32, #tpu.memory_space<hbm>> -> memref<128x64xf32, #tpu.memory_space<hbm>>
    tpu.wait_dma2 semaphore(%arg17 : memref<!tpu.dma_semaphore, #tpu.memory_space<semaphore_mem>>) src(%arg9 : memref<128x64xf32, #tpu.memory_space<vmem>>) dst(%dma_wait3A_1413 : memref<128x64xf32, #tpu.memory_space<hbm>>)
    %dma_start3A_1414 = arith.constant 5 : i32
    %dma_start3A_1415 = arith.constant 1 : i32
    %dma_start3A_1416 = arith.constant 0 : i32
    %dma_start3A_1417 = tpu.memref_slice %arg6[%dma_start3A_1414, %dma_start3A_1415, %dma_start3A_1416] : memref<8x8x128xi32, #tpu.memory_space<vmem>> -> memref<1x1x128xi32, #tpu.memory_space<vmem>>
    %dma_start3A_1418 = tpu.memref_squeeze %dma_start3A_1417 : memref<1x1x128xi32, #tpu.memory_space<vmem>> -> memref<128xi32, #tpu.memory_space<vmem>>
    %dma_start3A_1419 = arith.constant 0 : i32
    %dma_start3A_1420 = arith.constant 0 : i32
    %dma_start3A_1421 = tpu.memref_slice %arg10[%dma_start3A_1419, %dma_start3A_1420] : memref<21525x64xf32, #tpu.memory_space<vmem_shared>> -> memref<21525x64xf32, #tpu.memory_space<vmem_shared>>
    tpu.enqueue_indirect_dma source(%dma_start3A_1421 : memref<21525x64xf32, #tpu.memory_space<vmem_shared>>) target(%arg9 : memref<128x64xf32, #tpu.memory_space<vmem>>) offsets(%dma_start3A_1418 : memref<128xi32, #tpu.memory_space<vmem>>) semaphore(%arg14 : memref<!tpu.dma_semaphore, #tpu.memory_space<semaphore_mem>>)
    %dma_wait3A_1422 = arith.constant 5 : i32
    %dma_wait3A_1423 = arith.constant 0 : i32
    %dma_wait3A_1424 = arith.constant 0 : i32
    %dma_wait3A_1425 = tpu.memref_slice %arg6[%dma_wait3A_1422, %dma_wait3A_1423, %dma_wait3A_1424] : memref<8x8x128xi32, #tpu.memory_space<vmem>> -> memref<1x1x128xi32, #tpu.memory_space<vmem>>
    %dma_wait3A_1426 = tpu.memref_squeeze %dma_wait3A_1425 : memref<1x1x128xi32, #tpu.memory_space<vmem>> -> memref<128xi32, #tpu.memory_space<vmem>>
    %dma_wait3A_1427 = arith.constant 0 : i32
    %dma_wait3A_1428 = arith.constant 0 : i32
    %dma_wait3A_1429 = tpu.memref_slice %arg10[%dma_wait3A_1427, %dma_wait3A_1428] : memref<21525x64xf32, #tpu.memory_space<vmem_shared>> -> memref<21525x64xf32, #tpu.memory_space<vmem_shared>>
    tpu.wait_indirect_dma semaphore(%arg13 : memref<!tpu.dma_semaphore, #tpu.memory_space<semaphore_mem>>) src(%dma_wait3A_1429 : memref<21525x64xf32, #tpu.memory_space<vmem_shared>>) dst(%arg8 : memref<128x64xf32, #tpu.memory_space<vmem>>)
    %add3A_1430 = arith.constant 5 : i32
    %add3A_1431 = arith.addi %mul3A_2, %add3A_1430 : i32
    %dma_start3A_1432 = arith.constant 0 : i32
    %dma_start3A_1433 = arith.constant 0 : i32
    %dma_start3A_1434 = tpu.memref_slice %arg4[%add3A_1431, %dma_start3A_1432, %dma_start3A_1433] : memref<256x1024x64xf32, #tpu.memory_space<hbm>> -> memref<1x128x64xf32, #tpu.memory_space<hbm>>
    %dma_start3A_1435 = tpu.memref_squeeze %dma_start3A_1434 : memref<1x128x64xf32, #tpu.memory_space<hbm>> -> memref<128x64xf32, #tpu.memory_space<hbm>>
    %dma_start3A_1436 = arith.constant 0 : i32
    %dma_start3A_1437 = arith.constant 0 : i32
    %dma_start3A_1438 = tpu.memref_slice %arg4[%add3A_1431, %dma_start3A_1436, %dma_start3A_1437] : memref<256x1024x64xf32, #tpu.memory_space<hbm>> -> memref<1x128x64xf32, #tpu.memory_space<hbm>>
    %dma_start3A_1439 = tpu.memref_squeeze %dma_start3A_1438 : memref<1x128x64xf32, #tpu.memory_space<hbm>> -> memref<128x64xf32, #tpu.memory_space<hbm>>
    tpu.enqueue_dma source(%arg8 : memref<128x64xf32, #tpu.memory_space<vmem>>) target(%dma_start3A_1439 : memref<128x64xf32, #tpu.memory_space<hbm>>) target_semaphore(%arg16 : memref<!tpu.dma_semaphore, #tpu.memory_space<semaphore_mem>>)
    %dma_wait3A_1440 = arith.constant 896 : i32
    %dma_wait3A_1441 = arith.constant 0 : i32
    %dma_wait3A_1442 = tpu.memref_slice %arg4[%add3A_1397, %dma_wait3A_1440, %dma_wait3A_1441] : memref<256x1024x64xf32, #tpu.memory_space<hbm>> -> memref<1x128x64xf32, #tpu.memory_space<hbm>>
    %dma_wait3A_1443 = tpu.memref_squeeze %dma_wait3A_1442 : memref<1x128x64xf32, #tpu.memory_space<hbm>> -> memref<128x64xf32, #tpu.memory_space<hbm>>
    %dma_wait3A_1444 = arith.constant 896 : i32
    %dma_wait3A_1445 = arith.constant 0 : i32
    %dma_wait3A_1446 = tpu.memref_slice %arg4[%add3A_1397, %dma_wait3A_1444, %dma_wait3A_1445] : memref<256x1024x64xf32, #tpu.memory_space<hbm>> -> memref<1x128x64xf32, #tpu.memory_space<hbm>>
    %dma_wait3A_1447 = tpu.memref_squeeze %dma_wait3A_1446 : memref<1x128x64xf32, #tpu.memory_space<hbm>> -> memref<128x64xf32, #tpu.memory_space<hbm>>
    tpu.wait_dma2 semaphore(%arg15 : memref<!tpu.dma_semaphore, #tpu.memory_space<semaphore_mem>>) src(%arg7 : memref<128x64xf32, #tpu.memory_space<vmem>>) dst(%dma_wait3A_1447 : memref<128x64xf32, #tpu.memory_space<hbm>>)
    %dma_start3A_1448 = arith.constant 5 : i32
    %dma_start3A_1449 = arith.constant 2 : i32
    %dma_start3A_1450 = arith.constant 0 : i32
    %dma_start3A_1451 = tpu.memref_slice %arg6[%dma_start3A_1448, %dma_start3A_1449, %dma_start3A_1450] : memref<8x8x128xi32, #tpu.memory_space<vmem>> -> memref<1x1x128xi32, #tpu.memory_space<vmem>>
    %dma_start3A_1452 = tpu.memref_squeeze %dma_start3A_1451 : memref<1x1x128xi32, #tpu.memory_space<vmem>> -> memref<128xi32, #tpu.memory_space<vmem>>
    %dma_start3A_1453 = arith.constant 0 : i32
    %dma_start3A_1454 = arith.constant 0 : i32
    %dma_start3A_1455 = tpu.memref_slice %arg10[%dma_start3A_1453, %dma_start3A_1454] : memref<21525x64xf32, #tpu.memory_space<vmem_shared>> -> memref<21525x64xf32, #tpu.memory_space<vmem_shared>>
    tpu.enqueue_indirect_dma source(%dma_start3A_1455 : memref<21525x64xf32, #tpu.memory_space<vmem_shared>>) target(%arg7 : memref<128x64xf32, #tpu.memory_space<vmem>>) offsets(%dma_start3A_1452 : memref<128xi32, #tpu.memory_space<vmem>>) semaphore(%arg12 : memref<!tpu.dma_semaphore, #tpu.memory_space<semaphore_mem>>)
    %dma_wait3A_1456 = arith.constant 5 : i32
    %dma_wait3A_1457 = arith.constant 1 : i32
    %dma_wait3A_1458 = arith.constant 0 : i32
    %dma_wait3A_1459 = tpu.memref_slice %arg6[%dma_wait3A_1456, %dma_wait3A_1457, %dma_wait3A_1458] : memref<8x8x128xi32, #tpu.memory_space<vmem>> -> memref<1x1x128xi32, #tpu.memory_space<vmem>>
    %dma_wait3A_1460 = tpu.memref_squeeze %dma_wait3A_1459 : memref<1x1x128xi32, #tpu.memory_space<vmem>> -> memref<128xi32, #tpu.memory_space<vmem>>
    %dma_wait3A_1461 = arith.constant 0 : i32
    %dma_wait3A_1462 = arith.constant 0 : i32
    %dma_wait3A_1463 = tpu.memref_slice %arg10[%dma_wait3A_1461, %dma_wait3A_1462] : memref<21525x64xf32, #tpu.memory_space<vmem_shared>> -> memref<21525x64xf32, #tpu.memory_space<vmem_shared>>
    tpu.wait_indirect_dma semaphore(%arg14 : memref<!tpu.dma_semaphore, #tpu.memory_space<semaphore_mem>>) src(%dma_wait3A_1463 : memref<21525x64xf32, #tpu.memory_space<vmem_shared>>) dst(%arg9 : memref<128x64xf32, #tpu.memory_space<vmem>>)
    %add3A_1464 = arith.constant 5 : i32
    %add3A_1465 = arith.addi %mul3A_2, %add3A_1464 : i32
    %dma_start3A_1466 = arith.constant 128 : i32
    %dma_start3A_1467 = arith.constant 0 : i32
    %dma_start3A_1468 = tpu.memref_slice %arg4[%add3A_1465, %dma_start3A_1466, %dma_start3A_1467] : memref<256x1024x64xf32, #tpu.memory_space<hbm>> -> memref<1x128x64xf32, #tpu.memory_space<hbm>>
    %dma_start3A_1469 = tpu.memref_squeeze %dma_start3A_1468 : memref<1x128x64xf32, #tpu.memory_space<hbm>> -> memref<128x64xf32, #tpu.memory_space<hbm>>
    %dma_start3A_1470 = arith.constant 128 : i32
    %dma_start3A_1471 = arith.constant 0 : i32
    %dma_start3A_1472 = tpu.memref_slice %arg4[%add3A_1465, %dma_start3A_1470, %dma_start3A_1471] : memref<256x1024x64xf32, #tpu.memory_space<hbm>> -> memref<1x128x64xf32, #tpu.memory_space<hbm>>
    %dma_start3A_1473 = tpu.memref_squeeze %dma_start3A_1472 : memref<1x128x64xf32, #tpu.memory_space<hbm>> -> memref<128x64xf32, #tpu.memory_space<hbm>>
    tpu.enqueue_dma source(%arg9 : memref<128x64xf32, #tpu.memory_space<vmem>>) target(%dma_start3A_1473 : memref<128x64xf32, #tpu.memory_space<hbm>>) target_semaphore(%arg17 : memref<!tpu.dma_semaphore, #tpu.memory_space<semaphore_mem>>)
    %dma_wait3A_1474 = arith.constant 0 : i32
    %dma_wait3A_1475 = arith.constant 0 : i32
    %dma_wait3A_1476 = tpu.memref_slice %arg4[%add3A_1431, %dma_wait3A_1474, %dma_wait3A_1475] : memref<256x1024x64xf32, #tpu.memory_space<hbm>> -> memref<1x128x64xf32, #tpu.memory_space<hbm>>
    %dma_wait3A_1477 = tpu.memref_squeeze %dma_wait3A_1476 : memref<1x128x64xf32, #tpu.memory_space<hbm>> -> memref<128x64xf32, #tpu.memory_space<hbm>>
    %dma_wait3A_1478 = arith.constant 0 : i32
    %dma_wait3A_1479 = arith.constant 0 : i32
    %dma_wait3A_1480 = tpu.memref_slice %arg4[%add3A_1431, %dma_wait3A_1478, %dma_wait3A_1479] : memref<256x1024x64xf32, #tpu.memory_space<hbm>> -> memref<1x128x64xf32, #tpu.memory_space<hbm>>
    %dma_wait3A_1481 = tpu.memref_squeeze %dma_wait3A_1480 : memref<1x128x64xf32, #tpu.memory_space<hbm>> -> memref<128x64xf32, #tpu.memory_space<hbm>>
    tpu.wait_dma2 semaphore(%arg16 : memref<!tpu.dma_semaphore, #tpu.memory_space<semaphore_mem>>) src(%arg8 : memref<128x64xf32, #tpu.memory_space<vmem>>) dst(%dma_wait3A_1481 : memref<128x64xf32, #tpu.memory_space<hbm>>)
    %dma_start3A_1482 = arith.constant 5 : i32
    %dma_start3A_1483 = arith.constant 3 : i32
    %dma_start3A_1484 = arith.constant 0 : i32
    %dma_start3A_1485 = tpu.memref_slice %arg6[%dma_start3A_1482, %dma_start3A_1483, %dma_start3A_1484] : memref<8x8x128xi32, #tpu.memory_space<vmem>> -> memref<1x1x128xi32, #tpu.memory_space<vmem>>
    %dma_start3A_1486 = tpu.memref_squeeze %dma_start3A_1485 : memref<1x1x128xi32, #tpu.memory_space<vmem>> -> memref<128xi32, #tpu.memory_space<vmem>>
    %dma_start3A_1487 = arith.constant 0 : i32
    %dma_start3A_1488 = arith.constant 0 : i32
    %dma_start3A_1489 = tpu.memref_slice %arg10[%dma_start3A_1487, %dma_start3A_1488] : memref<21525x64xf32, #tpu.memory_space<vmem_shared>> -> memref<21525x64xf32, #tpu.memory_space<vmem_shared>>
    tpu.enqueue_indirect_dma source(%dma_start3A_1489 : memref<21525x64xf32, #tpu.memory_space<vmem_shared>>) target(%arg8 : memref<128x64xf32, #tpu.memory_space<vmem>>) offsets(%dma_start3A_1486 : memref<128xi32, #tpu.memory_space<vmem>>) semaphore(%arg13 : memref<!tpu.dma_semaphore, #tpu.memory_space<semaphore_mem>>)
    %dma_wait3A_1490 = arith.constant 5 : i32
    %dma_wait3A_1491 = arith.constant 2 : i32
    %dma_wait3A_1492 = arith.constant 0 : i32
    %dma_wait3A_1493 = tpu.memref_slice %arg6[%dma_wait3A_1490, %dma_wait3A_1491, %dma_wait3A_1492] : memref<8x8x128xi32, #tpu.memory_space<vmem>> -> memref<1x1x128xi32, #tpu.memory_space<vmem>>
    %dma_wait3A_1494 = tpu.memref_squeeze %dma_wait3A_1493 : memref<1x1x128xi32, #tpu.memory_space<vmem>> -> memref<128xi32, #tpu.memory_space<vmem>>
    %dma_wait3A_1495 = arith.constant 0 : i32
    %dma_wait3A_1496 = arith.constant 0 : i32
    %dma_wait3A_1497 = tpu.memref_slice %arg10[%dma_wait3A_1495, %dma_wait3A_1496] : memref<21525x64xf32, #tpu.memory_space<vmem_shared>> -> memref<21525x64xf32, #tpu.memory_space<vmem_shared>>
    tpu.wait_indirect_dma semaphore(%arg12 : memref<!tpu.dma_semaphore, #tpu.memory_space<semaphore_mem>>) src(%dma_wait3A_1497 : memref<21525x64xf32, #tpu.memory_space<vmem_shared>>) dst(%arg7 : memref<128x64xf32, #tpu.memory_space<vmem>>)
    %add3A_1498 = arith.constant 5 : i32
    %add3A_1499 = arith.addi %mul3A_2, %add3A_1498 : i32
    %dma_start3A_1500 = arith.constant 256 : i32
    %dma_start3A_1501 = arith.constant 0 : i32
    %dma_start3A_1502 = tpu.memref_slice %arg4[%add3A_1499, %dma_start3A_1500, %dma_start3A_1501] : memref<256x1024x64xf32, #tpu.memory_space<hbm>> -> memref<1x128x64xf32, #tpu.memory_space<hbm>>
    %dma_start3A_1503 = tpu.memref_squeeze %dma_start3A_1502 : memref<1x128x64xf32, #tpu.memory_space<hbm>> -> memref<128x64xf32, #tpu.memory_space<hbm>>
    %dma_start3A_1504 = arith.constant 256 : i32
    %dma_start3A_1505 = arith.constant 0 : i32
    %dma_start3A_1506 = tpu.memref_slice %arg4[%add3A_1499, %dma_start3A_1504, %dma_start3A_1505] : memref<256x1024x64xf32, #tpu.memory_space<hbm>> -> memref<1x128x64xf32, #tpu.memory_space<hbm>>
    %dma_start3A_1507 = tpu.memref_squeeze %dma_start3A_1506 : memref<1x128x64xf32, #tpu.memory_space<hbm>> -> memref<128x64xf32, #tpu.memory_space<hbm>>
    tpu.enqueue_dma source(%arg7 : memref<128x64xf32, #tpu.memory_space<vmem>>) target(%dma_start3A_1507 : memref<128x64xf32, #tpu.memory_space<hbm>>) target_semaphore(%arg15 : memref<!tpu.dma_semaphore, #tpu.memory_space<semaphore_mem>>)
    %dma_wait3A_1508 = arith.constant 128 : i32
    %dma_wait3A_1509 = arith.constant 0 : i32
    %dma_wait3A_1510 = tpu.memref_slice %arg4[%add3A_1465, %dma_wait3A_1508, %dma_wait3A_1509] : memref<256x1024x64xf32, #tpu.memory_space<hbm>> -> memref<1x128x64xf32, #tpu.memory_space<hbm>>
    %dma_wait3A_1511 = tpu.memref_squeeze %dma_wait3A_1510 : memref<1x128x64xf32, #tpu.memory_space<hbm>> -> memref<128x64xf32, #tpu.memory_space<hbm>>
    %dma_wait3A_1512 = arith.constant 128 : i32
    %dma_wait3A_1513 = arith.constant 0 : i32
    %dma_wait3A_1514 = tpu.memref_slice %arg4[%add3A_1465, %dma_wait3A_1512, %dma_wait3A_1513] : memref<256x1024x64xf32, #tpu.memory_space<hbm>> -> memref<1x128x64xf32, #tpu.memory_space<hbm>>
    %dma_wait3A_1515 = tpu.memref_squeeze %dma_wait3A_1514 : memref<1x128x64xf32, #tpu.memory_space<hbm>> -> memref<128x64xf32, #tpu.memory_space<hbm>>
    tpu.wait_dma2 semaphore(%arg17 : memref<!tpu.dma_semaphore, #tpu.memory_space<semaphore_mem>>) src(%arg9 : memref<128x64xf32, #tpu.memory_space<vmem>>) dst(%dma_wait3A_1515 : memref<128x64xf32, #tpu.memory_space<hbm>>)
    %dma_start3A_1516 = arith.constant 5 : i32
    %dma_start3A_1517 = arith.constant 4 : i32
    %dma_start3A_1518 = arith.constant 0 : i32
    %dma_start3A_1519 = tpu.memref_slice %arg6[%dma_start3A_1516, %dma_start3A_1517, %dma_start3A_1518] : memref<8x8x128xi32, #tpu.memory_space<vmem>> -> memref<1x1x128xi32, #tpu.memory_space<vmem>>
    %dma_start3A_1520 = tpu.memref_squeeze %dma_start3A_1519 : memref<1x1x128xi32, #tpu.memory_space<vmem>> -> memref<128xi32, #tpu.memory_space<vmem>>
    %dma_start3A_1521 = arith.constant 0 : i32
    %dma_start3A_1522 = arith.constant 0 : i32
    %dma_start3A_1523 = tpu.memref_slice %arg10[%dma_start3A_1521, %dma_start3A_1522] : memref<21525x64xf32, #tpu.memory_space<vmem_shared>> -> memref<21525x64xf32, #tpu.memory_space<vmem_shared>>
    tpu.enqueue_indirect_dma source(%dma_start3A_1523 : memref<21525x64xf32, #tpu.memory_space<vmem_shared>>) target(%arg9 : memref<128x64xf32, #tpu.memory_space<vmem>>) offsets(%dma_start3A_1520 : memref<128xi32, #tpu.memory_space<vmem>>) semaphore(%arg14 : memref<!tpu.dma_semaphore, #tpu.memory_space<semaphore_mem>>)
    %dma_wait3A_1524 = arith.constant 5 : i32
    %dma_wait3A_1525 = arith.constant 3 : i32
    %dma_wait3A_1526 = arith.constant 0 : i32
    %dma_wait3A_1527 = tpu.memref_slice %arg6[%dma_wait3A_1524, %dma_wait3A_1525, %dma_wait3A_1526] : memref<8x8x128xi32, #tpu.memory_space<vmem>> -> memref<1x1x128xi32, #tpu.memory_space<vmem>>
    %dma_wait3A_1528 = tpu.memref_squeeze %dma_wait3A_1527 : memref<1x1x128xi32, #tpu.memory_space<vmem>> -> memref<128xi32, #tpu.memory_space<vmem>>
    %dma_wait3A_1529 = arith.constant 0 : i32
    %dma_wait3A_1530 = arith.constant 0 : i32
    %dma_wait3A_1531 = tpu.memref_slice %arg10[%dma_wait3A_1529, %dma_wait3A_1530] : memref<21525x64xf32, #tpu.memory_space<vmem_shared>> -> memref<21525x64xf32, #tpu.memory_space<vmem_shared>>
    tpu.wait_indirect_dma semaphore(%arg13 : memref<!tpu.dma_semaphore, #tpu.memory_space<semaphore_mem>>) src(%dma_wait3A_1531 : memref<21525x64xf32, #tpu.memory_space<vmem_shared>>) dst(%arg8 : memref<128x64xf32, #tpu.memory_space<vmem>>)
    %add3A_1532 = arith.constant 5 : i32
    %add3A_1533 = arith.addi %mul3A_2, %add3A_1532 : i32
    %dma_start3A_1534 = arith.constant 384 : i32
    %dma_start3A_1535 = arith.constant 0 : i32
    %dma_start3A_1536 = tpu.memref_slice %arg4[%add3A_1533, %dma_start3A_1534, %dma_start3A_1535] : memref<256x1024x64xf32, #tpu.memory_space<hbm>> -> memref<1x128x64xf32, #tpu.memory_space<hbm>>
    %dma_start3A_1537 = tpu.memref_squeeze %dma_start3A_1536 : memref<1x128x64xf32, #tpu.memory_space<hbm>> -> memref<128x64xf32, #tpu.memory_space<hbm>>
    %dma_start3A_1538 = arith.constant 384 : i32
    %dma_start3A_1539 = arith.constant 0 : i32
    %dma_start3A_1540 = tpu.memref_slice %arg4[%add3A_1533, %dma_start3A_1538, %dma_start3A_1539] : memref<256x1024x64xf32, #tpu.memory_space<hbm>> -> memref<1x128x64xf32, #tpu.memory_space<hbm>>
    %dma_start3A_1541 = tpu.memref_squeeze %dma_start3A_1540 : memref<1x128x64xf32, #tpu.memory_space<hbm>> -> memref<128x64xf32, #tpu.memory_space<hbm>>
    tpu.enqueue_dma source(%arg8 : memref<128x64xf32, #tpu.memory_space<vmem>>) target(%dma_start3A_1541 : memref<128x64xf32, #tpu.memory_space<hbm>>) target_semaphore(%arg16 : memref<!tpu.dma_semaphore, #tpu.memory_space<semaphore_mem>>)
    %dma_wait3A_1542 = arith.constant 256 : i32
    %dma_wait3A_1543 = arith.constant 0 : i32
    %dma_wait3A_1544 = tpu.memref_slice %arg4[%add3A_1499, %dma_wait3A_1542, %dma_wait3A_1543] : memref<256x1024x64xf32, #tpu.memory_space<hbm>> -> memref<1x128x64xf32, #tpu.memory_space<hbm>>
    %dma_wait3A_1545 = tpu.memref_squeeze %dma_wait3A_1544 : memref<1x128x64xf32, #tpu.memory_space<hbm>> -> memref<128x64xf32, #tpu.memory_space<hbm>>
    %dma_wait3A_1546 = arith.constant 256 : i32
    %dma_wait3A_1547 = arith.constant 0 : i32
    %dma_wait3A_1548 = tpu.memref_slice %arg4[%add3A_1499, %dma_wait3A_1546, %dma_wait3A_1547] : memref<256x1024x64xf32, #tpu.memory_space<hbm>> -> memref<1x128x64xf32, #tpu.memory_space<hbm>>
    %dma_wait3A_1549 = tpu.memref_squeeze %dma_wait3A_1548 : memref<1x128x64xf32, #tpu.memory_space<hbm>> -> memref<128x64xf32, #tpu.memory_space<hbm>>
    tpu.wait_dma2 semaphore(%arg15 : memref<!tpu.dma_semaphore, #tpu.memory_space<semaphore_mem>>) src(%arg7 : memref<128x64xf32, #tpu.memory_space<vmem>>) dst(%dma_wait3A_1549 : memref<128x64xf32, #tpu.memory_space<hbm>>)
    %dma_start3A_1550 = arith.constant 5 : i32
    %dma_start3A_1551 = arith.constant 5 : i32
    %dma_start3A_1552 = arith.constant 0 : i32
    %dma_start3A_1553 = tpu.memref_slice %arg6[%dma_start3A_1550, %dma_start3A_1551, %dma_start3A_1552] : memref<8x8x128xi32, #tpu.memory_space<vmem>> -> memref<1x1x128xi32, #tpu.memory_space<vmem>>
    %dma_start3A_1554 = tpu.memref_squeeze %dma_start3A_1553 : memref<1x1x128xi32, #tpu.memory_space<vmem>> -> memref<128xi32, #tpu.memory_space<vmem>>
    %dma_start3A_1555 = arith.constant 0 : i32
    %dma_start3A_1556 = arith.constant 0 : i32
    %dma_start3A_1557 = tpu.memref_slice %arg10[%dma_start3A_1555, %dma_start3A_1556] : memref<21525x64xf32, #tpu.memory_space<vmem_shared>> -> memref<21525x64xf32, #tpu.memory_space<vmem_shared>>
    tpu.enqueue_indirect_dma source(%dma_start3A_1557 : memref<21525x64xf32, #tpu.memory_space<vmem_shared>>) target(%arg7 : memref<128x64xf32, #tpu.memory_space<vmem>>) offsets(%dma_start3A_1554 : memref<128xi32, #tpu.memory_space<vmem>>) semaphore(%arg12 : memref<!tpu.dma_semaphore, #tpu.memory_space<semaphore_mem>>)
    %dma_wait3A_1558 = arith.constant 5 : i32
    %dma_wait3A_1559 = arith.constant 4 : i32
    %dma_wait3A_1560 = arith.constant 0 : i32
    %dma_wait3A_1561 = tpu.memref_slice %arg6[%dma_wait3A_1558, %dma_wait3A_1559, %dma_wait3A_1560] : memref<8x8x128xi32, #tpu.memory_space<vmem>> -> memref<1x1x128xi32, #tpu.memory_space<vmem>>
    %dma_wait3A_1562 = tpu.memref_squeeze %dma_wait3A_1561 : memref<1x1x128xi32, #tpu.memory_space<vmem>> -> memref<128xi32, #tpu.memory_space<vmem>>
    %dma_wait3A_1563 = arith.constant 0 : i32
    %dma_wait3A_1564 = arith.constant 0 : i32
    %dma_wait3A_1565 = tpu.memref_slice %arg10[%dma_wait3A_1563, %dma_wait3A_1564] : memref<21525x64xf32, #tpu.memory_space<vmem_shared>> -> memref<21525x64xf32, #tpu.memory_space<vmem_shared>>
    tpu.wait_indirect_dma semaphore(%arg14 : memref<!tpu.dma_semaphore, #tpu.memory_space<semaphore_mem>>) src(%dma_wait3A_1565 : memref<21525x64xf32, #tpu.memory_space<vmem_shared>>) dst(%arg9 : memref<128x64xf32, #tpu.memory_space<vmem>>)
    %add3A_1566 = arith.constant 5 : i32
    %add3A_1567 = arith.addi %mul3A_2, %add3A_1566 : i32
    %dma_start3A_1568 = arith.constant 512 : i32
    %dma_start3A_1569 = arith.constant 0 : i32
    %dma_start3A_1570 = tpu.memref_slice %arg4[%add3A_1567, %dma_start3A_1568, %dma_start3A_1569] : memref<256x1024x64xf32, #tpu.memory_space<hbm>> -> memref<1x128x64xf32, #tpu.memory_space<hbm>>
    %dma_start3A_1571 = tpu.memref_squeeze %dma_start3A_1570 : memref<1x128x64xf32, #tpu.memory_space<hbm>> -> memref<128x64xf32, #tpu.memory_space<hbm>>
    %dma_start3A_1572 = arith.constant 512 : i32
    %dma_start3A_1573 = arith.constant 0 : i32
    %dma_start3A_1574 = tpu.memref_slice %arg4[%add3A_1567, %dma_start3A_1572, %dma_start3A_1573] : memref<256x1024x64xf32, #tpu.memory_space<hbm>> -> memref<1x128x64xf32, #tpu.memory_space<hbm>>
    %dma_start3A_1575 = tpu.memref_squeeze %dma_start3A_1574 : memref<1x128x64xf32, #tpu.memory_space<hbm>> -> memref<128x64xf32, #tpu.memory_space<hbm>>
    tpu.enqueue_dma source(%arg9 : memref<128x64xf32, #tpu.memory_space<vmem>>) target(%dma_start3A_1575 : memref<128x64xf32, #tpu.memory_space<hbm>>) target_semaphore(%arg17 : memref<!tpu.dma_semaphore, #tpu.memory_space<semaphore_mem>>)
    %dma_wait3A_1576 = arith.constant 384 : i32
    %dma_wait3A_1577 = arith.constant 0 : i32
    %dma_wait3A_1578 = tpu.memref_slice %arg4[%add3A_1533, %dma_wait3A_1576, %dma_wait3A_1577] : memref<256x1024x64xf32, #tpu.memory_space<hbm>> -> memref<1x128x64xf32, #tpu.memory_space<hbm>>
    %dma_wait3A_1579 = tpu.memref_squeeze %dma_wait3A_1578 : memref<1x128x64xf32, #tpu.memory_space<hbm>> -> memref<128x64xf32, #tpu.memory_space<hbm>>
    %dma_wait3A_1580 = arith.constant 384 : i32
    %dma_wait3A_1581 = arith.constant 0 : i32
    %dma_wait3A_1582 = tpu.memref_slice %arg4[%add3A_1533, %dma_wait3A_1580, %dma_wait3A_1581] : memref<256x1024x64xf32, #tpu.memory_space<hbm>> -> memref<1x128x64xf32, #tpu.memory_space<hbm>>
    %dma_wait3A_1583 = tpu.memref_squeeze %dma_wait3A_1582 : memref<1x128x64xf32, #tpu.memory_space<hbm>> -> memref<128x64xf32, #tpu.memory_space<hbm>>
    tpu.wait_dma2 semaphore(%arg16 : memref<!tpu.dma_semaphore, #tpu.memory_space<semaphore_mem>>) src(%arg8 : memref<128x64xf32, #tpu.memory_space<vmem>>) dst(%dma_wait3A_1583 : memref<128x64xf32, #tpu.memory_space<hbm>>)
    %dma_start3A_1584 = arith.constant 5 : i32
    %dma_start3A_1585 = arith.constant 6 : i32
    %dma_start3A_1586 = arith.constant 0 : i32
    %dma_start3A_1587 = tpu.memref_slice %arg6[%dma_start3A_1584, %dma_start3A_1585, %dma_start3A_1586] : memref<8x8x128xi32, #tpu.memory_space<vmem>> -> memref<1x1x128xi32, #tpu.memory_space<vmem>>
    %dma_start3A_1588 = tpu.memref_squeeze %dma_start3A_1587 : memref<1x1x128xi32, #tpu.memory_space<vmem>> -> memref<128xi32, #tpu.memory_space<vmem>>
    %dma_start3A_1589 = arith.constant 0 : i32
    %dma_start3A_1590 = arith.constant 0 : i32
    %dma_start3A_1591 = tpu.memref_slice %arg10[%dma_start3A_1589, %dma_start3A_1590] : memref<21525x64xf32, #tpu.memory_space<vmem_shared>> -> memref<21525x64xf32, #tpu.memory_space<vmem_shared>>
    tpu.enqueue_indirect_dma source(%dma_start3A_1591 : memref<21525x64xf32, #tpu.memory_space<vmem_shared>>) target(%arg8 : memref<128x64xf32, #tpu.memory_space<vmem>>) offsets(%dma_start3A_1588 : memref<128xi32, #tpu.memory_space<vmem>>) semaphore(%arg13 : memref<!tpu.dma_semaphore, #tpu.memory_space<semaphore_mem>>)
    %dma_wait3A_1592 = arith.constant 5 : i32
    %dma_wait3A_1593 = arith.constant 5 : i32
    %dma_wait3A_1594 = arith.constant 0 : i32
    %dma_wait3A_1595 = tpu.memref_slice %arg6[%dma_wait3A_1592, %dma_wait3A_1593, %dma_wait3A_1594] : memref<8x8x128xi32, #tpu.memory_space<vmem>> -> memref<1x1x128xi32, #tpu.memory_space<vmem>>
    %dma_wait3A_1596 = tpu.memref_squeeze %dma_wait3A_1595 : memref<1x1x128xi32, #tpu.memory_space<vmem>> -> memref<128xi32, #tpu.memory_space<vmem>>
    %dma_wait3A_1597 = arith.constant 0 : i32
    %dma_wait3A_1598 = arith.constant 0 : i32
    %dma_wait3A_1599 = tpu.memref_slice %arg10[%dma_wait3A_1597, %dma_wait3A_1598] : memref<21525x64xf32, #tpu.memory_space<vmem_shared>> -> memref<21525x64xf32, #tpu.memory_space<vmem_shared>>
    tpu.wait_indirect_dma semaphore(%arg12 : memref<!tpu.dma_semaphore, #tpu.memory_space<semaphore_mem>>) src(%dma_wait3A_1599 : memref<21525x64xf32, #tpu.memory_space<vmem_shared>>) dst(%arg7 : memref<128x64xf32, #tpu.memory_space<vmem>>)
    %add3A_1600 = arith.constant 5 : i32
    %add3A_1601 = arith.addi %mul3A_2, %add3A_1600 : i32
    %dma_start3A_1602 = arith.constant 640 : i32
    %dma_start3A_1603 = arith.constant 0 : i32
    %dma_start3A_1604 = tpu.memref_slice %arg4[%add3A_1601, %dma_start3A_1602, %dma_start3A_1603] : memref<256x1024x64xf32, #tpu.memory_space<hbm>> -> memref<1x128x64xf32, #tpu.memory_space<hbm>>
    %dma_start3A_1605 = tpu.memref_squeeze %dma_start3A_1604 : memref<1x128x64xf32, #tpu.memory_space<hbm>> -> memref<128x64xf32, #tpu.memory_space<hbm>>
    %dma_start3A_1606 = arith.constant 640 : i32
    %dma_start3A_1607 = arith.constant 0 : i32
    %dma_start3A_1608 = tpu.memref_slice %arg4[%add3A_1601, %dma_start3A_1606, %dma_start3A_1607] : memref<256x1024x64xf32, #tpu.memory_space<hbm>> -> memref<1x128x64xf32, #tpu.memory_space<hbm>>
    %dma_start3A_1609 = tpu.memref_squeeze %dma_start3A_1608 : memref<1x128x64xf32, #tpu.memory_space<hbm>> -> memref<128x64xf32, #tpu.memory_space<hbm>>
    tpu.enqueue_dma source(%arg7 : memref<128x64xf32, #tpu.memory_space<vmem>>) target(%dma_start3A_1609 : memref<128x64xf32, #tpu.memory_space<hbm>>) target_semaphore(%arg15 : memref<!tpu.dma_semaphore, #tpu.memory_space<semaphore_mem>>)
    %dma_wait3A_1610 = arith.constant 512 : i32
    %dma_wait3A_1611 = arith.constant 0 : i32
    %dma_wait3A_1612 = tpu.memref_slice %arg4[%add3A_1567, %dma_wait3A_1610, %dma_wait3A_1611] : memref<256x1024x64xf32, #tpu.memory_space<hbm>> -> memref<1x128x64xf32, #tpu.memory_space<hbm>>
    %dma_wait3A_1613 = tpu.memref_squeeze %dma_wait3A_1612 : memref<1x128x64xf32, #tpu.memory_space<hbm>> -> memref<128x64xf32, #tpu.memory_space<hbm>>
    %dma_wait3A_1614 = arith.constant 512 : i32
    %dma_wait3A_1615 = arith.constant 0 : i32
    %dma_wait3A_1616 = tpu.memref_slice %arg4[%add3A_1567, %dma_wait3A_1614, %dma_wait3A_1615] : memref<256x1024x64xf32, #tpu.memory_space<hbm>> -> memref<1x128x64xf32, #tpu.memory_space<hbm>>
    %dma_wait3A_1617 = tpu.memref_squeeze %dma_wait3A_1616 : memref<1x128x64xf32, #tpu.memory_space<hbm>> -> memref<128x64xf32, #tpu.memory_space<hbm>>
    tpu.wait_dma2 semaphore(%arg17 : memref<!tpu.dma_semaphore, #tpu.memory_space<semaphore_mem>>) src(%arg9 : memref<128x64xf32, #tpu.memory_space<vmem>>) dst(%dma_wait3A_1617 : memref<128x64xf32, #tpu.memory_space<hbm>>)
    %dma_start3A_1618 = arith.constant 5 : i32
    %dma_start3A_1619 = arith.constant 7 : i32
    %dma_start3A_1620 = arith.constant 0 : i32
    %dma_start3A_1621 = tpu.memref_slice %arg6[%dma_start3A_1618, %dma_start3A_1619, %dma_start3A_1620] : memref<8x8x128xi32, #tpu.memory_space<vmem>> -> memref<1x1x128xi32, #tpu.memory_space<vmem>>
    %dma_start3A_1622 = tpu.memref_squeeze %dma_start3A_1621 : memref<1x1x128xi32, #tpu.memory_space<vmem>> -> memref<128xi32, #tpu.memory_space<vmem>>
    %dma_start3A_1623 = arith.constant 0 : i32
    %dma_start3A_1624 = arith.constant 0 : i32
    %dma_start3A_1625 = tpu.memref_slice %arg10[%dma_start3A_1623, %dma_start3A_1624] : memref<21525x64xf32, #tpu.memory_space<vmem_shared>> -> memref<21525x64xf32, #tpu.memory_space<vmem_shared>>
    tpu.enqueue_indirect_dma source(%dma_start3A_1625 : memref<21525x64xf32, #tpu.memory_space<vmem_shared>>) target(%arg9 : memref<128x64xf32, #tpu.memory_space<vmem>>) offsets(%dma_start3A_1622 : memref<128xi32, #tpu.memory_space<vmem>>) semaphore(%arg14 : memref<!tpu.dma_semaphore, #tpu.memory_space<semaphore_mem>>)
    %scan3A_1626 = arith.constant 0 : i32
    %scan3A_1627 = arith.constant 0 : i32
    %scan3A_1628 = arith.constant 64 : i32
    %scan3A_1629 = arith.addi %scan3A_1627, %scan3A_1628 : i32
    %scan3A_1630 = arith.constant 1 : i32
    %scan3A_1631 = scf.for %scan3A_2236 = %scan3A_1627 to %scan3A_1629 step %scan3A_1630 iter_args(%scan3A_2237 = %scan3A_1626) -> (i32)  : i32 {
      %mul3A_2238 = arith.constant 16 : i32
      %mul3A_2239 = arith.muli %scan3A_2236, %mul3A_2238 : i32
      %get3A = arith.constant 6 : i32
      %get3A_2240 = arith.index_cast %get3A : i32 to index
      %get3A_2241 = arith.index_cast %mul3A_2239 : i32 to index
      %get3A_2242 = tpu.vector_load %arg5[%get3A_2240, %get3A_2241] {strides = array<i32>} : memref<8x1024xi32, #tpu.memory_space<vmem>>, vector<16xi32>,
      %min3A = arith.constant 1 : i32
      %min3A_2243 = vector.broadcast %min3A : i32 to vector<16xi32>
      %min3A_2244 = arith.minsi %get3A_2242, %min3A_2243 : vector<16xi32>
      %broadcast_in_dim3A = arith.constant true
      %broadcast_in_dim3A_2245 = vector.broadcast %broadcast_in_dim3A : i1 to vector<16xi1>
      %masked_cumsum3A = tpu.scan <sum>, %min3A_2244 masked %broadcast_in_dim3A_2245 : vector<16xi32>, vector<16xi1> -> vector<16xi32>
      %mul3A_2246 = arith.constant 1025 : i32
      %mul3A_2247 = vector.broadcast %mul3A_2246 : i32 to vector<16xi32>
      %mul3A_2248 = arith.muli %get3A_2242, %mul3A_2247 : vector<16xi32>
      %add3A_2249 = vector.broadcast %scan3A_2237 : i32 to vector<16xi32>
      %add3A_2250 = arith.addi %masked_cumsum3A, %add3A_2249 : vector<16xi32>
      %mul3A_2251 = arith.muli %add3A_2250, %min3A_2244 : vector<16xi32>
      %add3A_2252 = arith.addi %mul3A_2248, %mul3A_2251 : vector<16xi32>
      %jit3A = arith.constant 8 : i32
      %div3A = arith.divsi %scan3A_2236, %jit3A : i32
      %sign3A = arith.constant 0 : i32
      %sign3A_2253 = arith.cmpi sgt, %scan3A_2236, %sign3A : i32
      %sign3A_2254 = arith.extui %sign3A_2253 : i1 to i32
      %sign3A_2255 = arith.constant 0 : i32
      %sign3A_2256 = arith.cmpi slt, %scan3A_2236, %sign3A_2255 : i32
      %sign3A_2257 = arith.extui %sign3A_2256 : i1 to i32
      %sign3A_2258 = arith.subi %sign3A_2254, %sign3A_2257 : i32
      %sign3A_2259 = arith.constant 0 : i32
      %sign3A_2260 = arith.cmpi sgt, %jit3A, %sign3A_2259 : i32
      %sign3A_2261 = arith.extui %sign3A_2260 : i1 to i32
      %sign3A_2262 = arith.constant 0 : i32
      %sign3A_2263 = arith.cmpi slt, %jit3A, %sign3A_2262 : i32
      %sign3A_2264 = arith.extui %sign3A_2263 : i1 to i32
      %sign3A_2265 = arith.subi %sign3A_2261, %sign3A_2264 : i32
      %ne3A = arith.cmpi ne, %sign3A_2258, %sign3A_2265 : i32
      %rem3A = arith.remsi %scan3A_2236, %jit3A : i32
      %ne3A_2266 = arith.constant 0 : i32
      %ne3A_2267 = arith.cmpi ne, %rem3A, %ne3A_2266 : i32
      %and3A = arith.andi %ne3A, %ne3A_2267 : i1
      %sub3A = arith.constant 1 : i32
      %sub3A_2268 = arith.subi %div3A, %sub3A : i32
      %select_n3A = arith.select %and3A, %sub3A_2268, %div3A : i32
      %jit3A_2269 = arith.constant 8 : i32
      %eq3A_2270 = arith.constant 0 : i32
      %eq3A_2271 = arith.cmpi eq, %jit3A_2269, %eq3A_2270 : i32
      %jit3A_2272 = arith.constant 1 : i32
      %select_n3A_2273 = arith.select %eq3A_2271, %jit3A_2272, %jit3A_2269 : i32
      %rem3A_2274 = arith.remsi %scan3A_2236, %select_n3A_2273 : i32
      %ne3A_2275 = arith.constant 0 : i32
      %ne3A_2276 = arith.cmpi ne, %rem3A_2274, %ne3A_2275 : i32
      %lt3A = arith.constant 0 : i32
      %lt3A_2277 = arith.cmpi slt, %rem3A_2274, %lt3A : i32
      %lt3A_2278 = arith.constant 0 : i32
      %lt3A_2279 = arith.cmpi slt, %select_n3A_2273, %lt3A_2278 : i32
      %ne3A_2280 = arith.xori %lt3A_2277, %lt3A_2279 : i1
      %and3A_2281 = arith.andi %ne3A_2280, %ne3A_2276 : i1
      %add3A_2282 = arith.addi %rem3A_2274, %select_n3A_2273 : i32
      %select_n3A_2283 = arith.select %and3A_2281, %add3A_2282, %rem3A_2274 : i32
      %mul3A_2284 = arith.constant 16 : i32
      %mul3A_2285 = arith.muli %select_n3A_2283, %mul3A_2284 : i32
      %swap3A = arith.constant 6 : i32
      %swap3A_2286 = arith.index_cast %swap3A : i32 to index
      %swap3A_2287 = arith.index_cast %select_n3A : i32 to index
      %swap3A_2288 = arith.index_cast %mul3A_2285 : i32 to index
      %swap3A_2289 = tpu.vector_load %arg6[%swap3A_2286, %swap3A_2287, %swap3A_2288] {strides = array<i32>} : memref<8x8x128xi32, #tpu.memory_space<vmem>>, vector<16xi32>,
      tpu.vector_store %arg6[%swap3A_2286, %swap3A_2287, %swap3A_2288], %add3A_2252 {strides = array<i32>} : memref<8x8x128xi32, #tpu.memory_space<vmem>>, vector<16xi32>,
      %reduce_sum3A = arith.constant true
      %reduce_sum3A_2290 = vector.broadcast %reduce_sum3A : i1 to vector<16xi1>
      %reduce_sum3A_2291 = tpu.scan <sum>, %min3A_2244 masked %reduce_sum3A_2290 : vector<16xi32>, vector<16xi1> -> vector<16xi32>
      %reduce_sum3A_2292 = vector.extract %reduce_sum3A_2291[15] : i32 from vector<16xi32>
      %add3A_2293 = arith.addi %scan3A_2237, %reduce_sum3A_2292 : i32
      scf.yield %add3A_2293 : i32
    }
    %scan3A_1632 = arith.constant 64 : i32
    %dma_wait3A_1633 = arith.constant 5 : i32
    %dma_wait3A_1634 = arith.constant 6 : i32
    %dma_wait3A_1635 = arith.constant 0 : i32
    %dma_wait3A_1636 = tpu.memref_slice %arg6[%dma_wait3A_1633, %dma_wait3A_1634, %dma_wait3A_1635] : memref<8x8x128xi32, #tpu.memory_space<vmem>> -> memref<1x1x128xi32, #tpu.memory_space<vmem>>
    %dma_wait3A_1637 = tpu.memref_squeeze %dma_wait3A_1636 : memref<1x1x128xi32, #tpu.memory_space<vmem>> -> memref<128xi32, #tpu.memory_space<vmem>>
    %dma_wait3A_1638 = arith.constant 0 : i32
    %dma_wait3A_1639 = arith.constant 0 : i32
    %dma_wait3A_1640 = tpu.memref_slice %arg10[%dma_wait3A_1638, %dma_wait3A_1639] : memref<21525x64xf32, #tpu.memory_space<vmem_shared>> -> memref<21525x64xf32, #tpu.memory_space<vmem_shared>>
    tpu.wait_indirect_dma semaphore(%arg13 : memref<!tpu.dma_semaphore, #tpu.memory_space<semaphore_mem>>) src(%dma_wait3A_1640 : memref<21525x64xf32, #tpu.memory_space<vmem_shared>>) dst(%arg8 : memref<128x64xf32, #tpu.memory_space<vmem>>)
    %add3A_1641 = arith.constant 5 : i32
    %add3A_1642 = arith.addi %mul3A_2, %add3A_1641 : i32
    %dma_start3A_1643 = arith.constant 768 : i32
    %dma_start3A_1644 = arith.constant 0 : i32
    %dma_start3A_1645 = tpu.memref_slice %arg4[%add3A_1642, %dma_start3A_1643, %dma_start3A_1644] : memref<256x1024x64xf32, #tpu.memory_space<hbm>> -> memref<1x128x64xf32, #tpu.memory_space<hbm>>
    %dma_start3A_1646 = tpu.memref_squeeze %dma_start3A_1645 : memref<1x128x64xf32, #tpu.memory_space<hbm>> -> memref<128x64xf32, #tpu.memory_space<hbm>>
    %dma_start3A_1647 = arith.constant 768 : i32
    %dma_start3A_1648 = arith.constant 0 : i32
    %dma_start3A_1649 = tpu.memref_slice %arg4[%add3A_1642, %dma_start3A_1647, %dma_start3A_1648] : memref<256x1024x64xf32, #tpu.memory_space<hbm>> -> memref<1x128x64xf32, #tpu.memory_space<hbm>>
    %dma_start3A_1650 = tpu.memref_squeeze %dma_start3A_1649 : memref<1x128x64xf32, #tpu.memory_space<hbm>> -> memref<128x64xf32, #tpu.memory_space<hbm>>
    tpu.enqueue_dma source(%arg8 : memref<128x64xf32, #tpu.memory_space<vmem>>) target(%dma_start3A_1650 : memref<128x64xf32, #tpu.memory_space<hbm>>) target_semaphore(%arg16 : memref<!tpu.dma_semaphore, #tpu.memory_space<semaphore_mem>>)
    %dma_wait3A_1651 = arith.constant 640 : i32
    %dma_wait3A_1652 = arith.constant 0 : i32
    %dma_wait3A_1653 = tpu.memref_slice %arg4[%add3A_1601, %dma_wait3A_1651, %dma_wait3A_1652] : memref<256x1024x64xf32, #tpu.memory_space<hbm>> -> memref<1x128x64xf32, #tpu.memory_space<hbm>>
    %dma_wait3A_1654 = tpu.memref_squeeze %dma_wait3A_1653 : memref<1x128x64xf32, #tpu.memory_space<hbm>> -> memref<128x64xf32, #tpu.memory_space<hbm>>
    %dma_wait3A_1655 = arith.constant 640 : i32
    %dma_wait3A_1656 = arith.constant 0 : i32
    %dma_wait3A_1657 = tpu.memref_slice %arg4[%add3A_1601, %dma_wait3A_1655, %dma_wait3A_1656] : memref<256x1024x64xf32, #tpu.memory_space<hbm>> -> memref<1x128x64xf32, #tpu.memory_space<hbm>>
    %dma_wait3A_1658 = tpu.memref_squeeze %dma_wait3A_1657 : memref<1x128x64xf32, #tpu.memory_space<hbm>> -> memref<128x64xf32, #tpu.memory_space<hbm>>
    tpu.wait_dma2 semaphore(%arg15 : memref<!tpu.dma_semaphore, #tpu.memory_space<semaphore_mem>>) src(%arg7 : memref<128x64xf32, #tpu.memory_space<vmem>>) dst(%dma_wait3A_1658 : memref<128x64xf32, #tpu.memory_space<hbm>>)
    %dma_start3A_1659 = arith.constant 6 : i32
    %dma_start3A_1660 = arith.constant 0 : i32
    %dma_start3A_1661 = arith.constant 0 : i32
    %dma_start3A_1662 = tpu.memref_slice %arg6[%dma_start3A_1659, %dma_start3A_1660, %dma_start3A_1661] : memref<8x8x128xi32, #tpu.memory_space<vmem>> -> memref<1x1x128xi32, #tpu.memory_space<vmem>>
    %dma_start3A_1663 = tpu.memref_squeeze %dma_start3A_1662 : memref<1x1x128xi32, #tpu.memory_space<vmem>> -> memref<128xi32, #tpu.memory_space<vmem>>
    %dma_start3A_1664 = arith.constant 0 : i32
    %dma_start3A_1665 = arith.constant 0 : i32
    %dma_start3A_1666 = tpu.memref_slice %arg10[%dma_start3A_1664, %dma_start3A_1665] : memref<21525x64xf32, #tpu.memory_space<vmem_shared>> -> memref<21525x64xf32, #tpu.memory_space<vmem_shared>>
    tpu.enqueue_indirect_dma source(%dma_start3A_1666 : memref<21525x64xf32, #tpu.memory_space<vmem_shared>>) target(%arg7 : memref<128x64xf32, #tpu.memory_space<vmem>>) offsets(%dma_start3A_1663 : memref<128xi32, #tpu.memory_space<vmem>>) semaphore(%arg12 : memref<!tpu.dma_semaphore, #tpu.memory_space<semaphore_mem>>)
    %dma_wait3A_1667 = arith.constant 5 : i32
    %dma_wait3A_1668 = arith.constant 7 : i32
    %dma_wait3A_1669 = arith.constant 0 : i32
    %dma_wait3A_1670 = tpu.memref_slice %arg6[%dma_wait3A_1667, %dma_wait3A_1668, %dma_wait3A_1669] : memref<8x8x128xi32, #tpu.memory_space<vmem>> -> memref<1x1x128xi32, #tpu.memory_space<vmem>>
    %dma_wait3A_1671 = tpu.memref_squeeze %dma_wait3A_1670 : memref<1x1x128xi32, #tpu.memory_space<vmem>> -> memref<128xi32, #tpu.memory_space<vmem>>
    %dma_wait3A_1672 = arith.constant 0 : i32
    %dma_wait3A_1673 = arith.constant 0 : i32
    %dma_wait3A_1674 = tpu.memref_slice %arg10[%dma_wait3A_1672, %dma_wait3A_1673] : memref<21525x64xf32, #tpu.memory_space<vmem_shared>> -> memref<21525x64xf32, #tpu.memory_space<vmem_shared>>
    tpu.wait_indirect_dma semaphore(%arg14 : memref<!tpu.dma_semaphore, #tpu.memory_space<semaphore_mem>>) src(%dma_wait3A_1674 : memref<21525x64xf32, #tpu.memory_space<vmem_shared>>) dst(%arg9 : memref<128x64xf32, #tpu.memory_space<vmem>>)
    %add3A_1675 = arith.constant 5 : i32
    %add3A_1676 = arith.addi %mul3A_2, %add3A_1675 : i32
    %dma_start3A_1677 = arith.constant 896 : i32
    %dma_start3A_1678 = arith.constant 0 : i32
    %dma_start3A_1679 = tpu.memref_slice %arg4[%add3A_1676, %dma_start3A_1677, %dma_start3A_1678] : memref<256x1024x64xf32, #tpu.memory_space<hbm>> -> memref<1x128x64xf32, #tpu.memory_space<hbm>>
    %dma_start3A_1680 = tpu.memref_squeeze %dma_start3A_1679 : memref<1x128x64xf32, #tpu.memory_space<hbm>> -> memref<128x64xf32, #tpu.memory_space<hbm>>
    %dma_start3A_1681 = arith.constant 896 : i32
    %dma_start3A_1682 = arith.constant 0 : i32
    %dma_start3A_1683 = tpu.memref_slice %arg4[%add3A_1676, %dma_start3A_1681, %dma_start3A_1682] : memref<256x1024x64xf32, #tpu.memory_space<hbm>> -> memref<1x128x64xf32, #tpu.memory_space<hbm>>
    %dma_start3A_1684 = tpu.memref_squeeze %dma_start3A_1683 : memref<1x128x64xf32, #tpu.memory_space<hbm>> -> memref<128x64xf32, #tpu.memory_space<hbm>>
    tpu.enqueue_dma source(%arg9 : memref<128x64xf32, #tpu.memory_space<vmem>>) target(%dma_start3A_1684 : memref<128x64xf32, #tpu.memory_space<hbm>>) target_semaphore(%arg17 : memref<!tpu.dma_semaphore, #tpu.memory_space<semaphore_mem>>)
    %dma_wait3A_1685 = arith.constant 768 : i32
    %dma_wait3A_1686 = arith.constant 0 : i32
    %dma_wait3A_1687 = tpu.memref_slice %arg4[%add3A_1642, %dma_wait3A_1685, %dma_wait3A_1686] : memref<256x1024x64xf32, #tpu.memory_space<hbm>> -> memref<1x128x64xf32, #tpu.memory_space<hbm>>
    %dma_wait3A_1688 = tpu.memref_squeeze %dma_wait3A_1687 : memref<1x128x64xf32, #tpu.memory_space<hbm>> -> memref<128x64xf32, #tpu.memory_space<hbm>>
    %dma_wait3A_1689 = arith.constant 768 : i32
    %dma_wait3A_1690 = arith.constant 0 : i32
    %dma_wait3A_1691 = tpu.memref_slice %arg4[%add3A_1642, %dma_wait3A_1689, %dma_wait3A_1690] : memref<256x1024x64xf32, #tpu.memory_space<hbm>> -> memref<1x128x64xf32, #tpu.memory_space<hbm>>
    %dma_wait3A_1692 = tpu.memref_squeeze %dma_wait3A_1691 : memref<1x128x64xf32, #tpu.memory_space<hbm>> -> memref<128x64xf32, #tpu.memory_space<hbm>>
    tpu.wait_dma2 semaphore(%arg16 : memref<!tpu.dma_semaphore, #tpu.memory_space<semaphore_mem>>) src(%arg8 : memref<128x64xf32, #tpu.memory_space<vmem>>) dst(%dma_wait3A_1692 : memref<128x64xf32, #tpu.memory_space<hbm>>)
    %dma_start3A_1693 = arith.constant 6 : i32
    %dma_start3A_1694 = arith.constant 1 : i32
    %dma_start3A_1695 = arith.constant 0 : i32
    %dma_start3A_1696 = tpu.memref_slice %arg6[%dma_start3A_1693, %dma_start3A_1694, %dma_start3A_1695] : memref<8x8x128xi32, #tpu.memory_space<vmem>> -> memref<1x1x128xi32, #tpu.memory_space<vmem>>
    %dma_start3A_1697 = tpu.memref_squeeze %dma_start3A_1696 : memref<1x1x128xi32, #tpu.memory_space<vmem>> -> memref<128xi32, #tpu.memory_space<vmem>>
    %dma_start3A_1698 = arith.constant 0 : i32
    %dma_start3A_1699 = arith.constant 0 : i32
    %dma_start3A_1700 = tpu.memref_slice %arg10[%dma_start3A_1698, %dma_start3A_1699] : memref<21525x64xf32, #tpu.memory_space<vmem_shared>> -> memref<21525x64xf32, #tpu.memory_space<vmem_shared>>
    tpu.enqueue_indirect_dma source(%dma_start3A_1700 : memref<21525x64xf32, #tpu.memory_space<vmem_shared>>) target(%arg8 : memref<128x64xf32, #tpu.memory_space<vmem>>) offsets(%dma_start3A_1697 : memref<128xi32, #tpu.memory_space<vmem>>) semaphore(%arg13 : memref<!tpu.dma_semaphore, #tpu.memory_space<semaphore_mem>>)
    %dma_wait3A_1701 = arith.constant 6 : i32
    %dma_wait3A_1702 = arith.constant 0 : i32
    %dma_wait3A_1703 = arith.constant 0 : i32
    %dma_wait3A_1704 = tpu.memref_slice %arg6[%dma_wait3A_1701, %dma_wait3A_1702, %dma_wait3A_1703] : memref<8x8x128xi32, #tpu.memory_space<vmem>> -> memref<1x1x128xi32, #tpu.memory_space<vmem>>
    %dma_wait3A_1705 = tpu.memref_squeeze %dma_wait3A_1704 : memref<1x1x128xi32, #tpu.memory_space<vmem>> -> memref<128xi32, #tpu.memory_space<vmem>>
    %dma_wait3A_1706 = arith.constant 0 : i32
    %dma_wait3A_1707 = arith.constant 0 : i32
    %dma_wait3A_1708 = tpu.memref_slice %arg10[%dma_wait3A_1706, %dma_wait3A_1707] : memref<21525x64xf32, #tpu.memory_space<vmem_shared>> -> memref<21525x64xf32, #tpu.memory_space<vmem_shared>>
    tpu.wait_indirect_dma semaphore(%arg12 : memref<!tpu.dma_semaphore, #tpu.memory_space<semaphore_mem>>) src(%dma_wait3A_1708 : memref<21525x64xf32, #tpu.memory_space<vmem_shared>>) dst(%arg7 : memref<128x64xf32, #tpu.memory_space<vmem>>)
    %add3A_1709 = arith.constant 6 : i32
    %add3A_1710 = arith.addi %mul3A_2, %add3A_1709 : i32
    %dma_start3A_1711 = arith.constant 0 : i32
    %dma_start3A_1712 = arith.constant 0 : i32
    %dma_start3A_1713 = tpu.memref_slice %arg4[%add3A_1710, %dma_start3A_1711, %dma_start3A_1712] : memref<256x1024x64xf32, #tpu.memory_space<hbm>> -> memref<1x128x64xf32, #tpu.memory_space<hbm>>
    %dma_start3A_1714 = tpu.memref_squeeze %dma_start3A_1713 : memref<1x128x64xf32, #tpu.memory_space<hbm>> -> memref<128x64xf32, #tpu.memory_space<hbm>>
    %dma_start3A_1715 = arith.constant 0 : i32
    %dma_start3A_1716 = arith.constant 0 : i32
    %dma_start3A_1717 = tpu.memref_slice %arg4[%add3A_1710, %dma_start3A_1715, %dma_start3A_1716] : memref<256x1024x64xf32, #tpu.memory_space<hbm>> -> memref<1x128x64xf32, #tpu.memory_space<hbm>>
    %dma_start3A_1718 = tpu.memref_squeeze %dma_start3A_1717 : memref<1x128x64xf32, #tpu.memory_space<hbm>> -> memref<128x64xf32, #tpu.memory_space<hbm>>
    tpu.enqueue_dma source(%arg7 : memref<128x64xf32, #tpu.memory_space<vmem>>) target(%dma_start3A_1718 : memref<128x64xf32, #tpu.memory_space<hbm>>) target_semaphore(%arg15 : memref<!tpu.dma_semaphore, #tpu.memory_space<semaphore_mem>>)
    %dma_wait3A_1719 = arith.constant 896 : i32
    %dma_wait3A_1720 = arith.constant 0 : i32
    %dma_wait3A_1721 = tpu.memref_slice %arg4[%add3A_1676, %dma_wait3A_1719, %dma_wait3A_1720] : memref<256x1024x64xf32, #tpu.memory_space<hbm>> -> memref<1x128x64xf32, #tpu.memory_space<hbm>>
    %dma_wait3A_1722 = tpu.memref_squeeze %dma_wait3A_1721 : memref<1x128x64xf32, #tpu.memory_space<hbm>> -> memref<128x64xf32, #tpu.memory_space<hbm>>
    %dma_wait3A_1723 = arith.constant 896 : i32
    %dma_wait3A_1724 = arith.constant 0 : i32
    %dma_wait3A_1725 = tpu.memref_slice %arg4[%add3A_1676, %dma_wait3A_1723, %dma_wait3A_1724] : memref<256x1024x64xf32, #tpu.memory_space<hbm>> -> memref<1x128x64xf32, #tpu.memory_space<hbm>>
    %dma_wait3A_1726 = tpu.memref_squeeze %dma_wait3A_1725 : memref<1x128x64xf32, #tpu.memory_space<hbm>> -> memref<128x64xf32, #tpu.memory_space<hbm>>
    tpu.wait_dma2 semaphore(%arg17 : memref<!tpu.dma_semaphore, #tpu.memory_space<semaphore_mem>>) src(%arg9 : memref<128x64xf32, #tpu.memory_space<vmem>>) dst(%dma_wait3A_1726 : memref<128x64xf32, #tpu.memory_space<hbm>>)
    %dma_start3A_1727 = arith.constant 6 : i32
    %dma_start3A_1728 = arith.constant 2 : i32
    %dma_start3A_1729 = arith.constant 0 : i32
    %dma_start3A_1730 = tpu.memref_slice %arg6[%dma_start3A_1727, %dma_start3A_1728, %dma_start3A_1729] : memref<8x8x128xi32, #tpu.memory_space<vmem>> -> memref<1x1x128xi32, #tpu.memory_space<vmem>>
    %dma_start3A_1731 = tpu.memref_squeeze %dma_start3A_1730 : memref<1x1x128xi32, #tpu.memory_space<vmem>> -> memref<128xi32, #tpu.memory_space<vmem>>
    %dma_start3A_1732 = arith.constant 0 : i32
    %dma_start3A_1733 = arith.constant 0 : i32
    %dma_start3A_1734 = tpu.memref_slice %arg10[%dma_start3A_1732, %dma_start3A_1733] : memref<21525x64xf32, #tpu.memory_space<vmem_shared>> -> memref<21525x64xf32, #tpu.memory_space<vmem_shared>>
    tpu.enqueue_indirect_dma source(%dma_start3A_1734 : memref<21525x64xf32, #tpu.memory_space<vmem_shared>>) target(%arg9 : memref<128x64xf32, #tpu.memory_space<vmem>>) offsets(%dma_start3A_1731 : memref<128xi32, #tpu.memory_space<vmem>>) semaphore(%arg14 : memref<!tpu.dma_semaphore, #tpu.memory_space<semaphore_mem>>)
    %dma_wait3A_1735 = arith.constant 6 : i32
    %dma_wait3A_1736 = arith.constant 1 : i32
    %dma_wait3A_1737 = arith.constant 0 : i32
    %dma_wait3A_1738 = tpu.memref_slice %arg6[%dma_wait3A_1735, %dma_wait3A_1736, %dma_wait3A_1737] : memref<8x8x128xi32, #tpu.memory_space<vmem>> -> memref<1x1x128xi32, #tpu.memory_space<vmem>>
    %dma_wait3A_1739 = tpu.memref_squeeze %dma_wait3A_1738 : memref<1x1x128xi32, #tpu.memory_space<vmem>> -> memref<128xi32, #tpu.memory_space<vmem>>
    %dma_wait3A_1740 = arith.constant 0 : i32
    %dma_wait3A_1741 = arith.constant 0 : i32
    %dma_wait3A_1742 = tpu.memref_slice %arg10[%dma_wait3A_1740, %dma_wait3A_1741] : memref<21525x64xf32, #tpu.memory_space<vmem_shared>> -> memref<21525x64xf32, #tpu.memory_space<vmem_shared>>
    tpu.wait_indirect_dma semaphore(%arg13 : memref<!tpu.dma_semaphore, #tpu.memory_space<semaphore_mem>>) src(%dma_wait3A_1742 : memref<21525x64xf32, #tpu.memory_space<vmem_shared>>) dst(%arg8 : memref<128x64xf32, #tpu.memory_space<vmem>>)
    %add3A_1743 = arith.constant 6 : i32
    %add3A_1744 = arith.addi %mul3A_2, %add3A_1743 : i32
    %dma_start3A_1745 = arith.constant 128 : i32
    %dma_start3A_1746 = arith.constant 0 : i32
    %dma_start3A_1747 = tpu.memref_slice %arg4[%add3A_1744, %dma_start3A_1745, %dma_start3A_1746] : memref<256x1024x64xf32, #tpu.memory_space<hbm>> -> memref<1x128x64xf32, #tpu.memory_space<hbm>>
    %dma_start3A_1748 = tpu.memref_squeeze %dma_start3A_1747 : memref<1x128x64xf32, #tpu.memory_space<hbm>> -> memref<128x64xf32, #tpu.memory_space<hbm>>
    %dma_start3A_1749 = arith.constant 128 : i32
    %dma_start3A_1750 = arith.constant 0 : i32
    %dma_start3A_1751 = tpu.memref_slice %arg4[%add3A_1744, %dma_start3A_1749, %dma_start3A_1750] : memref<256x1024x64xf32, #tpu.memory_space<hbm>> -> memref<1x128x64xf32, #tpu.memory_space<hbm>>
    %dma_start3A_1752 = tpu.memref_squeeze %dma_start3A_1751 : memref<1x128x64xf32, #tpu.memory_space<hbm>> -> memref<128x64xf32, #tpu.memory_space<hbm>>
    tpu.enqueue_dma source(%arg8 : memref<128x64xf32, #tpu.memory_space<vmem>>) target(%dma_start3A_1752 : memref<128x64xf32, #tpu.memory_space<hbm>>) target_semaphore(%arg16 : memref<!tpu.dma_semaphore, #tpu.memory_space<semaphore_mem>>)
    %dma_wait3A_1753 = arith.constant 0 : i32
    %dma_wait3A_1754 = arith.constant 0 : i32
    %dma_wait3A_1755 = tpu.memref_slice %arg4[%add3A_1710, %dma_wait3A_1753, %dma_wait3A_1754] : memref<256x1024x64xf32, #tpu.memory_space<hbm>> -> memref<1x128x64xf32, #tpu.memory_space<hbm>>
    %dma_wait3A_1756 = tpu.memref_squeeze %dma_wait3A_1755 : memref<1x128x64xf32, #tpu.memory_space<hbm>> -> memref<128x64xf32, #tpu.memory_space<hbm>>
    %dma_wait3A_1757 = arith.constant 0 : i32
    %dma_wait3A_1758 = arith.constant 0 : i32
    %dma_wait3A_1759 = tpu.memref_slice %arg4[%add3A_1710, %dma_wait3A_1757, %dma_wait3A_1758] : memref<256x1024x64xf32, #tpu.memory_space<hbm>> -> memref<1x128x64xf32, #tpu.memory_space<hbm>>
    %dma_wait3A_1760 = tpu.memref_squeeze %dma_wait3A_1759 : memref<1x128x64xf32, #tpu.memory_space<hbm>> -> memref<128x64xf32, #tpu.memory_space<hbm>>
    tpu.wait_dma2 semaphore(%arg15 : memref<!tpu.dma_semaphore, #tpu.memory_space<semaphore_mem>>) src(%arg7 : memref<128x64xf32, #tpu.memory_space<vmem>>) dst(%dma_wait3A_1760 : memref<128x64xf32, #tpu.memory_space<hbm>>)
    %dma_start3A_1761 = arith.constant 6 : i32
    %dma_start3A_1762 = arith.constant 3 : i32
    %dma_start3A_1763 = arith.constant 0 : i32
    %dma_start3A_1764 = tpu.memref_slice %arg6[%dma_start3A_1761, %dma_start3A_1762, %dma_start3A_1763] : memref<8x8x128xi32, #tpu.memory_space<vmem>> -> memref<1x1x128xi32, #tpu.memory_space<vmem>>
    %dma_start3A_1765 = tpu.memref_squeeze %dma_start3A_1764 : memref<1x1x128xi32, #tpu.memory_space<vmem>> -> memref<128xi32, #tpu.memory_space<vmem>>
    %dma_start3A_1766 = arith.constant 0 : i32
    %dma_start3A_1767 = arith.constant 0 : i32
    %dma_start3A_1768 = tpu.memref_slice %arg10[%dma_start3A_1766, %dma_start3A_1767] : memref<21525x64xf32, #tpu.memory_space<vmem_shared>> -> memref<21525x64xf32, #tpu.memory_space<vmem_shared>>
    tpu.enqueue_indirect_dma source(%dma_start3A_1768 : memref<21525x64xf32, #tpu.memory_space<vmem_shared>>) target(%arg7 : memref<128x64xf32, #tpu.memory_space<vmem>>) offsets(%dma_start3A_1765 : memref<128xi32, #tpu.memory_space<vmem>>) semaphore(%arg12 : memref<!tpu.dma_semaphore, #tpu.memory_space<semaphore_mem>>)
    %dma_wait3A_1769 = arith.constant 6 : i32
    %dma_wait3A_1770 = arith.constant 2 : i32
    %dma_wait3A_1771 = arith.constant 0 : i32
    %dma_wait3A_1772 = tpu.memref_slice %arg6[%dma_wait3A_1769, %dma_wait3A_1770, %dma_wait3A_1771] : memref<8x8x128xi32, #tpu.memory_space<vmem>> -> memref<1x1x128xi32, #tpu.memory_space<vmem>>
    %dma_wait3A_1773 = tpu.memref_squeeze %dma_wait3A_1772 : memref<1x1x128xi32, #tpu.memory_space<vmem>> -> memref<128xi32, #tpu.memory_space<vmem>>
    %dma_wait3A_1774 = arith.constant 0 : i32
    %dma_wait3A_1775 = arith.constant 0 : i32
    %dma_wait3A_1776 = tpu.memref_slice %arg10[%dma_wait3A_1774, %dma_wait3A_1775] : memref<21525x64xf32, #tpu.memory_space<vmem_shared>> -> memref<21525x64xf32, #tpu.memory_space<vmem_shared>>
    tpu.wait_indirect_dma semaphore(%arg14 : memref<!tpu.dma_semaphore, #tpu.memory_space<semaphore_mem>>) src(%dma_wait3A_1776 : memref<21525x64xf32, #tpu.memory_space<vmem_shared>>) dst(%arg9 : memref<128x64xf32, #tpu.memory_space<vmem>>)
    %add3A_1777 = arith.constant 6 : i32
    %add3A_1778 = arith.addi %mul3A_2, %add3A_1777 : i32
    %dma_start3A_1779 = arith.constant 256 : i32
    %dma_start3A_1780 = arith.constant 0 : i32
    %dma_start3A_1781 = tpu.memref_slice %arg4[%add3A_1778, %dma_start3A_1779, %dma_start3A_1780] : memref<256x1024x64xf32, #tpu.memory_space<hbm>> -> memref<1x128x64xf32, #tpu.memory_space<hbm>>
    %dma_start3A_1782 = tpu.memref_squeeze %dma_start3A_1781 : memref<1x128x64xf32, #tpu.memory_space<hbm>> -> memref<128x64xf32, #tpu.memory_space<hbm>>
    %dma_start3A_1783 = arith.constant 256 : i32
    %dma_start3A_1784 = arith.constant 0 : i32
    %dma_start3A_1785 = tpu.memref_slice %arg4[%add3A_1778, %dma_start3A_1783, %dma_start3A_1784] : memref<256x1024x64xf32, #tpu.memory_space<hbm>> -> memref<1x128x64xf32, #tpu.memory_space<hbm>>
    %dma_start3A_1786 = tpu.memref_squeeze %dma_start3A_1785 : memref<1x128x64xf32, #tpu.memory_space<hbm>> -> memref<128x64xf32, #tpu.memory_space<hbm>>
    tpu.enqueue_dma source(%arg9 : memref<128x64xf32, #tpu.memory_space<vmem>>) target(%dma_start3A_1786 : memref<128x64xf32, #tpu.memory_space<hbm>>) target_semaphore(%arg17 : memref<!tpu.dma_semaphore, #tpu.memory_space<semaphore_mem>>)
    %dma_wait3A_1787 = arith.constant 128 : i32
    %dma_wait3A_1788 = arith.constant 0 : i32
    %dma_wait3A_1789 = tpu.memref_slice %arg4[%add3A_1744, %dma_wait3A_1787, %dma_wait3A_1788] : memref<256x1024x64xf32, #tpu.memory_space<hbm>> -> memref<1x128x64xf32, #tpu.memory_space<hbm>>
    %dma_wait3A_1790 = tpu.memref_squeeze %dma_wait3A_1789 : memref<1x128x64xf32, #tpu.memory_space<hbm>> -> memref<128x64xf32, #tpu.memory_space<hbm>>
    %dma_wait3A_1791 = arith.constant 128 : i32
    %dma_wait3A_1792 = arith.constant 0 : i32
    %dma_wait3A_1793 = tpu.memref_slice %arg4[%add3A_1744, %dma_wait3A_1791, %dma_wait3A_1792] : memref<256x1024x64xf32, #tpu.memory_space<hbm>> -> memref<1x128x64xf32, #tpu.memory_space<hbm>>
    %dma_wait3A_1794 = tpu.memref_squeeze %dma_wait3A_1793 : memref<1x128x64xf32, #tpu.memory_space<hbm>> -> memref<128x64xf32, #tpu.memory_space<hbm>>
    tpu.wait_dma2 semaphore(%arg16 : memref<!tpu.dma_semaphore, #tpu.memory_space<semaphore_mem>>) src(%arg8 : memref<128x64xf32, #tpu.memory_space<vmem>>) dst(%dma_wait3A_1794 : memref<128x64xf32, #tpu.memory_space<hbm>>)
    %dma_start3A_1795 = arith.constant 6 : i32
    %dma_start3A_1796 = arith.constant 4 : i32
    %dma_start3A_1797 = arith.constant 0 : i32
    %dma_start3A_1798 = tpu.memref_slice %arg6[%dma_start3A_1795, %dma_start3A_1796, %dma_start3A_1797] : memref<8x8x128xi32, #tpu.memory_space<vmem>> -> memref<1x1x128xi32, #tpu.memory_space<vmem>>
    %dma_start3A_1799 = tpu.memref_squeeze %dma_start3A_1798 : memref<1x1x128xi32, #tpu.memory_space<vmem>> -> memref<128xi32, #tpu.memory_space<vmem>>
    %dma_start3A_1800 = arith.constant 0 : i32
    %dma_start3A_1801 = arith.constant 0 : i32
    %dma_start3A_1802 = tpu.memref_slice %arg10[%dma_start3A_1800, %dma_start3A_1801] : memref<21525x64xf32, #tpu.memory_space<vmem_shared>> -> memref<21525x64xf32, #tpu.memory_space<vmem_shared>>
    tpu.enqueue_indirect_dma source(%dma_start3A_1802 : memref<21525x64xf32, #tpu.memory_space<vmem_shared>>) target(%arg8 : memref<128x64xf32, #tpu.memory_space<vmem>>) offsets(%dma_start3A_1799 : memref<128xi32, #tpu.memory_space<vmem>>) semaphore(%arg13 : memref<!tpu.dma_semaphore, #tpu.memory_space<semaphore_mem>>)
    %dma_wait3A_1803 = arith.constant 6 : i32
    %dma_wait3A_1804 = arith.constant 3 : i32
    %dma_wait3A_1805 = arith.constant 0 : i32
    %dma_wait3A_1806 = tpu.memref_slice %arg6[%dma_wait3A_1803, %dma_wait3A_1804, %dma_wait3A_1805] : memref<8x8x128xi32, #tpu.memory_space<vmem>> -> memref<1x1x128xi32, #tpu.memory_space<vmem>>
    %dma_wait3A_1807 = tpu.memref_squeeze %dma_wait3A_1806 : memref<1x1x128xi32, #tpu.memory_space<vmem>> -> memref<128xi32, #tpu.memory_space<vmem>>
    %dma_wait3A_1808 = arith.constant 0 : i32
    %dma_wait3A_1809 = arith.constant 0 : i32
    %dma_wait3A_1810 = tpu.memref_slice %arg10[%dma_wait3A_1808, %dma_wait3A_1809] : memref<21525x64xf32, #tpu.memory_space<vmem_shared>> -> memref<21525x64xf32, #tpu.memory_space<vmem_shared>>
    tpu.wait_indirect_dma semaphore(%arg12 : memref<!tpu.dma_semaphore, #tpu.memory_space<semaphore_mem>>) src(%dma_wait3A_1810 : memref<21525x64xf32, #tpu.memory_space<vmem_shared>>) dst(%arg7 : memref<128x64xf32, #tpu.memory_space<vmem>>)
    %add3A_1811 = arith.constant 6 : i32
    %add3A_1812 = arith.addi %mul3A_2, %add3A_1811 : i32
    %dma_start3A_1813 = arith.constant 384 : i32
    %dma_start3A_1814 = arith.constant 0 : i32
    %dma_start3A_1815 = tpu.memref_slice %arg4[%add3A_1812, %dma_start3A_1813, %dma_start3A_1814] : memref<256x1024x64xf32, #tpu.memory_space<hbm>> -> memref<1x128x64xf32, #tpu.memory_space<hbm>>
    %dma_start3A_1816 = tpu.memref_squeeze %dma_start3A_1815 : memref<1x128x64xf32, #tpu.memory_space<hbm>> -> memref<128x64xf32, #tpu.memory_space<hbm>>
    %dma_start3A_1817 = arith.constant 384 : i32
    %dma_start3A_1818 = arith.constant 0 : i32
    %dma_start3A_1819 = tpu.memref_slice %arg4[%add3A_1812, %dma_start3A_1817, %dma_start3A_1818] : memref<256x1024x64xf32, #tpu.memory_space<hbm>> -> memref<1x128x64xf32, #tpu.memory_space<hbm>>
    %dma_start3A_1820 = tpu.memref_squeeze %dma_start3A_1819 : memref<1x128x64xf32, #tpu.memory_space<hbm>> -> memref<128x64xf32, #tpu.memory_space<hbm>>
    tpu.enqueue_dma source(%arg7 : memref<128x64xf32, #tpu.memory_space<vmem>>) target(%dma_start3A_1820 : memref<128x64xf32, #tpu.memory_space<hbm>>) target_semaphore(%arg15 : memref<!tpu.dma_semaphore, #tpu.memory_space<semaphore_mem>>)
    %dma_wait3A_1821 = arith.constant 256 : i32
    %dma_wait3A_1822 = arith.constant 0 : i32
    %dma_wait3A_1823 = tpu.memref_slice %arg4[%add3A_1778, %dma_wait3A_1821, %dma_wait3A_1822] : memref<256x1024x64xf32, #tpu.memory_space<hbm>> -> memref<1x128x64xf32, #tpu.memory_space<hbm>>
    %dma_wait3A_1824 = tpu.memref_squeeze %dma_wait3A_1823 : memref<1x128x64xf32, #tpu.memory_space<hbm>> -> memref<128x64xf32, #tpu.memory_space<hbm>>
    %dma_wait3A_1825 = arith.constant 256 : i32
    %dma_wait3A_1826 = arith.constant 0 : i32
    %dma_wait3A_1827 = tpu.memref_slice %arg4[%add3A_1778, %dma_wait3A_1825, %dma_wait3A_1826] : memref<256x1024x64xf32, #tpu.memory_space<hbm>> -> memref<1x128x64xf32, #tpu.memory_space<hbm>>
    %dma_wait3A_1828 = tpu.memref_squeeze %dma_wait3A_1827 : memref<1x128x64xf32, #tpu.memory_space<hbm>> -> memref<128x64xf32, #tpu.memory_space<hbm>>
    tpu.wait_dma2 semaphore(%arg17 : memref<!tpu.dma_semaphore, #tpu.memory_space<semaphore_mem>>) src(%arg9 : memref<128x64xf32, #tpu.memory_space<vmem>>) dst(%dma_wait3A_1828 : memref<128x64xf32, #tpu.memory_space<hbm>>)
    %dma_start3A_1829 = arith.constant 6 : i32
    %dma_start3A_1830 = arith.constant 5 : i32
    %dma_start3A_1831 = arith.constant 0 : i32
    %dma_start3A_1832 = tpu.memref_slice %arg6[%dma_start3A_1829, %dma_start3A_1830, %dma_start3A_1831] : memref<8x8x128xi32, #tpu.memory_space<vmem>> -> memref<1x1x128xi32, #tpu.memory_space<vmem>>
    %dma_start3A_1833 = tpu.memref_squeeze %dma_start3A_1832 : memref<1x1x128xi32, #tpu.memory_space<vmem>> -> memref<128xi32, #tpu.memory_space<vmem>>
    %dma_start3A_1834 = arith.constant 0 : i32
    %dma_start3A_1835 = arith.constant 0 : i32
    %dma_start3A_1836 = tpu.memref_slice %arg10[%dma_start3A_1834, %dma_start3A_1835] : memref<21525x64xf32, #tpu.memory_space<vmem_shared>> -> memref<21525x64xf32, #tpu.memory_space<vmem_shared>>
    tpu.enqueue_indirect_dma source(%dma_start3A_1836 : memref<21525x64xf32, #tpu.memory_space<vmem_shared>>) target(%arg9 : memref<128x64xf32, #tpu.memory_space<vmem>>) offsets(%dma_start3A_1833 : memref<128xi32, #tpu.memory_space<vmem>>) semaphore(%arg14 : memref<!tpu.dma_semaphore, #tpu.memory_space<semaphore_mem>>)
    %dma_wait3A_1837 = arith.constant 6 : i32
    %dma_wait3A_1838 = arith.constant 4 : i32
    %dma_wait3A_1839 = arith.constant 0 : i32
    %dma_wait3A_1840 = tpu.memref_slice %arg6[%dma_wait3A_1837, %dma_wait3A_1838, %dma_wait3A_1839] : memref<8x8x128xi32, #tpu.memory_space<vmem>> -> memref<1x1x128xi32, #tpu.memory_space<vmem>>
    %dma_wait3A_1841 = tpu.memref_squeeze %dma_wait3A_1840 : memref<1x1x128xi32, #tpu.memory_space<vmem>> -> memref<128xi32, #tpu.memory_space<vmem>>
    %dma_wait3A_1842 = arith.constant 0 : i32
    %dma_wait3A_1843 = arith.constant 0 : i32
    %dma_wait3A_1844 = tpu.memref_slice %arg10[%dma_wait3A_1842, %dma_wait3A_1843] : memref<21525x64xf32, #tpu.memory_space<vmem_shared>> -> memref<21525x64xf32, #tpu.memory_space<vmem_shared>>
    tpu.wait_indirect_dma semaphore(%arg13 : memref<!tpu.dma_semaphore, #tpu.memory_space<semaphore_mem>>) src(%dma_wait3A_1844 : memref<21525x64xf32, #tpu.memory_space<vmem_shared>>) dst(%arg8 : memref<128x64xf32, #tpu.memory_space<vmem>>)
    %add3A_1845 = arith.constant 6 : i32
    %add3A_1846 = arith.addi %mul3A_2, %add3A_1845 : i32
    %dma_start3A_1847 = arith.constant 512 : i32
    %dma_start3A_1848 = arith.constant 0 : i32
    %dma_start3A_1849 = tpu.memref_slice %arg4[%add3A_1846, %dma_start3A_1847, %dma_start3A_1848] : memref<256x1024x64xf32, #tpu.memory_space<hbm>> -> memref<1x128x64xf32, #tpu.memory_space<hbm>>
    %dma_start3A_1850 = tpu.memref_squeeze %dma_start3A_1849 : memref<1x128x64xf32, #tpu.memory_space<hbm>> -> memref<128x64xf32, #tpu.memory_space<hbm>>
    %dma_start3A_1851 = arith.constant 512 : i32
    %dma_start3A_1852 = arith.constant 0 : i32
    %dma_start3A_1853 = tpu.memref_slice %arg4[%add3A_1846, %dma_start3A_1851, %dma_start3A_1852] : memref<256x1024x64xf32, #tpu.memory_space<hbm>> -> memref<1x128x64xf32, #tpu.memory_space<hbm>>
    %dma_start3A_1854 = tpu.memref_squeeze %dma_start3A_1853 : memref<1x128x64xf32, #tpu.memory_space<hbm>> -> memref<128x64xf32, #tpu.memory_space<hbm>>
    tpu.enqueue_dma source(%arg8 : memref<128x64xf32, #tpu.memory_space<vmem>>) target(%dma_start3A_1854 : memref<128x64xf32, #tpu.memory_space<hbm>>) target_semaphore(%arg16 : memref<!tpu.dma_semaphore, #tpu.memory_space<semaphore_mem>>)
    %dma_wait3A_1855 = arith.constant 384 : i32
    %dma_wait3A_1856 = arith.constant 0 : i32
    %dma_wait3A_1857 = tpu.memref_slice %arg4[%add3A_1812, %dma_wait3A_1855, %dma_wait3A_1856] : memref<256x1024x64xf32, #tpu.memory_space<hbm>> -> memref<1x128x64xf32, #tpu.memory_space<hbm>>
    %dma_wait3A_1858 = tpu.memref_squeeze %dma_wait3A_1857 : memref<1x128x64xf32, #tpu.memory_space<hbm>> -> memref<128x64xf32, #tpu.memory_space<hbm>>
    %dma_wait3A_1859 = arith.constant 384 : i32
    %dma_wait3A_1860 = arith.constant 0 : i32
    %dma_wait3A_1861 = tpu.memref_slice %arg4[%add3A_1812, %dma_wait3A_1859, %dma_wait3A_1860] : memref<256x1024x64xf32, #tpu.memory_space<hbm>> -> memref<1x128x64xf32, #tpu.memory_space<hbm>>
    %dma_wait3A_1862 = tpu.memref_squeeze %dma_wait3A_1861 : memref<1x128x64xf32, #tpu.memory_space<hbm>> -> memref<128x64xf32, #tpu.memory_space<hbm>>
    tpu.wait_dma2 semaphore(%arg15 : memref<!tpu.dma_semaphore, #tpu.memory_space<semaphore_mem>>) src(%arg7 : memref<128x64xf32, #tpu.memory_space<vmem>>) dst(%dma_wait3A_1862 : memref<128x64xf32, #tpu.memory_space<hbm>>)
    %dma_start3A_1863 = arith.constant 6 : i32
    %dma_start3A_1864 = arith.constant 6 : i32
    %dma_start3A_1865 = arith.constant 0 : i32
    %dma_start3A_1866 = tpu.memref_slice %arg6[%dma_start3A_1863, %dma_start3A_1864, %dma_start3A_1865] : memref<8x8x128xi32, #tpu.memory_space<vmem>> -> memref<1x1x128xi32, #tpu.memory_space<vmem>>
    %dma_start3A_1867 = tpu.memref_squeeze %dma_start3A_1866 : memref<1x1x128xi32, #tpu.memory_space<vmem>> -> memref<128xi32, #tpu.memory_space<vmem>>
    %dma_start3A_1868 = arith.constant 0 : i32
    %dma_start3A_1869 = arith.constant 0 : i32
    %dma_start3A_1870 = tpu.memref_slice %arg10[%dma_start3A_1868, %dma_start3A_1869] : memref<21525x64xf32, #tpu.memory_space<vmem_shared>> -> memref<21525x64xf32, #tpu.memory_space<vmem_shared>>
    tpu.enqueue_indirect_dma source(%dma_start3A_1870 : memref<21525x64xf32, #tpu.memory_space<vmem_shared>>) target(%arg7 : memref<128x64xf32, #tpu.memory_space<vmem>>) offsets(%dma_start3A_1867 : memref<128xi32, #tpu.memory_space<vmem>>) semaphore(%arg12 : memref<!tpu.dma_semaphore, #tpu.memory_space<semaphore_mem>>)
    %dma_wait3A_1871 = arith.constant 6 : i32
    %dma_wait3A_1872 = arith.constant 5 : i32
    %dma_wait3A_1873 = arith.constant 0 : i32
    %dma_wait3A_1874 = tpu.memref_slice %arg6[%dma_wait3A_1871, %dma_wait3A_1872, %dma_wait3A_1873] : memref<8x8x128xi32, #tpu.memory_space<vmem>> -> memref<1x1x128xi32, #tpu.memory_space<vmem>>
    %dma_wait3A_1875 = tpu.memref_squeeze %dma_wait3A_1874 : memref<1x1x128xi32, #tpu.memory_space<vmem>> -> memref<128xi32, #tpu.memory_space<vmem>>
    %dma_wait3A_1876 = arith.constant 0 : i32
    %dma_wait3A_1877 = arith.constant 0 : i32
    %dma_wait3A_1878 = tpu.memref_slice %arg10[%dma_wait3A_1876, %dma_wait3A_1877] : memref<21525x64xf32, #tpu.memory_space<vmem_shared>> -> memref<21525x64xf32, #tpu.memory_space<vmem_shared>>
    tpu.wait_indirect_dma semaphore(%arg14 : memref<!tpu.dma_semaphore, #tpu.memory_space<semaphore_mem>>) src(%dma_wait3A_1878 : memref<21525x64xf32, #tpu.memory_space<vmem_shared>>) dst(%arg9 : memref<128x64xf32, #tpu.memory_space<vmem>>)
    %add3A_1879 = arith.constant 6 : i32
    %add3A_1880 = arith.addi %mul3A_2, %add3A_1879 : i32
    %dma_start3A_1881 = arith.constant 640 : i32
    %dma_start3A_1882 = arith.constant 0 : i32
    %dma_start3A_1883 = tpu.memref_slice %arg4[%add3A_1880, %dma_start3A_1881, %dma_start3A_1882] : memref<256x1024x64xf32, #tpu.memory_space<hbm>> -> memref<1x128x64xf32, #tpu.memory_space<hbm>>
    %dma_start3A_1884 = tpu.memref_squeeze %dma_start3A_1883 : memref<1x128x64xf32, #tpu.memory_space<hbm>> -> memref<128x64xf32, #tpu.memory_space<hbm>>
    %dma_start3A_1885 = arith.constant 640 : i32
    %dma_start3A_1886 = arith.constant 0 : i32
    %dma_start3A_1887 = tpu.memref_slice %arg4[%add3A_1880, %dma_start3A_1885, %dma_start3A_1886] : memref<256x1024x64xf32, #tpu.memory_space<hbm>> -> memref<1x128x64xf32, #tpu.memory_space<hbm>>
    %dma_start3A_1888 = tpu.memref_squeeze %dma_start3A_1887 : memref<1x128x64xf32, #tpu.memory_space<hbm>> -> memref<128x64xf32, #tpu.memory_space<hbm>>
    tpu.enqueue_dma source(%arg9 : memref<128x64xf32, #tpu.memory_space<vmem>>) target(%dma_start3A_1888 : memref<128x64xf32, #tpu.memory_space<hbm>>) target_semaphore(%arg17 : memref<!tpu.dma_semaphore, #tpu.memory_space<semaphore_mem>>)
    %dma_wait3A_1889 = arith.constant 512 : i32
    %dma_wait3A_1890 = arith.constant 0 : i32
    %dma_wait3A_1891 = tpu.memref_slice %arg4[%add3A_1846, %dma_wait3A_1889, %dma_wait3A_1890] : memref<256x1024x64xf32, #tpu.memory_space<hbm>> -> memref<1x128x64xf32, #tpu.memory_space<hbm>>
    %dma_wait3A_1892 = tpu.memref_squeeze %dma_wait3A_1891 : memref<1x128x64xf32, #tpu.memory_space<hbm>> -> memref<128x64xf32, #tpu.memory_space<hbm>>
    %dma_wait3A_1893 = arith.constant 512 : i32
    %dma_wait3A_1894 = arith.constant 0 : i32
    %dma_wait3A_1895 = tpu.memref_slice %arg4[%add3A_1846, %dma_wait3A_1893, %dma_wait3A_1894] : memref<256x1024x64xf32, #tpu.memory_space<hbm>> -> memref<1x128x64xf32, #tpu.memory_space<hbm>>
    %dma_wait3A_1896 = tpu.memref_squeeze %dma_wait3A_1895 : memref<1x128x64xf32, #tpu.memory_space<hbm>> -> memref<128x64xf32, #tpu.memory_space<hbm>>
    tpu.wait_dma2 semaphore(%arg16 : memref<!tpu.dma_semaphore, #tpu.memory_space<semaphore_mem>>) src(%arg8 : memref<128x64xf32, #tpu.memory_space<vmem>>) dst(%dma_wait3A_1896 : memref<128x64xf32, #tpu.memory_space<hbm>>)
    %dma_start3A_1897 = arith.constant 6 : i32
    %dma_start3A_1898 = arith.constant 7 : i32
    %dma_start3A_1899 = arith.constant 0 : i32
    %dma_start3A_1900 = tpu.memref_slice %arg6[%dma_start3A_1897, %dma_start3A_1898, %dma_start3A_1899] : memref<8x8x128xi32, #tpu.memory_space<vmem>> -> memref<1x1x128xi32, #tpu.memory_space<vmem>>
    %dma_start3A_1901 = tpu.memref_squeeze %dma_start3A_1900 : memref<1x1x128xi32, #tpu.memory_space<vmem>> -> memref<128xi32, #tpu.memory_space<vmem>>
    %dma_start3A_1902 = arith.constant 0 : i32
    %dma_start3A_1903 = arith.constant 0 : i32
    %dma_start3A_1904 = tpu.memref_slice %arg10[%dma_start3A_1902, %dma_start3A_1903] : memref<21525x64xf32, #tpu.memory_space<vmem_shared>> -> memref<21525x64xf32, #tpu.memory_space<vmem_shared>>
    tpu.enqueue_indirect_dma source(%dma_start3A_1904 : memref<21525x64xf32, #tpu.memory_space<vmem_shared>>) target(%arg8 : memref<128x64xf32, #tpu.memory_space<vmem>>) offsets(%dma_start3A_1901 : memref<128xi32, #tpu.memory_space<vmem>>) semaphore(%arg13 : memref<!tpu.dma_semaphore, #tpu.memory_space<semaphore_mem>>)
    %scan3A_1905 = arith.constant 0 : i32
    %scan3A_1906 = arith.constant 0 : i32
    %scan3A_1907 = arith.constant 64 : i32
    %scan3A_1908 = arith.addi %scan3A_1906, %scan3A_1907 : i32
    %scan3A_1909 = arith.constant 1 : i32
    %scan3A_1910 = scf.for %scan3A_2236 = %scan3A_1906 to %scan3A_1908 step %scan3A_1909 iter_args(%scan3A_2237 = %scan3A_1905) -> (i32)  : i32 {
      %mul3A_2238 = arith.constant 16 : i32
      %mul3A_2239 = arith.muli %scan3A_2236, %mul3A_2238 : i32
      %get3A = arith.constant 7 : i32
      %get3A_2240 = arith.index_cast %get3A : i32 to index
      %get3A_2241 = arith.index_cast %mul3A_2239 : i32 to index
      %get3A_2242 = tpu.vector_load %arg5[%get3A_2240, %get3A_2241] {strides = array<i32>} : memref<8x1024xi32, #tpu.memory_space<vmem>>, vector<16xi32>,
      %min3A = arith.constant 1 : i32
      %min3A_2243 = vector.broadcast %min3A : i32 to vector<16xi32>
      %min3A_2244 = arith.minsi %get3A_2242, %min3A_2243 : vector<16xi32>
      %broadcast_in_dim3A = arith.constant true
      %broadcast_in_dim3A_2245 = vector.broadcast %broadcast_in_dim3A : i1 to vector<16xi1>
      %masked_cumsum3A = tpu.scan <sum>, %min3A_2244 masked %broadcast_in_dim3A_2245 : vector<16xi32>, vector<16xi1> -> vector<16xi32>
      %mul3A_2246 = arith.constant 1025 : i32
      %mul3A_2247 = vector.broadcast %mul3A_2246 : i32 to vector<16xi32>
      %mul3A_2248 = arith.muli %get3A_2242, %mul3A_2247 : vector<16xi32>
      %add3A_2249 = vector.broadcast %scan3A_2237 : i32 to vector<16xi32>
      %add3A_2250 = arith.addi %masked_cumsum3A, %add3A_2249 : vector<16xi32>
      %mul3A_2251 = arith.muli %add3A_2250, %min3A_2244 : vector<16xi32>
      %add3A_2252 = arith.addi %mul3A_2248, %mul3A_2251 : vector<16xi32>
      %jit3A = arith.constant 8 : i32
      %div3A = arith.divsi %scan3A_2236, %jit3A : i32
      %sign3A = arith.constant 0 : i32
      %sign3A_2253 = arith.cmpi sgt, %scan3A_2236, %sign3A : i32
      %sign3A_2254 = arith.extui %sign3A_2253 : i1 to i32
      %sign3A_2255 = arith.constant 0 : i32
      %sign3A_2256 = arith.cmpi slt, %scan3A_2236, %sign3A_2255 : i32
      %sign3A_2257 = arith.extui %sign3A_2256 : i1 to i32
      %sign3A_2258 = arith.subi %sign3A_2254, %sign3A_2257 : i32
      %sign3A_2259 = arith.constant 0 : i32
      %sign3A_2260 = arith.cmpi sgt, %jit3A, %sign3A_2259 : i32
      %sign3A_2261 = arith.extui %sign3A_2260 : i1 to i32
      %sign3A_2262 = arith.constant 0 : i32
      %sign3A_2263 = arith.cmpi slt, %jit3A, %sign3A_2262 : i32
      %sign3A_2264 = arith.extui %sign3A_2263 : i1 to i32
      %sign3A_2265 = arith.subi %sign3A_2261, %sign3A_2264 : i32
      %ne3A = arith.cmpi ne, %sign3A_2258, %sign3A_2265 : i32
      %rem3A = arith.remsi %scan3A_2236, %jit3A : i32
      %ne3A_2266 = arith.constant 0 : i32
      %ne3A_2267 = arith.cmpi ne, %rem3A, %ne3A_2266 : i32
      %and3A = arith.andi %ne3A, %ne3A_2267 : i1
      %sub3A = arith.constant 1 : i32
      %sub3A_2268 = arith.subi %div3A, %sub3A : i32
      %select_n3A = arith.select %and3A, %sub3A_2268, %div3A : i32
      %jit3A_2269 = arith.constant 8 : i32
      %eq3A_2270 = arith.constant 0 : i32
      %eq3A_2271 = arith.cmpi eq, %jit3A_2269, %eq3A_2270 : i32
      %jit3A_2272 = arith.constant 1 : i32
      %select_n3A_2273 = arith.select %eq3A_2271, %jit3A_2272, %jit3A_2269 : i32
      %rem3A_2274 = arith.remsi %scan3A_2236, %select_n3A_2273 : i32
      %ne3A_2275 = arith.constant 0 : i32
      %ne3A_2276 = arith.cmpi ne, %rem3A_2274, %ne3A_2275 : i32
      %lt3A = arith.constant 0 : i32
      %lt3A_2277 = arith.cmpi slt, %rem3A_2274, %lt3A : i32
      %lt3A_2278 = arith.constant 0 : i32
      %lt3A_2279 = arith.cmpi slt, %select_n3A_2273, %lt3A_2278 : i32
      %ne3A_2280 = arith.xori %lt3A_2277, %lt3A_2279 : i1
      %and3A_2281 = arith.andi %ne3A_2280, %ne3A_2276 : i1
      %add3A_2282 = arith.addi %rem3A_2274, %select_n3A_2273 : i32
      %select_n3A_2283 = arith.select %and3A_2281, %add3A_2282, %rem3A_2274 : i32
      %mul3A_2284 = arith.constant 16 : i32
      %mul3A_2285 = arith.muli %select_n3A_2283, %mul3A_2284 : i32
      %swap3A = arith.constant 7 : i32
      %swap3A_2286 = arith.index_cast %swap3A : i32 to index
      %swap3A_2287 = arith.index_cast %select_n3A : i32 to index
      %swap3A_2288 = arith.index_cast %mul3A_2285 : i32 to index
      %swap3A_2289 = tpu.vector_load %arg6[%swap3A_2286, %swap3A_2287, %swap3A_2288] {strides = array<i32>} : memref<8x8x128xi32, #tpu.memory_space<vmem>>, vector<16xi32>,
      tpu.vector_store %arg6[%swap3A_2286, %swap3A_2287, %swap3A_2288], %add3A_2252 {strides = array<i32>} : memref<8x8x128xi32, #tpu.memory_space<vmem>>, vector<16xi32>,
      %reduce_sum3A = arith.constant true
      %reduce_sum3A_2290 = vector.broadcast %reduce_sum3A : i1 to vector<16xi1>
      %reduce_sum3A_2291 = tpu.scan <sum>, %min3A_2244 masked %reduce_sum3A_2290 : vector<16xi32>, vector<16xi1> -> vector<16xi32>
      %reduce_sum3A_2292 = vector.extract %reduce_sum3A_2291[15] : i32 from vector<16xi32>
      %add3A_2293 = arith.addi %scan3A_2237, %reduce_sum3A_2292 : i32
      scf.yield %add3A_2293 : i32
    }
    %scan3A_1911 = arith.constant 64 : i32
    %dma_wait3A_1912 = arith.constant 6 : i32
    %dma_wait3A_1913 = arith.constant 6 : i32
    %dma_wait3A_1914 = arith.constant 0 : i32
    %dma_wait3A_1915 = tpu.memref_slice %arg6[%dma_wait3A_1912, %dma_wait3A_1913, %dma_wait3A_1914] : memref<8x8x128xi32, #tpu.memory_space<vmem>> -> memref<1x1x128xi32, #tpu.memory_space<vmem>>
    %dma_wait3A_1916 = tpu.memref_squeeze %dma_wait3A_1915 : memref<1x1x128xi32, #tpu.memory_space<vmem>> -> memref<128xi32, #tpu.memory_space<vmem>>
    %dma_wait3A_1917 = arith.constant 0 : i32
    %dma_wait3A_1918 = arith.constant 0 : i32
    %dma_wait3A_1919 = tpu.memref_slice %arg10[%dma_wait3A_1917, %dma_wait3A_1918] : memref<21525x64xf32, #tpu.memory_space<vmem_shared>> -> memref<21525x64xf32, #tpu.memory_space<vmem_shared>>
    tpu.wait_indirect_dma semaphore(%arg12 : memref<!tpu.dma_semaphore, #tpu.memory_space<semaphore_mem>>) src(%dma_wait3A_1919 : memref<21525x64xf32, #tpu.memory_space<vmem_shared>>) dst(%arg7 : memref<128x64xf32, #tpu.memory_space<vmem>>)
    %add3A_1920 = arith.constant 6 : i32
    %add3A_1921 = arith.addi %mul3A_2, %add3A_1920 : i32
    %dma_start3A_1922 = arith.constant 768 : i32
    %dma_start3A_1923 = arith.constant 0 : i32
    %dma_start3A_1924 = tpu.memref_slice %arg4[%add3A_1921, %dma_start3A_1922, %dma_start3A_1923] : memref<256x1024x64xf32, #tpu.memory_space<hbm>> -> memref<1x128x64xf32, #tpu.memory_space<hbm>>
    %dma_start3A_1925 = tpu.memref_squeeze %dma_start3A_1924 : memref<1x128x64xf32, #tpu.memory_space<hbm>> -> memref<128x64xf32, #tpu.memory_space<hbm>>
    %dma_start3A_1926 = arith.constant 768 : i32
    %dma_start3A_1927 = arith.constant 0 : i32
    %dma_start3A_1928 = tpu.memref_slice %arg4[%add3A_1921, %dma_start3A_1926, %dma_start3A_1927] : memref<256x1024x64xf32, #tpu.memory_space<hbm>> -> memref<1x128x64xf32, #tpu.memory_space<hbm>>
    %dma_start3A_1929 = tpu.memref_squeeze %dma_start3A_1928 : memref<1x128x64xf32, #tpu.memory_space<hbm>> -> memref<128x64xf32, #tpu.memory_space<hbm>>
    tpu.enqueue_dma source(%arg7 : memref<128x64xf32, #tpu.memory_space<vmem>>) target(%dma_start3A_1929 : memref<128x64xf32, #tpu.memory_space<hbm>>) target_semaphore(%arg15 : memref<!tpu.dma_semaphore, #tpu.memory_space<semaphore_mem>>)
    %dma_wait3A_1930 = arith.constant 640 : i32
    %dma_wait3A_1931 = arith.constant 0 : i32
    %dma_wait3A_1932 = tpu.memref_slice %arg4[%add3A_1880, %dma_wait3A_1930, %dma_wait3A_1931] : memref<256x1024x64xf32, #tpu.memory_space<hbm>> -> memref<1x128x64xf32, #tpu.memory_space<hbm>>
    %dma_wait3A_1933 = tpu.memref_squeeze %dma_wait3A_1932 : memref<1x128x64xf32, #tpu.memory_space<hbm>> -> memref<128x64xf32, #tpu.memory_space<hbm>>
    %dma_wait3A_1934 = arith.constant 640 : i32
    %dma_wait3A_1935 = arith.constant 0 : i32
    %dma_wait3A_1936 = tpu.memref_slice %arg4[%add3A_1880, %dma_wait3A_1934, %dma_wait3A_1935] : memref<256x1024x64xf32, #tpu.memory_space<hbm>> -> memref<1x128x64xf32, #tpu.memory_space<hbm>>
    %dma_wait3A_1937 = tpu.memref_squeeze %dma_wait3A_1936 : memref<1x128x64xf32, #tpu.memory_space<hbm>> -> memref<128x64xf32, #tpu.memory_space<hbm>>
    tpu.wait_dma2 semaphore(%arg17 : memref<!tpu.dma_semaphore, #tpu.memory_space<semaphore_mem>>) src(%arg9 : memref<128x64xf32, #tpu.memory_space<vmem>>) dst(%dma_wait3A_1937 : memref<128x64xf32, #tpu.memory_space<hbm>>)
    %dma_start3A_1938 = arith.constant 7 : i32
    %dma_start3A_1939 = arith.constant 0 : i32
    %dma_start3A_1940 = arith.constant 0 : i32
    %dma_start3A_1941 = tpu.memref_slice %arg6[%dma_start3A_1938, %dma_start3A_1939, %dma_start3A_1940] : memref<8x8x128xi32, #tpu.memory_space<vmem>> -> memref<1x1x128xi32, #tpu.memory_space<vmem>>
    %dma_start3A_1942 = tpu.memref_squeeze %dma_start3A_1941 : memref<1x1x128xi32, #tpu.memory_space<vmem>> -> memref<128xi32, #tpu.memory_space<vmem>>
    %dma_start3A_1943 = arith.constant 0 : i32
    %dma_start3A_1944 = arith.constant 0 : i32
    %dma_start3A_1945 = tpu.memref_slice %arg10[%dma_start3A_1943, %dma_start3A_1944] : memref<21525x64xf32, #tpu.memory_space<vmem_shared>> -> memref<21525x64xf32, #tpu.memory_space<vmem_shared>>
    tpu.enqueue_indirect_dma source(%dma_start3A_1945 : memref<21525x64xf32, #tpu.memory_space<vmem_shared>>) target(%arg9 : memref<128x64xf32, #tpu.memory_space<vmem>>) offsets(%dma_start3A_1942 : memref<128xi32, #tpu.memory_space<vmem>>) semaphore(%arg14 : memref<!tpu.dma_semaphore, #tpu.memory_space<semaphore_mem>>)
    %dma_wait3A_1946 = arith.constant 6 : i32
    %dma_wait3A_1947 = arith.constant 7 : i32
    %dma_wait3A_1948 = arith.constant 0 : i32
    %dma_wait3A_1949 = tpu.memref_slice %arg6[%dma_wait3A_1946, %dma_wait3A_1947, %dma_wait3A_1948] : memref<8x8x128xi32, #tpu.memory_space<vmem>> -> memref<1x1x128xi32, #tpu.memory_space<vmem>>
    %dma_wait3A_1950 = tpu.memref_squeeze %dma_wait3A_1949 : memref<1x1x128xi32, #tpu.memory_space<vmem>> -> memref<128xi32, #tpu.memory_space<vmem>>
    %dma_wait3A_1951 = arith.constant 0 : i32
    %dma_wait3A_1952 = arith.constant 0 : i32
    %dma_wait3A_1953 = tpu.memref_slice %arg10[%dma_wait3A_1951, %dma_wait3A_1952] : memref<21525x64xf32, #tpu.memory_space<vmem_shared>> -> memref<21525x64xf32, #tpu.memory_space<vmem_shared>>
    tpu.wait_indirect_dma semaphore(%arg13 : memref<!tpu.dma_semaphore, #tpu.memory_space<semaphore_mem>>) src(%dma_wait3A_1953 : memref<21525x64xf32, #tpu.memory_space<vmem_shared>>) dst(%arg8 : memref<128x64xf32, #tpu.memory_space<vmem>>)
    %add3A_1954 = arith.constant 6 : i32
    %add3A_1955 = arith.addi %mul3A_2, %add3A_1954 : i32
    %dma_start3A_1956 = arith.constant 896 : i32
    %dma_start3A_1957 = arith.constant 0 : i32
    %dma_start3A_1958 = tpu.memref_slice %arg4[%add3A_1955, %dma_start3A_1956, %dma_start3A_1957] : memref<256x1024x64xf32, #tpu.memory_space<hbm>> -> memref<1x128x64xf32, #tpu.memory_space<hbm>>
    %dma_start3A_1959 = tpu.memref_squeeze %dma_start3A_1958 : memref<1x128x64xf32, #tpu.memory_space<hbm>> -> memref<128x64xf32, #tpu.memory_space<hbm>>
    %dma_start3A_1960 = arith.constant 896 : i32
    %dma_start3A_1961 = arith.constant 0 : i32
    %dma_start3A_1962 = tpu.memref_slice %arg4[%add3A_1955, %dma_start3A_1960, %dma_start3A_1961] : memref<256x1024x64xf32, #tpu.memory_space<hbm>> -> memref<1x128x64xf32, #tpu.memory_space<hbm>>
    %dma_start3A_1963 = tpu.memref_squeeze %dma_start3A_1962 : memref<1x128x64xf32, #tpu.memory_space<hbm>> -> memref<128x64xf32, #tpu.memory_space<hbm>>
    tpu.enqueue_dma source(%arg8 : memref<128x64xf32, #tpu.memory_space<vmem>>) target(%dma_start3A_1963 : memref<128x64xf32, #tpu.memory_space<hbm>>) target_semaphore(%arg16 : memref<!tpu.dma_semaphore, #tpu.memory_space<semaphore_mem>>)
    %dma_wait3A_1964 = arith.constant 768 : i32
    %dma_wait3A_1965 = arith.constant 0 : i32
    %dma_wait3A_1966 = tpu.memref_slice %arg4[%add3A_1921, %dma_wait3A_1964, %dma_wait3A_1965] : memref<256x1024x64xf32, #tpu.memory_space<hbm>> -> memref<1x128x64xf32, #tpu.memory_space<hbm>>
    %dma_wait3A_1967 = tpu.memref_squeeze %dma_wait3A_1966 : memref<1x128x64xf32, #tpu.memory_space<hbm>> -> memref<128x64xf32, #tpu.memory_space<hbm>>
    %dma_wait3A_1968 = arith.constant 768 : i32
    %dma_wait3A_1969 = arith.constant 0 : i32
    %dma_wait3A_1970 = tpu.memref_slice %arg4[%add3A_1921, %dma_wait3A_1968, %dma_wait3A_1969] : memref<256x1024x64xf32, #tpu.memory_space<hbm>> -> memref<1x128x64xf32, #tpu.memory_space<hbm>>
    %dma_wait3A_1971 = tpu.memref_squeeze %dma_wait3A_1970 : memref<1x128x64xf32, #tpu.memory_space<hbm>> -> memref<128x64xf32, #tpu.memory_space<hbm>>
    tpu.wait_dma2 semaphore(%arg15 : memref<!tpu.dma_semaphore, #tpu.memory_space<semaphore_mem>>) src(%arg7 : memref<128x64xf32, #tpu.memory_space<vmem>>) dst(%dma_wait3A_1971 : memref<128x64xf32, #tpu.memory_space<hbm>>)
    %dma_start3A_1972 = arith.constant 7 : i32
    %dma_start3A_1973 = arith.constant 1 : i32
    %dma_start3A_1974 = arith.constant 0 : i32
    %dma_start3A_1975 = tpu.memref_slice %arg6[%dma_start3A_1972, %dma_start3A_1973, %dma_start3A_1974] : memref<8x8x128xi32, #tpu.memory_space<vmem>> -> memref<1x1x128xi32, #tpu.memory_space<vmem>>
    %dma_start3A_1976 = tpu.memref_squeeze %dma_start3A_1975 : memref<1x1x128xi32, #tpu.memory_space<vmem>> -> memref<128xi32, #tpu.memory_space<vmem>>
    %dma_start3A_1977 = arith.constant 0 : i32
    %dma_start3A_1978 = arith.constant 0 : i32
    %dma_start3A_1979 = tpu.memref_slice %arg10[%dma_start3A_1977, %dma_start3A_1978] : memref<21525x64xf32, #tpu.memory_space<vmem_shared>> -> memref<21525x64xf32, #tpu.memory_space<vmem_shared>>
    tpu.enqueue_indirect_dma source(%dma_start3A_1979 : memref<21525x64xf32, #tpu.memory_space<vmem_shared>>) target(%arg7 : memref<128x64xf32, #tpu.memory_space<vmem>>) offsets(%dma_start3A_1976 : memref<128xi32, #tpu.memory_space<vmem>>) semaphore(%arg12 : memref<!tpu.dma_semaphore, #tpu.memory_space<semaphore_mem>>)
    %dma_wait3A_1980 = arith.constant 7 : i32
    %dma_wait3A_1981 = arith.constant 0 : i32
    %dma_wait3A_1982 = arith.constant 0 : i32
    %dma_wait3A_1983 = tpu.memref_slice %arg6[%dma_wait3A_1980, %dma_wait3A_1981, %dma_wait3A_1982] : memref<8x8x128xi32, #tpu.memory_space<vmem>> -> memref<1x1x128xi32, #tpu.memory_space<vmem>>
    %dma_wait3A_1984 = tpu.memref_squeeze %dma_wait3A_1983 : memref<1x1x128xi32, #tpu.memory_space<vmem>> -> memref<128xi32, #tpu.memory_space<vmem>>
    %dma_wait3A_1985 = arith.constant 0 : i32
    %dma_wait3A_1986 = arith.constant 0 : i32
    %dma_wait3A_1987 = tpu.memref_slice %arg10[%dma_wait3A_1985, %dma_wait3A_1986] : memref<21525x64xf32, #tpu.memory_space<vmem_shared>> -> memref<21525x64xf32, #tpu.memory_space<vmem_shared>>
    tpu.wait_indirect_dma semaphore(%arg14 : memref<!tpu.dma_semaphore, #tpu.memory_space<semaphore_mem>>) src(%dma_wait3A_1987 : memref<21525x64xf32, #tpu.memory_space<vmem_shared>>) dst(%arg9 : memref<128x64xf32, #tpu.memory_space<vmem>>)
    %add3A_1988 = arith.constant 7 : i32
    %add3A_1989 = arith.addi %mul3A_2, %add3A_1988 : i32
    %dma_start3A_1990 = arith.constant 0 : i32
    %dma_start3A_1991 = arith.constant 0 : i32
    %dma_start3A_1992 = tpu.memref_slice %arg4[%add3A_1989, %dma_start3A_1990, %dma_start3A_1991] : memref<256x1024x64xf32, #tpu.memory_space<hbm>> -> memref<1x128x64xf32, #tpu.memory_space<hbm>>
    %dma_start3A_1993 = tpu.memref_squeeze %dma_start3A_1992 : memref<1x128x64xf32, #tpu.memory_space<hbm>> -> memref<128x64xf32, #tpu.memory_space<hbm>>
    %dma_start3A_1994 = arith.constant 0 : i32
    %dma_start3A_1995 = arith.constant 0 : i32
    %dma_start3A_1996 = tpu.memref_slice %arg4[%add3A_1989, %dma_start3A_1994, %dma_start3A_1995] : memref<256x1024x64xf32, #tpu.memory_space<hbm>> -> memref<1x128x64xf32, #tpu.memory_space<hbm>>
    %dma_start3A_1997 = tpu.memref_squeeze %dma_start3A_1996 : memref<1x128x64xf32, #tpu.memory_space<hbm>> -> memref<128x64xf32, #tpu.memory_space<hbm>>
    tpu.enqueue_dma source(%arg9 : memref<128x64xf32, #tpu.memory_space<vmem>>) target(%dma_start3A_1997 : memref<128x64xf32, #tpu.memory_space<hbm>>) target_semaphore(%arg17 : memref<!tpu.dma_semaphore, #tpu.memory_space<semaphore_mem>>)
    %dma_wait3A_1998 = arith.constant 896 : i32
    %dma_wait3A_1999 = arith.constant 0 : i32
    %dma_wait3A_2000 = tpu.memref_slice %arg4[%add3A_1955, %dma_wait3A_1998, %dma_wait3A_1999] : memref<256x1024x64xf32, #tpu.memory_space<hbm>> -> memref<1x128x64xf32, #tpu.memory_space<hbm>>
    %dma_wait3A_2001 = tpu.memref_squeeze %dma_wait3A_2000 : memref<1x128x64xf32, #tpu.memory_space<hbm>> -> memref<128x64xf32, #tpu.memory_space<hbm>>
    %dma_wait3A_2002 = arith.constant 896 : i32
    %dma_wait3A_2003 = arith.constant 0 : i32
    %dma_wait3A_2004 = tpu.memref_slice %arg4[%add3A_1955, %dma_wait3A_2002, %dma_wait3A_2003] : memref<256x1024x64xf32, #tpu.memory_space<hbm>> -> memref<1x128x64xf32, #tpu.memory_space<hbm>>
    %dma_wait3A_2005 = tpu.memref_squeeze %dma_wait3A_2004 : memref<1x128x64xf32, #tpu.memory_space<hbm>> -> memref<128x64xf32, #tpu.memory_space<hbm>>
    tpu.wait_dma2 semaphore(%arg16 : memref<!tpu.dma_semaphore, #tpu.memory_space<semaphore_mem>>) src(%arg8 : memref<128x64xf32, #tpu.memory_space<vmem>>) dst(%dma_wait3A_2005 : memref<128x64xf32, #tpu.memory_space<hbm>>)
    %dma_start3A_2006 = arith.constant 7 : i32
    %dma_start3A_2007 = arith.constant 2 : i32
    %dma_start3A_2008 = arith.constant 0 : i32
    %dma_start3A_2009 = tpu.memref_slice %arg6[%dma_start3A_2006, %dma_start3A_2007, %dma_start3A_2008] : memref<8x8x128xi32, #tpu.memory_space<vmem>> -> memref<1x1x128xi32, #tpu.memory_space<vmem>>
    %dma_start3A_2010 = tpu.memref_squeeze %dma_start3A_2009 : memref<1x1x128xi32, #tpu.memory_space<vmem>> -> memref<128xi32, #tpu.memory_space<vmem>>
    %dma_start3A_2011 = arith.constant 0 : i32
    %dma_start3A_2012 = arith.constant 0 : i32
    %dma_start3A_2013 = tpu.memref_slice %arg10[%dma_start3A_2011, %dma_start3A_2012] : memref<21525x64xf32, #tpu.memory_space<vmem_shared>> -> memref<21525x64xf32, #tpu.memory_space<vmem_shared>>
    tpu.enqueue_indirect_dma source(%dma_start3A_2013 : memref<21525x64xf32, #tpu.memory_space<vmem_shared>>) target(%arg8 : memref<128x64xf32, #tpu.memory_space<vmem>>) offsets(%dma_start3A_2010 : memref<128xi32, #tpu.memory_space<vmem>>) semaphore(%arg13 : memref<!tpu.dma_semaphore, #tpu.memory_space<semaphore_mem>>)
    %dma_wait3A_2014 = arith.constant 7 : i32
    %dma_wait3A_2015 = arith.constant 1 : i32
    %dma_wait3A_2016 = arith.constant 0 : i32
    %dma_wait3A_2017 = tpu.memref_slice %arg6[%dma_wait3A_2014, %dma_wait3A_2015, %dma_wait3A_2016] : memref<8x8x128xi32, #tpu.memory_space<vmem>> -> memref<1x1x128xi32, #tpu.memory_space<vmem>>
    %dma_wait3A_2018 = tpu.memref_squeeze %dma_wait3A_2017 : memref<1x1x128xi32, #tpu.memory_space<vmem>> -> memref<128xi32, #tpu.memory_space<vmem>>
    %dma_wait3A_2019 = arith.constant 0 : i32
    %dma_wait3A_2020 = arith.constant 0 : i32
    %dma_wait3A_2021 = tpu.memref_slice %arg10[%dma_wait3A_2019, %dma_wait3A_2020] : memref<21525x64xf32, #tpu.memory_space<vmem_shared>> -> memref<21525x64xf32, #tpu.memory_space<vmem_shared>>
    tpu.wait_indirect_dma semaphore(%arg12 : memref<!tpu.dma_semaphore, #tpu.memory_space<semaphore_mem>>) src(%dma_wait3A_2021 : memref<21525x64xf32, #tpu.memory_space<vmem_shared>>) dst(%arg7 : memref<128x64xf32, #tpu.memory_space<vmem>>)
    %add3A_2022 = arith.constant 7 : i32
    %add3A_2023 = arith.addi %mul3A_2, %add3A_2022 : i32
    %dma_start3A_2024 = arith.constant 128 : i32
    %dma_start3A_2025 = arith.constant 0 : i32
    %dma_start3A_2026 = tpu.memref_slice %arg4[%add3A_2023, %dma_start3A_2024, %dma_start3A_2025] : memref<256x1024x64xf32, #tpu.memory_space<hbm>> -> memref<1x128x64xf32, #tpu.memory_space<hbm>>
    %dma_start3A_2027 = tpu.memref_squeeze %dma_start3A_2026 : memref<1x128x64xf32, #tpu.memory_space<hbm>> -> memref<128x64xf32, #tpu.memory_space<hbm>>
    %dma_start3A_2028 = arith.constant 128 : i32
    %dma_start3A_2029 = arith.constant 0 : i32
    %dma_start3A_2030 = tpu.memref_slice %arg4[%add3A_2023, %dma_start3A_2028, %dma_start3A_2029] : memref<256x1024x64xf32, #tpu.memory_space<hbm>> -> memref<1x128x64xf32, #tpu.memory_space<hbm>>
    %dma_start3A_2031 = tpu.memref_squeeze %dma_start3A_2030 : memref<1x128x64xf32, #tpu.memory_space<hbm>> -> memref<128x64xf32, #tpu.memory_space<hbm>>
    tpu.enqueue_dma source(%arg7 : memref<128x64xf32, #tpu.memory_space<vmem>>) target(%dma_start3A_2031 : memref<128x64xf32, #tpu.memory_space<hbm>>) target_semaphore(%arg15 : memref<!tpu.dma_semaphore, #tpu.memory_space<semaphore_mem>>)
    %dma_wait3A_2032 = arith.constant 0 : i32
    %dma_wait3A_2033 = arith.constant 0 : i32
    %dma_wait3A_2034 = tpu.memref_slice %arg4[%add3A_1989, %dma_wait3A_2032, %dma_wait3A_2033] : memref<256x1024x64xf32, #tpu.memory_space<hbm>> -> memref<1x128x64xf32, #tpu.memory_space<hbm>>
    %dma_wait3A_2035 = tpu.memref_squeeze %dma_wait3A_2034 : memref<1x128x64xf32, #tpu.memory_space<hbm>> -> memref<128x64xf32, #tpu.memory_space<hbm>>
    %dma_wait3A_2036 = arith.constant 0 : i32
    %dma_wait3A_2037 = arith.constant 0 : i32
    %dma_wait3A_2038 = tpu.memref_slice %arg4[%add3A_1989, %dma_wait3A_2036, %dma_wait3A_2037] : memref<256x1024x64xf32, #tpu.memory_space<hbm>> -> memref<1x128x64xf32, #tpu.memory_space<hbm>>
    %dma_wait3A_2039 = tpu.memref_squeeze %dma_wait3A_2038 : memref<1x128x64xf32, #tpu.memory_space<hbm>> -> memref<128x64xf32, #tpu.memory_space<hbm>>
    tpu.wait_dma2 semaphore(%arg17 : memref<!tpu.dma_semaphore, #tpu.memory_space<semaphore_mem>>) src(%arg9 : memref<128x64xf32, #tpu.memory_space<vmem>>) dst(%dma_wait3A_2039 : memref<128x64xf32, #tpu.memory_space<hbm>>)
    %dma_start3A_2040 = arith.constant 7 : i32
    %dma_start3A_2041 = arith.constant 3 : i32
    %dma_start3A_2042 = arith.constant 0 : i32
    %dma_start3A_2043 = tpu.memref_slice %arg6[%dma_start3A_2040, %dma_start3A_2041, %dma_start3A_2042] : memref<8x8x128xi32, #tpu.memory_space<vmem>> -> memref<1x1x128xi32, #tpu.memory_space<vmem>>
    %dma_start3A_2044 = tpu.memref_squeeze %dma_start3A_2043 : memref<1x1x128xi32, #tpu.memory_space<vmem>> -> memref<128xi32, #tpu.memory_space<vmem>>
    %dma_start3A_2045 = arith.constant 0 : i32
    %dma_start3A_2046 = arith.constant 0 : i32
    %dma_start3A_2047 = tpu.memref_slice %arg10[%dma_start3A_2045, %dma_start3A_2046] : memref<21525x64xf32, #tpu.memory_space<vmem_shared>> -> memref<21525x64xf32, #tpu.memory_space<vmem_shared>>
    tpu.enqueue_indirect_dma source(%dma_start3A_2047 : memref<21525x64xf32, #tpu.memory_space<vmem_shared>>) target(%arg9 : memref<128x64xf32, #tpu.memory_space<vmem>>) offsets(%dma_start3A_2044 : memref<128xi32, #tpu.memory_space<vmem>>) semaphore(%arg14 : memref<!tpu.dma_semaphore, #tpu.memory_space<semaphore_mem>>)
    %dma_wait3A_2048 = arith.constant 7 : i32
    %dma_wait3A_2049 = arith.constant 2 : i32
    %dma_wait3A_2050 = arith.constant 0 : i32
    %dma_wait3A_2051 = tpu.memref_slice %arg6[%dma_wait3A_2048, %dma_wait3A_2049, %dma_wait3A_2050] : memref<8x8x128xi32, #tpu.memory_space<vmem>> -> memref<1x1x128xi32, #tpu.memory_space<vmem>>
    %dma_wait3A_2052 = tpu.memref_squeeze %dma_wait3A_2051 : memref<1x1x128xi32, #tpu.memory_space<vmem>> -> memref<128xi32, #tpu.memory_space<vmem>>
    %dma_wait3A_2053 = arith.constant 0 : i32
    %dma_wait3A_2054 = arith.constant 0 : i32
    %dma_wait3A_2055 = tpu.memref_slice %arg10[%dma_wait3A_2053, %dma_wait3A_2054] : memref<21525x64xf32, #tpu.memory_space<vmem_shared>> -> memref<21525x64xf32, #tpu.memory_space<vmem_shared>>
    tpu.wait_indirect_dma semaphore(%arg13 : memref<!tpu.dma_semaphore, #tpu.memory_space<semaphore_mem>>) src(%dma_wait3A_2055 : memref<21525x64xf32, #tpu.memory_space<vmem_shared>>) dst(%arg8 : memref<128x64xf32, #tpu.memory_space<vmem>>)
    %add3A_2056 = arith.constant 7 : i32
    %add3A_2057 = arith.addi %mul3A_2, %add3A_2056 : i32
    %dma_start3A_2058 = arith.constant 256 : i32
    %dma_start3A_2059 = arith.constant 0 : i32
    %dma_start3A_2060 = tpu.memref_slice %arg4[%add3A_2057, %dma_start3A_2058, %dma_start3A_2059] : memref<256x1024x64xf32, #tpu.memory_space<hbm>> -> memref<1x128x64xf32, #tpu.memory_space<hbm>>
    %dma_start3A_2061 = tpu.memref_squeeze %dma_start3A_2060 : memref<1x128x64xf32, #tpu.memory_space<hbm>> -> memref<128x64xf32, #tpu.memory_space<hbm>>
    %dma_start3A_2062 = arith.constant 256 : i32
    %dma_start3A_2063 = arith.constant 0 : i32
    %dma_start3A_2064 = tpu.memref_slice %arg4[%add3A_2057, %dma_start3A_2062, %dma_start3A_2063] : memref<256x1024x64xf32, #tpu.memory_space<hbm>> -> memref<1x128x64xf32, #tpu.memory_space<hbm>>
    %dma_start3A_2065 = tpu.memref_squeeze %dma_start3A_2064 : memref<1x128x64xf32, #tpu.memory_space<hbm>> -> memref<128x64xf32, #tpu.memory_space<hbm>>
    tpu.enqueue_dma source(%arg8 : memref<128x64xf32, #tpu.memory_space<vmem>>) target(%dma_start3A_2065 : memref<128x64xf32, #tpu.memory_space<hbm>>) target_semaphore(%arg16 : memref<!tpu.dma_semaphore, #tpu.memory_space<semaphore_mem>>)
    %dma_wait3A_2066 = arith.constant 128 : i32
    %dma_wait3A_2067 = arith.constant 0 : i32
    %dma_wait3A_2068 = tpu.memref_slice %arg4[%add3A_2023, %dma_wait3A_2066, %dma_wait3A_2067] : memref<256x1024x64xf32, #tpu.memory_space<hbm>> -> memref<1x128x64xf32, #tpu.memory_space<hbm>>
    %dma_wait3A_2069 = tpu.memref_squeeze %dma_wait3A_2068 : memref<1x128x64xf32, #tpu.memory_space<hbm>> -> memref<128x64xf32, #tpu.memory_space<hbm>>
    %dma_wait3A_2070 = arith.constant 128 : i32
    %dma_wait3A_2071 = arith.constant 0 : i32
    %dma_wait3A_2072 = tpu.memref_slice %arg4[%add3A_2023, %dma_wait3A_2070, %dma_wait3A_2071] : memref<256x1024x64xf32, #tpu.memory_space<hbm>> -> memref<1x128x64xf32, #tpu.memory_space<hbm>>
    %dma_wait3A_2073 = tpu.memref_squeeze %dma_wait3A_2072 : memref<1x128x64xf32, #tpu.memory_space<hbm>> -> memref<128x64xf32, #tpu.memory_space<hbm>>
    tpu.wait_dma2 semaphore(%arg15 : memref<!tpu.dma_semaphore, #tpu.memory_space<semaphore_mem>>) src(%arg7 : memref<128x64xf32, #tpu.memory_space<vmem>>) dst(%dma_wait3A_2073 : memref<128x64xf32, #tpu.memory_space<hbm>>)
    %dma_start3A_2074 = arith.constant 7 : i32
    %dma_start3A_2075 = arith.constant 4 : i32
    %dma_start3A_2076 = arith.constant 0 : i32
    %dma_start3A_2077 = tpu.memref_slice %arg6[%dma_start3A_2074, %dma_start3A_2075, %dma_start3A_2076] : memref<8x8x128xi32, #tpu.memory_space<vmem>> -> memref<1x1x128xi32, #tpu.memory_space<vmem>>
    %dma_start3A_2078 = tpu.memref_squeeze %dma_start3A_2077 : memref<1x1x128xi32, #tpu.memory_space<vmem>> -> memref<128xi32, #tpu.memory_space<vmem>>
    %dma_start3A_2079 = arith.constant 0 : i32
    %dma_start3A_2080 = arith.constant 0 : i32
    %dma_start3A_2081 = tpu.memref_slice %arg10[%dma_start3A_2079, %dma_start3A_2080] : memref<21525x64xf32, #tpu.memory_space<vmem_shared>> -> memref<21525x64xf32, #tpu.memory_space<vmem_shared>>
    tpu.enqueue_indirect_dma source(%dma_start3A_2081 : memref<21525x64xf32, #tpu.memory_space<vmem_shared>>) target(%arg7 : memref<128x64xf32, #tpu.memory_space<vmem>>) offsets(%dma_start3A_2078 : memref<128xi32, #tpu.memory_space<vmem>>) semaphore(%arg12 : memref<!tpu.dma_semaphore, #tpu.memory_space<semaphore_mem>>)
    %dma_wait3A_2082 = arith.constant 7 : i32
    %dma_wait3A_2083 = arith.constant 3 : i32
    %dma_wait3A_2084 = arith.constant 0 : i32
    %dma_wait3A_2085 = tpu.memref_slice %arg6[%dma_wait3A_2082, %dma_wait3A_2083, %dma_wait3A_2084] : memref<8x8x128xi32, #tpu.memory_space<vmem>> -> memref<1x1x128xi32, #tpu.memory_space<vmem>>
    %dma_wait3A_2086 = tpu.memref_squeeze %dma_wait3A_2085 : memref<1x1x128xi32, #tpu.memory_space<vmem>> -> memref<128xi32, #tpu.memory_space<vmem>>
    %dma_wait3A_2087 = arith.constant 0 : i32
    %dma_wait3A_2088 = arith.constant 0 : i32
    %dma_wait3A_2089 = tpu.memref_slice %arg10[%dma_wait3A_2087, %dma_wait3A_2088] : memref<21525x64xf32, #tpu.memory_space<vmem_shared>> -> memref<21525x64xf32, #tpu.memory_space<vmem_shared>>
    tpu.wait_indirect_dma semaphore(%arg14 : memref<!tpu.dma_semaphore, #tpu.memory_space<semaphore_mem>>) src(%dma_wait3A_2089 : memref<21525x64xf32, #tpu.memory_space<vmem_shared>>) dst(%arg9 : memref<128x64xf32, #tpu.memory_space<vmem>>)
    %add3A_2090 = arith.constant 7 : i32
    %add3A_2091 = arith.addi %mul3A_2, %add3A_2090 : i32
    %dma_start3A_2092 = arith.constant 384 : i32
    %dma_start3A_2093 = arith.constant 0 : i32
    %dma_start3A_2094 = tpu.memref_slice %arg4[%add3A_2091, %dma_start3A_2092, %dma_start3A_2093] : memref<256x1024x64xf32, #tpu.memory_space<hbm>> -> memref<1x128x64xf32, #tpu.memory_space<hbm>>
    %dma_start3A_2095 = tpu.memref_squeeze %dma_start3A_2094 : memref<1x128x64xf32, #tpu.memory_space<hbm>> -> memref<128x64xf32, #tpu.memory_space<hbm>>
    %dma_start3A_2096 = arith.constant 384 : i32
    %dma_start3A_2097 = arith.constant 0 : i32
    %dma_start3A_2098 = tpu.memref_slice %arg4[%add3A_2091, %dma_start3A_2096, %dma_start3A_2097] : memref<256x1024x64xf32, #tpu.memory_space<hbm>> -> memref<1x128x64xf32, #tpu.memory_space<hbm>>
    %dma_start3A_2099 = tpu.memref_squeeze %dma_start3A_2098 : memref<1x128x64xf32, #tpu.memory_space<hbm>> -> memref<128x64xf32, #tpu.memory_space<hbm>>
    tpu.enqueue_dma source(%arg9 : memref<128x64xf32, #tpu.memory_space<vmem>>) target(%dma_start3A_2099 : memref<128x64xf32, #tpu.memory_space<hbm>>) target_semaphore(%arg17 : memref<!tpu.dma_semaphore, #tpu.memory_space<semaphore_mem>>)
    %dma_wait3A_2100 = arith.constant 256 : i32
    %dma_wait3A_2101 = arith.constant 0 : i32
    %dma_wait3A_2102 = tpu.memref_slice %arg4[%add3A_2057, %dma_wait3A_2100, %dma_wait3A_2101] : memref<256x1024x64xf32, #tpu.memory_space<hbm>> -> memref<1x128x64xf32, #tpu.memory_space<hbm>>
    %dma_wait3A_2103 = tpu.memref_squeeze %dma_wait3A_2102 : memref<1x128x64xf32, #tpu.memory_space<hbm>> -> memref<128x64xf32, #tpu.memory_space<hbm>>
    %dma_wait3A_2104 = arith.constant 256 : i32
    %dma_wait3A_2105 = arith.constant 0 : i32
    %dma_wait3A_2106 = tpu.memref_slice %arg4[%add3A_2057, %dma_wait3A_2104, %dma_wait3A_2105] : memref<256x1024x64xf32, #tpu.memory_space<hbm>> -> memref<1x128x64xf32, #tpu.memory_space<hbm>>
    %dma_wait3A_2107 = tpu.memref_squeeze %dma_wait3A_2106 : memref<1x128x64xf32, #tpu.memory_space<hbm>> -> memref<128x64xf32, #tpu.memory_space<hbm>>
    tpu.wait_dma2 semaphore(%arg16 : memref<!tpu.dma_semaphore, #tpu.memory_space<semaphore_mem>>) src(%arg8 : memref<128x64xf32, #tpu.memory_space<vmem>>) dst(%dma_wait3A_2107 : memref<128x64xf32, #tpu.memory_space<hbm>>)
    %dma_start3A_2108 = arith.constant 7 : i32
    %dma_start3A_2109 = arith.constant 5 : i32
    %dma_start3A_2110 = arith.constant 0 : i32
    %dma_start3A_2111 = tpu.memref_slice %arg6[%dma_start3A_2108, %dma_start3A_2109, %dma_start3A_2110] : memref<8x8x128xi32, #tpu.memory_space<vmem>> -> memref<1x1x128xi32, #tpu.memory_space<vmem>>
    %dma_start3A_2112 = tpu.memref_squeeze %dma_start3A_2111 : memref<1x1x128xi32, #tpu.memory_space<vmem>> -> memref<128xi32, #tpu.memory_space<vmem>>
    %dma_start3A_2113 = arith.constant 0 : i32
    %dma_start3A_2114 = arith.constant 0 : i32
    %dma_start3A_2115 = tpu.memref_slice %arg10[%dma_start3A_2113, %dma_start3A_2114] : memref<21525x64xf32, #tpu.memory_space<vmem_shared>> -> memref<21525x64xf32, #tpu.memory_space<vmem_shared>>
    tpu.enqueue_indirect_dma source(%dma_start3A_2115 : memref<21525x64xf32, #tpu.memory_space<vmem_shared>>) target(%arg8 : memref<128x64xf32, #tpu.memory_space<vmem>>) offsets(%dma_start3A_2112 : memref<128xi32, #tpu.memory_space<vmem>>) semaphore(%arg13 : memref<!tpu.dma_semaphore, #tpu.memory_space<semaphore_mem>>)
    %dma_wait3A_2116 = arith.constant 7 : i32
    %dma_wait3A_2117 = arith.constant 4 : i32
    %dma_wait3A_2118 = arith.constant 0 : i32
    %dma_wait3A_2119 = tpu.memref_slice %arg6[%dma_wait3A_2116, %dma_wait3A_2117, %dma_wait3A_2118] : memref<8x8x128xi32, #tpu.memory_space<vmem>> -> memref<1x1x128xi32, #tpu.memory_space<vmem>>
    %dma_wait3A_2120 = tpu.memref_squeeze %dma_wait3A_2119 : memref<1x1x128xi32, #tpu.memory_space<vmem>> -> memref<128xi32, #tpu.memory_space<vmem>>
    %dma_wait3A_2121 = arith.constant 0 : i32
    %dma_wait3A_2122 = arith.constant 0 : i32
    %dma_wait3A_2123 = tpu.memref_slice %arg10[%dma_wait3A_2121, %dma_wait3A_2122] : memref<21525x64xf32, #tpu.memory_space<vmem_shared>> -> memref<21525x64xf32, #tpu.memory_space<vmem_shared>>
    tpu.wait_indirect_dma semaphore(%arg12 : memref<!tpu.dma_semaphore, #tpu.memory_space<semaphore_mem>>) src(%dma_wait3A_2123 : memref<21525x64xf32, #tpu.memory_space<vmem_shared>>) dst(%arg7 : memref<128x64xf32, #tpu.memory_space<vmem>>)
    %add3A_2124 = arith.constant 7 : i32
    %add3A_2125 = arith.addi %mul3A_2, %add3A_2124 : i32
    %dma_start3A_2126 = arith.constant 512 : i32
    %dma_start3A_2127 = arith.constant 0 : i32
    %dma_start3A_2128 = tpu.memref_slice %arg4[%add3A_2125, %dma_start3A_2126, %dma_start3A_2127] : memref<256x1024x64xf32, #tpu.memory_space<hbm>> -> memref<1x128x64xf32, #tpu.memory_space<hbm>>
    %dma_start3A_2129 = tpu.memref_squeeze %dma_start3A_2128 : memref<1x128x64xf32, #tpu.memory_space<hbm>> -> memref<128x64xf32, #tpu.memory_space<hbm>>
    %dma_start3A_2130 = arith.constant 512 : i32
    %dma_start3A_2131 = arith.constant 0 : i32
    %dma_start3A_2132 = tpu.memref_slice %arg4[%add3A_2125, %dma_start3A_2130, %dma_start3A_2131] : memref<256x1024x64xf32, #tpu.memory_space<hbm>> -> memref<1x128x64xf32, #tpu.memory_space<hbm>>
    %dma_start3A_2133 = tpu.memref_squeeze %dma_start3A_2132 : memref<1x128x64xf32, #tpu.memory_space<hbm>> -> memref<128x64xf32, #tpu.memory_space<hbm>>
    tpu.enqueue_dma source(%arg7 : memref<128x64xf32, #tpu.memory_space<vmem>>) target(%dma_start3A_2133 : memref<128x64xf32, #tpu.memory_space<hbm>>) target_semaphore(%arg15 : memref<!tpu.dma_semaphore, #tpu.memory_space<semaphore_mem>>)
    %dma_wait3A_2134 = arith.constant 384 : i32
    %dma_wait3A_2135 = arith.constant 0 : i32
    %dma_wait3A_2136 = tpu.memref_slice %arg4[%add3A_2091, %dma_wait3A_2134, %dma_wait3A_2135] : memref<256x1024x64xf32, #tpu.memory_space<hbm>> -> memref<1x128x64xf32, #tpu.memory_space<hbm>>
    %dma_wait3A_2137 = tpu.memref_squeeze %dma_wait3A_2136 : memref<1x128x64xf32, #tpu.memory_space<hbm>> -> memref<128x64xf32, #tpu.memory_space<hbm>>
    %dma_wait3A_2138 = arith.constant 384 : i32
    %dma_wait3A_2139 = arith.constant 0 : i32
    %dma_wait3A_2140 = tpu.memref_slice %arg4[%add3A_2091, %dma_wait3A_2138, %dma_wait3A_2139] : memref<256x1024x64xf32, #tpu.memory_space<hbm>> -> memref<1x128x64xf32, #tpu.memory_space<hbm>>
    %dma_wait3A_2141 = tpu.memref_squeeze %dma_wait3A_2140 : memref<1x128x64xf32, #tpu.memory_space<hbm>> -> memref<128x64xf32, #tpu.memory_space<hbm>>
    tpu.wait_dma2 semaphore(%arg17 : memref<!tpu.dma_semaphore, #tpu.memory_space<semaphore_mem>>) src(%arg9 : memref<128x64xf32, #tpu.memory_space<vmem>>) dst(%dma_wait3A_2141 : memref<128x64xf32, #tpu.memory_space<hbm>>)
    %dma_start3A_2142 = arith.constant 7 : i32
    %dma_start3A_2143 = arith.constant 6 : i32
    %dma_start3A_2144 = arith.constant 0 : i32
    %dma_start3A_2145 = tpu.memref_slice %arg6[%dma_start3A_2142, %dma_start3A_2143, %dma_start3A_2144] : memref<8x8x128xi32, #tpu.memory_space<vmem>> -> memref<1x1x128xi32, #tpu.memory_space<vmem>>
    %dma_start3A_2146 = tpu.memref_squeeze %dma_start3A_2145 : memref<1x1x128xi32, #tpu.memory_space<vmem>> -> memref<128xi32, #tpu.memory_space<vmem>>
    %dma_start3A_2147 = arith.constant 0 : i32
    %dma_start3A_2148 = arith.constant 0 : i32
    %dma_start3A_2149 = tpu.memref_slice %arg10[%dma_start3A_2147, %dma_start3A_2148] : memref<21525x64xf32, #tpu.memory_space<vmem_shared>> -> memref<21525x64xf32, #tpu.memory_space<vmem_shared>>
    tpu.enqueue_indirect_dma source(%dma_start3A_2149 : memref<21525x64xf32, #tpu.memory_space<vmem_shared>>) target(%arg9 : memref<128x64xf32, #tpu.memory_space<vmem>>) offsets(%dma_start3A_2146 : memref<128xi32, #tpu.memory_space<vmem>>) semaphore(%arg14 : memref<!tpu.dma_semaphore, #tpu.memory_space<semaphore_mem>>)
    %dma_wait3A_2150 = arith.constant 7 : i32
    %dma_wait3A_2151 = arith.constant 5 : i32
    %dma_wait3A_2152 = arith.constant 0 : i32
    %dma_wait3A_2153 = tpu.memref_slice %arg6[%dma_wait3A_2150, %dma_wait3A_2151, %dma_wait3A_2152] : memref<8x8x128xi32, #tpu.memory_space<vmem>> -> memref<1x1x128xi32, #tpu.memory_space<vmem>>
    %dma_wait3A_2154 = tpu.memref_squeeze %dma_wait3A_2153 : memref<1x1x128xi32, #tpu.memory_space<vmem>> -> memref<128xi32, #tpu.memory_space<vmem>>
    %dma_wait3A_2155 = arith.constant 0 : i32
    %dma_wait3A_2156 = arith.constant 0 : i32
    %dma_wait3A_2157 = tpu.memref_slice %arg10[%dma_wait3A_2155, %dma_wait3A_2156] : memref<21525x64xf32, #tpu.memory_space<vmem_shared>> -> memref<21525x64xf32, #tpu.memory_space<vmem_shared>>
    tpu.wait_indirect_dma semaphore(%arg13 : memref<!tpu.dma_semaphore, #tpu.memory_space<semaphore_mem>>) src(%dma_wait3A_2157 : memref<21525x64xf32, #tpu.memory_space<vmem_shared>>) dst(%arg8 : memref<128x64xf32, #tpu.memory_space<vmem>>)
    %add3A_2158 = arith.constant 7 : i32
    %add3A_2159 = arith.addi %mul3A_2, %add3A_2158 : i32
    %dma_start3A_2160 = arith.constant 640 : i32
    %dma_start3A_2161 = arith.constant 0 : i32
    %dma_start3A_2162 = tpu.memref_slice %arg4[%add3A_2159, %dma_start3A_2160, %dma_start3A_2161] : memref<256x1024x64xf32, #tpu.memory_space<hbm>> -> memref<1x128x64xf32, #tpu.memory_space<hbm>>
    %dma_start3A_2163 = tpu.memref_squeeze %dma_start3A_2162 : memref<1x128x64xf32, #tpu.memory_space<hbm>> -> memref<128x64xf32, #tpu.memory_space<hbm>>
    %dma_start3A_2164 = arith.constant 640 : i32
    %dma_start3A_2165 = arith.constant 0 : i32
    %dma_start3A_2166 = tpu.memref_slice %arg4[%add3A_2159, %dma_start3A_2164, %dma_start3A_2165] : memref<256x1024x64xf32, #tpu.memory_space<hbm>> -> memref<1x128x64xf32, #tpu.memory_space<hbm>>
    %dma_start3A_2167 = tpu.memref_squeeze %dma_start3A_2166 : memref<1x128x64xf32, #tpu.memory_space<hbm>> -> memref<128x64xf32, #tpu.memory_space<hbm>>
    tpu.enqueue_dma source(%arg8 : memref<128x64xf32, #tpu.memory_space<vmem>>) target(%dma_start3A_2167 : memref<128x64xf32, #tpu.memory_space<hbm>>) target_semaphore(%arg16 : memref<!tpu.dma_semaphore, #tpu.memory_space<semaphore_mem>>)
    %dma_wait3A_2168 = arith.constant 512 : i32
    %dma_wait3A_2169 = arith.constant 0 : i32
    %dma_wait3A_2170 = tpu.memref_slice %arg4[%add3A_2125, %dma_wait3A_2168, %dma_wait3A_2169] : memref<256x1024x64xf32, #tpu.memory_space<hbm>> -> memref<1x128x64xf32, #tpu.memory_space<hbm>>
    %dma_wait3A_2171 = tpu.memref_squeeze %dma_wait3A_2170 : memref<1x128x64xf32, #tpu.memory_space<hbm>> -> memref<128x64xf32, #tpu.memory_space<hbm>>
    %dma_wait3A_2172 = arith.constant 512 : i32
    %dma_wait3A_2173 = arith.constant 0 : i32
    %dma_wait3A_2174 = tpu.memref_slice %arg4[%add3A_2125, %dma_wait3A_2172, %dma_wait3A_2173] : memref<256x1024x64xf32, #tpu.memory_space<hbm>> -> memref<1x128x64xf32, #tpu.memory_space<hbm>>
    %dma_wait3A_2175 = tpu.memref_squeeze %dma_wait3A_2174 : memref<1x128x64xf32, #tpu.memory_space<hbm>> -> memref<128x64xf32, #tpu.memory_space<hbm>>
    tpu.wait_dma2 semaphore(%arg15 : memref<!tpu.dma_semaphore, #tpu.memory_space<semaphore_mem>>) src(%arg7 : memref<128x64xf32, #tpu.memory_space<vmem>>) dst(%dma_wait3A_2175 : memref<128x64xf32, #tpu.memory_space<hbm>>)
    %dma_start3A_2176 = arith.constant 7 : i32
    %dma_start3A_2177 = arith.constant 7 : i32
    %dma_start3A_2178 = arith.constant 0 : i32
    %dma_start3A_2179 = tpu.memref_slice %arg6[%dma_start3A_2176, %dma_start3A_2177, %dma_start3A_2178] : memref<8x8x128xi32, #tpu.memory_space<vmem>> -> memref<1x1x128xi32, #tpu.memory_space<vmem>>
    %dma_start3A_2180 = tpu.memref_squeeze %dma_start3A_2179 : memref<1x1x128xi32, #tpu.memory_space<vmem>> -> memref<128xi32, #tpu.memory_space<vmem>>
    %dma_start3A_2181 = arith.constant 0 : i32
    %dma_start3A_2182 = arith.constant 0 : i32
    %dma_start3A_2183 = tpu.memref_slice %arg10[%dma_start3A_2181, %dma_start3A_2182] : memref<21525x64xf32, #tpu.memory_space<vmem_shared>> -> memref<21525x64xf32, #tpu.memory_space<vmem_shared>>
    tpu.enqueue_indirect_dma source(%dma_start3A_2183 : memref<21525x64xf32, #tpu.memory_space<vmem_shared>>) target(%arg7 : memref<128x64xf32, #tpu.memory_space<vmem>>) offsets(%dma_start3A_2180 : memref<128xi32, #tpu.memory_space<vmem>>) semaphore(%arg12 : memref<!tpu.dma_semaphore, #tpu.memory_space<semaphore_mem>>)
    %dma_wait3A_2184 = arith.constant 7 : i32
    %dma_wait3A_2185 = arith.constant 6 : i32
    %dma_wait3A_2186 = arith.constant 0 : i32
    %dma_wait3A_2187 = tpu.memref_slice %arg6[%dma_wait3A_2184, %dma_wait3A_2185, %dma_wait3A_2186] : memref<8x8x128xi32, #tpu.memory_space<vmem>> -> memref<1x1x128xi32, #tpu.memory_space<vmem>>
    %dma_wait3A_2188 = tpu.memref_squeeze %dma_wait3A_2187 : memref<1x1x128xi32, #tpu.memory_space<vmem>> -> memref<128xi32, #tpu.memory_space<vmem>>
    %dma_wait3A_2189 = arith.constant 0 : i32
    %dma_wait3A_2190 = arith.constant 0 : i32
    %dma_wait3A_2191 = tpu.memref_slice %arg10[%dma_wait3A_2189, %dma_wait3A_2190] : memref<21525x64xf32, #tpu.memory_space<vmem_shared>> -> memref<21525x64xf32, #tpu.memory_space<vmem_shared>>
    tpu.wait_indirect_dma semaphore(%arg14 : memref<!tpu.dma_semaphore, #tpu.memory_space<semaphore_mem>>) src(%dma_wait3A_2191 : memref<21525x64xf32, #tpu.memory_space<vmem_shared>>) dst(%arg9 : memref<128x64xf32, #tpu.memory_space<vmem>>)
    %add3A_2192 = arith.constant 7 : i32
    %add3A_2193 = arith.addi %mul3A_2, %add3A_2192 : i32
    %dma_start3A_2194 = arith.constant 768 : i32
    %dma_start3A_2195 = arith.constant 0 : i32
    %dma_start3A_2196 = tpu.memref_slice %arg4[%add3A_2193, %dma_start3A_2194, %dma_start3A_2195] : memref<256x1024x64xf32, #tpu.memory_space<hbm>> -> memref<1x128x64xf32, #tpu.memory_space<hbm>>
    %dma_start3A_2197 = tpu.memref_squeeze %dma_start3A_2196 : memref<1x128x64xf32, #tpu.memory_space<hbm>> -> memref<128x64xf32, #tpu.memory_space<hbm>>
    %dma_start3A_2198 = arith.constant 768 : i32
    %dma_start3A_2199 = arith.constant 0 : i32
    %dma_start3A_2200 = tpu.memref_slice %arg4[%add3A_2193, %dma_start3A_2198, %dma_start3A_2199] : memref<256x1024x64xf32, #tpu.memory_space<hbm>> -> memref<1x128x64xf32, #tpu.memory_space<hbm>>
    %dma_start3A_2201 = tpu.memref_squeeze %dma_start3A_2200 : memref<1x128x64xf32, #tpu.memory_space<hbm>> -> memref<128x64xf32, #tpu.memory_space<hbm>>
    tpu.enqueue_dma source(%arg9 : memref<128x64xf32, #tpu.memory_space<vmem>>) target(%dma_start3A_2201 : memref<128x64xf32, #tpu.memory_space<hbm>>) target_semaphore(%arg17 : memref<!tpu.dma_semaphore, #tpu.memory_space<semaphore_mem>>)
    %dma_wait3A_2202 = arith.constant 7 : i32
    %dma_wait3A_2203 = arith.constant 7 : i32
    %dma_wait3A_2204 = arith.constant 0 : i32
    %dma_wait3A_2205 = tpu.memref_slice %arg6[%dma_wait3A_2202, %dma_wait3A_2203, %dma_wait3A_2204] : memref<8x8x128xi32, #tpu.memory_space<vmem>> -> memref<1x1x128xi32, #tpu.memory_space<vmem>>
    %dma_wait3A_2206 = tpu.memref_squeeze %dma_wait3A_2205 : memref<1x1x128xi32, #tpu.memory_space<vmem>> -> memref<128xi32, #tpu.memory_space<vmem>>
    %dma_wait3A_2207 = arith.constant 0 : i32
    %dma_wait3A_2208 = arith.constant 0 : i32
    %dma_wait3A_2209 = tpu.memref_slice %arg10[%dma_wait3A_2207, %dma_wait3A_2208] : memref<21525x64xf32, #tpu.memory_space<vmem_shared>> -> memref<21525x64xf32, #tpu.memory_space<vmem_shared>>
    tpu.wait_indirect_dma semaphore(%arg12 : memref<!tpu.dma_semaphore, #tpu.memory_space<semaphore_mem>>) src(%dma_wait3A_2209 : memref<21525x64xf32, #tpu.memory_space<vmem_shared>>) dst(%arg7 : memref<128x64xf32, #tpu.memory_space<vmem>>)
    %add3A_2210 = arith.constant 7 : i32
    %add3A_2211 = arith.addi %mul3A_2, %add3A_2210 : i32
    %dma_start3A_2212 = arith.constant 896 : i32
    %dma_start3A_2213 = arith.constant 0 : i32
    %dma_start3A_2214 = tpu.memref_slice %arg4[%add3A_2211, %dma_start3A_2212, %dma_start3A_2213] : memref<256x1024x64xf32, #tpu.memory_space<hbm>> -> memref<1x128x64xf32, #tpu.memory_space<hbm>>
    %dma_start3A_2215 = tpu.memref_squeeze %dma_start3A_2214 : memref<1x128x64xf32, #tpu.memory_space<hbm>> -> memref<128x64xf32, #tpu.memory_space<hbm>>
    %dma_start3A_2216 = arith.constant 896 : i32
    %dma_start3A_2217 = arith.constant 0 : i32
    %dma_start3A_2218 = tpu.memref_slice %arg4[%add3A_2211, %dma_start3A_2216, %dma_start3A_2217] : memref<256x1024x64xf32, #tpu.memory_space<hbm>> -> memref<1x128x64xf32, #tpu.memory_space<hbm>>
    %dma_start3A_2219 = tpu.memref_squeeze %dma_start3A_2218 : memref<1x128x64xf32, #tpu.memory_space<hbm>> -> memref<128x64xf32, #tpu.memory_space<hbm>>
    tpu.enqueue_dma source(%arg7 : memref<128x64xf32, #tpu.memory_space<vmem>>) target(%dma_start3A_2219 : memref<128x64xf32, #tpu.memory_space<hbm>>) target_semaphore(%arg15 : memref<!tpu.dma_semaphore, #tpu.memory_space<semaphore_mem>>)
    %dma_wait3A_2220 = arith.constant 768 : i32
    %dma_wait3A_2221 = arith.constant 0 : i32
    %dma_wait3A_2222 = tpu.memref_slice %arg4[%add3A_2193, %dma_wait3A_2220, %dma_wait3A_2221] : memref<256x1024x64xf32, #tpu.memory_space<hbm>> -> memref<1x128x64xf32, #tpu.memory_space<hbm>>
    %dma_wait3A_2223 = tpu.memref_squeeze %dma_wait3A_2222 : memref<1x128x64xf32, #tpu.memory_space<hbm>> -> memref<128x64xf32, #tpu.memory_space<hbm>>
    %dma_wait3A_2224 = arith.constant 768 : i32
    %dma_wait3A_2225 = arith.constant 0 : i32
    %dma_wait3A_2226 = tpu.memref_slice %arg4[%add3A_2193, %dma_wait3A_2224, %dma_wait3A_2225] : memref<256x1024x64xf32, #tpu.memory_space<hbm>> -> memref<1x128x64xf32, #tpu.memory_space<hbm>>
    %dma_wait3A_2227 = tpu.memref_squeeze %dma_wait3A_2226 : memref<1x128x64xf32, #tpu.memory_space<hbm>> -> memref<128x64xf32, #tpu.memory_space<hbm>>
    tpu.wait_dma2 semaphore(%arg17 : memref<!tpu.dma_semaphore, #tpu.memory_space<semaphore_mem>>) src(%arg9 : memref<128x64xf32, #tpu.memory_space<vmem>>) dst(%dma_wait3A_2227 : memref<128x64xf32, #tpu.memory_space<hbm>>)
    %dma_wait3A_2228 = arith.constant 896 : i32
    %dma_wait3A_2229 = arith.constant 0 : i32
    %dma_wait3A_2230 = tpu.memref_slice %arg4[%add3A_2211, %dma_wait3A_2228, %dma_wait3A_2229] : memref<256x1024x64xf32, #tpu.memory_space<hbm>> -> memref<1x128x64xf32, #tpu.memory_space<hbm>>
    %dma_wait3A_2231 = tpu.memref_squeeze %dma_wait3A_2230 : memref<1x128x64xf32, #tpu.memory_space<hbm>> -> memref<128x64xf32, #tpu.memory_space<hbm>>
    %dma_wait3A_2232 = arith.constant 896 : i32
    %dma_wait3A_2233 = arith.constant 0 : i32
    %dma_wait3A_2234 = tpu.memref_slice %arg4[%add3A_2211, %dma_wait3A_2232, %dma_wait3A_2233] : memref<256x1024x64xf32, #tpu.memory_space<hbm>> -> memref<1x128x64xf32, #tpu.memory_space<hbm>>
    %dma_wait3A_2235 = tpu.memref_squeeze %dma_wait3A_2234 : memref<1x128x64xf32, #tpu.memory_space<hbm>> -> memref<128x64xf32, #tpu.memory_space<hbm>>
    tpu.wait_dma2 semaphore(%arg15 : memref<!tpu.dma_semaphore, #tpu.memory_space<semaphore_mem>>) src(%arg7 : memref<128x64xf32, #tpu.memory_space<vmem>>) dst(%dma_wait3A_2235 : memref<128x64xf32, #tpu.memory_space<hbm>>)
    return
  }
}

module attributes {stable_mosaic.version = 14 : i64} {
  func.func @_tc_combine(%arg0: memref<21x64xf32, #tpu.memory_space<vmem>>, %arg1: memref<1025x64xf32, #tpu.memory_space<vmem>>, %arg2: memref<21525x64xf32, #tpu.memory_space<vmem>>) attributes {dimension_semantics = [], scalar_prefetch = 0 : i64, scratch_operands = 0 : i64, tpu.core_type = #tpu.core_type<tc>} {
    %get3A = arith.constant 0 : index
    %get3A_0 = arith.constant 0 : index
    %get3A_1 = vector.load %arg1[%get3A, %get3A_0] : memref<1025x64xf32, #tpu.memory_space<vmem>>, vector<1025x64xf32>
    %get3A_2 = arith.constant 0 : index
    %get3A_3 = arith.constant 0 : index
    %get3A_4 = vector.load %arg0[%get3A_2, %get3A_3] : memref<21x64xf32, #tpu.memory_space<vmem>>, vector<1x64xf32>
    %add3A = vector.broadcast %get3A_4 : vector<1x64xf32> to vector<1025x64xf32>
    %add3A_5 = arith.addf %get3A_1, %add3A : vector<1025x64xf32>
    %swap3A = arith.constant 0 : index
    %swap3A_6 = arith.constant 0 : index
    %swap3A_7 = vector.load %arg2[%swap3A, %swap3A_6] : memref<21525x64xf32, #tpu.memory_space<vmem>>, vector<1025x64xf32>
    tpu.vector_store %arg2[%swap3A, %swap3A_6], %add3A_5 {strides = array<i32>} : memref<21525x64xf32, #tpu.memory_space<vmem>>, vector<1025x64xf32>,
    %get3A_8 = arith.constant 1 : index
    %get3A_9 = arith.constant 0 : index
    %get3A_10 = vector.load %arg0[%get3A_8, %get3A_9] : memref<21x64xf32, #tpu.memory_space<vmem>>, vector<1x64xf32>
    %add3A_11 = vector.broadcast %get3A_10 : vector<1x64xf32> to vector<1025x64xf32>
    %add3A_12 = arith.addf %get3A_1, %add3A_11 : vector<1025x64xf32>
    %swap3A_13 = arith.constant 1025 : index
    %swap3A_14 = arith.constant 0 : index
    %swap3A_15 = vector.load %arg2[%swap3A_13, %swap3A_14] : memref<21525x64xf32, #tpu.memory_space<vmem>>, vector<1025x64xf32>
    tpu.vector_store %arg2[%swap3A_13, %swap3A_14], %add3A_12 {strides = array<i32>} : memref<21525x64xf32, #tpu.memory_space<vmem>>, vector<1025x64xf32>,
    %get3A_16 = arith.constant 2 : index
    %get3A_17 = arith.constant 0 : index
    %get3A_18 = vector.load %arg0[%get3A_16, %get3A_17] : memref<21x64xf32, #tpu.memory_space<vmem>>, vector<1x64xf32>
    %add3A_19 = vector.broadcast %get3A_18 : vector<1x64xf32> to vector<1025x64xf32>
    %add3A_20 = arith.addf %get3A_1, %add3A_19 : vector<1025x64xf32>
    %swap3A_21 = arith.constant 2050 : index
    %swap3A_22 = arith.constant 0 : index
    %swap3A_23 = vector.load %arg2[%swap3A_21, %swap3A_22] : memref<21525x64xf32, #tpu.memory_space<vmem>>, vector<1025x64xf32>
    tpu.vector_store %arg2[%swap3A_21, %swap3A_22], %add3A_20 {strides = array<i32>} : memref<21525x64xf32, #tpu.memory_space<vmem>>, vector<1025x64xf32>,
    %get3A_24 = arith.constant 3 : index
    %get3A_25 = arith.constant 0 : index
    %get3A_26 = vector.load %arg0[%get3A_24, %get3A_25] : memref<21x64xf32, #tpu.memory_space<vmem>>, vector<1x64xf32>
    %add3A_27 = vector.broadcast %get3A_26 : vector<1x64xf32> to vector<1025x64xf32>
    %add3A_28 = arith.addf %get3A_1, %add3A_27 : vector<1025x64xf32>
    %swap3A_29 = arith.constant 3075 : index
    %swap3A_30 = arith.constant 0 : index
    %swap3A_31 = vector.load %arg2[%swap3A_29, %swap3A_30] : memref<21525x64xf32, #tpu.memory_space<vmem>>, vector<1025x64xf32>
    tpu.vector_store %arg2[%swap3A_29, %swap3A_30], %add3A_28 {strides = array<i32>} : memref<21525x64xf32, #tpu.memory_space<vmem>>, vector<1025x64xf32>,
    %get3A_32 = arith.constant 4 : index
    %get3A_33 = arith.constant 0 : index
    %get3A_34 = vector.load %arg0[%get3A_32, %get3A_33] : memref<21x64xf32, #tpu.memory_space<vmem>>, vector<1x64xf32>
    %add3A_35 = vector.broadcast %get3A_34 : vector<1x64xf32> to vector<1025x64xf32>
    %add3A_36 = arith.addf %get3A_1, %add3A_35 : vector<1025x64xf32>
    %swap3A_37 = arith.constant 4100 : index
    %swap3A_38 = arith.constant 0 : index
    %swap3A_39 = vector.load %arg2[%swap3A_37, %swap3A_38] : memref<21525x64xf32, #tpu.memory_space<vmem>>, vector<1025x64xf32>
    tpu.vector_store %arg2[%swap3A_37, %swap3A_38], %add3A_36 {strides = array<i32>} : memref<21525x64xf32, #tpu.memory_space<vmem>>, vector<1025x64xf32>,
    %get3A_40 = arith.constant 5 : index
    %get3A_41 = arith.constant 0 : index
    %get3A_42 = vector.load %arg0[%get3A_40, %get3A_41] : memref<21x64xf32, #tpu.memory_space<vmem>>, vector<1x64xf32>
    %add3A_43 = vector.broadcast %get3A_42 : vector<1x64xf32> to vector<1025x64xf32>
    %add3A_44 = arith.addf %get3A_1, %add3A_43 : vector<1025x64xf32>
    %swap3A_45 = arith.constant 5125 : index
    %swap3A_46 = arith.constant 0 : index
    %swap3A_47 = vector.load %arg2[%swap3A_45, %swap3A_46] : memref<21525x64xf32, #tpu.memory_space<vmem>>, vector<1025x64xf32>
    tpu.vector_store %arg2[%swap3A_45, %swap3A_46], %add3A_44 {strides = array<i32>} : memref<21525x64xf32, #tpu.memory_space<vmem>>, vector<1025x64xf32>,
    %get3A_48 = arith.constant 6 : index
    %get3A_49 = arith.constant 0 : index
    %get3A_50 = vector.load %arg0[%get3A_48, %get3A_49] : memref<21x64xf32, #tpu.memory_space<vmem>>, vector<1x64xf32>
    %add3A_51 = vector.broadcast %get3A_50 : vector<1x64xf32> to vector<1025x64xf32>
    %add3A_52 = arith.addf %get3A_1, %add3A_51 : vector<1025x64xf32>
    %swap3A_53 = arith.constant 6150 : index
    %swap3A_54 = arith.constant 0 : index
    %swap3A_55 = vector.load %arg2[%swap3A_53, %swap3A_54] : memref<21525x64xf32, #tpu.memory_space<vmem>>, vector<1025x64xf32>
    tpu.vector_store %arg2[%swap3A_53, %swap3A_54], %add3A_52 {strides = array<i32>} : memref<21525x64xf32, #tpu.memory_space<vmem>>, vector<1025x64xf32>,
    %get3A_56 = arith.constant 7 : index
    %get3A_57 = arith.constant 0 : index
    %get3A_58 = vector.load %arg0[%get3A_56, %get3A_57] : memref<21x64xf32, #tpu.memory_space<vmem>>, vector<1x64xf32>
    %add3A_59 = vector.broadcast %get3A_58 : vector<1x64xf32> to vector<1025x64xf32>
    %add3A_60 = arith.addf %get3A_1, %add3A_59 : vector<1025x64xf32>
    %swap3A_61 = arith.constant 7175 : index
    %swap3A_62 = arith.constant 0 : index
    %swap3A_63 = vector.load %arg2[%swap3A_61, %swap3A_62] : memref<21525x64xf32, #tpu.memory_space<vmem>>, vector<1025x64xf32>
    tpu.vector_store %arg2[%swap3A_61, %swap3A_62], %add3A_60 {strides = array<i32>} : memref<21525x64xf32, #tpu.memory_space<vmem>>, vector<1025x64xf32>,
    %get3A_64 = arith.constant 8 : index
    %get3A_65 = arith.constant 0 : index
    %get3A_66 = vector.load %arg0[%get3A_64, %get3A_65] : memref<21x64xf32, #tpu.memory_space<vmem>>, vector<1x64xf32>
    %add3A_67 = vector.broadcast %get3A_66 : vector<1x64xf32> to vector<1025x64xf32>
    %add3A_68 = arith.addf %get3A_1, %add3A_67 : vector<1025x64xf32>
    %swap3A_69 = arith.constant 8200 : index
    %swap3A_70 = arith.constant 0 : index
    %swap3A_71 = vector.load %arg2[%swap3A_69, %swap3A_70] : memref<21525x64xf32, #tpu.memory_space<vmem>>, vector<1025x64xf32>
    tpu.vector_store %arg2[%swap3A_69, %swap3A_70], %add3A_68 {strides = array<i32>} : memref<21525x64xf32, #tpu.memory_space<vmem>>, vector<1025x64xf32>,
    %get3A_72 = arith.constant 9 : index
    %get3A_73 = arith.constant 0 : index
    %get3A_74 = vector.load %arg0[%get3A_72, %get3A_73] : memref<21x64xf32, #tpu.memory_space<vmem>>, vector<1x64xf32>
    %add3A_75 = vector.broadcast %get3A_74 : vector<1x64xf32> to vector<1025x64xf32>
    %add3A_76 = arith.addf %get3A_1, %add3A_75 : vector<1025x64xf32>
    %swap3A_77 = arith.constant 9225 : index
    %swap3A_78 = arith.constant 0 : index
    %swap3A_79 = vector.load %arg2[%swap3A_77, %swap3A_78] : memref<21525x64xf32, #tpu.memory_space<vmem>>, vector<1025x64xf32>
    tpu.vector_store %arg2[%swap3A_77, %swap3A_78], %add3A_76 {strides = array<i32>} : memref<21525x64xf32, #tpu.memory_space<vmem>>, vector<1025x64xf32>,
    %get3A_80 = arith.constant 10 : index
    %get3A_81 = arith.constant 0 : index
    %get3A_82 = vector.load %arg0[%get3A_80, %get3A_81] : memref<21x64xf32, #tpu.memory_space<vmem>>, vector<1x64xf32>
    %add3A_83 = vector.broadcast %get3A_82 : vector<1x64xf32> to vector<1025x64xf32>
    %add3A_84 = arith.addf %get3A_1, %add3A_83 : vector<1025x64xf32>
    %swap3A_85 = arith.constant 10250 : index
    %swap3A_86 = arith.constant 0 : index
    %swap3A_87 = vector.load %arg2[%swap3A_85, %swap3A_86] : memref<21525x64xf32, #tpu.memory_space<vmem>>, vector<1025x64xf32>
    tpu.vector_store %arg2[%swap3A_85, %swap3A_86], %add3A_84 {strides = array<i32>} : memref<21525x64xf32, #tpu.memory_space<vmem>>, vector<1025x64xf32>,
    %get3A_88 = arith.constant 11 : index
    %get3A_89 = arith.constant 0 : index
    %get3A_90 = vector.load %arg0[%get3A_88, %get3A_89] : memref<21x64xf32, #tpu.memory_space<vmem>>, vector<1x64xf32>
    %add3A_91 = vector.broadcast %get3A_90 : vector<1x64xf32> to vector<1025x64xf32>
    %add3A_92 = arith.addf %get3A_1, %add3A_91 : vector<1025x64xf32>
    %swap3A_93 = arith.constant 11275 : index
    %swap3A_94 = arith.constant 0 : index
    %swap3A_95 = vector.load %arg2[%swap3A_93, %swap3A_94] : memref<21525x64xf32, #tpu.memory_space<vmem>>, vector<1025x64xf32>
    tpu.vector_store %arg2[%swap3A_93, %swap3A_94], %add3A_92 {strides = array<i32>} : memref<21525x64xf32, #tpu.memory_space<vmem>>, vector<1025x64xf32>,
    %get3A_96 = arith.constant 12 : index
    %get3A_97 = arith.constant 0 : index
    %get3A_98 = vector.load %arg0[%get3A_96, %get3A_97] : memref<21x64xf32, #tpu.memory_space<vmem>>, vector<1x64xf32>
    %add3A_99 = vector.broadcast %get3A_98 : vector<1x64xf32> to vector<1025x64xf32>
    %add3A_100 = arith.addf %get3A_1, %add3A_99 : vector<1025x64xf32>
    %swap3A_101 = arith.constant 12300 : index
    %swap3A_102 = arith.constant 0 : index
    %swap3A_103 = vector.load %arg2[%swap3A_101, %swap3A_102] : memref<21525x64xf32, #tpu.memory_space<vmem>>, vector<1025x64xf32>
    tpu.vector_store %arg2[%swap3A_101, %swap3A_102], %add3A_100 {strides = array<i32>} : memref<21525x64xf32, #tpu.memory_space<vmem>>, vector<1025x64xf32>,
    %get3A_104 = arith.constant 13 : index
    %get3A_105 = arith.constant 0 : index
    %get3A_106 = vector.load %arg0[%get3A_104, %get3A_105] : memref<21x64xf32, #tpu.memory_space<vmem>>, vector<1x64xf32>
    %add3A_107 = vector.broadcast %get3A_106 : vector<1x64xf32> to vector<1025x64xf32>
    %add3A_108 = arith.addf %get3A_1, %add3A_107 : vector<1025x64xf32>
    %swap3A_109 = arith.constant 13325 : index
    %swap3A_110 = arith.constant 0 : index
    %swap3A_111 = vector.load %arg2[%swap3A_109, %swap3A_110] : memref<21525x64xf32, #tpu.memory_space<vmem>>, vector<1025x64xf32>
    tpu.vector_store %arg2[%swap3A_109, %swap3A_110], %add3A_108 {strides = array<i32>} : memref<21525x64xf32, #tpu.memory_space<vmem>>, vector<1025x64xf32>,
    %get3A_112 = arith.constant 14 : index
    %get3A_113 = arith.constant 0 : index
    %get3A_114 = vector.load %arg0[%get3A_112, %get3A_113] : memref<21x64xf32, #tpu.memory_space<vmem>>, vector<1x64xf32>
    %add3A_115 = vector.broadcast %get3A_114 : vector<1x64xf32> to vector<1025x64xf32>
    %add3A_116 = arith.addf %get3A_1, %add3A_115 : vector<1025x64xf32>
    %swap3A_117 = arith.constant 14350 : index
    %swap3A_118 = arith.constant 0 : index
    %swap3A_119 = vector.load %arg2[%swap3A_117, %swap3A_118] : memref<21525x64xf32, #tpu.memory_space<vmem>>, vector<1025x64xf32>
    tpu.vector_store %arg2[%swap3A_117, %swap3A_118], %add3A_116 {strides = array<i32>} : memref<21525x64xf32, #tpu.memory_space<vmem>>, vector<1025x64xf32>,
    %get3A_120 = arith.constant 15 : index
    %get3A_121 = arith.constant 0 : index
    %get3A_122 = vector.load %arg0[%get3A_120, %get3A_121] : memref<21x64xf32, #tpu.memory_space<vmem>>, vector<1x64xf32>
    %add3A_123 = vector.broadcast %get3A_122 : vector<1x64xf32> to vector<1025x64xf32>
    %add3A_124 = arith.addf %get3A_1, %add3A_123 : vector<1025x64xf32>
    %swap3A_125 = arith.constant 15375 : index
    %swap3A_126 = arith.constant 0 : index
    %swap3A_127 = vector.load %arg2[%swap3A_125, %swap3A_126] : memref<21525x64xf32, #tpu.memory_space<vmem>>, vector<1025x64xf32>
    tpu.vector_store %arg2[%swap3A_125, %swap3A_126], %add3A_124 {strides = array<i32>} : memref<21525x64xf32, #tpu.memory_space<vmem>>, vector<1025x64xf32>,
    %get3A_128 = arith.constant 16 : index
    %get3A_129 = arith.constant 0 : index
    %get3A_130 = vector.load %arg0[%get3A_128, %get3A_129] : memref<21x64xf32, #tpu.memory_space<vmem>>, vector<1x64xf32>
    %add3A_131 = vector.broadcast %get3A_130 : vector<1x64xf32> to vector<1025x64xf32>
    %add3A_132 = arith.addf %get3A_1, %add3A_131 : vector<1025x64xf32>
    %swap3A_133 = arith.constant 16400 : index
    %swap3A_134 = arith.constant 0 : index
    %swap3A_135 = vector.load %arg2[%swap3A_133, %swap3A_134] : memref<21525x64xf32, #tpu.memory_space<vmem>>, vector<1025x64xf32>
    tpu.vector_store %arg2[%swap3A_133, %swap3A_134], %add3A_132 {strides = array<i32>} : memref<21525x64xf32, #tpu.memory_space<vmem>>, vector<1025x64xf32>,
    %get3A_136 = arith.constant 17 : index
    %get3A_137 = arith.constant 0 : index
    %get3A_138 = vector.load %arg0[%get3A_136, %get3A_137] : memref<21x64xf32, #tpu.memory_space<vmem>>, vector<1x64xf32>
    %add3A_139 = vector.broadcast %get3A_138 : vector<1x64xf32> to vector<1025x64xf32>
    %add3A_140 = arith.addf %get3A_1, %add3A_139 : vector<1025x64xf32>
    %swap3A_141 = arith.constant 17425 : index
    %swap3A_142 = arith.constant 0 : index
    %swap3A_143 = vector.load %arg2[%swap3A_141, %swap3A_142] : memref<21525x64xf32, #tpu.memory_space<vmem>>, vector<1025x64xf32>
    tpu.vector_store %arg2[%swap3A_141, %swap3A_142], %add3A_140 {strides = array<i32>} : memref<21525x64xf32, #tpu.memory_space<vmem>>, vector<1025x64xf32>,
    %get3A_144 = arith.constant 18 : index
    %get3A_145 = arith.constant 0 : index
    %get3A_146 = vector.load %arg0[%get3A_144, %get3A_145] : memref<21x64xf32, #tpu.memory_space<vmem>>, vector<1x64xf32>
    %add3A_147 = vector.broadcast %get3A_146 : vector<1x64xf32> to vector<1025x64xf32>
    %add3A_148 = arith.addf %get3A_1, %add3A_147 : vector<1025x64xf32>
    %swap3A_149 = arith.constant 18450 : index
    %swap3A_150 = arith.constant 0 : index
    %swap3A_151 = vector.load %arg2[%swap3A_149, %swap3A_150] : memref<21525x64xf32, #tpu.memory_space<vmem>>, vector<1025x64xf32>
    tpu.vector_store %arg2[%swap3A_149, %swap3A_150], %add3A_148 {strides = array<i32>} : memref<21525x64xf32, #tpu.memory_space<vmem>>, vector<1025x64xf32>,
    %get3A_152 = arith.constant 19 : index
    %get3A_153 = arith.constant 0 : index
    %get3A_154 = vector.load %arg0[%get3A_152, %get3A_153] : memref<21x64xf32, #tpu.memory_space<vmem>>, vector<1x64xf32>
    %add3A_155 = vector.broadcast %get3A_154 : vector<1x64xf32> to vector<1025x64xf32>
    %add3A_156 = arith.addf %get3A_1, %add3A_155 : vector<1025x64xf32>
    %swap3A_157 = arith.constant 19475 : index
    %swap3A_158 = arith.constant 0 : index
    %swap3A_159 = vector.load %arg2[%swap3A_157, %swap3A_158] : memref<21525x64xf32, #tpu.memory_space<vmem>>, vector<1025x64xf32>
    tpu.vector_store %arg2[%swap3A_157, %swap3A_158], %add3A_156 {strides = array<i32>} : memref<21525x64xf32, #tpu.memory_space<vmem>>, vector<1025x64xf32>,
    %get3A_160 = arith.constant 20 : index
    %get3A_161 = arith.constant 0 : index
    %get3A_162 = vector.load %arg0[%get3A_160, %get3A_161] : memref<21x64xf32, #tpu.memory_space<vmem>>, vector<1x64xf32>
    %add3A_163 = vector.broadcast %get3A_162 : vector<1x64xf32> to vector<1025x64xf32>
    %add3A_164 = arith.addf %get3A_1, %add3A_163 : vector<1025x64xf32>
    %swap3A_165 = arith.constant 20500 : index
    %swap3A_166 = arith.constant 0 : index
    %swap3A_167 = vector.load %arg2[%swap3A_165, %swap3A_166] : memref<21525x64xf32, #tpu.memory_space<vmem>>, vector<1025x64xf32>
    tpu.vector_store %arg2[%swap3A_165, %swap3A_166], %add3A_164 {strides = array<i32>} : memref<21525x64xf32, #tpu.memory_space<vmem>>, vector<1025x64xf32>,
    return
  }
}

</mosaic_0001>

<sc_bundles>
// kernel: kernel.4.cloned.1.call-start
scs
__scs_entry_jumppad:
0x0: {  	(pc) =	sbr.rel $0x88, $3  }
0x1: {  	(tag) =	ssettag $0x0;
	lr =	simm.s32 $0x1  }
0x2: {  	[smem:$0x3F9E] =	sst lr;
	_ =	strace $0xD0000000  }
0x3: {  	_ = 	snop  }
0x4: {  	_ = 	snop  }
0x5: {  	_ = 	snop  }
0x6: {  	_ = 	snop  }
0x7: {  	_ = 	snop  }
__scs_overlays_trampoline_lowered:
0x8: {  	[smem:$0x3FAD] =	sst s0  }
0x9: {  	[smem:$0x3FAE] =	sst s1  }
0xa: {  	[smem:$0x3FAF] =	sst s2  }
0xb: {  	[smem:$0x3FB0] =	sst s3  }
0xc: {  	[smem:$0x3FB1] =	sst s4  }
0xd: {  	[smem:$0x3FB2] =	sst s5  }
0xe: {  	[smem:$0x3FB3] =	sst s6  }
0xf: {  	[smem:$0x3FB4] =	sst s7  }
0x10: {  	[smem:$0x3FB5] =	sst s8  }
0x11: {  	[smem:$0x3FB6] =	sst s9;
	s0 =	simm.s32 @!p0 $0x0  }
0x12: {  	s1 =	sld [smem:$0x3F9C];
	s0 =	simm.s32 @p0 $0x1  }
0x13: {  	[smem:$0x3FB7] =	sst s0;
	s0 =	simm.s32 @!p1 $0x0  }
0x14: {  	s2 =	sld [smem:$0x3F9B];
	s0 =	simm.s32 @p1 $0x1  }
0x15: {  	[smem:$0x3FB8] =	sst s0;
	s0 =	simm.s32 @!p2 $0x0  }
0x16: {  	s3 =	sld [smem:$0x3FDB];
	s0 =	simm.s32 @p2 $0x1  }
0x17: {  	s4 =	simm.s32 $0x1BF5;
	[smem:$0x3FBA] =	sst s0  }
0x18: {  	s0 =	sld [smem:$0x3F9D];
	_ =	swait.ge [sflag:s4], $0x0  }
0x19: {  	s7 =	sld [smem:$0x3F9E]  }
0x1a: {  	s8 =	sadd.s32 $0xFFFFE003, lr  }
0x1b: {  	s9 =	sadd.s32 $0xFFFFFEF7, lr;
	s5 =	simm.s32 $0xFFFFFFFF;
	p2 =	slt.u32 s8, $0xFFFFF086  }
0x1c: {  	p1 =	slt.u32 s9, $0xF7A;
	s5 =	simm.s32 @!p2 $0x0  }
0x1d: {  	s5 =	simm.s32 @p1 $0x1;
	p0 =	seq.s32 s7, s2  }
0x1e: {  	s7 =	smul.u32 @!p0 $0xF7A, s2;
	p2 =	seq.s32 @!p0 s5, $0x0  }
0x1f: {  	s9 =	smul.u32 $0xF7A, s1;
	s8 =	simm.s32 @!p0 $0x1BF5;
	p2 =	por !p2, p0  }
0x20: {  	[sflag:s8] =	ssyncset.s32 @!p0 $0xFFFFF086;
	s6 =	sadd.s32 @!p0 s3, s7;
	s7 =	simm.s32 @!p0 $0x108  }
0x21: {  	s3 =	sadd.s32 s3, s9;
	s6 =	sadd.s32 @!p0 $0x88, s6;
	s7 =	simm.s32 @p2 $0x1082  }
0x22: {  	[simem:s7], [sflag:s8] =	dma.local @!p0 [hbm:s6], $0xF7A  }
0x23: {  	s9 =	sor.u32 $0xD0000000, s2;
	s6 =	simm.s32 $0x108;
	_ =	swait.ge @!p0 [sflag:s8], $0x0  }
0x24: {  	s3 =	sadd.s32 $0x88, s3;
	s6 =	simm.s32 @!p1 $0x1082;
	[sflag:s4] =	ssyncset.s32 $0xFFFFF086  }
0x25: {  	[simem:s6], [sflag:s4] =	dma.local [hbm:s3], $0xF7A  }
0x26: {  	[smem:$0x3F9E] =	sst s1;
	(tag) =	ssettag s2;
	_ =	strace s9  }
0x27: {  	s1 =	sld [smem:$0x3FAE]  }
0x28: {  	s2 =	sld [smem:$0x3FAF]  }
0x29: {  	s4 =	sld [smem:$0x3FB1]  }
0x2a: {  	p0 =	seq.s32 s5, $0x0;
	s5 =	sld [smem:$0x3FB2]  }
0x2b: {  	s6 =	sld [smem:$0x3FB3]  }
0x2c: {  	s7 =	sld [smem:$0x3FB4]  }
0x2d: {  	s3 =	simm.s32 $0x108;
	s8 =	sld [smem:$0x3FB5]  }
0x2e: {  	s3 =	simm.s32 @!p0 $0x1082;
	s9 =	sld [smem:$0x3FB6]  }
0x2f: {  	lr =	sadd.s32 s0, s3;
	s0 =	sld [smem:$0x3FAD]  }
0x30: {  	s3 =	sld [smem:$0x3FB0]  }
0x31: {  	[smem:$0x3FB9] =	sst s10  }
0x32: {  	s10 =	sld [smem:$0x3FB7];
	_ =	sdelay $0x3  }
0x33: {  	p0 =	seq.s32 s10, $0x1;
	s10 =	sld [smem:$0x3FB9];
	_ =	sdelay $0x3  }
0x34: {  	[smem:$0x3FB9] =	sst s10  }
0x35: {  	s10 =	sld [smem:$0x3FB8];
	_ =	sdelay $0x3  }
0x36: {  	p1 =	seq.s32 s10, $0x1;
	s10 =	sld [smem:$0x3FB9];
	_ =	sdelay $0x3  }
0x37: {  	[smem:$0x3FB9] =	sst s10  }
0x38: {  	s10 =	sld [smem:$0x3FBA]  }
0x39: {  	_ = 	snop;
	(pc) =	sbr.ind lr, $3  }
0x3a: {  	_ = 	snop  }
0x3b: {  	_ = 	snop  }
0x3c: {  	p2 =	seq.s32 s10, $0x1;
	s10 =	sld [smem:$0x3FB9]  }
0x3d: {  	_ =	shalt  }
0x3e: {  	_ =	shalt  }
0x3f: {  	_ =	shalt  }
0x40: {  	_ =	shalt  }
0x41: {  	_ =	shalt  }
0x42: {  	_ =	shalt  }
0x43: {  	_ =	shalt  }
0x44: {  	_ =	shalt  }
0x45: {  	_ =	shalt  }
0x46: {  	_ =	shalt  }
0x47: {  	_ =	shalt  }
0x48: {  	_ =	shalt  }
0x49: {  	_ =	shalt  }
0x4a: {  	_ =	shalt  }
0x4b: {  	_ =	shalt  }
0x4c: {  	_ =	shalt  }
0x4d: {  	_ =	shalt  }
0x4e: {  	_ =	shalt  }
0x4f: {  	_ =	shalt  }
0x50: {  	_ =	shalt  }
0x51: {  	_ =	shalt  }
0x52: {  	_ =	shalt  }
0x53: {  	_ =	shalt  }
0x54: {  	_ =	shalt  }
0x55: {  	_ =	shalt  }
0x56: {  	_ =	shalt  }
0x57: {  	_ =	shalt  }
0x58: {  	_ =	shalt  }
0x59: {  	_ =	shalt  }
0x5a: {  	_ =	shalt  }
0x5b: {  	_ =	shalt  }
0x5c: {  	_ =	shalt  }
0x5d: {  	_ =	shalt  }
0x5e: {  	_ =	shalt  }
0x5f: {  	_ =	shalt  }
0x60: {  	_ =	shalt  }
0x61: {  	_ =	shalt  }
0x62: {  	_ =	shalt  }
0x63: {  	_ =	shalt  }
0x64: {  	_ =	shalt  }
0x65: {  	_ =	shalt  }
0x66: {  	_ =	shalt  }
0x67: {  	_ =	shalt  }
0x68: {  	_ =	shalt  }
0x69: {  	_ =	shalt  }
0x6a: {  	_ =	shalt  }
0x6b: {  	_ =	shalt  }
0x6c: {  	_ =	shalt  }
0x6d: {  	_ =	shalt  }
0x6e: {  	_ =	shalt  }
0x6f: {  	_ =	shalt  }
0x70: {  	_ =	shalt  }
0x71: {  	_ =	shalt  }
0x72: {  	_ =	shalt  }
0x73: {  	_ =	shalt  }
0x74: {  	_ =	shalt  }
0x75: {  	_ =	shalt  }
0x76: {  	_ =	shalt  }
0x77: {  	_ =	shalt  }
0x78: {  	_ =	shalt  }
0x79: {  	_ =	shalt  }
0x7a: {  	_ =	shalt  }
0x7b: {  	_ =	shalt  }
0x7c: {  	_ =	shalt  }
0x7d: {  	_ =	shalt  }
0x7e: {  	_ =	shalt  }
0x7f: {  	_ =	shalt  }
0x80: {  	_ =	shalt  }
0x81: {  	_ =	shalt  }
0x82: {  	_ =	shalt  }
0x83: {  	_ =	shalt  }
0x84: {  	_ =	shalt  }
0x85: {  	_ =	shalt  }
0x86: {  	_ =	shalt  }
0x87: {  	_ =	shalt  }
.Lfunc_end0:
.L_simem_size_0:
called_computation.1_lowered:
.L_overlay_start_0:
0x88: {  	s2 =	sld [smem:$0x3FD9]  }
0x89: {  	s3 =	sld [smem:$0x3FFE];
	_ =	sdelay $0x1  }
0x8a: {  	s1 =	srdreg.scid  }
0x8b: {  	s0 =	sand.u32 $0x1, s1  }
0x8c: {  	s17 =	sshll.u32 s0, $0xA;
	s2 =	sadd.s32 s3, s2  }
0x8d: {  	s2 =	sadd.s32 s2, s17  }
0x8e: {  	[smem:$0x3FC5] =	sst s2  }
0x8f: {  	_ = 	snop  }
0x90: {  	s2 =	sld [smem:$0x3FD0];
	(tm) =	ssettm $0x1  }
0x91: {  	s18 =	sld [smem:$0x3FFB];
	_ =	sdelay $0x3  }
0x92: {  	_ =	strace s18  }
0x93: {  	s3 =	sld [smem:$0x3FFC];
	_ =	sdelay $0x3  }
0x94: {  	_ =	strace s3  }
0x95: {  	s3 =	sld [smem:$0x3FFD];
	_ =	sdelay $0x3  }
0x96: {  	_ =	strace s3  }
0x97: {  	_ =	strace $0x8FFFFFFF  }
0x98: {  	s19 =	sld [smem:$0x3FDB];
	_ =	sdelay $0x1  }
0x99: {  	s4 =	simm.s32 $_scs_section_size  }
0x9a: {  	s5 =	simm.s32 $_size__tile_overlayer_lowered;
	s6 =	simm.s32 $_tile_overlayer_lowered  }
0x9b: {  	s22 =	simm.s32 $0x1BFF;
	s21 =	sshll.u32 s6, $0x1;
	s3 =	sadd.s32 s4, s19  }
0x9c: {  	s7 =	simm.s32 $0x0;
	s20 =	sshll.u32 s5, $0x1;
	s5 =	sadd.s32 s21, s3  }
0x9d: {  	[timem:s7], [sflag:s22] =	dma.local [hbm:s5], s20  }
0x9e: {  	_ =	swait.ge [sflag:s22], s20  }
0x9f: {  	s4 =	ssub.s32 $0x0, s20;
	[sflag:s22] =	ssyncset.done $0x0  }
0xa0: {  	[sflag:s22] =	ssyncadd.s32 s4;
	_ =	sdelay $0x1  }
0xa1: {  	s23 =	simm.s32 $0x1B8B  }
0xa2: {  	_ =	swait.ge [sflag:s23], $0x1  }
0xa3: {  	[sflag:s23] =	ssyncset.done $0x0  }
0xa4: {  	s25 =	simm.s32 $0x1B8E;
	s24 =	sld [smem:$0x3FFE];
	[sflag:s23] =	ssyncadd.s32 $0xFFFFFFFF  }
0xa5: {  	s26 =	simm.s32 $execute0_lowered;
	[smem:$0x3FD2] =	sst s25  }
0xa6: {  	s5 =	sshll.u32 s26, $0x1;
	_ =	strace $0x80000046;
	[dreg:$0x1] =	wrdreg $0xFFFFFFFF  }
0xa7: {  	s28 =	simm.s32 $_size_execute0_lowered;
	s3 =	sadd.s32 s3, s5;
	[dreg:$0x0] =	wrdreg $0x0  }
0xa8: {  	s5 =	sshll.u32 s28, $0x1;
	[dreg:$0x2] =	wrdreg s3  }
0xa9: {  	[dreg:$0x3] =	wrdreg s5  }
0xaa: {  	[dreg:$0x4] =	wrdreg $0xC0  }
0xab: {  	_ =	task [dreg:s7], $0x5FFFF  }
0xac: {  	[dreg:$0x1] =	wrdreg $0xFFFFFFFF  }
0xad: {  	[dreg:$0x0] =	wrdreg $0x60  }
0xae: {  	[dreg:$0x2] =	wrdreg s24  }
0xaf: {  	[dreg:$0x3] =	wrdreg s2  }
0xb0: {  	[dreg:$0x4] =	wrdreg $0xA0000  }
0xb1: {  	[dreg:$0x5] =	wrdreg $0x9  }
0xb2: {  	_ =	task.clear_ibuf [dreg:s7], $0x6FFFF;
	_ =	strace $0x90000046  }
0xb3: {  	s29 =	simm.s32 $0x9;
	_ =	strace $0x80000048  }
0xb4: {  	_ =	swait.ge [sflag:s29], $0x1  }
0xb5: {  	[sflag:s29] =	ssyncadd.s32 $0xFFFFFFFF  }
0xb6: {  	_ =	strace $0x90000048  }
0xb7: {  	_ =	sfence  }
0xb8: {  	s30 =	sld [smem:$0x0];
	_ =	sdelay $0x2  }
0xb9: {  	s31 =	sshll.u32 s1, $0xD;
	s1 =	sshrl.u32 s1, $0x2  }
0xba: {  	s3 =	sand.u32 $0x4000, s31;
	s1 =	sadd.s32 s1, s30  }
0xbb: {  	s0 =	sor.u32 s3, s0;
	s1 =	sshll.u32 s1, $0x11  }
0xbc: {  	s0 =	sor.u32 s1, s0  }
0xbd: {  	s0 =	sadd.s32 $0x8F2B, s0  }
0xbe: {  	[sflag:s0] =	ssyncadd.remote.s32 $0x1  }
0xbf: {  	_ =	sfence.sel $0xFFFF  }
0xc0: {  	[dreg:$0x0] =	wrdreg $0xFFFFFFFF;
	(pc) =	sbr.abs _section_cstart, $3  }
0xc1: {  	[dreg:$0x1] =	wrdreg $0xFFFFFFFF  }
0xc2: {  	_ =	task.clear_ibuf [dreg:s7], $0x2FFFF;
	_ =	strace $0x9FFFFFFF  }
0xc3: {  	(tm) =	ssettm $0x7FFFFFFF  }
tec
execute0_lowered:
.L_overlay_start_1:
0x0: {  	(tag) =	ssettag $0x1  }
0x1: {  	s0 =	rddreg [dreg:$0x0]  }
0x2: {  	s3 =	rddreg [dreg:$0x1]  }
0x3: {  	s1 =	rddreg [dreg:$0x2]  }
0x4: {  	s2 =	simm.s32 $0x0;
	s4 =	srdreg.scid;
	s5 =	stileid.u32  }
0x5: {  	[smem:$0x7FF] =	sst s2;
	s4 =	sand.u32 $0x1, s4;
	s6 =	sshll.u32 s5, $0x4  }
0x6: {  	s8 =	smul.u32 $0x15040, s5;
	s12 =	sshll.u32 s5, $0x6;
	s7 =	sshll.u32 s4, $0x3  }
0x7: {  	_ =	strace $0x80000047;
	s4 =	ssub.s32 $0x2, s4;
	s6 =	sor.u32 s7, s6  }
0x8: {  	s9 =	sshrl.u32 s8, $0x3;
	s10 =	sshrl.u32 s4, $0x1;
	s8 =	sadd.s32 s8, s1  }
0x9: {  	s9 =	sadd.s32 s9, s0;
	s4 =	ssub.s32 s4, s10;
	s10 =	sshrl.u32 s8, $0x3  }
0xa: {  	s7 =	sshll.u32 s6, $0x7;
	s9 =	sadd.s32 $0x8A00, s9;
	[dreg:$0x18] =	wrdreg s10  }
0xb: {  	s7 =	sadd.s32 s7, s0;
	s0 =	sadd.s32 $0x32A80, s0;
	[dreg:$0x4] =	wrdreg s9  }
0xc: {  	s9 =	sor.u32 $0x1C01, s12;
	[dreg:$0x6] =	wrdreg s0  }
0xd: {  	s6 =	sshll.u32 s6, $0xD;
	s13 =	sadd.s32 $0xA00, s7;
	[dreg:$0x5] =	wrdreg s9  }
0xe: {  	s7 =	sadd.s32 s3, s6;
	s6 =	smax.u32 s4, $0x1;
	[dreg:$0x7] =	wrdreg s13  }
0xf: {  	s14 =	sadd.s32 $0x400, s7;
	[dreg:$0x17] =	wrdreg s6  }
0x10: {  	s15 =	sadd.s32 $0x800, s7;
	[dreg:$0x8] =	wrdreg s14  }
0x11: {  	s16 =	sadd.s32 $0xC00, s7;
	[dreg:$0x9] =	wrdreg s15  }
0x12: {  	s17 =	sadd.s32 $0x1000, s7;
	[dreg:$0xa] =	wrdreg s16  }
0x13: {  	s18 =	sadd.s32 $0x1400, s7;
	[dreg:$0xb] =	wrdreg s17  }
0x14: {  	s19 =	sadd.s32 $0x1800, s7;
	[dreg:$0xc] =	wrdreg s18  }
0x15: {  	s20 =	sadd.s32 $0x1C00, s7;
	[dreg:$0xd] =	wrdreg s19  }
0x16: {  	s21 =	sadd.s32 $0x2000, s7;
	[dreg:$0xe] =	wrdreg s20  }
0x17: {  	s22 =	sadd.s32 $0x2400, s7;
	[dreg:$0xf] =	wrdreg s21  }
0x18: {  	s23 =	sadd.s32 $0x2800, s7;
	[dreg:$0x10] =	wrdreg s22  }
0x19: {  	s24 =	sadd.s32 $0x2C00, s7;
	[dreg:$0x11] =	wrdreg s23  }
0x1a: {  	s25 =	sadd.s32 $0x3000, s7;
	[dreg:$0x12] =	wrdreg s24  }
0x1b: {  	s26 =	sadd.s32 $0x3400, s7;
	[dreg:$0x13] =	wrdreg s25  }
0x1c: {  	s3 =	sadd.s32 $0x3800, s7;
	[dreg:$0x14] =	wrdreg s26  }
0x1d: {  	p0 =	sne.s32 s5, $0x0;
	s5 =	sadd.s32 $0x3C00, s7;
	[dreg:$0x15] =	wrdreg s3  }
0x1e: {  	s11 =	sadd.s32 $0x4000, s7;
	[dreg:$0x16] =	wrdreg s5  }
0x1f: {  	s12 =	sadd.s32 $0x4400, s7;
	[dreg:$0x1a] =	wrdreg s11  }
0x20: {  	s13 =	sadd.s32 $0x4800, s7;
	[dreg:$0x1b] =	wrdreg s12  }
0x21: {  	s4 =	sadd.s32 $0x8400, s7;
	[dreg:$0x1c] =	wrdreg s13  }
0x22: {  	s6 =	sadd.s32 $0x8C00, s7;
	[smem:$0x7E8] =	sst s4  }
0x23: {  	s8 =	sadd.s32 $0x9000, s7;
	[smem:$0x7EA] =	sst s6  }
0x24: {  	s9 =	sadd.s32 $0x150400, s1;
	s10 =	sadd.s32 $0x9800, s7;
	[smem:$0x7EB] =	sst s8  }
0x25: {  	s0 =	sshrl.u32 @!p0 s9, $0x3;
	[smem:$0x7ED] =	sst s10  }
0x26: {  	s14 =	sadd.s32 $0x4C00, s7;
	[dreg:$0x19] =	wrdreg s0  }
0x27: {  	s15 =	sadd.s32 $0x5000, s7;
	[dreg:$0x1d] =	wrdreg s14  }
0x28: {  	s16 =	sadd.s32 $0x5400, s7;
	[dreg:$0x1e] =	wrdreg s15  }
0x29: {  	s17 =	sadd.s32 $0x5800, s7;
	[dreg:$0x1f] =	wrdreg s16  }
0x2a: {  	s18 =	sadd.s32 $0x5C00, s7;
	[smem:$0x7DD] =	sst s17  }
0x2b: {  	s19 =	sadd.s32 $0x6000, s7;
	[smem:$0x7DE] =	sst s18  }
0x2c: {  	s20 =	sadd.s32 $0x6400, s7;
	[smem:$0x7DF] =	sst s19  }
0x2d: {  	s21 =	sadd.s32 $0x6800, s7;
	[smem:$0x7E0] =	sst s20  }
0x2e: {  	s22 =	sadd.s32 $0x6C00, s7;
	[smem:$0x7E1] =	sst s21  }
0x2f: {  	s23 =	sadd.s32 $0x7000, s7;
	[smem:$0x7E2] =	sst s22  }
0x30: {  	s24 =	sadd.s32 $0x7400, s7;
	[smem:$0x7E3] =	sst s23  }
0x31: {  	s25 =	sadd.s32 $0x7800, s7;
	[smem:$0x7E4] =	sst s24  }
0x32: {  	s26 =	sadd.s32 $0x7C00, s7;
	[smem:$0x7E5] =	sst s25  }
0x33: {  	s3 =	sadd.s32 $0x8000, s7;
	[smem:$0x7E6] =	sst s26  }
0x34: {  	s5 =	sadd.s32 $0x8800, s7;
	[smem:$0x7E7] =	sst s3  }
0x35: {  	s9 =	sadd.s32 $0x9400, s7;
	[smem:$0x7E9] =	sst s5  }
0x36: {  	s11 =	sadd.s32 $0x9C00, s7;
	[smem:$0x7EC] =	sst s9  }
0x37: {  	s12 =	sadd.s32 $0xA000, s7;
	[smem:$0x7EE] =	sst s11  }
0x38: {  	s13 =	sadd.s32 $0xA400, s7;
	[smem:$0x7EF] =	sst s12  }
0x39: {  	[smem:$0x7F0] =	sst s13;
	s14 =	sadd.s32 $0xA800, s7  }
0x3a: {  	s15 =	sadd.s32 $0xAC00, s7;
	[smem:$0x7F1] =	sst s14  }
0x3b: {  	s16 =	sadd.s32 $0xB000, s7;
	[smem:$0x7F2] =	sst s15  }
0x3c: {  	s17 =	sadd.s32 $0xB400, s7;
	[smem:$0x7F3] =	sst s16  }
0x3d: {  	s18 =	sadd.s32 $0xB800, s7;
	[smem:$0x7F4] =	sst s17  }
0x3e: {  	s28 =	simm.s32 $0x4;
	s19 =	sadd.s32 $0xBC00, s7;
	[smem:$0x7F5] =	sst s18  }
0x3f: {  	s29 =	simm.s32 $0x6;
	s20 =	sadd.s32 $0xC000, s7;
	[smem:$0x7F6] =	sst s19  }
0x40: {  	s30 =	simm.s32 $0x7;
	s21 =	sadd.s32 $0xC400, s7;
	[smem:$0x7F7] =	sst s20  }
0x41: {  	s31 =	simm.s32 $0x0;
	s22 =	sadd.s32 $0xC800, s7;
	[smem:$0x7F8] =	sst s21  }
0x42: {  	s10 =	sadd.s32 $0xE000, s7;
	s23 =	sadd.s32 $0xCC00, s7;
	[smem:$0x7F9] =	sst s22  }
0x43: {  	s24 =	sadd.s32 $0xD000, s7;
	s25 =	sadd.s32 $0xD400, s7;
	[smem:$0x7FA] =	sst s23  }
0x44: {  	s26 =	sadd.s32 $0xD800, s7;
	s9 =	sadd.s32 $0xDC00, s7;
	[smem:$0x7FB] =	sst s24  }
0x45: {  	s11 =	sadd.s32 $0xE400, s7;
	s12 =	sadd.s32 $0xE800, s7;
	[smem:$0x7FC] =	sst s25  }
0x46: {  	s13 =	sadd.s32 $0xEC00, s7;
	[smem:$0x7FD] =	sst s26;
	s14 =	sadd.s32 $0xF000, s7  }
0x47: {  	s15 =	sadd.s32 $0xF400, s7;
	s16 =	sadd.s32 $0xF800, s7;
	s17 =	sadd.s32 $0xFC00, s7  }
0x48: {  	s18 =	simm.s32 $0x8;
	s19 =	simm.s32 $0x1;
	s20 =	simm.s32 $0x80  }
0x49: {  	s21 =	simm.s32 $0x4000;
	s22 =	simm.s32 $0x6000;
	s23 =	simm.s32 $0x2  }
0x4a: {  	s24 =	simm.s32 $0x8000;
	s25 =	simm.s32 $0x3;
	s26 =	simm.s32 $0x5  }
.LBB2_1:
0x4b: {  	s0 =	rddreg [dreg:$0x4]  }
0x4c: {  	s3 =	rddreg [dreg:$0x5]  }
0x4d: {  	s4 =	rddreg [dreg:$0x18]  }
0x4e: {  	[spmem:s4], [sflag:s3] =	dma.local [hbm:s0], $0x2A08  }
0x4f: {  	s3 =	rddreg [dreg:$0x6]  }
0x50: {  	s0 =	simm.s32 @!p0 $0x1C08;
	s4 =	rddreg [dreg:$0x19]  }
0x51: {  	[spmem:s4], [sflag:s0] =	dma.local @!p0 [hbm:s3], $0x28  }
0x52: {  	s0 =	simm.s32 @!p0 $0x8  }
0x53: {  	_ =	swait.ge @!p0 [sflag:s0], $0x28  }
0x54: {  	[sflag:s0] =	ssyncset.done @!p0 $0x0  }
0x55: {  	s3 =	rddreg [dreg:$0x7];
	[sflag:s0] =	ssyncadd.s32 @!p0 $0xFFFFFFD8  }
0x56: {  	[tilespmem:s2], [sflag:$0x8] =	stream.linear.gather [hbm4b:s3+s2], $0x2000, $0x38;
	[tilespmem:$0x1F058] =	vst v63  }
0x57: {  	_ =	swait.ge [sflag:s18], $0x2000  }
0x58: {  	[sflag:s18] =	ssyncset.done $0x0  }
0x59: {  	s4 =	simm.s32 $0x0;
	[sflag:s18] =	ssyncadd.s32 $0xFFFFE000  }
0x5a: {  	v0 =	vld [tilespmem:s4+$0x0];
	_ =	sdelay $0x4  }
0x5b: {  	vm0 =	vlt.s32 v0, $0x1  }
0x5c: {  	v1 =	vnsel vm0, $0x1, v0  }
0x5d: {  	(xrf0) =	vadd.scan.msk.s32 $0xffff, v1;
	_ =	sdelay $0x5  }
0x5e: {  	v2, _, _ =	vpop (xrf0)  }
0x5f: {  	v3 =	vadd.s32 s2, v2;
	(v2sf) =	vpush v2, $0xF  }
0x60: {  	s5 =	sand.u32 $0xE00, s2;
	v0 =	vmul.u32 $0x401, v0;
	v1 =	vmul.u32 v1, v3  }
0x61: {  	s6 =	sand.u32 $0x70, s2;
	s8 =	sshrl.u32 s5, $0x2  }
0x62: {  	s5 =	simm.s32 $0x20;
	s0 =	simm.s32 $0x10;
	s4 =	sor.u32 s6, s8;
	v0 =	vadd.s32 v0, v1  }
0x63: {  	s3 =	simm.s32 $0x40;
	s6 =	simm.s32 $0x10;
	[tilespmem:s4+$0x2000] =	vst v0;
	s4 =	simm.s32 $0x0  }
.LBB2_2:
0x64: {  	p1 =	sne.s32 s5, $0x3F0;
	v0 =	vld [tilespmem:s6+$0x0];
	_ =	sdelay $0x4  }
0x65: {  	vm0 =	vlt.s32 v0, $0x1;
	v1 =	vmul.u32 $0x401, v0  }
0x66: {  	v0 =	vnsel vm0, $0x1, v0  }
0x67: {  	(xrf0) =	vadd.scan.msk.s32 $0xffff, v0;
	_ =	sdelay $0x2  }
0x68: {  	s6 =	spop (v2sf)  }
0x69: {  	s4 =	sadd.s32 s4, s6;
	_ =	sdelay $0x1  }
0x6a: {  	v2, _, _ =	vpop (xrf0)  }
.Ltmp0:
0x6b: {  	v3 =	vadd.s32 s4, v2;
	(v2sf) =	vpush v2, $0xF;
	(pc) =	sbr.rel @p1 .LBB2_2-.Ltmp0, $4  }
0x6c: {  	s6 =	sand.u32 $0xE00, s3;
	v0 =	vmul.u32 v0, v3  }
0x6d: {  	s8 =	sand.u32 $0x70, s0;
	s0 =	smov.u32 s5;
	s6 =	sshrl.u32 s6, $0x2  }
0x6e: {  	s3 =	sadd.s32 $0x40, s3;
	s8 =	sor.u32 s8, s6;
	v0 =	vadd.s32 v1, v0  }
0x6f: {  	s5 =	sadd.s32 $0x10, s5;
	s6 =	sshra.s32 s3, $0x2;
	[tilespmem:s8+$0x2000] =	vst v0  }
0x70: {  	v0 =	vld [tilespmem:s6+$0x0];
	_ =	sdelay $0x4  }
0x71: {  	vm0 =	vlt.s32 v0, $0x1  }
0x72: {  	v1 =	vnsel vm0, $0x1, v0  }
0x73: {  	(xrf0) =	vadd.scan.msk.s32 $0xffff, v1;
	_ =	sdelay $0x5  }
0x74: {  	v2, _, _ =	vpop (xrf0)  }
0x75: {  	(v2sf) =	vpush v2, $0xF;
	_ =	sdelay $0x8  }
0x76: {  	s5 =	spop (v2sf)  }
0x77: {  	s4 =	sadd.s32 s4, s5  }
0x78: {  	v2 =	vadd.s32 s4, v2  }
0x79: {  	s3 =	sand.u32 $0xE00, s3;
	v0 =	vmul.u32 $0x401, v0;
	v1 =	vmul.u32 v1, v2  }
0x7a: {  	s0 =	sand.u32 $0x70, s0;
	s3 =	sshrl.u32 s3, $0x2  }
0x7b: {  	s0 =	sor.u32 s0, s3;
	v0 =	vadd.s32 v0, v1  }
0x7c: {  	[tilespmem:s0+$0x2000] =	vst v0;
	s3 =	spop (v2sf)  }
0x7d: {  	_ =	swait.ge [sflag:s19], $0x2A08  }
0x7e: {  	[sflag:s19] =	ssyncset.done $0x0  }
0x7f: {  	[sflag:s19] =	ssyncadd.s32 $0xFFFFD5F8  }
0x80: {  	s0 =	simm.s32 $0x2000;
	[bflag:$0x0] =	sbarrier.arrive $0xFFFF  }
0x81: {  	[tilespmem:s21], [sflag:$0x2] =	stream.indirect.gather [spmem:s1], $0x40, s0, s20, $0xb8;
	[tilespmem:$0x1F058] =	vst v63  }
0x82: {  	s4 =	simm.s32 $0x2080  }
0x83: {  	[tilespmem:s22], [sflag:$0x3] =	stream.indirect.gather [spmem:s1], $0x40, s4, s20, $0xb8;
	[tilespmem:$0x1F058] =	vst v63  }
0x84: {  	_ =	swait.ge [sflag:s23], $0x2000  }
0x85: {  	[sflag:s23] =	ssyncset.done $0x0  }
0x86: {  	s0 =	simm.s32 $0x0;
	[sflag:s23] =	ssyncadd.s32 $0xFFFFE000  }
0x87: {  	[hbm4b:s7+s0] =	stream.linear.scatter [tilespmem:s21], [sflag:$0x5], $0x2000, $0x38;
	[tilespmem:$0x1F058] =	vst v63  }
0x88: {  	s5 =	simm.s32 $0x2100  }
0x89: {  	[tilespmem:s24], [sflag:$0x4] =	stream.indirect.gather [spmem:s1], $0x40, s5, s20, $0xb8;
	[tilespmem:$0x1F058] =	vst v63  }
0x8a: {  	_ =	swait.ge [sflag:s25], $0x2000  }
0x8b: {  	[sflag:s25] =	ssyncset.done $0x0  }
0x8c: {  	s6 =	rddreg [dreg:$0x8];
	[sflag:s25] =	ssyncadd.s32 $0xFFFFE000  }
0x8d: {  	[hbm4b:s6+s0] =	stream.linear.scatter [tilespmem:s22], [sflag:$0x6], $0x2000, $0x38;
	[tilespmem:$0x1F058] =	vst v63  }
0x8e: {  	_ =	swait.ge [sflag:s26], $0x2000  }
0x8f: {  	[sflag:s26] =	ssyncset.done $0x0  }
0x90: {  	s8 =	simm.s32 $0x2180;
	[sflag:s26] =	ssyncadd.s32 $0xFFFFE000  }
0x91: {  	[tilespmem:s21], [sflag:$0x2] =	stream.indirect.gather [spmem:s1], $0x40, s8, s20, $0xb8;
	[tilespmem:$0x1F058] =	vst v63  }
0x92: {  	_ =	swait.ge [sflag:s28], $0x2000  }
0x93: {  	[sflag:s28] =	ssyncset.done $0x0  }
0x94: {  	s4 =	rddreg [dreg:$0x9];
	[sflag:s28] =	ssyncadd.s32 $0xFFFFE000  }
0x95: {  	[hbm4b:s4+s0] =	stream.linear.scatter [tilespmem:s24], [sflag:$0x7], $0x2000, $0x38;
	[tilespmem:$0x1F058] =	vst v63  }
0x96: {  	_ =	swait.ge [sflag:s29], $0x2000  }
0x97: {  	[sflag:s29] =	ssyncset.done $0x0  }
0x98: {  	s5 =	simm.s32 $0x2200;
	[sflag:s29] =	ssyncadd.s32 $0xFFFFE000  }
0x99: {  	[tilespmem:s22], [sflag:$0x3] =	stream.indirect.gather [spmem:s1], $0x40, s5, s20, $0xb8;
	[tilespmem:$0x1F058] =	vst v63  }
0x9a: {  	_ =	swait.ge [sflag:s23], $0x2000  }
0x9b: {  	[sflag:s23] =	ssyncset.done $0x0  }
0x9c: {  	s6 =	rddreg [dreg:$0xa];
	[sflag:s23] =	ssyncadd.s32 $0xFFFFE000  }
0x9d: {  	[hbm4b:s6+s0] =	stream.linear.scatter [tilespmem:s21], [sflag:$0x5], $0x2000, $0x38;
	[tilespmem:$0x1F058] =	vst v63  }
0x9e: {  	_ =	swait.ge [sflag:s30], $0x2000  }
0x9f: {  	[sflag:s30] =	ssyncset.done $0x0  }
0xa0: {  	s8 =	simm.s32 $0x2280;
	[sflag:s30] =	ssyncadd.s32 $0xFFFFE000  }
0xa1: {  	[tilespmem:s24], [sflag:$0x4] =	stream.indirect.gather [spmem:s1], $0x40, s8, s20, $0xb8;
	[tilespmem:$0x1F058] =	vst v63  }
0xa2: {  	_ =	swait.ge [sflag:s25], $0x2000  }
0xa3: {  	[sflag:s25] =	ssyncset.done $0x0  }
0xa4: {  	s4 =	rddreg [dreg:$0xb];
	[sflag:s25] =	ssyncadd.s32 $0xFFFFE000  }
0xa5: {  	[hbm4b:s4+s0] =	stream.linear.scatter [tilespmem:s22], [sflag:$0x6], $0x2000, $0x38;
	[tilespmem:$0x1F058] =	vst v63  }
0xa6: {  	_ =	swait.ge [sflag:s26], $0x2000  }
0xa7: {  	[sflag:s26] =	ssyncset.done $0x0  }
0xa8: {  	s5 =	simm.s32 $0x2300;
	[sflag:s26] =	ssyncadd.s32 $0xFFFFE000  }
0xa9: {  	[tilespmem:s21], [sflag:$0x2] =	stream.indirect.gather [spmem:s1], $0x40, s5, s20, $0xb8;
	[tilespmem:$0x1F058] =	vst v63  }
0xaa: {  	_ =	swait.ge [sflag:s28], $0x2000  }
0xab: {  	[sflag:s28] =	ssyncset.done $0x0  }
0xac: {  	s6 =	rddreg [dreg:$0xc];
	[sflag:s28] =	ssyncadd.s32 $0xFFFFE000  }
0xad: {  	[hbm4b:s6+s0] =	stream.linear.scatter [tilespmem:s24], [sflag:$0x7], $0x2000, $0x38;
	[tilespmem:$0x1F058] =	vst v63  }
0xae: {  	_ =	swait.ge [sflag:s29], $0x2000  }
0xaf: {  	[sflag:s29] =	ssyncset.done $0x0  }
0xb0: {  	s8 =	simm.s32 $0x2380;
	s4 =	simm.s32 $0x0;
	[sflag:s29] =	ssyncadd.s32 $0xFFFFE000  }
0xb1: {  	[tilespmem:s22], [sflag:$0x3] =	stream.indirect.gather [spmem:s1], $0x40, s8, s20, $0xb8;
	[tilespmem:$0x1F058] =	vst v63  }
0xb2: {  	v61 =	vld [tilespmem:s4+$0x400];
	_ =	sdelay $0x4  }
0xb3: {  	vm15 =	vlt.s32 v61, $0x1  }
0xb4: {  	v62 =	vnsel vm15, $0x1, v61  }
0xb5: {  	(xrf0) =	vadd.scan.msk.s32 $0xffff, v62;
	_ =	sdelay $0x5  }
0xb6: {  	v63, _, _ =	vpop (xrf0)  }
0xb7: {  	v3 =	vadd.s32 s0, v63;
	(v2sf) =	vpush v63, $0xF  }
0xb8: {  	s5 =	sand.u32 $0xE00, s0;
	v0 =	vmul.u32 $0x401, v61;
	v1 =	vmul.u32 v62, v3  }
0xb9: {  	s6 =	sand.u32 $0x70, s0;
	s8 =	sshrl.u32 s5, $0x2  }
0xba: {  	s3 =	simm.s32 $0x10;
	s5 =	sor.u32 s6, s8;
	v0 =	vadd.s32 v0, v1  }
0xbb: {  	s4 =	simm.s32 $0x40;
	s6 =	simm.s32 $0x10;
	[tilespmem:s5+$0x2400] =	vst v0;
	s5 =	simm.s32 $0x20  }
.LBB2_4:
0xbc: {  	p1 =	sne.s32 s5, $0x3F0;
	v0 =	vld [tilespmem:s6+$0x400];
	_ =	sdelay $0x4  }
0xbd: {  	vm0 =	vlt.s32 v0, $0x1;
	v1 =	vmul.u32 $0x401, v0  }
0xbe: {  	v0 =	vnsel vm0, $0x1, v0  }
0xbf: {  	(xrf0) =	vadd.scan.msk.s32 $0xffff, v0;
	_ =	sdelay $0x2  }
0xc0: {  	s6 =	spop (v2sf)  }
0xc1: {  	s0 =	sadd.s32 s0, s6;
	_ =	sdelay $0x1  }
0xc2: {  	v2, _, _ =	vpop (xrf0)  }
.Ltmp1:
0xc3: {  	v3 =	vadd.s32 s0, v2;
	(v2sf) =	vpush v2, $0xF;
	(pc) =	sbr.rel @p1 .LBB2_4-.Ltmp1, $4  }
0xc4: {  	s6 =	sand.u32 $0xE00, s4;
	v0 =	vmul.u32 v0, v3  }
0xc5: {  	s8 =	sand.u32 $0x70, s3;
	s3 =	smov.u32 s5;
	s6 =	sshrl.u32 s6, $0x2  }
0xc6: {  	s4 =	sadd.s32 $0x40, s4;
	s8 =	sor.u32 s8, s6;
	v0 =	vadd.s32 v1, v0  }
0xc7: {  	s5 =	sadd.s32 $0x10, s5;
	s6 =	sshra.s32 s4, $0x2;
	[tilespmem:s8+$0x2400] =	vst v0  }
0xc8: {  	v0 =	vld [tilespmem:s6+$0x400];
	_ =	sdelay $0x4  }
0xc9: {  	vm0 =	vlt.s32 v0, $0x1  }
0xca: {  	v1 =	vnsel vm0, $0x1, v0  }
0xcb: {  	(xrf0) =	vadd.scan.msk.s32 $0xffff, v1;
	_ =	sdelay $0x5  }
0xcc: {  	v2, _, _ =	vpop (xrf0)  }
0xcd: {  	(v2sf) =	vpush v2, $0xF;
	_ =	sdelay $0x8  }
0xce: {  	s5 =	spop (v2sf)  }
0xcf: {  	s0 =	sadd.s32 s0, s5  }
0xd0: {  	v2 =	vadd.s32 s0, v2  }
0xd1: {  	s8 =	sand.u32 $0xE00, s4;
	v0 =	vmul.u32 $0x401, v0;
	v1 =	vmul.u32 v1, v2  }
0xd2: {  	s3 =	sand.u32 $0x70, s3;
	s0 =	sshrl.u32 s8, $0x2  }
0xd3: {  	s0 =	sor.u32 s3, s0;
	v0 =	vadd.s32 v0, v1  }
0xd4: {  	[tilespmem:s0+$0x2400] =	vst v0;
	s3 =	spop (v2sf)  }
0xd5: {  	_ =	swait.ge [sflag:s23], $0x2000  }
0xd6: {  	[sflag:s23] =	ssyncset.done $0x0  }
0xd7: {  	s0 =	simm.s32 $0x0;
	s4 =	rddreg [dreg:$0xd];
	[sflag:s23] =	ssyncadd.s32 $0xFFFFE000  }
0xd8: {  	[hbm4b:s4+s0] =	stream.linear.scatter [tilespmem:s21], [sflag:$0x5], $0x2000, $0x38;
	[tilespmem:$0x1F058] =	vst v63  }
0xd9: {  	_ =	swait.ge [sflag:s30], $0x2000  }
0xda: {  	[sflag:s30] =	ssyncset.done $0x0  }
0xdb: {  	s5 =	simm.s32 $0x2400;
	[sflag:s30] =	ssyncadd.s32 $0xFFFFE000  }
0xdc: {  	[tilespmem:s24], [sflag:$0x4] =	stream.indirect.gather [spmem:s1], $0x40, s5, s20, $0xb8;
	[tilespmem:$0x1F058] =	vst v63  }
0xdd: {  	_ =	swait.ge [sflag:s25], $0x2000  }
0xde: {  	[sflag:s25] =	ssyncset.done $0x0  }
0xdf: {  	s6 =	rddreg [dreg:$0xe];
	[sflag:s25] =	ssyncadd.s32 $0xFFFFE000  }
0xe0: {  	[hbm4b:s6+s0] =	stream.linear.scatter [tilespmem:s22], [sflag:$0x6], $0x2000, $0x38;
	[tilespmem:$0x1F058] =	vst v63  }
0xe1: {  	_ =	swait.ge [sflag:s26], $0x2000  }
0xe2: {  	[sflag:s26] =	ssyncset.done $0x0  }
0xe3: {  	s8 =	simm.s32 $0x2480;
	[sflag:s26] =	ssyncadd.s32 $0xFFFFE000  }
0xe4: {  	[tilespmem:s21], [sflag:$0x2] =	stream.indirect.gather [spmem:s1], $0x40, s8, s20, $0xb8;
	[tilespmem:$0x1F058] =	vst v63  }
0xe5: {  	_ =	swait.ge [sflag:s28], $0x2000  }
0xe6: {  	[sflag:s28] =	ssyncset.done $0x0  }
0xe7: {  	s4 =	rddreg [dreg:$0xf];
	[sflag:s28] =	ssyncadd.s32 $0xFFFFE000  }
0xe8: {  	[hbm4b:s4+s0] =	stream.linear.scatter [tilespmem:s24], [sflag:$0x7], $0x2000, $0x38;
	[tilespmem:$0x1F058] =	vst v63  }
0xe9: {  	_ =	swait.ge [sflag:s29], $0x2000  }
0xea: {  	[sflag:s29] =	ssyncset.done $0x0  }
0xeb: {  	s5 =	simm.s32 $0x2500;
	[sflag:s29] =	ssyncadd.s32 $0xFFFFE000  }
0xec: {  	[tilespmem:s22], [sflag:$0x3] =	stream.indirect.gather [spmem:s1], $0x40, s5, s20, $0xb8;
	[tilespmem:$0x1F058] =	vst v63  }
0xed: {  	_ =	swait.ge [sflag:s23], $0x2000  }
0xee: {  	[sflag:s23] =	ssyncset.done $0x0  }
0xef: {  	s6 =	rddreg [dreg:$0x10];
	[sflag:s23] =	ssyncadd.s32 $0xFFFFE000  }
0xf0: {  	[hbm4b:s6+s0] =	stream.linear.scatter [tilespmem:s21], [sflag:$0x5], $0x2000, $0x38;
	[tilespmem:$0x1F058] =	vst v63  }
0xf1: {  	_ =	swait.ge [sflag:s30], $0x2000  }
0xf2: {  	[sflag:s30] =	ssyncset.done $0x0  }
0xf3: {  	s8 =	simm.s32 $0x2580;
	[sflag:s30] =	ssyncadd.s32 $0xFFFFE000  }
0xf4: {  	[tilespmem:s24], [sflag:$0x4] =	stream.indirect.gather [spmem:s1], $0x40, s8, s20, $0xb8;
	[tilespmem:$0x1F058] =	vst v63  }
0xf5: {  	_ =	swait.ge [sflag:s25], $0x2000  }
0xf6: {  	[sflag:s25] =	ssyncset.done $0x0  }
0xf7: {  	s4 =	rddreg [dreg:$0x11];
	[sflag:s25] =	ssyncadd.s32 $0xFFFFE000  }
0xf8: {  	[hbm4b:s4+s0] =	stream.linear.scatter [tilespmem:s22], [sflag:$0x6], $0x2000, $0x38;
	[tilespmem:$0x1F058] =	vst v63  }
0xf9: {  	_ =	swait.ge [sflag:s26], $0x2000  }
0xfa: {  	[sflag:s26] =	ssyncset.done $0x0  }
0xfb: {  	s5 =	simm.s32 $0x2600;
	[sflag:s26] =	ssyncadd.s32 $0xFFFFE000  }
0xfc: {  	[tilespmem:s21], [sflag:$0x2] =	stream.indirect.gather [spmem:s1], $0x40, s5, s20, $0xb8;
	[tilespmem:$0x1F058] =	vst v63  }
0xfd: {  	_ =	swait.ge [sflag:s28], $0x2000  }
0xfe: {  	[sflag:s28] =	ssyncset.done $0x0  }
0xff: {  	s6 =	rddreg [dreg:$0x12];
	[sflag:s28] =	ssyncadd.s32 $0xFFFFE000  }
0x100: {  	[hbm4b:s6+s0] =	stream.linear.scatter [tilespmem:s24], [sflag:$0x7], $0x2000, $0x38;
	[tilespmem:$0x1F058] =	vst v63  }
0x101: {  	_ =	swait.ge [sflag:s29], $0x2000  }
0x102: {  	[sflag:s29] =	ssyncset.done $0x0  }
0x103: {  	s8 =	simm.s32 $0x2680;
	[sflag:s29] =	ssyncadd.s32 $0xFFFFE000  }
0x104: {  	[tilespmem:s22], [sflag:$0x3] =	stream.indirect.gather [spmem:s1], $0x40, s8, s20, $0xb8;
	[tilespmem:$0x1F058] =	vst v63  }
0x105: {  	_ =	swait.ge [sflag:s23], $0x2000  }
0x106: {  	[sflag:s23] =	ssyncset.done $0x0  }
0x107: {  	s4 =	rddreg [dreg:$0x13];
	[sflag:s23] =	ssyncadd.s32 $0xFFFFE000  }
0x108: {  	[hbm4b:s4+s0] =	stream.linear.scatter [tilespmem:s21], [sflag:$0x5], $0x2000, $0x38;
	[tilespmem:$0x1F058] =	vst v63  }
0x109: {  	_ =	swait.ge [sflag:s30], $0x2000  }
0x10a: {  	[sflag:s30] =	ssyncset.done $0x0  }
0x10b: {  	s5 =	simm.s32 $0x2700;
	[sflag:s30] =	ssyncadd.s32 $0xFFFFE000  }
0x10c: {  	[tilespmem:s24], [sflag:$0x4] =	stream.indirect.gather [spmem:s1], $0x40, s5, s20, $0xb8;
	[tilespmem:$0x1F058] =	vst v63  }
0x10d: {  	_ =	swait.ge [sflag:s25], $0x2000  }
0x10e: {  	[sflag:s25] =	ssyncset.done $0x0  }
0x10f: {  	s6 =	rddreg [dreg:$0x14];
	[sflag:s25] =	ssyncadd.s32 $0xFFFFE000  }
0x110: {  	[hbm4b:s6+s0] =	stream.linear.scatter [tilespmem:s22], [sflag:$0x6], $0x2000, $0x38;
	[tilespmem:$0x1F058] =	vst v63  }
0x111: {  	_ =	swait.ge [sflag:s26], $0x2000  }
0x112: {  	[sflag:s26] =	ssyncset.done $0x0  }
0x113: {  	s8 =	simm.s32 $0x2780;
	s4 =	simm.s32 $0x0;
	[sflag:s26] =	ssyncadd.s32 $0xFFFFE000  }
0x114: {  	[tilespmem:s21], [sflag:$0x2] =	stream.indirect.gather [spmem:s1], $0x40, s8, s20, $0xb8;
	[tilespmem:$0x1F058] =	vst v63  }
0x115: {  	v61 =	vld [tilespmem:s4+$0x800];
	_ =	sdelay $0x4  }
0x116: {  	vm15 =	vlt.s32 v61, $0x1  }
0x117: {  	v62 =	vnsel vm15, $0x1, v61  }
0x118: {  	(xrf0) =	vadd.scan.msk.s32 $0xffff, v62;
	_ =	sdelay $0x5  }
0x119: {  	v63, _, _ =	vpop (xrf0)  }
0x11a: {  	v3 =	vadd.s32 s0, v63;
	(v2sf) =	vpush v63, $0xF  }
0x11b: {  	s5 =	sand.u32 $0xE00, s0;
	v0 =	vmul.u32 $0x401, v61;
	v1 =	vmul.u32 v62, v3  }
0x11c: {  	s6 =	sand.u32 $0x70, s0;
	s8 =	sshrl.u32 s5, $0x2  }
0x11d: {  	s3 =	simm.s32 $0x10;
	s5 =	sor.u32 s6, s8;
	v0 =	vadd.s32 v0, v1  }
0x11e: {  	s4 =	simm.s32 $0x40;
	s6 =	simm.s32 $0x10;
	[tilespmem:s5+$0x2800] =	vst v0;
	s5 =	simm.s32 $0x20  }
.LBB2_6:
0x11f: {  	p1 =	sne.s32 s5, $0x3F0;
	v0 =	vld [tilespmem:s6+$0x800];
	_ =	sdelay $0x4  }
0x120: {  	vm0 =	vlt.s32 v0, $0x1;
	v1 =	vmul.u32 $0x401, v0  }
0x121: {  	v0 =	vnsel vm0, $0x1, v0  }
0x122: {  	(xrf0) =	vadd.scan.msk.s32 $0xffff, v0;
	_ =	sdelay $0x2  }
0x123: {  	s6 =	spop (v2sf)  }
0x124: {  	s0 =	sadd.s32 s0, s6;
	_ =	sdelay $0x1  }
0x125: {  	v2, _, _ =	vpop (xrf0)  }
.Ltmp2:
0x126: {  	v3 =	vadd.s32 s0, v2;
	(v2sf) =	vpush v2, $0xF;
	(pc) =	sbr.rel @p1 .LBB2_6-.Ltmp2, $4  }
0x127: {  	s6 =	sand.u32 $0xE00, s4;
	v0 =	vmul.u32 v0, v3  }
0x128: {  	s8 =	sand.u32 $0x70, s3;
	s3 =	smov.u32 s5;
	s6 =	sshrl.u32 s6, $0x2  }
0x129: {  	s4 =	sadd.s32 $0x40, s4;
	s8 =	sor.u32 s8, s6;
	v0 =	vadd.s32 v1, v0  }
0x12a: {  	s5 =	sadd.s32 $0x10, s5;
	s6 =	sshra.s32 s4, $0x2;
	[tilespmem:s8+$0x2800] =	vst v0  }
0x12b: {  	v0 =	vld [tilespmem:s6+$0x800];
	_ =	sdelay $0x4  }
0x12c: {  	vm0 =	vlt.s32 v0, $0x1  }
0x12d: {  	v1 =	vnsel vm0, $0x1, v0  }
0x12e: {  	(xrf0) =	vadd.scan.msk.s32 $0xffff, v1;
	_ =	sdelay $0x5  }
0x12f: {  	v2, _, _ =	vpop (xrf0)  }
0x130: {  	(v2sf) =	vpush v2, $0xF;
	_ =	sdelay $0x8  }
0x131: {  	s5 =	spop (v2sf)  }
0x132: {  	s0 =	sadd.s32 s0, s5  }
0x133: {  	v2 =	vadd.s32 s0, v2  }
0x134: {  	s8 =	sand.u32 $0xE00, s4;
	v0 =	vmul.u32 $0x401, v0;
	v1 =	vmul.u32 v1, v2  }
0x135: {  	s3 =	sand.u32 $0x70, s3;
	s0 =	sshrl.u32 s8, $0x2  }
0x136: {  	s0 =	sor.u32 s3, s0;
	v0 =	vadd.s32 v0, v1  }
0x137: {  	[tilespmem:s0+$0x2800] =	vst v0;
	s3 =	spop (v2sf)  }
0x138: {  	_ =	swait.ge [sflag:s28], $0x2000  }
0x139: {  	[sflag:s28] =	ssyncset.done $0x0  }
0x13a: {  	s0 =	simm.s32 $0x0;
	s4 =	rddreg [dreg:$0x15];
	[sflag:s28] =	ssyncadd.s32 $0xFFFFE000  }
0x13b: {  	[hbm4b:s4+s0] =	stream.linear.scatter [tilespmem:s24], [sflag:$0x7], $0x2000, $0x38;
	[tilespmem:$0x1F058] =	vst v63  }
0x13c: {  	_ =	swait.ge [sflag:s29], $0x2000  }
0x13d: {  	[sflag:s29] =	ssyncset.done $0x0  }
0x13e: {  	s5 =	simm.s32 $0x2800;
	[sflag:s29] =	ssyncadd.s32 $0xFFFFE000  }
0x13f: {  	[tilespmem:s22], [sflag:$0x3] =	stream.indirect.gather [spmem:s1], $0x40, s5, s20, $0xb8;
	[tilespmem:$0x1F058] =	vst v63  }
0x140: {  	_ =	swait.ge [sflag:s23], $0x2000  }
0x141: {  	[sflag:s23] =	ssyncset.done $0x0  }
0x142: {  	s6 =	rddreg [dreg:$0x16];
	[sflag:s23] =	ssyncadd.s32 $0xFFFFE000  }
0x143: {  	[hbm4b:s6+s0] =	stream.linear.scatter [tilespmem:s21], [sflag:$0x5], $0x2000, $0x38;
	[tilespmem:$0x1F058] =	vst v63  }
0x144: {  	_ =	swait.ge [sflag:s30], $0x2000  }
0x145: {  	[sflag:s30] =	ssyncset.done $0x0  }
0x146: {  	s8 =	simm.s32 $0x2880;
	[sflag:s30] =	ssyncadd.s32 $0xFFFFE000  }
0x147: {  	[tilespmem:s24], [sflag:$0x4] =	stream.indirect.gather [spmem:s1], $0x40, s8, s20, $0xb8;
	[tilespmem:$0x1F058] =	vst v63  }
0x148: {  	_ =	swait.ge [sflag:s25], $0x2000  }
0x149: {  	[sflag:s25] =	ssyncset.done $0x0  }
0x14a: {  	s4 =	rddreg [dreg:$0x1a];
	[sflag:s25] =	ssyncadd.s32 $0xFFFFE000  }
0x14b: {  	[hbm4b:s4+s0] =	stream.linear.scatter [tilespmem:s22], [sflag:$0x6], $0x2000, $0x38;
	[tilespmem:$0x1F058] =	vst v63  }
0x14c: {  	_ =	swait.ge [sflag:s26], $0x2000  }
0x14d: {  	[sflag:s26] =	ssyncset.done $0x0  }
0x14e: {  	s5 =	simm.s32 $0x2900;
	[sflag:s26] =	ssyncadd.s32 $0xFFFFE000  }
0x14f: {  	[tilespmem:s21], [sflag:$0x2] =	stream.indirect.gather [spmem:s1], $0x40, s5, s20, $0xb8;
	[tilespmem:$0x1F058] =	vst v63  }
0x150: {  	_ =	swait.ge [sflag:s28], $0x2000  }
0x151: {  	[sflag:s28] =	ssyncset.done $0x0  }
0x152: {  	s6 =	rddreg [dreg:$0x1b];
	[sflag:s28] =	ssyncadd.s32 $0xFFFFE000  }
0x153: {  	[hbm4b:s6+s0] =	stream.linear.scatter [tilespmem:s24], [sflag:$0x7], $0x2000, $0x38;
	[tilespmem:$0x1F058] =	vst v63  }
0x154: {  	_ =	swait.ge [sflag:s29], $0x2000  }
0x155: {  	[sflag:s29] =	ssyncset.done $0x0  }
0x156: {  	s8 =	simm.s32 $0x2980;
	[sflag:s29] =	ssyncadd.s32 $0xFFFFE000  }
0x157: {  	[tilespmem:s22], [sflag:$0x3] =	stream.indirect.gather [spmem:s1], $0x40, s8, s20, $0xb8;
	[tilespmem:$0x1F058] =	vst v63  }
0x158: {  	_ =	swait.ge [sflag:s23], $0x2000  }
0x159: {  	[sflag:s23] =	ssyncset.done $0x0  }
0x15a: {  	s4 =	rddreg [dreg:$0x1c];
	[sflag:s23] =	ssyncadd.s32 $0xFFFFE000  }
0x15b: {  	[hbm4b:s4+s0] =	stream.linear.scatter [tilespmem:s21], [sflag:$0x5], $0x2000, $0x38;
	[tilespmem:$0x1F058] =	vst v63  }
0x15c: {  	_ =	swait.ge [sflag:s30], $0x2000  }
0x15d: {  	[sflag:s30] =	ssyncset.done $0x0  }
0x15e: {  	s5 =	simm.s32 $0x2A00;
	[sflag:s30] =	ssyncadd.s32 $0xFFFFE000  }
0x15f: {  	[tilespmem:s24], [sflag:$0x4] =	stream.indirect.gather [spmem:s1], $0x40, s5, s20, $0xb8;
	[tilespmem:$0x1F058] =	vst v63  }
0x160: {  	_ =	swait.ge [sflag:s25], $0x2000  }
0x161: {  	[sflag:s25] =	ssyncset.done $0x0  }
0x162: {  	s6 =	rddreg [dreg:$0x1d];
	[sflag:s25] =	ssyncadd.s32 $0xFFFFE000  }
0x163: {  	[hbm4b:s6+s0] =	stream.linear.scatter [tilespmem:s22], [sflag:$0x6], $0x2000, $0x38;
	[tilespmem:$0x1F058] =	vst v63  }
0x164: {  	_ =	swait.ge [sflag:s26], $0x2000  }
0x165: {  	[sflag:s26] =	ssyncset.done $0x0  }
0x166: {  	s8 =	simm.s32 $0x2A80;
	[sflag:s26] =	ssyncadd.s32 $0xFFFFE000  }
0x167: {  	[tilespmem:s21], [sflag:$0x2] =	stream.indirect.gather [spmem:s1], $0x40, s8, s20, $0xb8;
	[tilespmem:$0x1F058] =	vst v63  }
0x168: {  	_ =	swait.ge [sflag:s28], $0x2000  }
0x169: {  	[sflag:s28] =	ssyncset.done $0x0  }
0x16a: {  	s4 =	rddreg [dreg:$0x1e];
	[sflag:s28] =	ssyncadd.s32 $0xFFFFE000  }
0x16b: {  	[hbm4b:s4+s0] =	stream.linear.scatter [tilespmem:s24], [sflag:$0x7], $0x2000, $0x38;
	[tilespmem:$0x1F058] =	vst v63  }
0x16c: {  	_ =	swait.ge [sflag:s29], $0x2000  }
0x16d: {  	[sflag:s29] =	ssyncset.done $0x0  }
0x16e: {  	s5 =	simm.s32 $0x2B00;
	[sflag:s29] =	ssyncadd.s32 $0xFFFFE000  }
0x16f: {  	[tilespmem:s22], [sflag:$0x3] =	stream.indirect.gather [spmem:s1], $0x40, s5, s20, $0xb8;
	[tilespmem:$0x1F058] =	vst v63  }
0x170: {  	_ =	swait.ge [sflag:s23], $0x2000  }
0x171: {  	[sflag:s23] =	ssyncset.done $0x0  }
0x172: {  	s6 =	rddreg [dreg:$0x1f];
	[sflag:s23] =	ssyncadd.s32 $0xFFFFE000  }
0x173: {  	[hbm4b:s6+s0] =	stream.linear.scatter [tilespmem:s21], [sflag:$0x5], $0x2000, $0x38;
	[tilespmem:$0x1F058] =	vst v63  }
0x174: {  	_ =	swait.ge [sflag:s30], $0x2000  }
0x175: {  	[sflag:s30] =	ssyncset.done $0x0  }
0x176: {  	s8 =	simm.s32 $0x2B80;
	s4 =	simm.s32 $0x0;
	[sflag:s30] =	ssyncadd.s32 $0xFFFFE000  }
0x177: {  	[tilespmem:s24], [sflag:$0x4] =	stream.indirect.gather [spmem:s1], $0x40, s8, s20, $0xb8;
	[tilespmem:$0x1F058] =	vst v63  }
0x178: {  	v61 =	vld [tilespmem:s4+$0xC00];
	_ =	sdelay $0x4  }
0x179: {  	vm15 =	vlt.s32 v61, $0x1  }
0x17a: {  	v62 =	vnsel vm15, $0x1, v61  }
0x17b: {  	(xrf0) =	vadd.scan.msk.s32 $0xffff, v62;
	_ =	sdelay $0x5  }
0x17c: {  	v63, _, _ =	vpop (xrf0)  }
0x17d: {  	v3 =	vadd.s32 s0, v63;
	(v2sf) =	vpush v63, $0xF  }
0x17e: {  	s5 =	sand.u32 $0xE00, s0;
	v0 =	vmul.u32 $0x401, v61;
	v1 =	vmul.u32 v62, v3  }
0x17f: {  	s6 =	sand.u32 $0x70, s0;
	s8 =	sshrl.u32 s5, $0x2  }
0x180: {  	s3 =	simm.s32 $0x10;
	s5 =	sor.u32 s6, s8;
	v0 =	vadd.s32 v0, v1  }
0x181: {  	s4 =	simm.s32 $0x40;
	s6 =	simm.s32 $0x10;
	[tilespmem:s5+$0x2C00] =	vst v0;
	s5 =	simm.s32 $0x20  }
.LBB2_8:
0x182: {  	p1 =	sne.s32 s5, $0x3F0;
	v0 =	vld [tilespmem:s6+$0xC00];
	_ =	sdelay $0x4  }
0x183: {  	vm0 =	vlt.s32 v0, $0x1;
	v1 =	vmul.u32 $0x401, v0  }
0x184: {  	v0 =	vnsel vm0, $0x1, v0  }
0x185: {  	(xrf0) =	vadd.scan.msk.s32 $0xffff, v0;
	_ =	sdelay $0x2  }
0x186: {  	s6 =	spop (v2sf)  }
0x187: {  	s0 =	sadd.s32 s0, s6;
	_ =	sdelay $0x1  }
0x188: {  	v2, _, _ =	vpop (xrf0)  }
.Ltmp3:
0x189: {  	v3 =	vadd.s32 s0, v2;
	(v2sf) =	vpush v2, $0xF;
	(pc) =	sbr.rel @p1 .LBB2_8-.Ltmp3, $4  }
0x18a: {  	s6 =	sand.u32 $0xE00, s4;
	v0 =	vmul.u32 v0, v3  }
0x18b: {  	s8 =	sand.u32 $0x70, s3;
	s3 =	smov.u32 s5;
	s6 =	sshrl.u32 s6, $0x2  }
0x18c: {  	s4 =	sadd.s32 $0x40, s4;
	s8 =	sor.u32 s8, s6;
	v0 =	vadd.s32 v1, v0  }
0x18d: {  	s5 =	sadd.s32 $0x10, s5;
	s6 =	sshra.s32 s4, $0x2;
	[tilespmem:s8+$0x2C00] =	vst v0  }
0x18e: {  	v0 =	vld [tilespmem:s6+$0xC00];
	_ =	sdelay $0x4  }
0x18f: {  	vm0 =	vlt.s32 v0, $0x1  }
0x190: {  	v1 =	vnsel vm0, $0x1, v0  }
0x191: {  	(xrf0) =	vadd.scan.msk.s32 $0xffff, v1;
	_ =	sdelay $0x5  }
0x192: {  	v2, _, _ =	vpop (xrf0)  }
0x193: {  	(v2sf) =	vpush v2, $0xF;
	_ =	sdelay $0x8  }
0x194: {  	s5 =	spop (v2sf)  }
0x195: {  	s0 =	sadd.s32 s0, s5  }
0x196: {  	v2 =	vadd.s32 s0, v2  }
0x197: {  	s8 =	sand.u32 $0xE00, s4;
	v0 =	vmul.u32 $0x401, v0;
	v1 =	vmul.u32 v1, v2  }
0x198: {  	s3 =	sand.u32 $0x70, s3;
	s0 =	sshrl.u32 s8, $0x2  }
0x199: {  	s0 =	sor.u32 s3, s0;
	v0 =	vadd.s32 v0, v1  }
0x19a: {  	[tilespmem:s0+$0x2C00] =	vst v0;
	s3 =	spop (v2sf)  }
0x19b: {  	_ =	swait.ge [sflag:s25], $0x2000  }
0x19c: {  	s4 =	sld [smem:$0x7DD]  }
0x19d: {  	[sflag:s25] =	ssyncset.done $0x0  }
0x19e: {  	s0 =	simm.s32 $0x0;
	[sflag:s25] =	ssyncadd.s32 $0xFFFFE000  }
0x19f: {  	[hbm4b:s4+s0] =	stream.linear.scatter [tilespmem:s22], [sflag:$0x6], $0x2000, $0x38;
	[tilespmem:$0x1F058] =	vst v63  }
0x1a0: {  	_ =	swait.ge [sflag:s26], $0x2000  }
0x1a1: {  	[sflag:s26] =	ssyncset.done $0x0  }
0x1a2: {  	s5 =	simm.s32 $0x2C00;
	[sflag:s26] =	ssyncadd.s32 $0xFFFFE000  }
0x1a3: {  	[tilespmem:s21], [sflag:$0x2] =	stream.indirect.gather [spmem:s1], $0x40, s5, s20, $0xb8;
	[tilespmem:$0x1F058] =	vst v63  }
0x1a4: {  	_ =	swait.ge [sflag:s28], $0x2000  }
0x1a5: {  	s6 =	sld [smem:$0x7DE]  }
0x1a6: {  	[sflag:s28] =	ssyncset.done $0x0  }
0x1a7: {  	[sflag:s28] =	ssyncadd.s32 $0xFFFFE000  }
0x1a8: {  	[hbm4b:s6+s0] =	stream.linear.scatter [tilespmem:s24], [sflag:$0x7], $0x2000, $0x38;
	[tilespmem:$0x1F058] =	vst v63  }
0x1a9: {  	_ =	swait.ge [sflag:s29], $0x2000  }
0x1aa: {  	[sflag:s29] =	ssyncset.done $0x0  }
0x1ab: {  	s8 =	simm.s32 $0x2C80;
	[sflag:s29] =	ssyncadd.s32 $0xFFFFE000  }
0x1ac: {  	[tilespmem:s22], [sflag:$0x3] =	stream.indirect.gather [spmem:s1], $0x40, s8, s20, $0xb8;
	[tilespmem:$0x1F058] =	vst v63  }
0x1ad: {  	_ =	swait.ge [sflag:s23], $0x2000  }
0x1ae: {  	s4 =	sld [smem:$0x7DF]  }
0x1af: {  	[sflag:s23] =	ssyncset.done $0x0  }
0x1b0: {  	[sflag:s23] =	ssyncadd.s32 $0xFFFFE000  }
0x1b1: {  	[hbm4b:s4+s0] =	stream.linear.scatter [tilespmem:s21], [sflag:$0x5], $0x2000, $0x38;
	[tilespmem:$0x1F058] =	vst v63  }
0x1b2: {  	_ =	swait.ge [sflag:s30], $0x2000  }
0x1b3: {  	[sflag:s30] =	ssyncset.done $0x0  }
0x1b4: {  	s5 =	simm.s32 $0x2D00;
	[sflag:s30] =	ssyncadd.s32 $0xFFFFE000  }
0x1b5: {  	[tilespmem:s24], [sflag:$0x4] =	stream.indirect.gather [spmem:s1], $0x40, s5, s20, $0xb8;
	[tilespmem:$0x1F058] =	vst v63  }
0x1b6: {  	_ =	swait.ge [sflag:s25], $0x2000  }
0x1b7: {  	s6 =	sld [smem:$0x7E0]  }
0x1b8: {  	[sflag:s25] =	ssyncset.done $0x0  }
0x1b9: {  	[sflag:s25] =	ssyncadd.s32 $0xFFFFE000  }
0x1ba: {  	[hbm4b:s6+s0] =	stream.linear.scatter [tilespmem:s22], [sflag:$0x6], $0x2000, $0x38;
	[tilespmem:$0x1F058] =	vst v63  }
0x1bb: {  	_ =	swait.ge [sflag:s26], $0x2000  }
0x1bc: {  	[sflag:s26] =	ssyncset.done $0x0  }
0x1bd: {  	s8 =	simm.s32 $0x2D80;
	[sflag:s26] =	ssyncadd.s32 $0xFFFFE000  }
0x1be: {  	[tilespmem:s21], [sflag:$0x2] =	stream.indirect.gather [spmem:s1], $0x40, s8, s20, $0xb8;
	[tilespmem:$0x1F058] =	vst v63  }
0x1bf: {  	_ =	swait.ge [sflag:s28], $0x2000  }
0x1c0: {  	s4 =	sld [smem:$0x7E1]  }
0x1c1: {  	[sflag:s28] =	ssyncset.done $0x0  }
0x1c2: {  	[sflag:s28] =	ssyncadd.s32 $0xFFFFE000  }
0x1c3: {  	[hbm4b:s4+s0] =	stream.linear.scatter [tilespmem:s24], [sflag:$0x7], $0x2000, $0x38;
	[tilespmem:$0x1F058] =	vst v63  }
0x1c4: {  	_ =	swait.ge [sflag:s29], $0x2000  }
0x1c5: {  	[sflag:s29] =	ssyncset.done $0x0  }
0x1c6: {  	s5 =	simm.s32 $0x2E00;
	[sflag:s29] =	ssyncadd.s32 $0xFFFFE000  }
0x1c7: {  	[tilespmem:s22], [sflag:$0x3] =	stream.indirect.gather [spmem:s1], $0x40, s5, s20, $0xb8;
	[tilespmem:$0x1F058] =	vst v63  }
0x1c8: {  	_ =	swait.ge [sflag:s23], $0x2000  }
0x1c9: {  	s6 =	sld [smem:$0x7E2]  }
0x1ca: {  	[sflag:s23] =	ssyncset.done $0x0  }
0x1cb: {  	[sflag:s23] =	ssyncadd.s32 $0xFFFFE000  }
0x1cc: {  	[hbm4b:s6+s0] =	stream.linear.scatter [tilespmem:s21], [sflag:$0x5], $0x2000, $0x38;
	[tilespmem:$0x1F058] =	vst v63  }
0x1cd: {  	_ =	swait.ge [sflag:s30], $0x2000  }
0x1ce: {  	[sflag:s30] =	ssyncset.done $0x0  }
0x1cf: {  	s8 =	simm.s32 $0x2E80;
	[sflag:s30] =	ssyncadd.s32 $0xFFFFE000  }
0x1d0: {  	[tilespmem:s24], [sflag:$0x4] =	stream.indirect.gather [spmem:s1], $0x40, s8, s20, $0xb8;
	[tilespmem:$0x1F058] =	vst v63  }
0x1d1: {  	_ =	swait.ge [sflag:s25], $0x2000  }
0x1d2: {  	s4 =	sld [smem:$0x7E3]  }
0x1d3: {  	[sflag:s25] =	ssyncset.done $0x0  }
0x1d4: {  	[sflag:s25] =	ssyncadd.s32 $0xFFFFE000  }
0x1d5: {  	[hbm4b:s4+s0] =	stream.linear.scatter [tilespmem:s22], [sflag:$0x6], $0x2000, $0x38;
	[tilespmem:$0x1F058] =	vst v63  }
0x1d6: {  	_ =	swait.ge [sflag:s26], $0x2000  }
0x1d7: {  	[sflag:s26] =	ssyncset.done $0x0  }
0x1d8: {  	s5 =	simm.s32 $0x2F00;
	[sflag:s26] =	ssyncadd.s32 $0xFFFFE000  }
0x1d9: {  	[tilespmem:s21], [sflag:$0x2] =	stream.indirect.gather [spmem:s1], $0x40, s5, s20, $0xb8;
	[tilespmem:$0x1F058] =	vst v63  }
0x1da: {  	_ =	swait.ge [sflag:s28], $0x2000  }
0x1db: {  	s6 =	sld [smem:$0x7E4]  }
0x1dc: {  	[sflag:s28] =	ssyncset.done $0x0  }
0x1dd: {  	[sflag:s28] =	ssyncadd.s32 $0xFFFFE000  }
0x1de: {  	[hbm4b:s6+s0] =	stream.linear.scatter [tilespmem:s24], [sflag:$0x7], $0x2000, $0x38;
	[tilespmem:$0x1F058] =	vst v63  }
0x1df: {  	_ =	swait.ge [sflag:s29], $0x2000  }
0x1e0: {  	[sflag:s29] =	ssyncset.done $0x0  }
0x1e1: {  	s8 =	simm.s32 $0x2F80;
	s4 =	simm.s32 $0x0;
	[sflag:s29] =	ssyncadd.s32 $0xFFFFE000  }
0x1e2: {  	[tilespmem:s22], [sflag:$0x3] =	stream.indirect.gather [spmem:s1], $0x40, s8, s20, $0xb8;
	[tilespmem:$0x1F058] =	vst v63  }
0x1e3: {  	v61 =	vld [tilespmem:s4+$0x1000];
	_ =	sdelay $0x4  }
0x1e4: {  	vm15 =	vlt.s32 v61, $0x1  }
0x1e5: {  	v62 =	vnsel vm15, $0x1, v61  }
0x1e6: {  	(xrf0) =	vadd.scan.msk.s32 $0xffff, v62;
	_ =	sdelay $0x5  }
0x1e7: {  	v63, _, _ =	vpop (xrf0)  }
0x1e8: {  	v3 =	vadd.s32 s0, v63;
	(v2sf) =	vpush v63, $0xF  }
0x1e9: {  	s5 =	sand.u32 $0xE00, s0;
	v0 =	vmul.u32 $0x401, v61;
	v1 =	vmul.u32 v62, v3  }
0x1ea: {  	s6 =	sand.u32 $0x70, s0;
	s8 =	sshrl.u32 s5, $0x2  }
0x1eb: {  	s3 =	simm.s32 $0x10;
	s5 =	sor.u32 s6, s8;
	v0 =	vadd.s32 v0, v1  }
0x1ec: {  	s4 =	simm.s32 $0x40;
	s6 =	simm.s32 $0x10;
	[tilespmem:s5+$0x3000] =	vst v0;
	s5 =	simm.s32 $0x20  }
.LBB2_10:
0x1ed: {  	p1 =	sne.s32 s5, $0x3F0;
	v0 =	vld [tilespmem:s6+$0x1000];
	_ =	sdelay $0x4  }
0x1ee: {  	vm0 =	vlt.s32 v0, $0x1;
	v1 =	vmul.u32 $0x401, v0  }
0x1ef: {  	v0 =	vnsel vm0, $0x1, v0  }
0x1f0: {  	(xrf0) =	vadd.scan.msk.s32 $0xffff, v0;
	_ =	sdelay $0x2  }
0x1f1: {  	s6 =	spop (v2sf)  }
0x1f2: {  	s0 =	sadd.s32 s0, s6;
	_ =	sdelay $0x1  }
0x1f3: {  	v2, _, _ =	vpop (xrf0)  }
.Ltmp4:
0x1f4: {  	v3 =	vadd.s32 s0, v2;
	(v2sf) =	vpush v2, $0xF;
	(pc) =	sbr.rel @p1 .LBB2_10-.Ltmp4, $4  }
0x1f5: {  	s6 =	sand.u32 $0xE00, s4;
	v0 =	vmul.u32 v0, v3  }
0x1f6: {  	s8 =	sand.u32 $0x70, s3;
	s3 =	smov.u32 s5;
	s6 =	sshrl.u32 s6, $0x2  }
0x1f7: {  	s4 =	sadd.s32 $0x40, s4;
	s8 =	sor.u32 s8, s6;
	v0 =	vadd.s32 v1, v0  }
0x1f8: {  	s5 =	sadd.s32 $0x10, s5;
	s6 =	sshra.s32 s4, $0x2;
	[tilespmem:s8+$0x3000] =	vst v0  }
0x1f9: {  	v0 =	vld [tilespmem:s6+$0x1000];
	_ =	sdelay $0x4  }
0x1fa: {  	vm0 =	vlt.s32 v0, $0x1  }
0x1fb: {  	v1 =	vnsel vm0, $0x1, v0  }
0x1fc: {  	(xrf0) =	vadd.scan.msk.s32 $0xffff, v1;
	_ =	sdelay $0x5  }
0x1fd: {  	v2, _, _ =	vpop (xrf0)  }
0x1fe: {  	(v2sf) =	vpush v2, $0xF;
	_ =	sdelay $0x8  }
0x1ff: {  	s5 =	spop (v2sf)  }
0x200: {  	s0 =	sadd.s32 s0, s5  }
0x201: {  	v2 =	vadd.s32 s0, v2  }
0x202: {  	s8 =	sand.u32 $0xE00, s4;
	v0 =	vmul.u32 $0x401, v0;
	v1 =	vmul.u32 v1, v2  }
0x203: {  	s3 =	sand.u32 $0x70, s3;
	s0 =	sshrl.u32 s8, $0x2  }
0x204: {  	s0 =	sor.u32 s3, s0;
	v0 =	vadd.s32 v0, v1  }
0x205: {  	[tilespmem:s0+$0x3000] =	vst v0;
	s3 =	spop (v2sf)  }
0x206: {  	_ =	swait.ge [sflag:s23], $0x2000  }
0x207: {  	s4 =	sld [smem:$0x7E5]  }
0x208: {  	[sflag:s23] =	ssyncset.done $0x0  }
0x209: {  	s0 =	simm.s32 $0x0;
	[sflag:s23] =	ssyncadd.s32 $0xFFFFE000  }
0x20a: {  	[hbm4b:s4+s0] =	stream.linear.scatter [tilespmem:s21], [sflag:$0x5], $0x2000, $0x38;
	[tilespmem:$0x1F058] =	vst v63  }
0x20b: {  	_ =	swait.ge [sflag:s30], $0x2000  }
0x20c: {  	[sflag:s30] =	ssyncset.done $0x0  }
0x20d: {  	s5 =	simm.s32 $0x3000;
	[sflag:s30] =	ssyncadd.s32 $0xFFFFE000  }
0x20e: {  	[tilespmem:s24], [sflag:$0x4] =	stream.indirect.gather [spmem:s1], $0x40, s5, s20, $0xb8;
	[tilespmem:$0x1F058] =	vst v63  }
0x20f: {  	_ =	swait.ge [sflag:s25], $0x2000  }
0x210: {  	s6 =	sld [smem:$0x7E6]  }
0x211: {  	[sflag:s25] =	ssyncset.done $0x0  }
0x212: {  	[sflag:s25] =	ssyncadd.s32 $0xFFFFE000  }
0x213: {  	[hbm4b:s6+s0] =	stream.linear.scatter [tilespmem:s22], [sflag:$0x6], $0x2000, $0x38;
	[tilespmem:$0x1F058] =	vst v63  }
0x214: {  	_ =	swait.ge [sflag:s26], $0x2000  }
0x215: {  	[sflag:s26] =	ssyncset.done $0x0  }
0x216: {  	s8 =	simm.s32 $0x3080;
	[sflag:s26] =	ssyncadd.s32 $0xFFFFE000  }
0x217: {  	[tilespmem:s21], [sflag:$0x2] =	stream.indirect.gather [spmem:s1], $0x40, s8, s20, $0xb8;
	[tilespmem:$0x1F058] =	vst v63  }
0x218: {  	_ =	swait.ge [sflag:s28], $0x2000  }
0x219: {  	s4 =	sld [smem:$0x7E7]  }
0x21a: {  	[sflag:s28] =	ssyncset.done $0x0  }
0x21b: {  	[sflag:s28] =	ssyncadd.s32 $0xFFFFE000  }
0x21c: {  	[hbm4b:s4+s0] =	stream.linear.scatter [tilespmem:s24], [sflag:$0x7], $0x2000, $0x38;
	[tilespmem:$0x1F058] =	vst v63  }
0x21d: {  	_ =	swait.ge [sflag:s29], $0x2000  }
0x21e: {  	[sflag:s29] =	ssyncset.done $0x0  }
0x21f: {  	s5 =	simm.s32 $0x3100;
	[sflag:s29] =	ssyncadd.s32 $0xFFFFE000  }
0x220: {  	[tilespmem:s22], [sflag:$0x3] =	stream.indirect.gather [spmem:s1], $0x40, s5, s20, $0xb8;
	[tilespmem:$0x1F058] =	vst v63  }
0x221: {  	_ =	swait.ge [sflag:s23], $0x2000  }
0x222: {  	s6 =	sld [smem:$0x7E8]  }
0x223: {  	[sflag:s23] =	ssyncset.done $0x0  }
0x224: {  	[sflag:s23] =	ssyncadd.s32 $0xFFFFE000  }
0x225: {  	[hbm4b:s6+s0] =	stream.linear.scatter [tilespmem:s21], [sflag:$0x5], $0x2000, $0x38;
	[tilespmem:$0x1F058] =	vst v63  }
0x226: {  	_ =	swait.ge [sflag:s30], $0x2000  }
0x227: {  	[sflag:s30] =	ssyncset.done $0x0  }
0x228: {  	s8 =	simm.s32 $0x3180;
	[sflag:s30] =	ssyncadd.s32 $0xFFFFE000  }
0x229: {  	[tilespmem:s24], [sflag:$0x4] =	stream.indirect.gather [spmem:s1], $0x40, s8, s20, $0xb8;
	[tilespmem:$0x1F058] =	vst v63  }
0x22a: {  	_ =	swait.ge [sflag:s25], $0x2000  }
0x22b: {  	s4 =	sld [smem:$0x7E9]  }
0x22c: {  	[sflag:s25] =	ssyncset.done $0x0  }
0x22d: {  	[sflag:s25] =	ssyncadd.s32 $0xFFFFE000  }
0x22e: {  	[hbm4b:s4+s0] =	stream.linear.scatter [tilespmem:s22], [sflag:$0x6], $0x2000, $0x38;
	[tilespmem:$0x1F058] =	vst v63  }
0x22f: {  	_ =	swait.ge [sflag:s26], $0x2000  }
0x230: {  	[sflag:s26] =	ssyncset.done $0x0  }
0x231: {  	s5 =	simm.s32 $0x3200;
	[sflag:s26] =	ssyncadd.s32 $0xFFFFE000  }
0x232: {  	[tilespmem:s21], [sflag:$0x2] =	stream.indirect.gather [spmem:s1], $0x40, s5, s20, $0xb8;
	[tilespmem:$0x1F058] =	vst v63  }
0x233: {  	_ =	swait.ge [sflag:s28], $0x2000  }
0x234: {  	s6 =	sld [smem:$0x7EA]  }
0x235: {  	[sflag:s28] =	ssyncset.done $0x0  }
0x236: {  	[sflag:s28] =	ssyncadd.s32 $0xFFFFE000  }
0x237: {  	[hbm4b:s6+s0] =	stream.linear.scatter [tilespmem:s24], [sflag:$0x7], $0x2000, $0x38;
	[tilespmem:$0x1F058] =	vst v63  }
0x238: {  	_ =	swait.ge [sflag:s29], $0x2000  }
0x239: {  	[sflag:s29] =	ssyncset.done $0x0  }
0x23a: {  	s8 =	simm.s32 $0x3280;
	[sflag:s29] =	ssyncadd.s32 $0xFFFFE000  }
0x23b: {  	[tilespmem:s22], [sflag:$0x3] =	stream.indirect.gather [spmem:s1], $0x40, s8, s20, $0xb8;
	[tilespmem:$0x1F058] =	vst v63  }
0x23c: {  	_ =	swait.ge [sflag:s23], $0x2000  }
0x23d: {  	s4 =	sld [smem:$0x7EB]  }
0x23e: {  	[sflag:s23] =	ssyncset.done $0x0  }
0x23f: {  	[sflag:s23] =	ssyncadd.s32 $0xFFFFE000  }
0x240: {  	[hbm4b:s4+s0] =	stream.linear.scatter [tilespmem:s21], [sflag:$0x5], $0x2000, $0x38;
	[tilespmem:$0x1F058] =	vst v63  }
0x241: {  	_ =	swait.ge [sflag:s30], $0x2000  }
0x242: {  	[sflag:s30] =	ssyncset.done $0x0  }
0x243: {  	s5 =	simm.s32 $0x3300;
	[sflag:s30] =	ssyncadd.s32 $0xFFFFE000  }
0x244: {  	[tilespmem:s24], [sflag:$0x4] =	stream.indirect.gather [spmem:s1], $0x40, s5, s20, $0xb8;
	[tilespmem:$0x1F058] =	vst v63  }
0x245: {  	_ =	swait.ge [sflag:s25], $0x2000  }
0x246: {  	s6 =	sld [smem:$0x7EC]  }
0x247: {  	[sflag:s25] =	ssyncset.done $0x0  }
0x248: {  	[sflag:s25] =	ssyncadd.s32 $0xFFFFE000  }
0x249: {  	[hbm4b:s6+s0] =	stream.linear.scatter [tilespmem:s22], [sflag:$0x6], $0x2000, $0x38;
	[tilespmem:$0x1F058] =	vst v63  }
0x24a: {  	_ =	swait.ge [sflag:s26], $0x2000  }
0x24b: {  	[sflag:s26] =	ssyncset.done $0x0  }
0x24c: {  	s8 =	simm.s32 $0x3380;
	s4 =	simm.s32 $0x0;
	[sflag:s26] =	ssyncadd.s32 $0xFFFFE000  }
0x24d: {  	[tilespmem:s21], [sflag:$0x2] =	stream.indirect.gather [spmem:s1], $0x40, s8, s20, $0xb8;
	[tilespmem:$0x1F058] =	vst v63  }
0x24e: {  	v61 =	vld [tilespmem:s4+$0x1400];
	_ =	sdelay $0x4  }
0x24f: {  	vm15 =	vlt.s32 v61, $0x1  }
0x250: {  	v62 =	vnsel vm15, $0x1, v61  }
0x251: {  	(xrf0) =	vadd.scan.msk.s32 $0xffff, v62;
	_ =	sdelay $0x5  }
0x252: {  	v63, _, _ =	vpop (xrf0)  }
0x253: {  	v3 =	vadd.s32 s0, v63;
	(v2sf) =	vpush v63, $0xF  }
0x254: {  	s5 =	sand.u32 $0xE00, s0;
	v0 =	vmul.u32 $0x401, v61;
	v1 =	vmul.u32 v62, v3  }
0x255: {  	s6 =	sand.u32 $0x70, s0;
	s8 =	sshrl.u32 s5, $0x2  }
0x256: {  	s3 =	simm.s32 $0x10;
	s5 =	sor.u32 s6, s8;
	v0 =	vadd.s32 v0, v1  }
0x257: {  	s4 =	simm.s32 $0x40;
	s6 =	simm.s32 $0x10;
	[tilespmem:s5+$0x3400] =	vst v0;
	s5 =	simm.s32 $0x20  }
.LBB2_12:
0x258: {  	p1 =	sne.s32 s5, $0x3F0;
	v0 =	vld [tilespmem:s6+$0x1400];
	_ =	sdelay $0x4  }
0x259: {  	vm0 =	vlt.s32 v0, $0x1;
	v1 =	vmul.u32 $0x401, v0  }
0x25a: {  	v0 =	vnsel vm0, $0x1, v0  }
0x25b: {  	(xrf0) =	vadd.scan.msk.s32 $0xffff, v0;
	_ =	sdelay $0x2  }
0x25c: {  	s6 =	spop (v2sf)  }
0x25d: {  	s0 =	sadd.s32 s0, s6;
	_ =	sdelay $0x1  }
0x25e: {  	v2, _, _ =	vpop (xrf0)  }
.Ltmp5:
0x25f: {  	v3 =	vadd.s32 s0, v2;
	(v2sf) =	vpush v2, $0xF;
	(pc) =	sbr.rel @p1 .LBB2_12-.Ltmp5, $4  }
0x260: {  	s6 =	sand.u32 $0xE00, s4;
	v0 =	vmul.u32 v0, v3  }
0x261: {  	s8 =	sand.u32 $0x70, s3;
	s3 =	smov.u32 s5;
	s6 =	sshrl.u32 s6, $0x2  }
0x262: {  	s4 =	sadd.s32 $0x40, s4;
	s8 =	sor.u32 s8, s6;
	v0 =	vadd.s32 v1, v0  }
0x263: {  	s5 =	sadd.s32 $0x10, s5;
	s6 =	sshra.s32 s4, $0x2;
	[tilespmem:s8+$0x3400] =	vst v0  }
0x264: {  	v0 =	vld [tilespmem:s6+$0x1400];
	_ =	sdelay $0x4  }
0x265: {  	vm0 =	vlt.s32 v0, $0x1  }
0x266: {  	v1 =	vnsel vm0, $0x1, v0  }
0x267: {  	(xrf0) =	vadd.scan.msk.s32 $0xffff, v1;
	_ =	sdelay $0x5  }
0x268: {  	v2, _, _ =	vpop (xrf0)  }
0x269: {  	(v2sf) =	vpush v2, $0xF;
	_ =	sdelay $0x8  }
0x26a: {  	s5 =	spop (v2sf)  }
0x26b: {  	s0 =	sadd.s32 s0, s5  }
0x26c: {  	v2 =	vadd.s32 s0, v2  }
0x26d: {  	s8 =	sand.u32 $0xE00, s4;
	v0 =	vmul.u32 $0x401, v0;
	v1 =	vmul.u32 v1, v2  }
0x26e: {  	s3 =	sand.u32 $0x70, s3;
	s0 =	sshrl.u32 s8, $0x2  }
0x26f: {  	s0 =	sor.u32 s3, s0;
	v0 =	vadd.s32 v0, v1  }
0x270: {  	[tilespmem:s0+$0x3400] =	vst v0;
	s3 =	spop (v2sf)  }
0x271: {  	_ =	swait.ge [sflag:s28], $0x2000  }
0x272: {  	s4 =	sld [smem:$0x7ED]  }
0x273: {  	[sflag:s28] =	ssyncset.done $0x0  }
0x274: {  	s0 =	simm.s32 $0x0;
	[sflag:s28] =	ssyncadd.s32 $0xFFFFE000  }
0x275: {  	[hbm4b:s4+s0] =	stream.linear.scatter [tilespmem:s24], [sflag:$0x7], $0x2000, $0x38;
	[tilespmem:$0x1F058] =	vst v63  }
0x276: {  	_ =	swait.ge [sflag:s29], $0x2000  }
0x277: {  	[sflag:s29] =	ssyncset.done $0x0  }
0x278: {  	s5 =	simm.s32 $0x3400;
	[sflag:s29] =	ssyncadd.s32 $0xFFFFE000  }
0x279: {  	[tilespmem:s22], [sflag:$0x3] =	stream.indirect.gather [spmem:s1], $0x40, s5, s20, $0xb8;
	[tilespmem:$0x1F058] =	vst v63  }
0x27a: {  	_ =	swait.ge [sflag:s23], $0x2000  }
0x27b: {  	s6 =	sld [smem:$0x7EE]  }
0x27c: {  	[sflag:s23] =	ssyncset.done $0x0  }
0x27d: {  	[sflag:s23] =	ssyncadd.s32 $0xFFFFE000  }
0x27e: {  	[hbm4b:s6+s0] =	stream.linear.scatter [tilespmem:s21], [sflag:$0x5], $0x2000, $0x38;
	[tilespmem:$0x1F058] =	vst v63  }
0x27f: {  	_ =	swait.ge [sflag:s30], $0x2000  }
0x280: {  	[sflag:s30] =	ssyncset.done $0x0  }
0x281: {  	s8 =	simm.s32 $0x3480;
	[sflag:s30] =	ssyncadd.s32 $0xFFFFE000  }
0x282: {  	[tilespmem:s24], [sflag:$0x4] =	stream.indirect.gather [spmem:s1], $0x40, s8, s20, $0xb8;
	[tilespmem:$0x1F058] =	vst v63  }
0x283: {  	_ =	swait.ge [sflag:s25], $0x2000  }
0x284: {  	s4 =	sld [smem:$0x7EF]  }
0x285: {  	[sflag:s25] =	ssyncset.done $0x0  }
0x286: {  	[sflag:s25] =	ssyncadd.s32 $0xFFFFE000  }
0x287: {  	[hbm4b:s4+s0] =	stream.linear.scatter [tilespmem:s22], [sflag:$0x6], $0x2000, $0x38;
	[tilespmem:$0x1F058] =	vst v63  }
0x288: {  	_ =	swait.ge [sflag:s26], $0x2000  }
0x289: {  	[sflag:s26] =	ssyncset.done $0x0  }
0x28a: {  	s5 =	simm.s32 $0x3500;
	[sflag:s26] =	ssyncadd.s32 $0xFFFFE000  }
0x28b: {  	[tilespmem:s21], [sflag:$0x2] =	stream.indirect.gather [spmem:s1], $0x40, s5, s20, $0xb8;
	[tilespmem:$0x1F058] =	vst v63  }
0x28c: {  	_ =	swait.ge [sflag:s28], $0x2000  }
0x28d: {  	s6 =	sld [smem:$0x7F0]  }
0x28e: {  	[sflag:s28] =	ssyncset.done $0x0  }
0x28f: {  	[sflag:s28] =	ssyncadd.s32 $0xFFFFE000  }
0x290: {  	[hbm4b:s6+s0] =	stream.linear.scatter [tilespmem:s24], [sflag:$0x7], $0x2000, $0x38;
	[tilespmem:$0x1F058] =	vst v63  }
0x291: {  	_ =	swait.ge [sflag:s29], $0x2000  }
0x292: {  	[sflag:s29] =	ssyncset.done $0x0  }
0x293: {  	s8 =	simm.s32 $0x3580;
	[sflag:s29] =	ssyncadd.s32 $0xFFFFE000  }
0x294: {  	[tilespmem:s22], [sflag:$0x3] =	stream.indirect.gather [spmem:s1], $0x40, s8, s20, $0xb8;
	[tilespmem:$0x1F058] =	vst v63  }
0x295: {  	_ =	swait.ge [sflag:s23], $0x2000  }
0x296: {  	s4 =	sld [smem:$0x7F1]  }
0x297: {  	[sflag:s23] =	ssyncset.done $0x0  }
0x298: {  	[sflag:s23] =	ssyncadd.s32 $0xFFFFE000  }
0x299: {  	[hbm4b:s4+s0] =	stream.linear.scatter [tilespmem:s21], [sflag:$0x5], $0x2000, $0x38;
	[tilespmem:$0x1F058] =	vst v63  }
0x29a: {  	_ =	swait.ge [sflag:s30], $0x2000  }
0x29b: {  	[sflag:s30] =	ssyncset.done $0x0  }
0x29c: {  	s5 =	simm.s32 $0x3600;
	[sflag:s30] =	ssyncadd.s32 $0xFFFFE000  }
0x29d: {  	[tilespmem:s24], [sflag:$0x4] =	stream.indirect.gather [spmem:s1], $0x40, s5, s20, $0xb8;
	[tilespmem:$0x1F058] =	vst v63  }
0x29e: {  	_ =	swait.ge [sflag:s25], $0x2000  }
0x29f: {  	s6 =	sld [smem:$0x7F2]  }
0x2a0: {  	[sflag:s25] =	ssyncset.done $0x0  }
0x2a1: {  	[sflag:s25] =	ssyncadd.s32 $0xFFFFE000  }
0x2a2: {  	[hbm4b:s6+s0] =	stream.linear.scatter [tilespmem:s22], [sflag:$0x6], $0x2000, $0x38;
	[tilespmem:$0x1F058] =	vst v63  }
0x2a3: {  	_ =	swait.ge [sflag:s26], $0x2000  }
0x2a4: {  	[sflag:s26] =	ssyncset.done $0x0  }
0x2a5: {  	s8 =	simm.s32 $0x3680;
	[sflag:s26] =	ssyncadd.s32 $0xFFFFE000  }
0x2a6: {  	[tilespmem:s21], [sflag:$0x2] =	stream.indirect.gather [spmem:s1], $0x40, s8, s20, $0xb8;
	[tilespmem:$0x1F058] =	vst v63  }
0x2a7: {  	_ =	swait.ge [sflag:s28], $0x2000  }
0x2a8: {  	s4 =	sld [smem:$0x7F3]  }
0x2a9: {  	[sflag:s28] =	ssyncset.done $0x0  }
0x2aa: {  	[sflag:s28] =	ssyncadd.s32 $0xFFFFE000  }
0x2ab: {  	[hbm4b:s4+s0] =	stream.linear.scatter [tilespmem:s24], [sflag:$0x7], $0x2000, $0x38;
	[tilespmem:$0x1F058] =	vst v63  }
0x2ac: {  	_ =	swait.ge [sflag:s29], $0x2000  }
0x2ad: {  	[sflag:s29] =	ssyncset.done $0x0  }
0x2ae: {  	s5 =	simm.s32 $0x3700;
	[sflag:s29] =	ssyncadd.s32 $0xFFFFE000  }
0x2af: {  	[tilespmem:s22], [sflag:$0x3] =	stream.indirect.gather [spmem:s1], $0x40, s5, s20, $0xb8;
	[tilespmem:$0x1F058] =	vst v63  }
0x2b0: {  	_ =	swait.ge [sflag:s23], $0x2000  }
0x2b1: {  	s6 =	sld [smem:$0x7F4]  }
0x2b2: {  	[sflag:s23] =	ssyncset.done $0x0  }
0x2b3: {  	[sflag:s23] =	ssyncadd.s32 $0xFFFFE000  }
0x2b4: {  	[hbm4b:s6+s0] =	stream.linear.scatter [tilespmem:s21], [sflag:$0x5], $0x2000, $0x38;
	[tilespmem:$0x1F058] =	vst v63  }
0x2b5: {  	_ =	swait.ge [sflag:s30], $0x2000  }
0x2b6: {  	[sflag:s30] =	ssyncset.done $0x0  }
0x2b7: {  	s8 =	simm.s32 $0x3780;
	s4 =	simm.s32 $0x0;
	[sflag:s30] =	ssyncadd.s32 $0xFFFFE000  }
0x2b8: {  	[tilespmem:s24], [sflag:$0x4] =	stream.indirect.gather [spmem:s1], $0x40, s8, s20, $0xb8;
	[tilespmem:$0x1F058] =	vst v63  }
0x2b9: {  	v61 =	vld [tilespmem:s4+$0x1800];
	_ =	sdelay $0x4  }
0x2ba: {  	vm15 =	vlt.s32 v61, $0x1  }
0x2bb: {  	v62 =	vnsel vm15, $0x1, v61  }
0x2bc: {  	(xrf0) =	vadd.scan.msk.s32 $0xffff, v62;
	_ =	sdelay $0x5  }
0x2bd: {  	v63, _, _ =	vpop (xrf0)  }
0x2be: {  	v3 =	vadd.s32 s0, v63;
	(v2sf) =	vpush v63, $0xF  }
0x2bf: {  	s5 =	sand.u32 $0xE00, s0;
	v0 =	vmul.u32 $0x401, v61;
	v1 =	vmul.u32 v62, v3  }
0x2c0: {  	s6 =	sand.u32 $0x70, s0;
	s8 =	sshrl.u32 s5, $0x2  }
0x2c1: {  	s3 =	simm.s32 $0x10;
	s5 =	sor.u32 s6, s8;
	v0 =	vadd.s32 v0, v1  }
0x2c2: {  	s4 =	simm.s32 $0x40;
	s6 =	simm.s32 $0x10;
	[tilespmem:s5+$0x3800] =	vst v0;
	s5 =	simm.s32 $0x20  }
.LBB2_14:
0x2c3: {  	p1 =	sne.s32 s5, $0x3F0;
	v0 =	vld [tilespmem:s6+$0x1800];
	_ =	sdelay $0x4  }
0x2c4: {  	vm0 =	vlt.s32 v0, $0x1;
	v1 =	vmul.u32 $0x401, v0  }
0x2c5: {  	v0 =	vnsel vm0, $0x1, v0  }
0x2c6: {  	(xrf0) =	vadd.scan.msk.s32 $0xffff, v0;
	_ =	sdelay $0x2  }
0x2c7: {  	s6 =	spop (v2sf)  }
0x2c8: {  	s0 =	sadd.s32 s0, s6;
	_ =	sdelay $0x1  }
0x2c9: {  	v2, _, _ =	vpop (xrf0)  }
.Ltmp6:
0x2ca: {  	v3 =	vadd.s32 s0, v2;
	(v2sf) =	vpush v2, $0xF;
	(pc) =	sbr.rel @p1 .LBB2_14-.Ltmp6, $4  }
0x2cb: {  	s6 =	sand.u32 $0xE00, s4;
	v0 =	vmul.u32 v0, v3  }
0x2cc: {  	s8 =	sand.u32 $0x70, s3;
	s3 =	smov.u32 s5;
	s6 =	sshrl.u32 s6, $0x2  }
0x2cd: {  	s4 =	sadd.s32 $0x40, s4;
	s8 =	sor.u32 s8, s6;
	v0 =	vadd.s32 v1, v0  }
0x2ce: {  	s5 =	sadd.s32 $0x10, s5;
	s6 =	sshra.s32 s4, $0x2;
	[tilespmem:s8+$0x3800] =	vst v0  }
0x2cf: {  	v0 =	vld [tilespmem:s6+$0x1800];
	_ =	sdelay $0x4  }
0x2d0: {  	vm0 =	vlt.s32 v0, $0x1  }
0x2d1: {  	v1 =	vnsel vm0, $0x1, v0  }
0x2d2: {  	(xrf0) =	vadd.scan.msk.s32 $0xffff, v1;
	_ =	sdelay $0x5  }
0x2d3: {  	v2, _, _ =	vpop (xrf0)  }
0x2d4: {  	(v2sf) =	vpush v2, $0xF;
	_ =	sdelay $0x8  }
0x2d5: {  	s5 =	spop (v2sf)  }
0x2d6: {  	s0 =	sadd.s32 s0, s5  }
0x2d7: {  	v2 =	vadd.s32 s0, v2  }
0x2d8: {  	s8 =	sand.u32 $0xE00, s4;
	v0 =	vmul.u32 $0x401, v0;
	v1 =	vmul.u32 v1, v2  }
0x2d9: {  	s3 =	sand.u32 $0x70, s3;
	s0 =	sshrl.u32 s8, $0x2  }
0x2da: {  	s0 =	sor.u32 s3, s0;
	v0 =	vadd.s32 v0, v1  }
0x2db: {  	[tilespmem:s0+$0x3800] =	vst v0;
	s3 =	spop (v2sf)  }
0x2dc: {  	_ =	swait.ge [sflag:s25], $0x2000  }
0x2dd: {  	s4 =	sld [smem:$0x7F5]  }
0x2de: {  	[sflag:s25] =	ssyncset.done $0x0  }
0x2df: {  	s0 =	simm.s32 $0x0;
	[sflag:s25] =	ssyncadd.s32 $0xFFFFE000  }
0x2e0: {  	[hbm4b:s4+s0] =	stream.linear.scatter [tilespmem:s22], [sflag:$0x6], $0x2000, $0x38;
	[tilespmem:$0x1F058] =	vst v63  }
0x2e1: {  	_ =	swait.ge [sflag:s26], $0x2000  }
0x2e2: {  	[sflag:s26] =	ssyncset.done $0x0  }
0x2e3: {  	s5 =	simm.s32 $0x3800;
	[sflag:s26] =	ssyncadd.s32 $0xFFFFE000  }
0x2e4: {  	[tilespmem:s21], [sflag:$0x2] =	stream.indirect.gather [spmem:s1], $0x40, s5, s20, $0xb8;
	[tilespmem:$0x1F058] =	vst v63  }
0x2e5: {  	_ =	swait.ge [sflag:s28], $0x2000  }
0x2e6: {  	s6 =	sld [smem:$0x7F6]  }
0x2e7: {  	[sflag:s28] =	ssyncset.done $0x0  }
0x2e8: {  	[sflag:s28] =	ssyncadd.s32 $0xFFFFE000  }
0x2e9: {  	[hbm4b:s6+s0] =	stream.linear.scatter [tilespmem:s24], [sflag:$0x7], $0x2000, $0x38;
	[tilespmem:$0x1F058] =	vst v63  }
0x2ea: {  	_ =	swait.ge [sflag:s29], $0x2000  }
0x2eb: {  	[sflag:s29] =	ssyncset.done $0x0  }
0x2ec: {  	s8 =	simm.s32 $0x3880;
	[sflag:s29] =	ssyncadd.s32 $0xFFFFE000  }
0x2ed: {  	[tilespmem:s22], [sflag:$0x3] =	stream.indirect.gather [spmem:s1], $0x40, s8, s20, $0xb8;
	[tilespmem:$0x1F058] =	vst v63  }
0x2ee: {  	_ =	swait.ge [sflag:s23], $0x2000  }
0x2ef: {  	s4 =	sld [smem:$0x7F7]  }
0x2f0: {  	[sflag:s23] =	ssyncset.done $0x0  }
0x2f1: {  	[sflag:s23] =	ssyncadd.s32 $0xFFFFE000  }
0x2f2: {  	[hbm4b:s4+s0] =	stream.linear.scatter [tilespmem:s21], [sflag:$0x5], $0x2000, $0x38;
	[tilespmem:$0x1F058] =	vst v63  }
0x2f3: {  	_ =	swait.ge [sflag:s30], $0x2000  }
0x2f4: {  	[sflag:s30] =	ssyncset.done $0x0  }
0x2f5: {  	s5 =	simm.s32 $0x3900;
	[sflag:s30] =	ssyncadd.s32 $0xFFFFE000  }
0x2f6: {  	[tilespmem:s24], [sflag:$0x4] =	stream.indirect.gather [spmem:s1], $0x40, s5, s20, $0xb8;
	[tilespmem:$0x1F058] =	vst v63  }
0x2f7: {  	_ =	swait.ge [sflag:s25], $0x2000  }
0x2f8: {  	s6 =	sld [smem:$0x7F8]  }
0x2f9: {  	[sflag:s25] =	ssyncset.done $0x0  }
0x2fa: {  	[sflag:s25] =	ssyncadd.s32 $0xFFFFE000  }
0x2fb: {  	[hbm4b:s6+s0] =	stream.linear.scatter [tilespmem:s22], [sflag:$0x6], $0x2000, $0x38;
	[tilespmem:$0x1F058] =	vst v63  }
0x2fc: {  	_ =	swait.ge [sflag:s26], $0x2000  }
0x2fd: {  	[sflag:s26] =	ssyncset.done $0x0  }
0x2fe: {  	s8 =	simm.s32 $0x3980;
	[sflag:s26] =	ssyncadd.s32 $0xFFFFE000  }
0x2ff: {  	[tilespmem:s21], [sflag:$0x2] =	stream.indirect.gather [spmem:s1], $0x40, s8, s20, $0xb8;
	[tilespmem:$0x1F058] =	vst v63  }
0x300: {  	_ =	swait.ge [sflag:s28], $0x2000  }
0x301: {  	s4 =	sld [smem:$0x7F9]  }
0x302: {  	[sflag:s28] =	ssyncset.done $0x0  }
0x303: {  	[sflag:s28] =	ssyncadd.s32 $0xFFFFE000  }
0x304: {  	[hbm4b:s4+s0] =	stream.linear.scatter [tilespmem:s24], [sflag:$0x7], $0x2000, $0x38;
	[tilespmem:$0x1F058] =	vst v63  }
0x305: {  	_ =	swait.ge [sflag:s29], $0x2000  }
0x306: {  	[sflag:s29] =	ssyncset.done $0x0  }
0x307: {  	s5 =	simm.s32 $0x3A00;
	[sflag:s29] =	ssyncadd.s32 $0xFFFFE000  }
0x308: {  	[tilespmem:s22], [sflag:$0x3] =	stream.indirect.gather [spmem:s1], $0x40, s5, s20, $0xb8;
	[tilespmem:$0x1F058] =	vst v63  }
0x309: {  	_ =	swait.ge [sflag:s23], $0x2000  }
0x30a: {  	s6 =	sld [smem:$0x7FA]  }
0x30b: {  	[sflag:s23] =	ssyncset.done $0x0  }
0x30c: {  	[sflag:s23] =	ssyncadd.s32 $0xFFFFE000  }
0x30d: {  	[hbm4b:s6+s0] =	stream.linear.scatter [tilespmem:s21], [sflag:$0x5], $0x2000, $0x38;
	[tilespmem:$0x1F058] =	vst v63  }
0x30e: {  	_ =	swait.ge [sflag:s30], $0x2000  }
0x30f: {  	[sflag:s30] =	ssyncset.done $0x0  }
0x310: {  	s8 =	simm.s32 $0x3A80;
	[sflag:s30] =	ssyncadd.s32 $0xFFFFE000  }
0x311: {  	[tilespmem:s24], [sflag:$0x4] =	stream.indirect.gather [spmem:s1], $0x40, s8, s20, $0xb8;
	[tilespmem:$0x1F058] =	vst v63  }
0x312: {  	_ =	swait.ge [sflag:s25], $0x2000  }
0x313: {  	s4 =	sld [smem:$0x7FB]  }
0x314: {  	[sflag:s25] =	ssyncset.done $0x0  }
0x315: {  	[sflag:s25] =	ssyncadd.s32 $0xFFFFE000  }
0x316: {  	[hbm4b:s4+s0] =	stream.linear.scatter [tilespmem:s22], [sflag:$0x6], $0x2000, $0x38;
	[tilespmem:$0x1F058] =	vst v63  }
0x317: {  	_ =	swait.ge [sflag:s26], $0x2000  }
0x318: {  	[sflag:s26] =	ssyncset.done $0x0  }
0x319: {  	s5 =	simm.s32 $0x3B00;
	[sflag:s26] =	ssyncadd.s32 $0xFFFFE000  }
0x31a: {  	[tilespmem:s21], [sflag:$0x2] =	stream.indirect.gather [spmem:s1], $0x40, s5, s20, $0xb8;
	[tilespmem:$0x1F058] =	vst v63  }
0x31b: {  	_ =	swait.ge [sflag:s28], $0x2000  }
0x31c: {  	s6 =	sld [smem:$0x7FC]  }
0x31d: {  	[sflag:s28] =	ssyncset.done $0x0  }
0x31e: {  	[sflag:s28] =	ssyncadd.s32 $0xFFFFE000  }
0x31f: {  	[hbm4b:s6+s0] =	stream.linear.scatter [tilespmem:s24], [sflag:$0x7], $0x2000, $0x38;
	[tilespmem:$0x1F058] =	vst v63  }
0x320: {  	_ =	swait.ge [sflag:s29], $0x2000  }
0x321: {  	[sflag:s29] =	ssyncset.done $0x0  }
0x322: {  	s8 =	simm.s32 $0x3B80;
	s4 =	simm.s32 $0x0;
	[sflag:s29] =	ssyncadd.s32 $0xFFFFE000  }
0x323: {  	[tilespmem:s22], [sflag:$0x3] =	stream.indirect.gather [spmem:s1], $0x40, s8, s20, $0xb8;
	[tilespmem:$0x1F058] =	vst v63  }
0x324: {  	v61 =	vld [tilespmem:s4+$0x1C00];
	_ =	sdelay $0x4  }
0x325: {  	vm15 =	vlt.s32 v61, $0x1  }
0x326: {  	v62 =	vnsel vm15, $0x1, v61  }
0x327: {  	(xrf0) =	vadd.scan.msk.s32 $0xffff, v62;
	_ =	sdelay $0x5  }
0x328: {  	v63, _, _ =	vpop (xrf0)  }
0x329: {  	v3 =	vadd.s32 s0, v63;
	(v2sf) =	vpush v63, $0xF  }
0x32a: {  	s5 =	sand.u32 $0xE00, s0;
	v0 =	vmul.u32 $0x401, v61;
	v1 =	vmul.u32 v62, v3  }
0x32b: {  	s6 =	sand.u32 $0x70, s0;
	s8 =	sshrl.u32 s5, $0x2  }
0x32c: {  	s3 =	simm.s32 $0x10;
	s5 =	sor.u32 s6, s8;
	v0 =	vadd.s32 v0, v1  }
0x32d: {  	s4 =	simm.s32 $0x40;
	s6 =	simm.s32 $0x10;
	[tilespmem:s5+$0x3C00] =	vst v0;
	s5 =	simm.s32 $0x20  }
.LBB2_16:
0x32e: {  	p1 =	sne.s32 s5, $0x3F0;
	v0 =	vld [tilespmem:s6+$0x1C00];
	_ =	sdelay $0x4  }
0x32f: {  	vm0 =	vlt.s32 v0, $0x1;
	v1 =	vmul.u32 $0x401, v0  }
0x330: {  	v0 =	vnsel vm0, $0x1, v0  }
0x331: {  	(xrf0) =	vadd.scan.msk.s32 $0xffff, v0;
	_ =	sdelay $0x2  }
0x332: {  	s6 =	spop (v2sf)  }
0x333: {  	s0 =	sadd.s32 s0, s6;
	_ =	sdelay $0x1  }
0x334: {  	v2, _, _ =	vpop (xrf0)  }
.Ltmp7:
0x335: {  	v3 =	vadd.s32 s0, v2;
	(v2sf) =	vpush v2, $0xF;
	(pc) =	sbr.rel @p1 .LBB2_16-.Ltmp7, $4  }
0x336: {  	s6 =	sand.u32 $0xE00, s4;
	v0 =	vmul.u32 v0, v3  }
0x337: {  	s8 =	sand.u32 $0x70, s3;
	s3 =	smov.u32 s5;
	s6 =	sshrl.u32 s6, $0x2  }
0x338: {  	s4 =	sadd.s32 $0x40, s4;
	s8 =	sor.u32 s8, s6;
	v0 =	vadd.s32 v1, v0  }
0x339: {  	s5 =	sadd.s32 $0x10, s5;
	s6 =	sshra.s32 s4, $0x2;
	[tilespmem:s8+$0x3C00] =	vst v0  }
0x33a: {  	v0 =	vld [tilespmem:s6+$0x1C00];
	_ =	sdelay $0x4  }
0x33b: {  	vm0 =	vlt.s32 v0, $0x1  }
0x33c: {  	v1 =	vnsel vm0, $0x1, v0  }
0x33d: {  	(xrf0) =	vadd.scan.msk.s32 $0xffff, v1;
	_ =	sdelay $0x5  }
0x33e: {  	v2, _, _ =	vpop (xrf0)  }
0x33f: {  	(v2sf) =	vpush v2, $0xF;
	_ =	sdelay $0x8  }
0x340: {  	s5 =	spop (v2sf)  }
0x341: {  	s0 =	sadd.s32 s0, s5  }
0x342: {  	v2 =	vadd.s32 s0, v2  }
0x343: {  	s8 =	sand.u32 $0xE00, s4;
	v0 =	vmul.u32 $0x401, v0;
	v1 =	vmul.u32 v1, v2  }
0x344: {  	s3 =	sand.u32 $0x70, s3;
	s0 =	sshrl.u32 s8, $0x2  }
0x345: {  	s0 =	sor.u32 s3, s0;
	v0 =	vadd.s32 v0, v1  }
0x346: {  	[tilespmem:s0+$0x3C00] =	vst v0;
	s3 =	spop (v2sf)  }
0x347: {  	_ =	swait.ge [sflag:s23], $0x2000  }
0x348: {  	s0 =	sld [smem:$0x7FD]  }
0x349: {  	[sflag:s23] =	ssyncset.done $0x0  }
0x34a: {  	[sflag:s23] =	ssyncadd.s32 $0xFFFFE000  }
0x34b: {  	[hbm4b:s0+s2] =	stream.linear.scatter [tilespmem:s21], [sflag:$0x5], $0x2000, $0x38;
	[tilespmem:$0x1F058] =	vst v63  }
0x34c: {  	_ =	swait.ge [sflag:s30], $0x2000  }
0x34d: {  	[sflag:s30] =	ssyncset.done $0x0  }
0x34e: {  	s4 =	simm.s32 $0x3C00;
	[sflag:s30] =	ssyncadd.s32 $0xFFFFE000  }
0x34f: {  	[tilespmem:s24], [sflag:$0x4] =	stream.indirect.gather [spmem:s1], $0x40, s4, s20, $0xb8;
	[tilespmem:$0x1F058] =	vst v63  }
0x350: {  	_ =	swait.ge [sflag:s25], $0x2000  }
0x351: {  	[sflag:s25] =	ssyncset.done $0x0  }
0x352: {  	[sflag:s25] =	ssyncadd.s32 $0xFFFFE000  }
0x353: {  	[hbm4b:s9+s2] =	stream.linear.scatter [tilespmem:s22], [sflag:$0x6], $0x2000, $0x38;
	[tilespmem:$0x1F058] =	vst v63  }
0x354: {  	_ =	swait.ge [sflag:s26], $0x2000  }
0x355: {  	[sflag:s26] =	ssyncset.done $0x0  }
0x356: {  	s5 =	simm.s32 $0x3C80;
	[sflag:s26] =	ssyncadd.s32 $0xFFFFE000  }
0x357: {  	[tilespmem:s21], [sflag:$0x2] =	stream.indirect.gather [spmem:s1], $0x40, s5, s20, $0xb8;
	[tilespmem:$0x1F058] =	vst v63  }
0x358: {  	_ =	swait.ge [sflag:s28], $0x2000  }
0x359: {  	[sflag:s28] =	ssyncset.done $0x0  }
0x35a: {  	[sflag:s28] =	ssyncadd.s32 $0xFFFFE000  }
0x35b: {  	[hbm4b:s10+s2] =	stream.linear.scatter [tilespmem:s24], [sflag:$0x7], $0x2000, $0x38;
	[tilespmem:$0x1F058] =	vst v63  }
0x35c: {  	_ =	swait.ge [sflag:s29], $0x2000  }
0x35d: {  	[sflag:s29] =	ssyncset.done $0x0  }
0x35e: {  	s6 =	simm.s32 $0x3D00;
	[sflag:s29] =	ssyncadd.s32 $0xFFFFE000  }
0x35f: {  	[tilespmem:s22], [sflag:$0x3] =	stream.indirect.gather [spmem:s1], $0x40, s6, s20, $0xb8;
	[tilespmem:$0x1F058] =	vst v63  }
0x360: {  	_ =	swait.ge [sflag:s23], $0x2000  }
0x361: {  	[sflag:s23] =	ssyncset.done $0x0  }
0x362: {  	[sflag:s23] =	ssyncadd.s32 $0xFFFFE000  }
0x363: {  	[hbm4b:s11+s2] =	stream.linear.scatter [tilespmem:s21], [sflag:$0x5], $0x2000, $0x38;
	[tilespmem:$0x1F058] =	vst v63  }
0x364: {  	_ =	swait.ge [sflag:s30], $0x2000  }
0x365: {  	[sflag:s30] =	ssyncset.done $0x0  }
0x366: {  	s8 =	simm.s32 $0x3D80;
	[sflag:s30] =	ssyncadd.s32 $0xFFFFE000  }
0x367: {  	[tilespmem:s24], [sflag:$0x4] =	stream.indirect.gather [spmem:s1], $0x40, s8, s20, $0xb8;
	[tilespmem:$0x1F058] =	vst v63  }
0x368: {  	_ =	swait.ge [sflag:s25], $0x2000  }
0x369: {  	[sflag:s25] =	ssyncset.done $0x0  }
0x36a: {  	[sflag:s25] =	ssyncadd.s32 $0xFFFFE000  }
0x36b: {  	[hbm4b:s12+s2] =	stream.linear.scatter [tilespmem:s22], [sflag:$0x6], $0x2000, $0x38;
	[tilespmem:$0x1F058] =	vst v63  }
0x36c: {  	_ =	swait.ge [sflag:s26], $0x2000  }
0x36d: {  	[sflag:s26] =	ssyncset.done $0x0  }
0x36e: {  	s3 =	simm.s32 $0x3E00;
	[sflag:s26] =	ssyncadd.s32 $0xFFFFE000  }
0x36f: {  	[tilespmem:s21], [sflag:$0x2] =	stream.indirect.gather [spmem:s1], $0x40, s3, s20, $0xb8;
	[tilespmem:$0x1F058] =	vst v63  }
0x370: {  	_ =	swait.ge [sflag:s28], $0x2000  }
0x371: {  	[sflag:s28] =	ssyncset.done $0x0  }
0x372: {  	[sflag:s28] =	ssyncadd.s32 $0xFFFFE000  }
0x373: {  	[hbm4b:s13+s2] =	stream.linear.scatter [tilespmem:s24], [sflag:$0x7], $0x2000, $0x38;
	[tilespmem:$0x1F058] =	vst v63  }
0x374: {  	_ =	swait.ge [sflag:s29], $0x2000  }
0x375: {  	[sflag:s29] =	ssyncset.done $0x0  }
0x376: {  	s4 =	simm.s32 $0x3E80;
	[sflag:s29] =	ssyncadd.s32 $0xFFFFE000  }
0x377: {  	[tilespmem:s22], [sflag:$0x3] =	stream.indirect.gather [spmem:s1], $0x40, s4, s20, $0xb8;
	[tilespmem:$0x1F058] =	vst v63  }
0x378: {  	_ =	swait.ge [sflag:s23], $0x2000  }
0x379: {  	[sflag:s23] =	ssyncset.done $0x0  }
0x37a: {  	[sflag:s23] =	ssyncadd.s32 $0xFFFFE000  }
0x37b: {  	[hbm4b:s14+s2] =	stream.linear.scatter [tilespmem:s21], [sflag:$0x5], $0x2000, $0x38;
	[tilespmem:$0x1F058] =	vst v63  }
0x37c: {  	_ =	swait.ge [sflag:s30], $0x2000  }
0x37d: {  	[sflag:s30] =	ssyncset.done $0x0  }
0x37e: {  	s5 =	simm.s32 $0x3F00;
	[sflag:s30] =	ssyncadd.s32 $0xFFFFE000  }
0x37f: {  	[tilespmem:s24], [sflag:$0x4] =	stream.indirect.gather [spmem:s1], $0x40, s5, s20, $0xb8;
	[tilespmem:$0x1F058] =	vst v63  }
0x380: {  	_ =	swait.ge [sflag:s25], $0x2000  }
0x381: {  	[sflag:s25] =	ssyncset.done $0x0  }
0x382: {  	[sflag:s25] =	ssyncadd.s32 $0xFFFFE000  }
0x383: {  	[hbm4b:s15+s2] =	stream.linear.scatter [tilespmem:s22], [sflag:$0x6], $0x2000, $0x38;
	[tilespmem:$0x1F058] =	vst v63  }
0x384: {  	_ =	swait.ge [sflag:s26], $0x2000  }
0x385: {  	[sflag:s26] =	ssyncset.done $0x0  }
0x386: {  	s6 =	simm.s32 $0x3F80;
	[sflag:s26] =	ssyncadd.s32 $0xFFFFE000  }
0x387: {  	[tilespmem:s21], [sflag:$0x2] =	stream.indirect.gather [spmem:s1], $0x40, s6, s20, $0xb8;
	[tilespmem:$0x1F058] =	vst v63  }
0x388: {  	_ =	swait.ge [sflag:s28], $0x2000  }
0x389: {  	[sflag:s28] =	ssyncset.done $0x0  }
0x38a: {  	[sflag:s28] =	ssyncadd.s32 $0xFFFFE000  }
0x38b: {  	[hbm4b:s16+s2] =	stream.linear.scatter [tilespmem:s24], [sflag:$0x7], $0x2000, $0x38;
	[tilespmem:$0x1F058] =	vst v63  }
0x38c: {  	_ =	swait.ge [sflag:s23], $0x2000  }
0x38d: {  	[sflag:s23] =	ssyncset.done $0x0  }
0x38e: {  	[sflag:s23] =	ssyncadd.s32 $0xFFFFE000  }
0x38f: {  	[hbm4b:s17+s2] =	stream.linear.scatter [tilespmem:s21], [sflag:$0x5], $0x2000, $0x38;
	[tilespmem:$0x1F058] =	vst v63  }
0x390: {  	_ =	swait.ge [sflag:s30], $0x2000  }
0x391: {  	[sflag:s30] =	ssyncset.done $0x0  }
0x392: {  	[sflag:s30] =	ssyncadd.s32 $0xFFFFE000  }
0x393: {  	_ =	swait.ge [sflag:s26], $0x2000  }
0x394: {  	s31 =	sadd.s32 $0x1, s31;
	s8 =	rddreg [dreg:$0x17]  }
0x395: {  	p1 =	sne.s32 s31, s8  }
.Ltmp8:
0x396: {  	_ = 	snop;
	(pc) =	sbr.rel @p1 .LBB2_1-.Ltmp8, $3  }
0x397: {  	_ =	sdelay $0x1  }
0x398: {  	[sflag:s26] =	ssyncset.done $0x0  }
0x399: {  	[sflag:s26] =	ssyncadd.s32 $0xFFFFE000  }
0x39a: {  	_ =	sfence.sel $0x180000  }
0x39b: {  	[bflag:$0x0] =	sbarrier.arrive $0xFFFF  }
0x39c: {  	_ =	strace $0x90000047  }
0x39d: {  	[bflag:$0x2] =	sbarrier.arrive $0xFFFF  }
0x39e: {  	s0 =	rddreg [dreg:$0x3]  }
0x39f: {  	s0 =	sadd.s32 @!p0 $0x100000, s0  }
0x3a0: {  	[sflag:s0] =	ssyncadd.tile.s32 @!p0 $0x1;
	_ =	shalt  }
.Lfunc_end2:
_tile_overlayer_lowered:
.L_overlay_start_2:
0x3a1: {  	(tag) =	ssettag $0x2  }
0x3a2: {  	s0 =	rddreg [dreg:$0x0];
	s2 =	stileid.u32  }
0x3a3: {  	s1 =	rddreg [dreg:$0x1];
	p0 =	sne.s32 s2, $0x0  }
0x3a4: {  	s3 =	rddreg [dreg:$0x2];
	[bflag:$0x3] =	sbarrier.arrive $0xFFFF;
	s2 =	simm.s32 @!p0 $0x1C08  }
0x3a5: {  	[timem:s3], [sflag:s2] =	dma.local @!p0 [hbm:s0], s1  }
0x3a6: {  	s0 =	simm.s32 @!p0 $0x8  }
0x3a7: {  	_ =	swait.ge @!p0 [sflag:s0], s1  }
0x3a8: {  	s1 =	ssub.s32 @!p0 $0x0, s1;
	[sflag:s0] =	ssyncset.done @!p0 $0x0  }
0x3a9: {  	[sflag:s0] =	ssyncadd.s32 @!p0 s1  }
0x3aa: {  	[bflag:$0x3] =	sbarrier.arrive $0xFFFF  }
0x3ab: {  	_ =	shalt  }

// kernel: sparse-core-data-format-call.cloned.1.call-start
scs
called_computation_lowered:
.L_overlay_start_0:
0x0: {  	s2 =	sld [smem:$0x3FD9]  }
0x1: {  	s3 =	sld [smem:$0x3FFE];
	_ =	sdelay $0x1  }
0x2: {  	s1 =	srdreg.scid  }
0x3: {  	s0 =	sand.u32 $0x1, s1  }
0x4: {  	s18 =	sshll.u32 s0, $0xA;
	s2 =	sadd.s32 s3, s2  }
0x5: {  	s2 =	sadd.s32 s2, s18  }
0x6: {  	[smem:$0x3FC5] =	sst s2  }
0x7: {  	_ = 	snop  }
0x8: {  	s2 =	sld [smem:$0x3FD0];
	(tm) =	ssettm $0x1  }
0x9: {  	s19 =	sld [smem:$0x3FFB];
	_ =	sdelay $0x3  }
0xa: {  	_ =	strace s19  }
0xb: {  	s3 =	sld [smem:$0x3FFC];
	_ =	sdelay $0x3  }
0xc: {  	_ =	strace s3  }
0xd: {  	s3 =	sld [smem:$0x3FFD];
	_ =	sdelay $0x3  }
0xe: {  	_ =	strace s3  }
0xf: {  	_ =	strace $0x8FFFFFFF  }
0x10: {  	s20 =	sld [smem:$0x3FDB];
	_ =	sdelay $0x1  }
0x11: {  	s4 =	simm.s32 $_scs_section_size  }
0x12: {  	s5 =	simm.s32 $_size__tile_overlayer_lowered;
	s6 =	simm.s32 $_tile_overlayer_lowered  }
0x13: {  	s23 =	simm.s32 $0x1BFF;
	s22 =	sshll.u32 s6, $0x1;
	s3 =	sadd.s32 s4, s20  }
0x14: {  	s7 =	simm.s32 $0x0;
	s21 =	sshll.u32 s5, $0x1;
	s5 =	sadd.s32 s22, s3  }
0x15: {  	[timem:s7], [sflag:s23] =	dma.local [hbm:s5], s21  }
0x16: {  	_ =	swait.ge [sflag:s23], s21  }
0x17: {  	s4 =	ssub.s32 $0x0, s21;
	[sflag:s23] =	ssyncset.done $0x0  }
0x18: {  	[sflag:s23] =	ssyncadd.s32 s4;
	_ =	sdelay $0x1  }
0x19: {  	s24 =	simm.s32 $0x1B8B  }
0x1a: {  	_ =	swait.ge [sflag:s24], $0x1  }
0x1b: {  	[sflag:s24] =	ssyncset.done $0x0  }
0x1c: {  	s26 =	simm.s32 $0x1B8E;
	s25 =	sld [smem:$0x3FFE];
	[sflag:s24] =	ssyncadd.s32 $0xFFFFFFFF  }
0x1d: {  	s27 =	simm.s32 $execute0_lowered;
	[smem:$0x3FD2] =	sst s26  }
0x1e: {  	s5 =	sshll.u32 s27, $0x1;
	_ =	strace $0x80000049;
	[dreg:$0x1] =	wrdreg $0xFFFFFFFF  }
0x1f: {  	s28 =	simm.s32 $_size_execute0_lowered;
	s3 =	sadd.s32 s3, s5;
	[dreg:$0x0] =	wrdreg $0x0  }
0x20: {  	s5 =	sshll.u32 s28, $0x1;
	[dreg:$0x2] =	wrdreg s3  }
0x21: {  	[dreg:$0x3] =	wrdreg s5  }
0x22: {  	[dreg:$0x4] =	wrdreg $0xC0  }
0x23: {  	_ =	task [dreg:s7], $0x5FFFF  }
0x24: {  	[dreg:$0x1] =	wrdreg $0xFFFFFFFF  }
0x25: {  	[dreg:$0x0] =	wrdreg $0x60  }
0x26: {  	[dreg:$0x2] =	wrdreg s25  }
0x27: {  	[dreg:$0x3] =	wrdreg s2  }
0x28: {  	[dreg:$0x4] =	wrdreg $0x9  }
0x29: {  	_ =	task.clear_ibuf [dreg:s7], $0x5FFFF;
	_ =	strace $0x90000049  }
0x2a: {  	s29 =	simm.s32 $0x9;
	_ =	strace $0x8000004B  }
0x2b: {  	_ =	swait.ge [sflag:s29], $0x1  }
0x2c: {  	[sflag:s29] =	ssyncadd.s32 $0xFFFFFFFF  }
0x2d: {  	_ =	strace $0x9000004B  }
0x2e: {  	_ =	sfence  }
0x2f: {  	s30 =	sld [smem:$0x0];
	_ =	sdelay $0x2  }
0x30: {  	s31 =	sshll.u32 s1, $0xD;
	s1 =	sshrl.u32 s1, $0x2  }
0x31: {  	s3 =	sand.u32 $0x4000, s31;
	s1 =	sadd.s32 s1, s30  }
0x32: {  	s0 =	sor.u32 s3, s0;
	s1 =	sshll.u32 s1, $0x11  }
0x33: {  	s0 =	sor.u32 s1, s0  }
0x34: {  	s0 =	sadd.s32 $0x8F2B, s0  }
0x35: {  	[sflag:s0] =	ssyncadd.remote.s32 $0x1  }
0x36: {  	_ =	sfence.sel $0xFFFF  }
0x37: {  	[dreg:$0x0] =	wrdreg $0xFFFFFFFF;
	(pc) =	sbr.abs _section_cstart, $3  }
0x38: {  	[dreg:$0x1] =	wrdreg $0xFFFFFFFF  }
0x39: {  	_ =	task.clear_ibuf [dreg:s7], $0x2FFFF;
	_ =	strace $0x9FFFFFFF  }
0x3a: {  	(tm) =	ssettm $0x7FFFFFFF  }
0x3b: {  	_ =	shalt  }
tec
execute0_lowered:
.L_overlay_start_1:
0x0: {  	(tag) =	ssettag $0x1  }
0x1: {  	s1 =	srdreg.scid;
	s8 =	rddreg [dreg:$0x0]  }
0x2: {  	s0 =	stileid.u32;
	s4 =	rddreg [dreg:$0x1]  }
0x3: {  	s31 =	simm.s32 $0x2;
	s15 =	simm.s32 $0x0;
	s1 =	sshll.u32 s1, $0x4  }
0x4: {  	s10 =	simm.s32 $0x2000;
	s16 =	simm.s32 $0x0;
	s1 =	sor.u32 s0, s1  }
0x5: {  	s17 =	simm.s32 $0x0;
	s2 =	sand.u32 $0x1, s0;
	s1 =	sand.u32 $0x1E, s1  }
0x6: {  	s11 =	simm.s32 $0x0;
	s5 =	ssub.s32 $0x2, s2;
	s3 =	ssub.s32 $0x80, s1  }
0x7: {  	s14 =	simm.s32 $0x0;
	s7 =	sshrl.u32 s5, $0x1;
	s6 =	sand.u32 $0x1E, s3  }
0x8: {  	s5 =	sand.u32 $0x1, s5;
	p0 =	sne.s32 s6, $0x0;
	s6 =	simm.s32 $0x1  }
0x9: {  	s7 =	sadd.s32 s5, s7;
	s9 =	sshrl.u32 s3, $0x5;
	s6 =	simm.s32 @!p0 $0x0  }
.Ltmp0:
0xa: {  	s5 =	simm.s32 $0x1;
	s6 =	sadd.s32 s6, s9;
	(pc) =	sbr.rel .LBB1_1-.Ltmp0, $4  }
0xb: {  	s3 =	rddreg [dreg:$0x2];
	_ =	strace $0x8000004A;
	s7 =	smul.u32 s6, s7  }
0xc: {  	s13 =	smov.u32 s2;
	s12 =	smov.u32 s1;
	[sflag:s5] =	ssyncpa.u1 $0x0  }
0xd: {  	[sflag:s31] =	ssyncpa.u1 $0x0;
	p0 =	por $0x0, $0x0;
	s7 =	sshll.u32 s7, $0x3  }
0xe: {  	s6 =	sadd.s32 $0xA00, s8;
	s8 =	sadd.s32 $0x4A00, s8;
	s9 =	sor.u32 $0x1, s7  }
.LBB1_7:
0xf: {  	s18 =	sadd.s32 $0x80, s11  }
0x10: {  	s15 =	sadd.s32 $0x20, s12;
	s19 =	smov.u32 s12;
	p2 =	sgt.s32 s18, $0x3FF  }
0x11: {  	s19 =	smov.u32 @p2 s15  }
0x12: {  	s21 =	smov.u32 s13;
	s15 =	sadd.s32 $0x2, s13;
	p3 =	sgt.s32 s19, $0x7F  }
0x13: {  	s21 =	smov.u32 @p3 s15  }
0x14: {  	s18 =	simm.s32 @p2 $0x0;
	p2 =	sgt.s32 s21, $0x1  }
0x15: {  	p1 =	slt.u32 s14, $0x2;
	s21 =	smov.u32 @p2 s2;
	p2 =	sne.s32 s14, s9  }
.Ltmp1:
0x16: {  	s20 =	simm.s32 @!p1 $0x2;
	(pc) =	sbr.rel @!p2 .LBB1_8-.Ltmp1, $4  }
0x17: {  	s16 =	smov.u32 s12;
	s17 =	smov.u32 s13;
	_ =	swait.ge @!p1 [sflag:s20], $0x4000  }
0x18: {  	p0 =	por !p0, !p0;
	[sflag:s20] =	ssyncset.done @!p1 $0x0;
	s19 =	smov.u32 @p3 s1  }
0x19: {  	s15 =	smov.u32 s11;
	[sflag:s20] =	ssyncadd.s32 @!p1 $0xFFFFC000;
	s11 =	smov.u32 s18  }
0x1a: {  	s12 =	smov.u32 s19;
	s14 =	sadd.s32 $0x1, s14;
	s13 =	smov.u32 s21  }
.LBB1_1:
0x1b: {  	p1 =	sge.u32 s14, s7  }
0x1c: {  	s18 =	sxor.u32 @!p1 $0xFFFFFFFF, s14;
	s19 =	sshll.u32 @!p1 s13, $0x15  }
0x1d: {  	s20 =	sshll.u32 @!p1 s12, $0xE;
	s22 =	sshll.u32 @!p1 s11, $0x4;
	s23 =	simm.s32 @!p1 $0x40  }
0x1e: {  	s24 =	simm.s32 @!p1 $0x80;
	s18 =	sshll.u32 @!p1 s18, $0xE;
	s21 =	sadd.s32 @!p1 s19, s20  }
0x1f: {  	s22 =	sand.u32 @!p1 $0x3FF0, s22;
	s19 =	sadd.s32 @!p1 s19, s8;
	s21 =	sadd.s32 @!p1 s6, s21  }
0x20: {  	s18 =	sand.u32 @!p1 $0x4000, s18;
	s19 =	sadd.s32 @!p1 s20, s19;
	s21 =	sadd.s32 @!p1 s22, s21  }
0x21: {  	[tilespmem:s18], [sflag:$0x1] =	stream.strided.gather @!p1 [hbm4b:s21+s23], $0x2000, s24, s23, $0x38;
	[tilespmem:$0x10100] =	vst v63  }
0x22: {  	s31 =	sadd.s32 $0xFFFFFFFF, s14;
	s19 =	sadd.s32 @!p1 s22, s19;
	s18 =	sor.u32 @!p1 $0x2000, s18  }
0x23: {  	[tilespmem:s18], [sflag:$0x1] =	stream.strided.gather @!p1 [hbm4b:s19+s23], $0x2000, s24, s23, $0x38;
	[tilespmem:$0x10100] =	vst v63  }
0x24: {  	p1 =	sge.u32 s31, s7  }
.Ltmp2:
0x25: {  	_ = 	snop;
	(pc) =	sbr.rel @p1 .LBB1_7-.Ltmp2, $1  }
0x26: {  	_ =	sdelay $0x3  }
0x27: {  	s18 =	simm.s32 $0x1;
	s20 =	sand.u32 $0x1, s14  }
0x28: {  	_ =	swait.ge [sflag:s5], $0x4000;
	s18 =	simm.s32 @!p0 $0x0;
	s20 =	smul.u32 $0x10200, s20  }
0x29: {  	p2 =	por $0x1, $0x1;
	[sflag:s5] =	ssyncset.done $0x0;
	s19 =	smul.u32 $0x10200, s18  }
0x2a: {  	s21 =	sshll.u32 s18, $0x10;
	[sflag:s5] =	ssyncadd.s32 $0xFFFFC000;
	s30 =	sshrl.u32 s20, $0x2  }
0x2b: {  	s31 =	sshrl.u32 s21, $0x2;
	s21 =	simm.s32 $0x0;
	s19 =	sshrl.u32 s19, $0x2  }
0x2c: {  	s18 =	sor.u32 $0x8000, s30;
	s20 =	sadd.s32 $0x20, s31;
	s19 =	sor.u32 $0x8000, s19  }
.LBB1_3:
0x2d: {  	s22 =	sshll.u32 s21, $0xD  }
0x2e: {  	s22 =	sand.u32 $0x3FFFE000, s22  }
0x2f: {  	s24 =	sadd.s32 s22, s20  }
0x30: {  	s31 =	smul.u32 $0x8100, s21;
	v3 =	vld [tilespmem:s24+$0x10]  }
0x31: {  	v1 =	vld [tilespmem:s24+$0xFFFFFFF0]  }
0x32: {  	s21 =	sshra.s32 s31, $0x2;
	v0 =	vld [tilespmem:s24+$0x0]  }
0x33: {  	s21 =	sadd.s32 s21, s19;
	v2 =	vld [tilespmem:s24+$0xFFFFFFE0]  }
0x34: {  	s22 =	sadd.s32 $0x0, s21  }
0x35: {  	p1 =	por p2, p2;
	s23 =	simm.s32 $0x4;
	s24 =	sadd.s32 $0x40, s24;
	[tilespmem:s22+$0x1830 ss:$0x81] =	vst.msk $0xffff, v3  }
.LBB1_4:
0x36: {  	v3 =	vld [tilespmem:s24+$0x10];
	p2 =	sne.s32 s23, $0x1FC;
	[tilespmem:s22+$0x810 ss:$0x81] =	vst.msk $0xffff, v1;
	s25 =	smov.u32 s23;
	s23 =	sadd.s32 $0x4, s23  }
.Ltmp3:
0x37: {  	v1 =	vld [tilespmem:s24+$0xFFFFFFF0];
	[tilespmem:s22+$0x1020 ss:$0x81] =	vst.msk $0xffff, v0;
	(pc) =	sbr.rel @p2 .LBB1_4-.Ltmp3, $4  }
0x38: {  	v0 =	vld [tilespmem:s24+$0x0];
	[tilespmem:s22+$0x0 ss:$0x81] =	vst.msk $0xffff, v2  }
0x39: {  	s22 =	sshra.s32 s25, $0x2;
	v2 =	vld [tilespmem:s24+$0xFFFFFFE0]  }
0x3a: {  	s22 =	sadd.s32 s22, s21  }
0x3b: {  	s24 =	sadd.s32 $0x40, s24;
	[tilespmem:s22+$0x1830 ss:$0x81] =	vst.msk $0xffff, v3  }
.Ltmp4:
0x3c: {  	(pc) =	sbr.rel @p1 .LBB1_3-.Ltmp4, $4  }
0x3d: {  	_ = 	snop  }
0x3e: {  	[tilespmem:s22+$0x810 ss:$0x81] =	vst.msk $0xffff, v1  }
0x3f: {  	[tilespmem:s22+$0x1020 ss:$0x81] =	vst.msk $0xffff, v0  }
0x40: {  	s21 =	simm.s32 $0x1;
	p2 =	por $0x0, $0x0;
	[tilespmem:s22+$0x0 ss:$0x81] =	vst.msk $0xffff, v2  }
0x41: {  	s17 =	sshll.u32 s17, $0x14;
	s19 =	sand.u32 $0x1F80, s15  }
.Ltmp5:
0x42: {  	s16 =	sshll.u32 s16, $0xD;
	s17 =	sadd.s32 s4, s17;
	(pc) =	sbr.rel .LBB1_7-.Ltmp5, $4  }
0x43: {  	s20 =	sshrl.u32 s15, $0x3;
	s30 =	sand.u32 $0x7, s15;
	s16 =	sadd.s32 s16, s17  }
0x44: {  	s31 =	sand.u32 $0xF, s20;
	s15 =	sshll.u32 s30, $0x12;
	s16 =	sadd.s32 s19, s16  }
0x45: {  	s15 =	sor.u32 $0x400, s15;
	s16 =	sadd.s32 s31, s16  }
0x46: {  	[hbm4b:s16+s15] =	stream.strided.scatter [tilespmem:s18], [sflag:$0x2], $0x4000, s10, s15, $0x20;
	[tilespmem:$0x10100] =	vst v63  }
.LBB1_8:
0x47: {  	_ =	sfence.sel $0x180000  }
0x48: {  	s1 =	simm.s32 $0x1;
	[bflag:$0x0] =	sbarrier.arrive $0xFFFF  }
0x49: {  	s31 =	simm.s32 $0x2;
	[sflag:s1] =	ssyncpa.u1 $0x1  }
0x4a: {  	[sflag:s31] =	ssyncpa.u1 $0x1  }
0x4b: {  	p0 =	sne.s32 s0, $0x0;
	_ =	strace $0x9000004A  }
0x4c: {  	s0 =	sadd.s32 @!p0 $0x100000, s3;
	[bflag:$0x2] =	sbarrier.arrive $0xFFFF  }
0x4d: {  	[sflag:s0] =	ssyncadd.tile.s32 @!p0 $0x1;
	_ =	shalt  }
.Lfunc_end1:
_tile_overlayer_lowered:
.L_overlay_start_2:
0x4e: {  	(tag) =	ssettag $0x2  }
0x4f: {  	s0 =	rddreg [dreg:$0x0];
	s2 =	stileid.u32  }
0x50: {  	s1 =	rddreg [dreg:$0x1];
	p0 =	sne.s32 s2, $0x0  }
0x51: {  	s3 =	rddreg [dreg:$0x2];
	[bflag:$0x3] =	sbarrier.arrive $0xFFFF;
	s2 =	simm.s32 @!p0 $0x1C01  }
0x52: {  	[timem:s3], [sflag:s2] =	dma.local @!p0 [hbm:s0], s1  }
0x53: {  	s0 =	simm.s32 @!p0 $0x1  }
0x54: {  	_ =	swait.ge @!p0 [sflag:s0], s1  }
0x55: {  	s1 =	ssub.s32 @!p0 $0x0, s1;
	[sflag:s0] =	ssyncset.done @!p0 $0x0  }
0x56: {  	[sflag:s0] =	ssyncadd.s32 @!p0 s1  }
0x57: {  	[bflag:$0x3] =	sbarrier.arrive $0xFFFF  }
0x58: {  	_ =	shalt  }

</sc_bundles>
